<compile_context>
chip_gen: v7x
topology: tpu7x:2x2x1
jax: 0.10.2.dev20260603
libtpu: 0.0.44.dev20260713+nightly
codegen_flags: <defaults>
</compile_context>

<pallas_src>
import functools
import jax
import jax.numpy as jnp
from jax import lax
from jax.experimental import pallas as pl
from jax.experimental.pallas import tpu as pltpu
from jax.experimental.pallas import tpu_sc as plsc

N_ROWS = 16384
N_CLASSES = 1024
D = 256
NLANES = 16
NPAIR = D // 32
NC = 2
NS = 16
NW = NC * NS
ROWS_PER_W = N_ROWS // NW
CHUNK = 64
NBUF = 3
N_CHUNKS = ROWS_PER_W // CHUNK


def _lane_sum(x):
    iota = lax.iota(jnp.int32, NLANES)
    dnums = lax.GatherDimensionNumbers(
        offset_dims=(), collapsed_slice_dims=(0,), start_index_map=(0,))
    for sh in (8, 4, 2, 1):
        idx = lax.bitwise_xor(iota, jnp.int32(sh))
        shuf = lax.gather(x, idx[:, None], dnums, slice_sizes=(1,),
                          mode=lax.GatherScatterMode.PROMISE_IN_BOUNDS)
        x = x + shuf
    return x


def _rsqrt_newton(q):
    i = lax.bitcast_convert_type(q, jnp.int32)
    i = jnp.int32(0x5F3759DF) - lax.shift_right_logical(i, 1)
    y = lax.bitcast_convert_type(i, jnp.float32)
    for _ in range(2):
        y = y * (jnp.float32(1.5) - jnp.float32(0.5) * q * y * y)
    return y


@functools.partial(
    pl.kernel,
    mesh=plsc.VectorSubcoreMesh(core_axis_name="c", subcore_axis_name="s"),
    out_type=jax.ShapeDtypeStruct((NW, NLANES), jnp.float32),
    scratch_types=(
        [pltpu.VMEM((CHUNK, D), jnp.float32) for _ in range(NBUF)]
        + [pltpu.VMEM((CHUNK, D), jnp.float32) for _ in range(NBUF)]
        + [
            pltpu.VMEM((ROWS_PER_W,), jnp.int32),
            pltpu.VMEM((NLANES,), jnp.float32),
        ]
        + [pltpu.SemaphoreType.DMA for _ in range(2 * NBUF)]
    ),
)
def _sc_dot_kernel(dirs_hbm, labels_hbm, vtab_hbm, out_hbm, *refs):
    dirs_bufs = refs[0:NBUF]
    g_bufs = refs[NBUF:2 * NBUF]
    labels_v = refs[2 * NBUF]
    acc_v = refs[2 * NBUF + 1]
    sems_d = refs[2 * NBUF + 2:2 * NBUF + 2 + NBUF]
    sems_g = refs[2 * NBUF + 2 + NBUF:]

    c = lax.axis_index("c")
    s = lax.axis_index("s")
    wid = s * NC + c
    base = wid * ROWS_PER_W

    def start_dirs(ch):
        return pltpu.async_copy(
            dirs_hbm.at[pl.ds(base + ch * CHUNK, CHUNK)], dirs_bufs[ch % NBUF],
            sems_d[ch % NBUF])

    def start_gather(ch):
        return pltpu.async_copy(
            vtab_hbm.at[labels_v.at[pl.ds(ch * CHUNK, CHUNK)]],
            g_bufs[ch % NBUF], sems_g[ch % NBUF])

    first_dirs = [start_dirs(ch) for ch in range(NBUF - 1)]
    pltpu.sync_copy(labels_hbm.at[pl.ds(base, ROWS_PER_W)], labels_v)

    def start(ch):
        return start_dirs(ch), start_gather(ch)

    pending = [(first_dirs[ch], start_gather(ch)) for ch in range(NBUF - 1)]
    tot = jnp.zeros((NLANES,), jnp.float32)
    for ch in range(N_CHUNKS):
        buf = ch % NBUF
        if ch + NBUF - 1 < N_CHUNKS:
            pending.append(start(ch + NBUF - 1))
        handles = pending.pop(0)
        handles[0].wait()
        handles[1].wait()
        dirs_v = dirs_bufs[buf]
        g_v = g_bufs[buf]

        @plsc.parallel_loop(0, CHUNK, step=1, unroll=1, carry=tot)
        def row_loop(j, acc):
            dacc = [jnp.zeros((NLANES,), jnp.float32) for _ in range(2)]
            qacc = [jnp.zeros((NLANES,), jnp.float32) for _ in range(2)]
            for k in range(D // NLANES):
                b = g_v[j, pl.ds(k * NLANES, NLANES)]
                a = dirs_v[j, pl.ds(k * NLANES, NLANES)]
                dacc[k % 2] = dacc[k % 2] + a * b
                qacc[k % 2] = qacc[k % 2] + a * a
            q = _lane_sum(qacc[0] + qacc[1])
            r = _rsqrt_newton(q)
            return acc + r * (dacc[0] + dacc[1])

        tot = row_loop

    acc_v[...] = tot
    pltpu.sync_copy(acc_v, out_hbm.at[wid])


def kernel(dirs, labels, v_class):
    partials = _sc_dot_kernel(dirs, labels.astype(jnp.int32), v_class)
    total = jnp.sum(partials)
    l_proto = 1.0 - total / jnp.float32(N_ROWS)
    return (jnp.float32(0.1) * l_proto, l_proto)

# --- scband reference (transcript-rebuilt; emitter-appended) ---
"""Pipeline reference for scband-prototype-field-13357348290854 (READ-ONLY COPY).

The authoritative reference and input builder live on the scoring server;
editing this copy changes nothing except your own understanding.
"""

import jax, jax.numpy as jnp
import numpy as np

N_CLASSES = 1024
D_MODEL = 256
EMA_ALPHA = 0.02
PROTO_WEIGHT = 0.1


def _normalize(x, axis=-1, eps=1e-12):
    n = jnp.linalg.norm(x, axis=axis, keepdims=True)
    return x / jnp.maximum(n, eps)


def setup_inputs(seed: int = 0) -> dict:
    key = jax.random.key(seed)
    k1, k2, k3 = jax.random.split(key, 3)
    dirs = jax.random.normal(k1, (16384, D_MODEL), dtype=jnp.float32)
    labels = jax.random.randint(k2, (16384,), 0, N_CLASSES, dtype=jnp.int64 if jax.config.jax_enable_x64 else jnp.int32)
    # buffer: v_class prototypes. d_model (256) < n_classes (1024) so torch skips QR;
    # it is just row-normalized randn.
    protos = jax.random.normal(k3, (N_CLASSES, D_MODEL), dtype=jnp.float32)
    v_class = _normalize(protos, axis=-1)
    return {"dirs": dirs, "labels": labels, "v_class": v_class}


def reference(dirs, labels, v_class):
    dirs_n = _normalize(dirs, axis=-1)

    # --- EMA update (torch: @torch.no_grad, self._step == 0 on first call) ---
    step = 0
    alpha = min(EMA_ALPHA, step / (step + 50))  # == 0.0 at step 0
    dirs_det = jax.lax.stop_gradient(dirs_n)
    labels32 = labels.astype(jnp.int32)
    sums = jax.ops.segment_sum(dirs_det, labels32, num_segments=N_CLASSES)
    counts = jnp.bincount(labels32, length=N_CLASSES)
    batch_mean = sums / jnp.maximum(counts, 1).astype(sums.dtype)[:, None]
    batch_mean = _normalize(batch_mean, axis=-1)
    updated = (1.0 - alpha) * v_class + alpha * batch_mean
    updated = _normalize(updated, axis=-1)
    v_new = jnp.where((counts > 0)[:, None], updated, v_class)

    # --- prototype alignment loss ---
    protos = jnp.take(v_new, labels32, axis=0)
    cos_sim = jnp.sum(dirs_n * protos, axis=-1)
    l_proto = jnp.mean(1.0 - cos_sim)
    return (PROTO_WEIGHT * l_proto, l_proto)

if __name__ == "__main__":
    import jax
    _d = setup_inputs()
    print(jax.jit(kernel)(*tuple(_d.values())))

</pallas_src>

<mosaic_0001>
#map = affine_map<(d0, d1) -> (0, 0)>
#map1 = affine_map<(d0, d1) -> (0)>
module attributes {stable_mosaic.version = 14 : i64} {
  func.func @_sc_dot_kernel(%arg0: i32, %arg1: i32, %arg2: memref<16384x256xf32, #tpu.memory_space<hbm>>, %arg3: memref<16384xi32, #tpu.memory_space<hbm>>, %arg4: memref<1024x256xf32, #tpu.memory_space<hbm>>, %arg5: memref<32x16xf32, #tpu.memory_space<hbm>>, %arg6: memref<64x256xf32, #tpu.memory_space<vmem>>, %arg7: memref<64x256xf32, #tpu.memory_space<vmem>>, %arg8: memref<64x256xf32, #tpu.memory_space<vmem>>, %arg9: memref<64x256xf32, #tpu.memory_space<vmem>>, %arg10: memref<64x256xf32, #tpu.memory_space<vmem>>, %arg11: memref<64x256xf32, #tpu.memory_space<vmem>>, %arg12: memref<512xi32, #tpu.memory_space<vmem>>, %arg13: memref<16xf32, #tpu.memory_space<vmem>>, %arg14: memref<!tpu.dma_semaphore, #tpu.memory_space<semaphore_mem>>, %arg15: memref<!tpu.dma_semaphore, #tpu.memory_space<semaphore_mem>>, %arg16: memref<!tpu.dma_semaphore, #tpu.memory_space<semaphore_mem>>, %arg17: memref<!tpu.dma_semaphore, #tpu.memory_space<semaphore_mem>>, %arg18: memref<!tpu.dma_semaphore, #tpu.memory_space<semaphore_mem>>, %arg19: memref<!tpu.dma_semaphore, #tpu.memory_space<semaphore_mem>>) attributes {dimension_semantics = [#tpu.dimension_semantics<core_parallel>, #tpu.dimension_semantics<subcore_parallel>], iteration_bounds = array<i64: 2, 16>, scalar_prefetch = 0 : i64, scratch_operands = 14 : i64, tpu.core_type = #tpu.core_type<sc_vector_subcore>, window_params = [{transform_indices = #map}, {transform_indices = #map1}, {transform_indices = #map}, {transform_indices = #map}]} {
    %mul3A = arith.constant 2 : i32
    %mul3A_0 = arith.muli %arg1, %mul3A : i32
    %add3A = arith.addi %mul3A_0, %arg0 : i32
    %mul3A_1 = arith.constant 512 : i32
    %mul3A_2 = arith.muli %add3A, %mul3A_1 : i32
    %add3A_3 = arith.constant 0 : i32
    %add3A_4 = arith.addi %mul3A_2, %add3A_3 : i32
    %dma_start3A = arith.constant 0 : i32
    %dma_start3A_5 = tpu.memref_slice %arg2[%add3A_4, %dma_start3A] : memref<16384x256xf32, #tpu.memory_space<hbm>> -> memref<64x256xf32, #tpu.memory_space<hbm>>
    %dma_start3A_6 = arith.constant 0 : i32
    %dma_start3A_7 = tpu.memref_slice %arg2[%add3A_4, %dma_start3A_6] : memref<16384x256xf32, #tpu.memory_space<hbm>> -> memref<64x256xf32, #tpu.memory_space<hbm>>
    tpu.enqueue_dma source(%dma_start3A_7 : memref<64x256xf32, #tpu.memory_space<hbm>>) target(%arg6 : memref<64x256xf32, #tpu.memory_space<vmem>>) target_semaphore(%arg14 : memref<!tpu.dma_semaphore, #tpu.memory_space<semaphore_mem>>)
    %add3A_8 = arith.constant 64 : i32
    %add3A_9 = arith.addi %mul3A_2, %add3A_8 : i32
    %dma_start3A_10 = arith.constant 0 : i32
    %dma_start3A_11 = tpu.memref_slice %arg2[%add3A_9, %dma_start3A_10] : memref<16384x256xf32, #tpu.memory_space<hbm>> -> memref<64x256xf32, #tpu.memory_space<hbm>>
    %dma_start3A_12 = arith.constant 0 : i32
    %dma_start3A_13 = tpu.memref_slice %arg2[%add3A_9, %dma_start3A_12] : memref<16384x256xf32, #tpu.memory_space<hbm>> -> memref<64x256xf32, #tpu.memory_space<hbm>>
    tpu.enqueue_dma source(%dma_start3A_13 : memref<64x256xf32, #tpu.memory_space<hbm>>) target(%arg7 : memref<64x256xf32, #tpu.memory_space<vmem>>) target_semaphore(%arg15 : memref<!tpu.dma_semaphore, #tpu.memory_space<semaphore_mem>>)
    "tpu.region"() ({
      %run_scoped3A = tpu.sem_alloc : memref<!tpu.dma_semaphore, #tpu.memory_space<semaphore_mem>>
      %dma_start3A_196 = tpu.memref_slice %arg3[%mul3A_2] : memref<16384xi32, #tpu.memory_space<hbm>> -> memref<512xi32, #tpu.memory_space<hbm>>
      %dma_start3A_197 = tpu.memref_slice %arg3[%mul3A_2] : memref<16384xi32, #tpu.memory_space<hbm>> -> memref<512xi32, #tpu.memory_space<hbm>>
      tpu.enqueue_dma source(%dma_start3A_197 : memref<512xi32, #tpu.memory_space<hbm>>) target(%arg12 : memref<512xi32, #tpu.memory_space<vmem>>) target_semaphore(%run_scoped3A : memref<!tpu.dma_semaphore, #tpu.memory_space<semaphore_mem>>)
      %dma_wait3A_198 = tpu.memref_slice %arg3[%mul3A_2] : memref<16384xi32, #tpu.memory_space<hbm>> -> memref<512xi32, #tpu.memory_space<hbm>>
      %dma_wait3A_199 = tpu.memref_slice %arg3[%mul3A_2] : memref<16384xi32, #tpu.memory_space<hbm>> -> memref<512xi32, #tpu.memory_space<hbm>>
      tpu.wait_dma2 semaphore(%run_scoped3A : memref<!tpu.dma_semaphore, #tpu.memory_space<semaphore_mem>>) src(%dma_wait3A_199 : memref<512xi32, #tpu.memory_space<hbm>>) dst(%arg12 : memref<512xi32, #tpu.memory_space<vmem>>)
      tpu.yield
    }) : () -> ()
    %dma_start3A_14 = arith.constant 0 : i32
    %dma_start3A_15 = tpu.memref_slice %arg12[%dma_start3A_14] : memref<512xi32, #tpu.memory_space<vmem>> -> memref<64xi32, #tpu.memory_space<vmem>>
    %dma_start3A_16 = arith.constant 0 : i32
    %dma_start3A_17 = arith.constant 0 : i32
    %dma_start3A_18 = tpu.memref_slice %arg4[%dma_start3A_16, %dma_start3A_17] : memref<1024x256xf32, #tpu.memory_space<hbm>> -> memref<1024x256xf32, #tpu.memory_space<hbm>>
    tpu.enqueue_indirect_dma source(%dma_start3A_18 : memref<1024x256xf32, #tpu.memory_space<hbm>>) target(%arg9 : memref<64x256xf32, #tpu.memory_space<vmem>>) offsets(%dma_start3A_15 : memref<64xi32, #tpu.memory_space<vmem>>) semaphore(%arg17 : memref<!tpu.dma_semaphore, #tpu.memory_space<semaphore_mem>>)
    %dma_start3A_19 = arith.constant 64 : i32
    %dma_start3A_20 = tpu.memref_slice %arg12[%dma_start3A_19] : memref<512xi32, #tpu.memory_space<vmem>> -> memref<64xi32, #tpu.memory_space<vmem>>
    %dma_start3A_21 = arith.constant 0 : i32
    %dma_start3A_22 = arith.constant 0 : i32
    %dma_start3A_23 = tpu.memref_slice %arg4[%dma_start3A_21, %dma_start3A_22] : memref<1024x256xf32, #tpu.memory_space<hbm>> -> memref<1024x256xf32, #tpu.memory_space<hbm>>
    tpu.enqueue_indirect_dma source(%dma_start3A_23 : memref<1024x256xf32, #tpu.memory_space<hbm>>) target(%arg10 : memref<64x256xf32, #tpu.memory_space<vmem>>) offsets(%dma_start3A_20 : memref<64xi32, #tpu.memory_space<vmem>>) semaphore(%arg18 : memref<!tpu.dma_semaphore, #tpu.memory_space<semaphore_mem>>)
    %broadcast_in_dim3A = arith.constant 0.000000e+00 : f32
    %broadcast_in_dim3A_24 = vector.broadcast %broadcast_in_dim3A : f32 to vector<16xf32>
    %add3A_25 = arith.constant 128 : i32
    %add3A_26 = arith.addi %mul3A_2, %add3A_25 : i32
    %dma_start3A_27 = arith.constant 0 : i32
    %dma_start3A_28 = tpu.memref_slice %arg2[%add3A_26, %dma_start3A_27] : memref<16384x256xf32, #tpu.memory_space<hbm>> -> memref<64x256xf32, #tpu.memory_space<hbm>>
    %dma_start3A_29 = arith.constant 0 : i32
    %dma_start3A_30 = tpu.memref_slice %arg2[%add3A_26, %dma_start3A_29] : memref<16384x256xf32, #tpu.memory_space<hbm>> -> memref<64x256xf32, #tpu.memory_space<hbm>>
    tpu.enqueue_dma source(%dma_start3A_30 : memref<64x256xf32, #tpu.memory_space<hbm>>) target(%arg8 : memref<64x256xf32, #tpu.memory_space<vmem>>) target_semaphore(%arg16 : memref<!tpu.dma_semaphore, #tpu.memory_space<semaphore_mem>>)
    %dma_start3A_31 = arith.constant 128 : i32
    %dma_start3A_32 = tpu.memref_slice %arg12[%dma_start3A_31] : memref<512xi32, #tpu.memory_space<vmem>> -> memref<64xi32, #tpu.memory_space<vmem>>
    %dma_start3A_33 = arith.constant 0 : i32
    %dma_start3A_34 = arith.constant 0 : i32
    %dma_start3A_35 = tpu.memref_slice %arg4[%dma_start3A_33, %dma_start3A_34] : memref<1024x256xf32, #tpu.memory_space<hbm>> -> memref<1024x256xf32, #tpu.memory_space<hbm>>
    tpu.enqueue_indirect_dma source(%dma_start3A_35 : memref<1024x256xf32, #tpu.memory_space<hbm>>) target(%arg11 : memref<64x256xf32, #tpu.memory_space<vmem>>) offsets(%dma_start3A_32 : memref<64xi32, #tpu.memory_space<vmem>>) semaphore(%arg19 : memref<!tpu.dma_semaphore, #tpu.memory_space<semaphore_mem>>)
    %dma_wait3A = arith.constant 0 : i32
    %dma_wait3A_36 = tpu.memref_slice %arg2[%add3A_4, %dma_wait3A] : memref<16384x256xf32, #tpu.memory_space<hbm>> -> memref<64x256xf32, #tpu.memory_space<hbm>>
    %dma_wait3A_37 = arith.constant 0 : i32
    %dma_wait3A_38 = tpu.memref_slice %arg2[%add3A_4, %dma_wait3A_37] : memref<16384x256xf32, #tpu.memory_space<hbm>> -> memref<64x256xf32, #tpu.memory_space<hbm>>
    tpu.wait_dma2 semaphore(%arg14 : memref<!tpu.dma_semaphore, #tpu.memory_space<semaphore_mem>>) src(%dma_wait3A_38 : memref<64x256xf32, #tpu.memory_space<hbm>>) dst(%arg6 : memref<64x256xf32, #tpu.memory_space<vmem>>)
    %dma_wait3A_39 = arith.constant 0 : i32
    %dma_wait3A_40 = tpu.memref_slice %arg12[%dma_wait3A_39] : memref<512xi32, #tpu.memory_space<vmem>> -> memref<64xi32, #tpu.memory_space<vmem>>
    %dma_wait3A_41 = arith.constant 0 : i32
    %dma_wait3A_42 = arith.constant 0 : i32
    %dma_wait3A_43 = tpu.memref_slice %arg4[%dma_wait3A_41, %dma_wait3A_42] : memref<1024x256xf32, #tpu.memory_space<hbm>> -> memref<1024x256xf32, #tpu.memory_space<hbm>>
    tpu.wait_indirect_dma semaphore(%arg17 : memref<!tpu.dma_semaphore, #tpu.memory_space<semaphore_mem>>) src(%dma_wait3A_43 : memref<1024x256xf32, #tpu.memory_space<hbm>>) dst(%arg9 : memref<64x256xf32, #tpu.memory_space<vmem>>)
    %parallel_loop3A = arith.constant 0 : i32
    %parallel_loop3A_44 = arith.constant 64 : i32
    %parallel_loop3A_45 = arith.constant 1 : i32
    %parallel_loop3A_46 = scf.for %parallel_loop3A_196 = %parallel_loop3A to %parallel_loop3A_44 step %parallel_loop3A_45 iter_args(%parallel_loop3A_197 = %broadcast_in_dim3A_24) -> (vector<16xf32>)  : i32 {
      %parallel_loop3A_198 = arith.constant 0.000000e+00 : f32
      %parallel_loop3A_199 = vector.broadcast %parallel_loop3A_198 : f32 to vector<16xf32>
      %parallel_loop3A_200 = arith.constant 0.000000e+00 : f32
      %parallel_loop3A_201 = vector.broadcast %parallel_loop3A_200 : f32 to vector<16xf32>
      %parallel_loop3A_202 = arith.constant 0.000000e+00 : f32
      %parallel_loop3A_203 = vector.broadcast %parallel_loop3A_202 : f32 to vector<16xf32>
      %parallel_loop3A_204 = arith.constant 0.000000e+00 : f32
      %parallel_loop3A_205 = vector.broadcast %parallel_loop3A_204 : f32 to vector<16xf32>
      %parallel_loop3A_206 = arith.index_cast %parallel_loop3A_196 : i32 to index
      %parallel_loop3A_207 = arith.constant 0 : index
      %parallel_loop3A_208 = tpu.vector_load %arg9[%parallel_loop3A_206, %parallel_loop3A_207] {strides = array<i32>} : memref<64x256xf32, #tpu.memory_space<vmem>>, vector<1x16xf32>,
      %parallel_loop3A_209 = vector.shape_cast %parallel_loop3A_208 : vector<1x16xf32> to vector<16xf32>
      %parallel_loop3A_210 = arith.index_cast %parallel_loop3A_196 : i32 to index
      %parallel_loop3A_211 = arith.constant 0 : index
      %parallel_loop3A_212 = tpu.vector_load %arg6[%parallel_loop3A_210, %parallel_loop3A_211] {strides = array<i32>} : memref<64x256xf32, #tpu.memory_space<vmem>>, vector<1x16xf32>,
      %parallel_loop3A_213 = vector.shape_cast %parallel_loop3A_212 : vector<1x16xf32> to vector<16xf32>
      %parallel_loop3A_214 = arith.mulf %parallel_loop3A_213, %parallel_loop3A_209 : vector<16xf32>
      %parallel_loop3A_215 = arith.addf %parallel_loop3A_199, %parallel_loop3A_214 : vector<16xf32>
      %parallel_loop3A_216 = arith.mulf %parallel_loop3A_213, %parallel_loop3A_213 : vector<16xf32>
      %parallel_loop3A_217 = arith.addf %parallel_loop3A_203, %parallel_loop3A_216 : vector<16xf32>
      %parallel_loop3A_218 = arith.index_cast %parallel_loop3A_196 : i32 to index
      %parallel_loop3A_219 = arith.constant 16 : index
      %parallel_loop3A_220 = tpu.vector_load %arg9[%parallel_loop3A_218, %parallel_loop3A_219] {strides = array<i32>} : memref<64x256xf32, #tpu.memory_space<vmem>>, vector<1x16xf32>,
      %parallel_loop3A_221 = vector.shape_cast %parallel_loop3A_220 : vector<1x16xf32> to vector<16xf32>
      %parallel_loop3A_222 = arith.index_cast %parallel_loop3A_196 : i32 to index
      %parallel_loop3A_223 = arith.constant 16 : index
      %parallel_loop3A_224 = tpu.vector_load %arg6[%parallel_loop3A_222, %parallel_loop3A_223] {strides = array<i32>} : memref<64x256xf32, #tpu.memory_space<vmem>>, vector<1x16xf32>,
      %parallel_loop3A_225 = vector.shape_cast %parallel_loop3A_224 : vector<1x16xf32> to vector<16xf32>
      %parallel_loop3A_226 = arith.mulf %parallel_loop3A_225, %parallel_loop3A_221 : vector<16xf32>
      %parallel_loop3A_227 = arith.addf %parallel_loop3A_201, %parallel_loop3A_226 : vector<16xf32>
      %parallel_loop3A_228 = arith.mulf %parallel_loop3A_225, %parallel_loop3A_225 : vector<16xf32>
      %parallel_loop3A_229 = arith.addf %parallel_loop3A_205, %parallel_loop3A_228 : vector<16xf32>
      %parallel_loop3A_230 = arith.index_cast %parallel_loop3A_196 : i32 to index
      %parallel_loop3A_231 = arith.constant 32 : index
      %parallel_loop3A_232 = tpu.vector_load %arg9[%parallel_loop3A_230, %parallel_loop3A_231] {strides = array<i32>} : memref<64x256xf32, #tpu.memory_space<vmem>>, vector<1x16xf32>,
      %parallel_loop3A_233 = vector.shape_cast %parallel_loop3A_232 : vector<1x16xf32> to vector<16xf32>
      %parallel_loop3A_234 = arith.index_cast %parallel_loop3A_196 : i32 to index
      %parallel_loop3A_235 = arith.constant 32 : index
      %parallel_loop3A_236 = tpu.vector_load %arg6[%parallel_loop3A_234, %parallel_loop3A_235] {strides = array<i32>} : memref<64x256xf32, #tpu.memory_space<vmem>>, vector<1x16xf32>,
      %parallel_loop3A_237 = vector.shape_cast %parallel_loop3A_236 : vector<1x16xf32> to vector<16xf32>
      %parallel_loop3A_238 = arith.mulf %parallel_loop3A_237, %parallel_loop3A_233 : vector<16xf32>
      %parallel_loop3A_239 = arith.addf %parallel_loop3A_215, %parallel_loop3A_238 : vector<16xf32>
      %parallel_loop3A_240 = arith.mulf %parallel_loop3A_237, %parallel_loop3A_237 : vector<16xf32>
      %parallel_loop3A_241 = arith.addf %parallel_loop3A_217, %parallel_loop3A_240 : vector<16xf32>
      %parallel_loop3A_242 = arith.index_cast %parallel_loop3A_196 : i32 to index
      %parallel_loop3A_243 = arith.constant 48 : index
      %parallel_loop3A_244 = tpu.vector_load %arg9[%parallel_loop3A_242, %parallel_loop3A_243] {strides = array<i32>} : memref<64x256xf32, #tpu.memory_space<vmem>>, vector<1x16xf32>,
      %parallel_loop3A_245 = vector.shape_cast %parallel_loop3A_244 : vector<1x16xf32> to vector<16xf32>
      %parallel_loop3A_246 = arith.index_cast %parallel_loop3A_196 : i32 to index
      %parallel_loop3A_247 = arith.constant 48 : index
      %parallel_loop3A_248 = tpu.vector_load %arg6[%parallel_loop3A_246, %parallel_loop3A_247] {strides = array<i32>} : memref<64x256xf32, #tpu.memory_space<vmem>>, vector<1x16xf32>,
      %parallel_loop3A_249 = vector.shape_cast %parallel_loop3A_248 : vector<1x16xf32> to vector<16xf32>
      %parallel_loop3A_250 = arith.mulf %parallel_loop3A_249, %parallel_loop3A_245 : vector<16xf32>
      %parallel_loop3A_251 = arith.addf %parallel_loop3A_227, %parallel_loop3A_250 : vector<16xf32>
      %parallel_loop3A_252 = arith.mulf %parallel_loop3A_249, %parallel_loop3A_249 : vector<16xf32>
      %parallel_loop3A_253 = arith.addf %parallel_loop3A_229, %parallel_loop3A_252 : vector<16xf32>
      %parallel_loop3A_254 = arith.index_cast %parallel_loop3A_196 : i32 to index
      %parallel_loop3A_255 = arith.constant 64 : index
      %parallel_loop3A_256 = tpu.vector_load %arg9[%parallel_loop3A_254, %parallel_loop3A_255] {strides = array<i32>} : memref<64x256xf32, #tpu.memory_space<vmem>>, vector<1x16xf32>,
      %parallel_loop3A_257 = vector.shape_cast %parallel_loop3A_256 : vector<1x16xf32> to vector<16xf32>
      %parallel_loop3A_258 = arith.index_cast %parallel_loop3A_196 : i32 to index
      %parallel_loop3A_259 = arith.constant 64 : index
      %parallel_loop3A_260 = tpu.vector_load %arg6[%parallel_loop3A_258, %parallel_loop3A_259] {strides = array<i32>} : memref<64x256xf32, #tpu.memory_space<vmem>>, vector<1x16xf32>,
      %parallel_loop3A_261 = vector.shape_cast %parallel_loop3A_260 : vector<1x16xf32> to vector<16xf32>
      %parallel_loop3A_262 = arith.mulf %parallel_loop3A_261, %parallel_loop3A_257 : vector<16xf32>
      %parallel_loop3A_263 = arith.addf %parallel_loop3A_239, %parallel_loop3A_262 : vector<16xf32>
      %parallel_loop3A_264 = arith.mulf %parallel_loop3A_261, %parallel_loop3A_261 : vector<16xf32>
      %parallel_loop3A_265 = arith.addf %parallel_loop3A_241, %parallel_loop3A_264 : vector<16xf32>
      %parallel_loop3A_266 = arith.index_cast %parallel_loop3A_196 : i32 to index
      %parallel_loop3A_267 = arith.constant 80 : index
      %parallel_loop3A_268 = tpu.vector_load %arg9[%parallel_loop3A_266, %parallel_loop3A_267] {strides = array<i32>} : memref<64x256xf32, #tpu.memory_space<vmem>>, vector<1x16xf32>,
      %parallel_loop3A_269 = vector.shape_cast %parallel_loop3A_268 : vector<1x16xf32> to vector<16xf32>
      %parallel_loop3A_270 = arith.index_cast %parallel_loop3A_196 : i32 to index
      %parallel_loop3A_271 = arith.constant 80 : index
      %parallel_loop3A_272 = tpu.vector_load %arg6[%parallel_loop3A_270, %parallel_loop3A_271] {strides = array<i32>} : memref<64x256xf32, #tpu.memory_space<vmem>>, vector<1x16xf32>,
      %parallel_loop3A_273 = vector.shape_cast %parallel_loop3A_272 : vector<1x16xf32> to vector<16xf32>
      %parallel_loop3A_274 = arith.mulf %parallel_loop3A_273, %parallel_loop3A_269 : vector<16xf32>
      %parallel_loop3A_275 = arith.addf %parallel_loop3A_251, %parallel_loop3A_274 : vector<16xf32>
      %parallel_loop3A_276 = arith.mulf %parallel_loop3A_273, %parallel_loop3A_273 : vector<16xf32>
      %parallel_loop3A_277 = arith.addf %parallel_loop3A_253, %parallel_loop3A_276 : vector<16xf32>
      %parallel_loop3A_278 = arith.index_cast %parallel_loop3A_196 : i32 to index
      %parallel_loop3A_279 = arith.constant 96 : index
      %parallel_loop3A_280 = tpu.vector_load %arg9[%parallel_loop3A_278, %parallel_loop3A_279] {strides = array<i32>} : memref<64x256xf32, #tpu.memory_space<vmem>>, vector<1x16xf32>,
      %parallel_loop3A_281 = vector.shape_cast %parallel_loop3A_280 : vector<1x16xf32> to vector<16xf32>
      %parallel_loop3A_282 = arith.index_cast %parallel_loop3A_196 : i32 to index
      %parallel_loop3A_283 = arith.constant 96 : index
      %parallel_loop3A_284 = tpu.vector_load %arg6[%parallel_loop3A_282, %parallel_loop3A_283] {strides = array<i32>} : memref<64x256xf32, #tpu.memory_space<vmem>>, vector<1x16xf32>,
      %parallel_loop3A_285 = vector.shape_cast %parallel_loop3A_284 : vector<1x16xf32> to vector<16xf32>
      %parallel_loop3A_286 = arith.mulf %parallel_loop3A_285, %parallel_loop3A_281 : vector<16xf32>
      %parallel_loop3A_287 = arith.addf %parallel_loop3A_263, %parallel_loop3A_286 : vector<16xf32>
      %parallel_loop3A_288 = arith.mulf %parallel_loop3A_285, %parallel_loop3A_285 : vector<16xf32>
      %parallel_loop3A_289 = arith.addf %parallel_loop3A_265, %parallel_loop3A_288 : vector<16xf32>
      %parallel_loop3A_290 = arith.index_cast %parallel_loop3A_196 : i32 to index
      %parallel_loop3A_291 = arith.constant 112 : index
      %parallel_loop3A_292 = tpu.vector_load %arg9[%parallel_loop3A_290, %parallel_loop3A_291] {strides = array<i32>} : memref<64x256xf32, #tpu.memory_space<vmem>>, vector<1x16xf32>,
      %parallel_loop3A_293 = vector.shape_cast %parallel_loop3A_292 : vector<1x16xf32> to vector<16xf32>
      %parallel_loop3A_294 = arith.index_cast %parallel_loop3A_196 : i32 to index
      %parallel_loop3A_295 = arith.constant 112 : index
      %parallel_loop3A_296 = tpu.vector_load %arg6[%parallel_loop3A_294, %parallel_loop3A_295] {strides = array<i32>} : memref<64x256xf32, #tpu.memory_space<vmem>>, vector<1x16xf32>,
      %parallel_loop3A_297 = vector.shape_cast %parallel_loop3A_296 : vector<1x16xf32> to vector<16xf32>
      %parallel_loop3A_298 = arith.mulf %parallel_loop3A_297, %parallel_loop3A_293 : vector<16xf32>
      %parallel_loop3A_299 = arith.addf %parallel_loop3A_275, %parallel_loop3A_298 : vector<16xf32>
      %parallel_loop3A_300 = arith.mulf %parallel_loop3A_297, %parallel_loop3A_297 : vector<16xf32>
      %parallel_loop3A_301 = arith.addf %parallel_loop3A_277, %parallel_loop3A_300 : vector<16xf32>
      %parallel_loop3A_302 = arith.index_cast %parallel_loop3A_196 : i32 to index
      %parallel_loop3A_303 = arith.constant 128 : index
      %parallel_loop3A_304 = tpu.vector_load %arg9[%parallel_loop3A_302, %parallel_loop3A_303] {strides = array<i32>} : memref<64x256xf32, #tpu.memory_space<vmem>>, vector<1x16xf32>,
      %parallel_loop3A_305 = vector.shape_cast %parallel_loop3A_304 : vector<1x16xf32> to vector<16xf32>
      %parallel_loop3A_306 = arith.index_cast %parallel_loop3A_196 : i32 to index
      %parallel_loop3A_307 = arith.constant 128 : index
      %parallel_loop3A_308 = tpu.vector_load %arg6[%parallel_loop3A_306, %parallel_loop3A_307] {strides = array<i32>} : memref<64x256xf32, #tpu.memory_space<vmem>>, vector<1x16xf32>,
      %parallel_loop3A_309 = vector.shape_cast %parallel_loop3A_308 : vector<1x16xf32> to vector<16xf32>
      %parallel_loop3A_310 = arith.mulf %parallel_loop3A_309, %parallel_loop3A_305 : vector<16xf32>
      %parallel_loop3A_311 = arith.addf %parallel_loop3A_287, %parallel_loop3A_310 : vector<16xf32>
      %parallel_loop3A_312 = arith.mulf %parallel_loop3A_309, %parallel_loop3A_309 : vector<16xf32>
      %parallel_loop3A_313 = arith.addf %parallel_loop3A_289, %parallel_loop3A_312 : vector<16xf32>
      %parallel_loop3A_314 = arith.index_cast %parallel_loop3A_196 : i32 to index
      %parallel_loop3A_315 = arith.constant 144 : index
      %parallel_loop3A_316 = tpu.vector_load %arg9[%parallel_loop3A_314, %parallel_loop3A_315] {strides = array<i32>} : memref<64x256xf32, #tpu.memory_space<vmem>>, vector<1x16xf32>,
      %parallel_loop3A_317 = vector.shape_cast %parallel_loop3A_316 : vector<1x16xf32> to vector<16xf32>
      %parallel_loop3A_318 = arith.index_cast %parallel_loop3A_196 : i32 to index
      %parallel_loop3A_319 = arith.constant 144 : index
      %parallel_loop3A_320 = tpu.vector_load %arg6[%parallel_loop3A_318, %parallel_loop3A_319] {strides = array<i32>} : memref<64x256xf32, #tpu.memory_space<vmem>>, vector<1x16xf32>,
      %parallel_loop3A_321 = vector.shape_cast %parallel_loop3A_320 : vector<1x16xf32> to vector<16xf32>
      %parallel_loop3A_322 = arith.mulf %parallel_loop3A_321, %parallel_loop3A_317 : vector<16xf32>
      %parallel_loop3A_323 = arith.addf %parallel_loop3A_299, %parallel_loop3A_322 : vector<16xf32>
      %parallel_loop3A_324 = arith.mulf %parallel_loop3A_321, %parallel_loop3A_321 : vector<16xf32>
      %parallel_loop3A_325 = arith.addf %parallel_loop3A_301, %parallel_loop3A_324 : vector<16xf32>
      %parallel_loop3A_326 = arith.index_cast %parallel_loop3A_196 : i32 to index
      %parallel_loop3A_327 = arith.constant 160 : index
      %parallel_loop3A_328 = tpu.vector_load %arg9[%parallel_loop3A_326, %parallel_loop3A_327] {strides = array<i32>} : memref<64x256xf32, #tpu.memory_space<vmem>>, vector<1x16xf32>,
      %parallel_loop3A_329 = vector.shape_cast %parallel_loop3A_328 : vector<1x16xf32> to vector<16xf32>
      %parallel_loop3A_330 = arith.index_cast %parallel_loop3A_196 : i32 to index
      %parallel_loop3A_331 = arith.constant 160 : index
      %parallel_loop3A_332 = tpu.vector_load %arg6[%parallel_loop3A_330, %parallel_loop3A_331] {strides = array<i32>} : memref<64x256xf32, #tpu.memory_space<vmem>>, vector<1x16xf32>,
      %parallel_loop3A_333 = vector.shape_cast %parallel_loop3A_332 : vector<1x16xf32> to vector<16xf32>
      %parallel_loop3A_334 = arith.mulf %parallel_loop3A_333, %parallel_loop3A_329 : vector<16xf32>
      %parallel_loop3A_335 = arith.addf %parallel_loop3A_311, %parallel_loop3A_334 : vector<16xf32>
      %parallel_loop3A_336 = arith.mulf %parallel_loop3A_333, %parallel_loop3A_333 : vector<16xf32>
      %parallel_loop3A_337 = arith.addf %parallel_loop3A_313, %parallel_loop3A_336 : vector<16xf32>
      %parallel_loop3A_338 = arith.index_cast %parallel_loop3A_196 : i32 to index
      %parallel_loop3A_339 = arith.constant 176 : index
      %parallel_loop3A_340 = tpu.vector_load %arg9[%parallel_loop3A_338, %parallel_loop3A_339] {strides = array<i32>} : memref<64x256xf32, #tpu.memory_space<vmem>>, vector<1x16xf32>,
      %parallel_loop3A_341 = vector.shape_cast %parallel_loop3A_340 : vector<1x16xf32> to vector<16xf32>
      %parallel_loop3A_342 = arith.index_cast %parallel_loop3A_196 : i32 to index
      %parallel_loop3A_343 = arith.constant 176 : index
      %parallel_loop3A_344 = tpu.vector_load %arg6[%parallel_loop3A_342, %parallel_loop3A_343] {strides = array<i32>} : memref<64x256xf32, #tpu.memory_space<vmem>>, vector<1x16xf32>,
      %parallel_loop3A_345 = vector.shape_cast %parallel_loop3A_344 : vector<1x16xf32> to vector<16xf32>
      %parallel_loop3A_346 = arith.mulf %parallel_loop3A_345, %parallel_loop3A_341 : vector<16xf32>
      %parallel_loop3A_347 = arith.addf %parallel_loop3A_323, %parallel_loop3A_346 : vector<16xf32>
      %parallel_loop3A_348 = arith.mulf %parallel_loop3A_345, %parallel_loop3A_345 : vector<16xf32>
      %parallel_loop3A_349 = arith.addf %parallel_loop3A_325, %parallel_loop3A_348 : vector<16xf32>
      %parallel_loop3A_350 = arith.index_cast %parallel_loop3A_196 : i32 to index
      %parallel_loop3A_351 = arith.constant 192 : index
      %parallel_loop3A_352 = tpu.vector_load %arg9[%parallel_loop3A_350, %parallel_loop3A_351] {strides = array<i32>} : memref<64x256xf32, #tpu.memory_space<vmem>>, vector<1x16xf32>,
      %parallel_loop3A_353 = vector.shape_cast %parallel_loop3A_352 : vector<1x16xf32> to vector<16xf32>
      %parallel_loop3A_354 = arith.index_cast %parallel_loop3A_196 : i32 to index
      %parallel_loop3A_355 = arith.constant 192 : index
      %parallel_loop3A_356 = tpu.vector_load %arg6[%parallel_loop3A_354, %parallel_loop3A_355] {strides = array<i32>} : memref<64x256xf32, #tpu.memory_space<vmem>>, vector<1x16xf32>,
      %parallel_loop3A_357 = vector.shape_cast %parallel_loop3A_356 : vector<1x16xf32> to vector<16xf32>
      %parallel_loop3A_358 = arith.mulf %parallel_loop3A_357, %parallel_loop3A_353 : vector<16xf32>
      %parallel_loop3A_359 = arith.addf %parallel_loop3A_335, %parallel_loop3A_358 : vector<16xf32>
      %parallel_loop3A_360 = arith.mulf %parallel_loop3A_357, %parallel_loop3A_357 : vector<16xf32>
      %parallel_loop3A_361 = arith.addf %parallel_loop3A_337, %parallel_loop3A_360 : vector<16xf32>
      %parallel_loop3A_362 = arith.index_cast %parallel_loop3A_196 : i32 to index
      %parallel_loop3A_363 = arith.constant 208 : index
      %parallel_loop3A_364 = tpu.vector_load %arg9[%parallel_loop3A_362, %parallel_loop3A_363] {strides = array<i32>} : memref<64x256xf32, #tpu.memory_space<vmem>>, vector<1x16xf32>,
      %parallel_loop3A_365 = vector.shape_cast %parallel_loop3A_364 : vector<1x16xf32> to vector<16xf32>
      %parallel_loop3A_366 = arith.index_cast %parallel_loop3A_196 : i32 to index
      %parallel_loop3A_367 = arith.constant 208 : index
      %parallel_loop3A_368 = tpu.vector_load %arg6[%parallel_loop3A_366, %parallel_loop3A_367] {strides = array<i32>} : memref<64x256xf32, #tpu.memory_space<vmem>>, vector<1x16xf32>,
      %parallel_loop3A_369 = vector.shape_cast %parallel_loop3A_368 : vector<1x16xf32> to vector<16xf32>
      %parallel_loop3A_370 = arith.mulf %parallel_loop3A_369, %parallel_loop3A_365 : vector<16xf32>
      %parallel_loop3A_371 = arith.addf %parallel_loop3A_347, %parallel_loop3A_370 : vector<16xf32>
      %parallel_loop3A_372 = arith.mulf %parallel_loop3A_369, %parallel_loop3A_369 : vector<16xf32>
      %parallel_loop3A_373 = arith.addf %parallel_loop3A_349, %parallel_loop3A_372 : vector<16xf32>
      %parallel_loop3A_374 = arith.index_cast %parallel_loop3A_196 : i32 to index
      %parallel_loop3A_375 = arith.constant 224 : index
      %parallel_loop3A_376 = tpu.vector_load %arg9[%parallel_loop3A_374, %parallel_loop3A_375] {strides = array<i32>} : memref<64x256xf32, #tpu.memory_space<vmem>>, vector<1x16xf32>,
      %parallel_loop3A_377 = vector.shape_cast %parallel_loop3A_376 : vector<1x16xf32> to vector<16xf32>
      %parallel_loop3A_378 = arith.index_cast %parallel_loop3A_196 : i32 to index
      %parallel_loop3A_379 = arith.constant 224 : index
      %parallel_loop3A_380 = tpu.vector_load %arg6[%parallel_loop3A_378, %parallel_loop3A_379] {strides = array<i32>} : memref<64x256xf32, #tpu.memory_space<vmem>>, vector<1x16xf32>,
      %parallel_loop3A_381 = vector.shape_cast %parallel_loop3A_380 : vector<1x16xf32> to vector<16xf32>
      %parallel_loop3A_382 = arith.mulf %parallel_loop3A_381, %parallel_loop3A_377 : vector<16xf32>
      %parallel_loop3A_383 = arith.addf %parallel_loop3A_359, %parallel_loop3A_382 : vector<16xf32>
      %parallel_loop3A_384 = arith.mulf %parallel_loop3A_381, %parallel_loop3A_381 : vector<16xf32>
      %parallel_loop3A_385 = arith.addf %parallel_loop3A_361, %parallel_loop3A_384 : vector<16xf32>
      %parallel_loop3A_386 = arith.index_cast %parallel_loop3A_196 : i32 to index
      %parallel_loop3A_387 = arith.constant 240 : index
      %parallel_loop3A_388 = tpu.vector_load %arg9[%parallel_loop3A_386, %parallel_loop3A_387] {strides = array<i32>} : memref<64x256xf32, #tpu.memory_space<vmem>>, vector<1x16xf32>,
      %parallel_loop3A_389 = vector.shape_cast %parallel_loop3A_388 : vector<1x16xf32> to vector<16xf32>
      %parallel_loop3A_390 = arith.index_cast %parallel_loop3A_196 : i32 to index
      %parallel_loop3A_391 = arith.constant 240 : index
      %parallel_loop3A_392 = tpu.vector_load %arg6[%parallel_loop3A_390, %parallel_loop3A_391] {strides = array<i32>} : memref<64x256xf32, #tpu.memory_space<vmem>>, vector<1x16xf32>,
      %parallel_loop3A_393 = vector.shape_cast %parallel_loop3A_392 : vector<1x16xf32> to vector<16xf32>
      %parallel_loop3A_394 = arith.mulf %parallel_loop3A_393, %parallel_loop3A_389 : vector<16xf32>
      %parallel_loop3A_395 = arith.addf %parallel_loop3A_371, %parallel_loop3A_394 : vector<16xf32>
      %parallel_loop3A_396 = arith.mulf %parallel_loop3A_393, %parallel_loop3A_393 : vector<16xf32>
      %parallel_loop3A_397 = arith.addf %parallel_loop3A_373, %parallel_loop3A_396 : vector<16xf32>
      %parallel_loop3A_398 = arith.addf %parallel_loop3A_385, %parallel_loop3A_397 : vector<16xf32>
      %parallel_loop3A_399 = tpu.iota {dimensions = array<i32: 0>} : vector<16xi32>
      %parallel_loop3A_400 = arith.constant 8 : i32
      %parallel_loop3A_401 = vector.broadcast %parallel_loop3A_400 : i32 to vector<16xi32>
      %parallel_loop3A_402 = arith.xori %parallel_loop3A_399, %parallel_loop3A_401 : vector<16xi32>
      %parallel_loop3A_403 = vector.shape_cast %parallel_loop3A_402 : vector<16xi32> to vector<16x1xi32>
      %parallel_loop3A_404 = vector.shape_cast %parallel_loop3A_403 : vector<16x1xi32> to vector<16xi32>
      %parallel_loop3A_405 = tpu.dynamic_gather %parallel_loop3A_398[%parallel_loop3A_404] in [0] : vector<16xf32>, vector<16xi32> -> vector<16xf32>
      %parallel_loop3A_406 = arith.addf %parallel_loop3A_398, %parallel_loop3A_405 : vector<16xf32>
      %parallel_loop3A_407 = arith.constant 4 : i32
      %parallel_loop3A_408 = vector.broadcast %parallel_loop3A_407 : i32 to vector<16xi32>
      %parallel_loop3A_409 = arith.xori %parallel_loop3A_399, %parallel_loop3A_408 : vector<16xi32>
      %parallel_loop3A_410 = vector.shape_cast %parallel_loop3A_409 : vector<16xi32> to vector<16x1xi32>
      %parallel_loop3A_411 = vector.shape_cast %parallel_loop3A_410 : vector<16x1xi32> to vector<16xi32>
      %parallel_loop3A_412 = tpu.dynamic_gather %parallel_loop3A_406[%parallel_loop3A_411] in [0] : vector<16xf32>, vector<16xi32> -> vector<16xf32>
      %parallel_loop3A_413 = arith.addf %parallel_loop3A_406, %parallel_loop3A_412 : vector<16xf32>
      %parallel_loop3A_414 = arith.constant 2 : i32
      %parallel_loop3A_415 = vector.broadcast %parallel_loop3A_414 : i32 to vector<16xi32>
      %parallel_loop3A_416 = arith.xori %parallel_loop3A_399, %parallel_loop3A_415 : vector<16xi32>
      %parallel_loop3A_417 = vector.shape_cast %parallel_loop3A_416 : vector<16xi32> to vector<16x1xi32>
      %parallel_loop3A_418 = vector.shape_cast %parallel_loop3A_417 : vector<16x1xi32> to vector<16xi32>
      %parallel_loop3A_419 = tpu.dynamic_gather %parallel_loop3A_413[%parallel_loop3A_418] in [0] : vector<16xf32>, vector<16xi32> -> vector<16xf32>
      %parallel_loop3A_420 = arith.addf %parallel_loop3A_413, %parallel_loop3A_419 : vector<16xf32>
      %parallel_loop3A_421 = arith.constant 1 : i32
      %parallel_loop3A_422 = vector.broadcast %parallel_loop3A_421 : i32 to vector<16xi32>
      %parallel_loop3A_423 = arith.xori %parallel_loop3A_399, %parallel_loop3A_422 : vector<16xi32>
      %parallel_loop3A_424 = vector.shape_cast %parallel_loop3A_423 : vector<16xi32> to vector<16x1xi32>
      %parallel_loop3A_425 = vector.shape_cast %parallel_loop3A_424 : vector<16x1xi32> to vector<16xi32>
      %parallel_loop3A_426 = tpu.dynamic_gather %parallel_loop3A_420[%parallel_loop3A_425] in [0] : vector<16xf32>, vector<16xi32> -> vector<16xf32>
      %parallel_loop3A_427 = arith.addf %parallel_loop3A_420, %parallel_loop3A_426 : vector<16xf32>
      %parallel_loop3A_428 = tpu.bitcast %parallel_loop3A_427 : vector<16xf32> -> vector<16xi32>
      %parallel_loop3A_429 = arith.constant 1 : i32
      %parallel_loop3A_430 = vector.broadcast %parallel_loop3A_429 : i32 to vector<16xi32>
      %parallel_loop3A_431 = arith.shrui %parallel_loop3A_428, %parallel_loop3A_430 : vector<16xi32>
      %parallel_loop3A_432 = arith.constant 1597463007 : i32
      %parallel_loop3A_433 = vector.broadcast %parallel_loop3A_432 : i32 to vector<16xi32>
      %parallel_loop3A_434 = arith.subi %parallel_loop3A_433, %parallel_loop3A_431 : vector<16xi32>
      %parallel_loop3A_435 = tpu.bitcast %parallel_loop3A_434 : vector<16xi32> -> vector<16xf32>
      %parallel_loop3A_436 = arith.constant 5.000000e-01 : f32
      %parallel_loop3A_437 = vector.broadcast %parallel_loop3A_436 : f32 to vector<16xf32>
      %parallel_loop3A_438 = arith.mulf %parallel_loop3A_437, %parallel_loop3A_427 : vector<16xf32>
      %parallel_loop3A_439 = arith.mulf %parallel_loop3A_438, %parallel_loop3A_435 : vector<16xf32>
      %parallel_loop3A_440 = arith.mulf %parallel_loop3A_439, %parallel_loop3A_435 : vector<16xf32>
      %parallel_loop3A_441 = arith.constant 1.500000e+00 : f32
      %parallel_loop3A_442 = vector.broadcast %parallel_loop3A_441 : f32 to vector<16xf32>
      %parallel_loop3A_443 = arith.subf %parallel_loop3A_442, %parallel_loop3A_440 : vector<16xf32>
      %parallel_loop3A_444 = arith.mulf %parallel_loop3A_435, %parallel_loop3A_443 : vector<16xf32>
      %parallel_loop3A_445 = arith.constant 5.000000e-01 : f32
      %parallel_loop3A_446 = vector.broadcast %parallel_loop3A_445 : f32 to vector<16xf32>
      %parallel_loop3A_447 = arith.mulf %parallel_loop3A_446, %parallel_loop3A_427 : vector<16xf32>
      %parallel_loop3A_448 = arith.mulf %parallel_loop3A_447, %parallel_loop3A_444 : vector<16xf32>
      %parallel_loop3A_449 = arith.mulf %parallel_loop3A_448, %parallel_loop3A_444 : vector<16xf32>
      %parallel_loop3A_450 = arith.constant 1.500000e+00 : f32
      %parallel_loop3A_451 = vector.broadcast %parallel_loop3A_450 : f32 to vector<16xf32>
      %parallel_loop3A_452 = arith.subf %parallel_loop3A_451, %parallel_loop3A_449 : vector<16xf32>
      %parallel_loop3A_453 = arith.mulf %parallel_loop3A_444, %parallel_loop3A_452 : vector<16xf32>
      %parallel_loop3A_454 = arith.addf %parallel_loop3A_383, %parallel_loop3A_395 : vector<16xf32>
      %parallel_loop3A_455 = arith.mulf %parallel_loop3A_453, %parallel_loop3A_454 : vector<16xf32>
      %parallel_loop3A_456 = arith.addf %parallel_loop3A_197, %parallel_loop3A_455 : vector<16xf32>
      scf.yield %parallel_loop3A_456 : vector<16xf32>
    } {sc.loop_unroll_factor = 1 : i64, sc.parallel_access}
    %add3A_47 = arith.constant 192 : i32
    %add3A_48 = arith.addi %mul3A_2, %add3A_47 : i32
    %dma_start3A_49 = arith.constant 0 : i32
    %dma_start3A_50 = tpu.memref_slice %arg2[%add3A_48, %dma_start3A_49] : memref<16384x256xf32, #tpu.memory_space<hbm>> -> memref<64x256xf32, #tpu.memory_space<hbm>>
    %dma_start3A_51 = arith.constant 0 : i32
    %dma_start3A_52 = tpu.memref_slice %arg2[%add3A_48, %dma_start3A_51] : memref<16384x256xf32, #tpu.memory_space<hbm>> -> memref<64x256xf32, #tpu.memory_space<hbm>>
    tpu.enqueue_dma source(%dma_start3A_52 : memref<64x256xf32, #tpu.memory_space<hbm>>) target(%arg6 : memref<64x256xf32, #tpu.memory_space<vmem>>) target_semaphore(%arg14 : memref<!tpu.dma_semaphore, #tpu.memory_space<semaphore_mem>>)
    %dma_start3A_53 = arith.constant 192 : i32
    %dma_start3A_54 = tpu.memref_slice %arg12[%dma_start3A_53] : memref<512xi32, #tpu.memory_space<vmem>> -> memref<64xi32, #tpu.memory_space<vmem>>
    %dma_start3A_55 = arith.constant 0 : i32
    %dma_start3A_56 = arith.constant 0 : i32
    %dma_start3A_57 = tpu.memref_slice %arg4[%dma_start3A_55, %dma_start3A_56] : memref<1024x256xf32, #tpu.memory_space<hbm>> -> memref<1024x256xf32, #tpu.memory_space<hbm>>
    tpu.enqueue_indirect_dma source(%dma_start3A_57 : memref<1024x256xf32, #tpu.memory_space<hbm>>) target(%arg9 : memref<64x256xf32, #tpu.memory_space<vmem>>) offsets(%dma_start3A_54 : memref<64xi32, #tpu.memory_space<vmem>>) semaphore(%arg17 : memref<!tpu.dma_semaphore, #tpu.memory_space<semaphore_mem>>)
    %dma_wait3A_58 = arith.constant 0 : i32
    %dma_wait3A_59 = tpu.memref_slice %arg2[%add3A_9, %dma_wait3A_58] : memref<16384x256xf32, #tpu.memory_space<hbm>> -> memref<64x256xf32, #tpu.memory_space<hbm>>
    %dma_wait3A_60 = arith.constant 0 : i32
    %dma_wait3A_61 = tpu.memref_slice %arg2[%add3A_9, %dma_wait3A_60] : memref<16384x256xf32, #tpu.memory_space<hbm>> -> memref<64x256xf32, #tpu.memory_space<hbm>>
    tpu.wait_dma2 semaphore(%arg15 : memref<!tpu.dma_semaphore, #tpu.memory_space<semaphore_mem>>) src(%dma_wait3A_61 : memref<64x256xf32, #tpu.memory_space<hbm>>) dst(%arg7 : memref<64x256xf32, #tpu.memory_space<vmem>>)
    %dma_wait3A_62 = arith.constant 64 : i32
    %dma_wait3A_63 = tpu.memref_slice %arg12[%dma_wait3A_62] : memref<512xi32, #tpu.memory_space<vmem>> -> memref<64xi32, #tpu.memory_space<vmem>>
    %dma_wait3A_64 = arith.constant 0 : i32
    %dma_wait3A_65 = arith.constant 0 : i32
    %dma_wait3A_66 = tpu.memref_slice %arg4[%dma_wait3A_64, %dma_wait3A_65] : memref<1024x256xf32, #tpu.memory_space<hbm>> -> memref<1024x256xf32, #tpu.memory_space<hbm>>
    tpu.wait_indirect_dma semaphore(%arg18 : memref<!tpu.dma_semaphore, #tpu.memory_space<semaphore_mem>>) src(%dma_wait3A_66 : memref<1024x256xf32, #tpu.memory_space<hbm>>) dst(%arg10 : memref<64x256xf32, #tpu.memory_space<vmem>>)
    %parallel_loop3A_67 = arith.constant 0 : i32
    %parallel_loop3A_68 = arith.constant 64 : i32
    %parallel_loop3A_69 = arith.constant 1 : i32
    %parallel_loop3A_70 = scf.for %parallel_loop3A_196 = %parallel_loop3A_67 to %parallel_loop3A_68 step %parallel_loop3A_69 iter_args(%parallel_loop3A_197 = %parallel_loop3A_46) -> (vector<16xf32>)  : i32 {
      %parallel_loop3A_198 = arith.constant 0.000000e+00 : f32
      %parallel_loop3A_199 = vector.broadcast %parallel_loop3A_198 : f32 to vector<16xf32>
      %parallel_loop3A_200 = arith.constant 0.000000e+00 : f32
      %parallel_loop3A_201 = vector.broadcast %parallel_loop3A_200 : f32 to vector<16xf32>
      %parallel_loop3A_202 = arith.constant 0.000000e+00 : f32
      %parallel_loop3A_203 = vector.broadcast %parallel_loop3A_202 : f32 to vector<16xf32>
      %parallel_loop3A_204 = arith.constant 0.000000e+00 : f32
      %parallel_loop3A_205 = vector.broadcast %parallel_loop3A_204 : f32 to vector<16xf32>
      %parallel_loop3A_206 = arith.index_cast %parallel_loop3A_196 : i32 to index
      %parallel_loop3A_207 = arith.constant 0 : index
      %parallel_loop3A_208 = tpu.vector_load %arg10[%parallel_loop3A_206, %parallel_loop3A_207] {strides = array<i32>} : memref<64x256xf32, #tpu.memory_space<vmem>>, vector<1x16xf32>,
      %parallel_loop3A_209 = vector.shape_cast %parallel_loop3A_208 : vector<1x16xf32> to vector<16xf32>
      %parallel_loop3A_210 = arith.index_cast %parallel_loop3A_196 : i32 to index
      %parallel_loop3A_211 = arith.constant 0 : index
      %parallel_loop3A_212 = tpu.vector_load %arg7[%parallel_loop3A_210, %parallel_loop3A_211] {strides = array<i32>} : memref<64x256xf32, #tpu.memory_space<vmem>>, vector<1x16xf32>,
      %parallel_loop3A_213 = vector.shape_cast %parallel_loop3A_212 : vector<1x16xf32> to vector<16xf32>
      %parallel_loop3A_214 = arith.mulf %parallel_loop3A_213, %parallel_loop3A_209 : vector<16xf32>
      %parallel_loop3A_215 = arith.addf %parallel_loop3A_199, %parallel_loop3A_214 : vector<16xf32>
      %parallel_loop3A_216 = arith.mulf %parallel_loop3A_213, %parallel_loop3A_213 : vector<16xf32>
      %parallel_loop3A_217 = arith.addf %parallel_loop3A_203, %parallel_loop3A_216 : vector<16xf32>
      %parallel_loop3A_218 = arith.index_cast %parallel_loop3A_196 : i32 to index
      %parallel_loop3A_219 = arith.constant 16 : index
      %parallel_loop3A_220 = tpu.vector_load %arg10[%parallel_loop3A_218, %parallel_loop3A_219] {strides = array<i32>} : memref<64x256xf32, #tpu.memory_space<vmem>>, vector<1x16xf32>,
      %parallel_loop3A_221 = vector.shape_cast %parallel_loop3A_220 : vector<1x16xf32> to vector<16xf32>
      %parallel_loop3A_222 = arith.index_cast %parallel_loop3A_196 : i32 to index
      %parallel_loop3A_223 = arith.constant 16 : index
      %parallel_loop3A_224 = tpu.vector_load %arg7[%parallel_loop3A_222, %parallel_loop3A_223] {strides = array<i32>} : memref<64x256xf32, #tpu.memory_space<vmem>>, vector<1x16xf32>,
      %parallel_loop3A_225 = vector.shape_cast %parallel_loop3A_224 : vector<1x16xf32> to vector<16xf32>
      %parallel_loop3A_226 = arith.mulf %parallel_loop3A_225, %parallel_loop3A_221 : vector<16xf32>
      %parallel_loop3A_227 = arith.addf %parallel_loop3A_201, %parallel_loop3A_226 : vector<16xf32>
      %parallel_loop3A_228 = arith.mulf %parallel_loop3A_225, %parallel_loop3A_225 : vector<16xf32>
      %parallel_loop3A_229 = arith.addf %parallel_loop3A_205, %parallel_loop3A_228 : vector<16xf32>
      %parallel_loop3A_230 = arith.index_cast %parallel_loop3A_196 : i32 to index
      %parallel_loop3A_231 = arith.constant 32 : index
      %parallel_loop3A_232 = tpu.vector_load %arg10[%parallel_loop3A_230, %parallel_loop3A_231] {strides = array<i32>} : memref<64x256xf32, #tpu.memory_space<vmem>>, vector<1x16xf32>,
      %parallel_loop3A_233 = vector.shape_cast %parallel_loop3A_232 : vector<1x16xf32> to vector<16xf32>
      %parallel_loop3A_234 = arith.index_cast %parallel_loop3A_196 : i32 to index
      %parallel_loop3A_235 = arith.constant 32 : index
      %parallel_loop3A_236 = tpu.vector_load %arg7[%parallel_loop3A_234, %parallel_loop3A_235] {strides = array<i32>} : memref<64x256xf32, #tpu.memory_space<vmem>>, vector<1x16xf32>,
      %parallel_loop3A_237 = vector.shape_cast %parallel_loop3A_236 : vector<1x16xf32> to vector<16xf32>
      %parallel_loop3A_238 = arith.mulf %parallel_loop3A_237, %parallel_loop3A_233 : vector<16xf32>
      %parallel_loop3A_239 = arith.addf %parallel_loop3A_215, %parallel_loop3A_238 : vector<16xf32>
      %parallel_loop3A_240 = arith.mulf %parallel_loop3A_237, %parallel_loop3A_237 : vector<16xf32>
      %parallel_loop3A_241 = arith.addf %parallel_loop3A_217, %parallel_loop3A_240 : vector<16xf32>
      %parallel_loop3A_242 = arith.index_cast %parallel_loop3A_196 : i32 to index
      %parallel_loop3A_243 = arith.constant 48 : index
      %parallel_loop3A_244 = tpu.vector_load %arg10[%parallel_loop3A_242, %parallel_loop3A_243] {strides = array<i32>} : memref<64x256xf32, #tpu.memory_space<vmem>>, vector<1x16xf32>,
      %parallel_loop3A_245 = vector.shape_cast %parallel_loop3A_244 : vector<1x16xf32> to vector<16xf32>
      %parallel_loop3A_246 = arith.index_cast %parallel_loop3A_196 : i32 to index
      %parallel_loop3A_247 = arith.constant 48 : index
      %parallel_loop3A_248 = tpu.vector_load %arg7[%parallel_loop3A_246, %parallel_loop3A_247] {strides = array<i32>} : memref<64x256xf32, #tpu.memory_space<vmem>>, vector<1x16xf32>,
      %parallel_loop3A_249 = vector.shape_cast %parallel_loop3A_248 : vector<1x16xf32> to vector<16xf32>
      %parallel_loop3A_250 = arith.mulf %parallel_loop3A_249, %parallel_loop3A_245 : vector<16xf32>
      %parallel_loop3A_251 = arith.addf %parallel_loop3A_227, %parallel_loop3A_250 : vector<16xf32>
      %parallel_loop3A_252 = arith.mulf %parallel_loop3A_249, %parallel_loop3A_249 : vector<16xf32>
      %parallel_loop3A_253 = arith.addf %parallel_loop3A_229, %parallel_loop3A_252 : vector<16xf32>
      %parallel_loop3A_254 = arith.index_cast %parallel_loop3A_196 : i32 to index
      %parallel_loop3A_255 = arith.constant 64 : index
      %parallel_loop3A_256 = tpu.vector_load %arg10[%parallel_loop3A_254, %parallel_loop3A_255] {strides = array<i32>} : memref<64x256xf32, #tpu.memory_space<vmem>>, vector<1x16xf32>,
      %parallel_loop3A_257 = vector.shape_cast %parallel_loop3A_256 : vector<1x16xf32> to vector<16xf32>
      %parallel_loop3A_258 = arith.index_cast %parallel_loop3A_196 : i32 to index
      %parallel_loop3A_259 = arith.constant 64 : index
      %parallel_loop3A_260 = tpu.vector_load %arg7[%parallel_loop3A_258, %parallel_loop3A_259] {strides = array<i32>} : memref<64x256xf32, #tpu.memory_space<vmem>>, vector<1x16xf32>,
      %parallel_loop3A_261 = vector.shape_cast %parallel_loop3A_260 : vector<1x16xf32> to vector<16xf32>
      %parallel_loop3A_262 = arith.mulf %parallel_loop3A_261, %parallel_loop3A_257 : vector<16xf32>
      %parallel_loop3A_263 = arith.addf %parallel_loop3A_239, %parallel_loop3A_262 : vector<16xf32>
      %parallel_loop3A_264 = arith.mulf %parallel_loop3A_261, %parallel_loop3A_261 : vector<16xf32>
      %parallel_loop3A_265 = arith.addf %parallel_loop3A_241, %parallel_loop3A_264 : vector<16xf32>
      %parallel_loop3A_266 = arith.index_cast %parallel_loop3A_196 : i32 to index
      %parallel_loop3A_267 = arith.constant 80 : index
      %parallel_loop3A_268 = tpu.vector_load %arg10[%parallel_loop3A_266, %parallel_loop3A_267] {strides = array<i32>} : memref<64x256xf32, #tpu.memory_space<vmem>>, vector<1x16xf32>,
      %parallel_loop3A_269 = vector.shape_cast %parallel_loop3A_268 : vector<1x16xf32> to vector<16xf32>
      %parallel_loop3A_270 = arith.index_cast %parallel_loop3A_196 : i32 to index
      %parallel_loop3A_271 = arith.constant 80 : index
      %parallel_loop3A_272 = tpu.vector_load %arg7[%parallel_loop3A_270, %parallel_loop3A_271] {strides = array<i32>} : memref<64x256xf32, #tpu.memory_space<vmem>>, vector<1x16xf32>,
      %parallel_loop3A_273 = vector.shape_cast %parallel_loop3A_272 : vector<1x16xf32> to vector<16xf32>
      %parallel_loop3A_274 = arith.mulf %parallel_loop3A_273, %parallel_loop3A_269 : vector<16xf32>
      %parallel_loop3A_275 = arith.addf %parallel_loop3A_251, %parallel_loop3A_274 : vector<16xf32>
      %parallel_loop3A_276 = arith.mulf %parallel_loop3A_273, %parallel_loop3A_273 : vector<16xf32>
      %parallel_loop3A_277 = arith.addf %parallel_loop3A_253, %parallel_loop3A_276 : vector<16xf32>
      %parallel_loop3A_278 = arith.index_cast %parallel_loop3A_196 : i32 to index
      %parallel_loop3A_279 = arith.constant 96 : index
      %parallel_loop3A_280 = tpu.vector_load %arg10[%parallel_loop3A_278, %parallel_loop3A_279] {strides = array<i32>} : memref<64x256xf32, #tpu.memory_space<vmem>>, vector<1x16xf32>,
      %parallel_loop3A_281 = vector.shape_cast %parallel_loop3A_280 : vector<1x16xf32> to vector<16xf32>
      %parallel_loop3A_282 = arith.index_cast %parallel_loop3A_196 : i32 to index
      %parallel_loop3A_283 = arith.constant 96 : index
      %parallel_loop3A_284 = tpu.vector_load %arg7[%parallel_loop3A_282, %parallel_loop3A_283] {strides = array<i32>} : memref<64x256xf32, #tpu.memory_space<vmem>>, vector<1x16xf32>,
      %parallel_loop3A_285 = vector.shape_cast %parallel_loop3A_284 : vector<1x16xf32> to vector<16xf32>
      %parallel_loop3A_286 = arith.mulf %parallel_loop3A_285, %parallel_loop3A_281 : vector<16xf32>
      %parallel_loop3A_287 = arith.addf %parallel_loop3A_263, %parallel_loop3A_286 : vector<16xf32>
      %parallel_loop3A_288 = arith.mulf %parallel_loop3A_285, %parallel_loop3A_285 : vector<16xf32>
      %parallel_loop3A_289 = arith.addf %parallel_loop3A_265, %parallel_loop3A_288 : vector<16xf32>
      %parallel_loop3A_290 = arith.index_cast %parallel_loop3A_196 : i32 to index
      %parallel_loop3A_291 = arith.constant 112 : index
      %parallel_loop3A_292 = tpu.vector_load %arg10[%parallel_loop3A_290, %parallel_loop3A_291] {strides = array<i32>} : memref<64x256xf32, #tpu.memory_space<vmem>>, vector<1x16xf32>,
      %parallel_loop3A_293 = vector.shape_cast %parallel_loop3A_292 : vector<1x16xf32> to vector<16xf32>
      %parallel_loop3A_294 = arith.index_cast %parallel_loop3A_196 : i32 to index
      %parallel_loop3A_295 = arith.constant 112 : index
      %parallel_loop3A_296 = tpu.vector_load %arg7[%parallel_loop3A_294, %parallel_loop3A_295] {strides = array<i32>} : memref<64x256xf32, #tpu.memory_space<vmem>>, vector<1x16xf32>,
      %parallel_loop3A_297 = vector.shape_cast %parallel_loop3A_296 : vector<1x16xf32> to vector<16xf32>
      %parallel_loop3A_298 = arith.mulf %parallel_loop3A_297, %parallel_loop3A_293 : vector<16xf32>
      %parallel_loop3A_299 = arith.addf %parallel_loop3A_275, %parallel_loop3A_298 : vector<16xf32>
      %parallel_loop3A_300 = arith.mulf %parallel_loop3A_297, %parallel_loop3A_297 : vector<16xf32>
      %parallel_loop3A_301 = arith.addf %parallel_loop3A_277, %parallel_loop3A_300 : vector<16xf32>
      %parallel_loop3A_302 = arith.index_cast %parallel_loop3A_196 : i32 to index
      %parallel_loop3A_303 = arith.constant 128 : index
      %parallel_loop3A_304 = tpu.vector_load %arg10[%parallel_loop3A_302, %parallel_loop3A_303] {strides = array<i32>} : memref<64x256xf32, #tpu.memory_space<vmem>>, vector<1x16xf32>,
      %parallel_loop3A_305 = vector.shape_cast %parallel_loop3A_304 : vector<1x16xf32> to vector<16xf32>
      %parallel_loop3A_306 = arith.index_cast %parallel_loop3A_196 : i32 to index
      %parallel_loop3A_307 = arith.constant 128 : index
      %parallel_loop3A_308 = tpu.vector_load %arg7[%parallel_loop3A_306, %parallel_loop3A_307] {strides = array<i32>} : memref<64x256xf32, #tpu.memory_space<vmem>>, vector<1x16xf32>,
      %parallel_loop3A_309 = vector.shape_cast %parallel_loop3A_308 : vector<1x16xf32> to vector<16xf32>
      %parallel_loop3A_310 = arith.mulf %parallel_loop3A_309, %parallel_loop3A_305 : vector<16xf32>
      %parallel_loop3A_311 = arith.addf %parallel_loop3A_287, %parallel_loop3A_310 : vector<16xf32>
      %parallel_loop3A_312 = arith.mulf %parallel_loop3A_309, %parallel_loop3A_309 : vector<16xf32>
      %parallel_loop3A_313 = arith.addf %parallel_loop3A_289, %parallel_loop3A_312 : vector<16xf32>
      %parallel_loop3A_314 = arith.index_cast %parallel_loop3A_196 : i32 to index
      %parallel_loop3A_315 = arith.constant 144 : index
      %parallel_loop3A_316 = tpu.vector_load %arg10[%parallel_loop3A_314, %parallel_loop3A_315] {strides = array<i32>} : memref<64x256xf32, #tpu.memory_space<vmem>>, vector<1x16xf32>,
      %parallel_loop3A_317 = vector.shape_cast %parallel_loop3A_316 : vector<1x16xf32> to vector<16xf32>
      %parallel_loop3A_318 = arith.index_cast %parallel_loop3A_196 : i32 to index
      %parallel_loop3A_319 = arith.constant 144 : index
      %parallel_loop3A_320 = tpu.vector_load %arg7[%parallel_loop3A_318, %parallel_loop3A_319] {strides = array<i32>} : memref<64x256xf32, #tpu.memory_space<vmem>>, vector<1x16xf32>,
      %parallel_loop3A_321 = vector.shape_cast %parallel_loop3A_320 : vector<1x16xf32> to vector<16xf32>
      %parallel_loop3A_322 = arith.mulf %parallel_loop3A_321, %parallel_loop3A_317 : vector<16xf32>
      %parallel_loop3A_323 = arith.addf %parallel_loop3A_299, %parallel_loop3A_322 : vector<16xf32>
      %parallel_loop3A_324 = arith.mulf %parallel_loop3A_321, %parallel_loop3A_321 : vector<16xf32>
      %parallel_loop3A_325 = arith.addf %parallel_loop3A_301, %parallel_loop3A_324 : vector<16xf32>
      %parallel_loop3A_326 = arith.index_cast %parallel_loop3A_196 : i32 to index
      %parallel_loop3A_327 = arith.constant 160 : index
      %parallel_loop3A_328 = tpu.vector_load %arg10[%parallel_loop3A_326, %parallel_loop3A_327] {strides = array<i32>} : memref<64x256xf32, #tpu.memory_space<vmem>>, vector<1x16xf32>,
      %parallel_loop3A_329 = vector.shape_cast %parallel_loop3A_328 : vector<1x16xf32> to vector<16xf32>
      %parallel_loop3A_330 = arith.index_cast %parallel_loop3A_196 : i32 to index
      %parallel_loop3A_331 = arith.constant 160 : index
      %parallel_loop3A_332 = tpu.vector_load %arg7[%parallel_loop3A_330, %parallel_loop3A_331] {strides = array<i32>} : memref<64x256xf32, #tpu.memory_space<vmem>>, vector<1x16xf32>,
      %parallel_loop3A_333 = vector.shape_cast %parallel_loop3A_332 : vector<1x16xf32> to vector<16xf32>
      %parallel_loop3A_334 = arith.mulf %parallel_loop3A_333, %parallel_loop3A_329 : vector<16xf32>
      %parallel_loop3A_335 = arith.addf %parallel_loop3A_311, %parallel_loop3A_334 : vector<16xf32>
      %parallel_loop3A_336 = arith.mulf %parallel_loop3A_333, %parallel_loop3A_333 : vector<16xf32>
      %parallel_loop3A_337 = arith.addf %parallel_loop3A_313, %parallel_loop3A_336 : vector<16xf32>
      %parallel_loop3A_338 = arith.index_cast %parallel_loop3A_196 : i32 to index
      %parallel_loop3A_339 = arith.constant 176 : index
      %parallel_loop3A_340 = tpu.vector_load %arg10[%parallel_loop3A_338, %parallel_loop3A_339] {strides = array<i32>} : memref<64x256xf32, #tpu.memory_space<vmem>>, vector<1x16xf32>,
      %parallel_loop3A_341 = vector.shape_cast %parallel_loop3A_340 : vector<1x16xf32> to vector<16xf32>
      %parallel_loop3A_342 = arith.index_cast %parallel_loop3A_196 : i32 to index
      %parallel_loop3A_343 = arith.constant 176 : index
      %parallel_loop3A_344 = tpu.vector_load %arg7[%parallel_loop3A_342, %parallel_loop3A_343] {strides = array<i32>} : memref<64x256xf32, #tpu.memory_space<vmem>>, vector<1x16xf32>,
      %parallel_loop3A_345 = vector.shape_cast %parallel_loop3A_344 : vector<1x16xf32> to vector<16xf32>
      %parallel_loop3A_346 = arith.mulf %parallel_loop3A_345, %parallel_loop3A_341 : vector<16xf32>
      %parallel_loop3A_347 = arith.addf %parallel_loop3A_323, %parallel_loop3A_346 : vector<16xf32>
      %parallel_loop3A_348 = arith.mulf %parallel_loop3A_345, %parallel_loop3A_345 : vector<16xf32>
      %parallel_loop3A_349 = arith.addf %parallel_loop3A_325, %parallel_loop3A_348 : vector<16xf32>
      %parallel_loop3A_350 = arith.index_cast %parallel_loop3A_196 : i32 to index
      %parallel_loop3A_351 = arith.constant 192 : index
      %parallel_loop3A_352 = tpu.vector_load %arg10[%parallel_loop3A_350, %parallel_loop3A_351] {strides = array<i32>} : memref<64x256xf32, #tpu.memory_space<vmem>>, vector<1x16xf32>,
      %parallel_loop3A_353 = vector.shape_cast %parallel_loop3A_352 : vector<1x16xf32> to vector<16xf32>
      %parallel_loop3A_354 = arith.index_cast %parallel_loop3A_196 : i32 to index
      %parallel_loop3A_355 = arith.constant 192 : index
      %parallel_loop3A_356 = tpu.vector_load %arg7[%parallel_loop3A_354, %parallel_loop3A_355] {strides = array<i32>} : memref<64x256xf32, #tpu.memory_space<vmem>>, vector<1x16xf32>,
      %parallel_loop3A_357 = vector.shape_cast %parallel_loop3A_356 : vector<1x16xf32> to vector<16xf32>
      %parallel_loop3A_358 = arith.mulf %parallel_loop3A_357, %parallel_loop3A_353 : vector<16xf32>
      %parallel_loop3A_359 = arith.addf %parallel_loop3A_335, %parallel_loop3A_358 : vector<16xf32>
      %parallel_loop3A_360 = arith.mulf %parallel_loop3A_357, %parallel_loop3A_357 : vector<16xf32>
      %parallel_loop3A_361 = arith.addf %parallel_loop3A_337, %parallel_loop3A_360 : vector<16xf32>
      %parallel_loop3A_362 = arith.index_cast %parallel_loop3A_196 : i32 to index
      %parallel_loop3A_363 = arith.constant 208 : index
      %parallel_loop3A_364 = tpu.vector_load %arg10[%parallel_loop3A_362, %parallel_loop3A_363] {strides = array<i32>} : memref<64x256xf32, #tpu.memory_space<vmem>>, vector<1x16xf32>,
      %parallel_loop3A_365 = vector.shape_cast %parallel_loop3A_364 : vector<1x16xf32> to vector<16xf32>
      %parallel_loop3A_366 = arith.index_cast %parallel_loop3A_196 : i32 to index
      %parallel_loop3A_367 = arith.constant 208 : index
      %parallel_loop3A_368 = tpu.vector_load %arg7[%parallel_loop3A_366, %parallel_loop3A_367] {strides = array<i32>} : memref<64x256xf32, #tpu.memory_space<vmem>>, vector<1x16xf32>,
      %parallel_loop3A_369 = vector.shape_cast %parallel_loop3A_368 : vector<1x16xf32> to vector<16xf32>
      %parallel_loop3A_370 = arith.mulf %parallel_loop3A_369, %parallel_loop3A_365 : vector<16xf32>
      %parallel_loop3A_371 = arith.addf %parallel_loop3A_347, %parallel_loop3A_370 : vector<16xf32>
      %parallel_loop3A_372 = arith.mulf %parallel_loop3A_369, %parallel_loop3A_369 : vector<16xf32>
      %parallel_loop3A_373 = arith.addf %parallel_loop3A_349, %parallel_loop3A_372 : vector<16xf32>
      %parallel_loop3A_374 = arith.index_cast %parallel_loop3A_196 : i32 to index
      %parallel_loop3A_375 = arith.constant 224 : index
      %parallel_loop3A_376 = tpu.vector_load %arg10[%parallel_loop3A_374, %parallel_loop3A_375] {strides = array<i32>} : memref<64x256xf32, #tpu.memory_space<vmem>>, vector<1x16xf32>,
      %parallel_loop3A_377 = vector.shape_cast %parallel_loop3A_376 : vector<1x16xf32> to vector<16xf32>
      %parallel_loop3A_378 = arith.index_cast %parallel_loop3A_196 : i32 to index
      %parallel_loop3A_379 = arith.constant 224 : index
      %parallel_loop3A_380 = tpu.vector_load %arg7[%parallel_loop3A_378, %parallel_loop3A_379] {strides = array<i32>} : memref<64x256xf32, #tpu.memory_space<vmem>>, vector<1x16xf32>,
      %parallel_loop3A_381 = vector.shape_cast %parallel_loop3A_380 : vector<1x16xf32> to vector<16xf32>
      %parallel_loop3A_382 = arith.mulf %parallel_loop3A_381, %parallel_loop3A_377 : vector<16xf32>
      %parallel_loop3A_383 = arith.addf %parallel_loop3A_359, %parallel_loop3A_382 : vector<16xf32>
      %parallel_loop3A_384 = arith.mulf %parallel_loop3A_381, %parallel_loop3A_381 : vector<16xf32>
      %parallel_loop3A_385 = arith.addf %parallel_loop3A_361, %parallel_loop3A_384 : vector<16xf32>
      %parallel_loop3A_386 = arith.index_cast %parallel_loop3A_196 : i32 to index
      %parallel_loop3A_387 = arith.constant 240 : index
      %parallel_loop3A_388 = tpu.vector_load %arg10[%parallel_loop3A_386, %parallel_loop3A_387] {strides = array<i32>} : memref<64x256xf32, #tpu.memory_space<vmem>>, vector<1x16xf32>,
      %parallel_loop3A_389 = vector.shape_cast %parallel_loop3A_388 : vector<1x16xf32> to vector<16xf32>
      %parallel_loop3A_390 = arith.index_cast %parallel_loop3A_196 : i32 to index
      %parallel_loop3A_391 = arith.constant 240 : index
      %parallel_loop3A_392 = tpu.vector_load %arg7[%parallel_loop3A_390, %parallel_loop3A_391] {strides = array<i32>} : memref<64x256xf32, #tpu.memory_space<vmem>>, vector<1x16xf32>,
      %parallel_loop3A_393 = vector.shape_cast %parallel_loop3A_392 : vector<1x16xf32> to vector<16xf32>
      %parallel_loop3A_394 = arith.mulf %parallel_loop3A_393, %parallel_loop3A_389 : vector<16xf32>
      %parallel_loop3A_395 = arith.addf %parallel_loop3A_371, %parallel_loop3A_394 : vector<16xf32>
      %parallel_loop3A_396 = arith.mulf %parallel_loop3A_393, %parallel_loop3A_393 : vector<16xf32>
      %parallel_loop3A_397 = arith.addf %parallel_loop3A_373, %parallel_loop3A_396 : vector<16xf32>
      %parallel_loop3A_398 = arith.addf %parallel_loop3A_385, %parallel_loop3A_397 : vector<16xf32>
      %parallel_loop3A_399 = tpu.iota {dimensions = array<i32: 0>} : vector<16xi32>
      %parallel_loop3A_400 = arith.constant 8 : i32
      %parallel_loop3A_401 = vector.broadcast %parallel_loop3A_400 : i32 to vector<16xi32>
      %parallel_loop3A_402 = arith.xori %parallel_loop3A_399, %parallel_loop3A_401 : vector<16xi32>
      %parallel_loop3A_403 = vector.shape_cast %parallel_loop3A_402 : vector<16xi32> to vector<16x1xi32>
      %parallel_loop3A_404 = vector.shape_cast %parallel_loop3A_403 : vector<16x1xi32> to vector<16xi32>
      %parallel_loop3A_405 = tpu.dynamic_gather %parallel_loop3A_398[%parallel_loop3A_404] in [0] : vector<16xf32>, vector<16xi32> -> vector<16xf32>
      %parallel_loop3A_406 = arith.addf %parallel_loop3A_398, %parallel_loop3A_405 : vector<16xf32>
      %parallel_loop3A_407 = arith.constant 4 : i32
      %parallel_loop3A_408 = vector.broadcast %parallel_loop3A_407 : i32 to vector<16xi32>
      %parallel_loop3A_409 = arith.xori %parallel_loop3A_399, %parallel_loop3A_408 : vector<16xi32>
      %parallel_loop3A_410 = vector.shape_cast %parallel_loop3A_409 : vector<16xi32> to vector<16x1xi32>
      %parallel_loop3A_411 = vector.shape_cast %parallel_loop3A_410 : vector<16x1xi32> to vector<16xi32>
      %parallel_loop3A_412 = tpu.dynamic_gather %parallel_loop3A_406[%parallel_loop3A_411] in [0] : vector<16xf32>, vector<16xi32> -> vector<16xf32>
      %parallel_loop3A_413 = arith.addf %parallel_loop3A_406, %parallel_loop3A_412 : vector<16xf32>
      %parallel_loop3A_414 = arith.constant 2 : i32
      %parallel_loop3A_415 = vector.broadcast %parallel_loop3A_414 : i32 to vector<16xi32>
      %parallel_loop3A_416 = arith.xori %parallel_loop3A_399, %parallel_loop3A_415 : vector<16xi32>
      %parallel_loop3A_417 = vector.shape_cast %parallel_loop3A_416 : vector<16xi32> to vector<16x1xi32>
      %parallel_loop3A_418 = vector.shape_cast %parallel_loop3A_417 : vector<16x1xi32> to vector<16xi32>
      %parallel_loop3A_419 = tpu.dynamic_gather %parallel_loop3A_413[%parallel_loop3A_418] in [0] : vector<16xf32>, vector<16xi32> -> vector<16xf32>
      %parallel_loop3A_420 = arith.addf %parallel_loop3A_413, %parallel_loop3A_419 : vector<16xf32>
      %parallel_loop3A_421 = arith.constant 1 : i32
      %parallel_loop3A_422 = vector.broadcast %parallel_loop3A_421 : i32 to vector<16xi32>
      %parallel_loop3A_423 = arith.xori %parallel_loop3A_399, %parallel_loop3A_422 : vector<16xi32>
      %parallel_loop3A_424 = vector.shape_cast %parallel_loop3A_423 : vector<16xi32> to vector<16x1xi32>
      %parallel_loop3A_425 = vector.shape_cast %parallel_loop3A_424 : vector<16x1xi32> to vector<16xi32>
      %parallel_loop3A_426 = tpu.dynamic_gather %parallel_loop3A_420[%parallel_loop3A_425] in [0] : vector<16xf32>, vector<16xi32> -> vector<16xf32>
      %parallel_loop3A_427 = arith.addf %parallel_loop3A_420, %parallel_loop3A_426 : vector<16xf32>
      %parallel_loop3A_428 = tpu.bitcast %parallel_loop3A_427 : vector<16xf32> -> vector<16xi32>
      %parallel_loop3A_429 = arith.constant 1 : i32
      %parallel_loop3A_430 = vector.broadcast %parallel_loop3A_429 : i32 to vector<16xi32>
      %parallel_loop3A_431 = arith.shrui %parallel_loop3A_428, %parallel_loop3A_430 : vector<16xi32>
      %parallel_loop3A_432 = arith.constant 1597463007 : i32
      %parallel_loop3A_433 = vector.broadcast %parallel_loop3A_432 : i32 to vector<16xi32>
      %parallel_loop3A_434 = arith.subi %parallel_loop3A_433, %parallel_loop3A_431 : vector<16xi32>
      %parallel_loop3A_435 = tpu.bitcast %parallel_loop3A_434 : vector<16xi32> -> vector<16xf32>
      %parallel_loop3A_436 = arith.constant 5.000000e-01 : f32
      %parallel_loop3A_437 = vector.broadcast %parallel_loop3A_436 : f32 to vector<16xf32>
      %parallel_loop3A_438 = arith.mulf %parallel_loop3A_437, %parallel_loop3A_427 : vector<16xf32>
      %parallel_loop3A_439 = arith.mulf %parallel_loop3A_438, %parallel_loop3A_435 : vector<16xf32>
      %parallel_loop3A_440 = arith.mulf %parallel_loop3A_439, %parallel_loop3A_435 : vector<16xf32>
      %parallel_loop3A_441 = arith.constant 1.500000e+00 : f32
      %parallel_loop3A_442 = vector.broadcast %parallel_loop3A_441 : f32 to vector<16xf32>
      %parallel_loop3A_443 = arith.subf %parallel_loop3A_442, %parallel_loop3A_440 : vector<16xf32>
      %parallel_loop3A_444 = arith.mulf %parallel_loop3A_435, %parallel_loop3A_443 : vector<16xf32>
      %parallel_loop3A_445 = arith.constant 5.000000e-01 : f32
      %parallel_loop3A_446 = vector.broadcast %parallel_loop3A_445 : f32 to vector<16xf32>
      %parallel_loop3A_447 = arith.mulf %parallel_loop3A_446, %parallel_loop3A_427 : vector<16xf32>
      %parallel_loop3A_448 = arith.mulf %parallel_loop3A_447, %parallel_loop3A_444 : vector<16xf32>
      %parallel_loop3A_449 = arith.mulf %parallel_loop3A_448, %parallel_loop3A_444 : vector<16xf32>
      %parallel_loop3A_450 = arith.constant 1.500000e+00 : f32
      %parallel_loop3A_451 = vector.broadcast %parallel_loop3A_450 : f32 to vector<16xf32>
      %parallel_loop3A_452 = arith.subf %parallel_loop3A_451, %parallel_loop3A_449 : vector<16xf32>
      %parallel_loop3A_453 = arith.mulf %parallel_loop3A_444, %parallel_loop3A_452 : vector<16xf32>
      %parallel_loop3A_454 = arith.addf %parallel_loop3A_383, %parallel_loop3A_395 : vector<16xf32>
      %parallel_loop3A_455 = arith.mulf %parallel_loop3A_453, %parallel_loop3A_454 : vector<16xf32>
      %parallel_loop3A_456 = arith.addf %parallel_loop3A_197, %parallel_loop3A_455 : vector<16xf32>
      scf.yield %parallel_loop3A_456 : vector<16xf32>
    } {sc.loop_unroll_factor = 1 : i64, sc.parallel_access}
    %add3A_71 = arith.constant 256 : i32
    %add3A_72 = arith.addi %mul3A_2, %add3A_71 : i32
    %dma_start3A_73 = arith.constant 0 : i32
    %dma_start3A_74 = tpu.memref_slice %arg2[%add3A_72, %dma_start3A_73] : memref<16384x256xf32, #tpu.memory_space<hbm>> -> memref<64x256xf32, #tpu.memory_space<hbm>>
    %dma_start3A_75 = arith.constant 0 : i32
    %dma_start3A_76 = tpu.memref_slice %arg2[%add3A_72, %dma_start3A_75] : memref<16384x256xf32, #tpu.memory_space<hbm>> -> memref<64x256xf32, #tpu.memory_space<hbm>>
    tpu.enqueue_dma source(%dma_start3A_76 : memref<64x256xf32, #tpu.memory_space<hbm>>) target(%arg7 : memref<64x256xf32, #tpu.memory_space<vmem>>) target_semaphore(%arg15 : memref<!tpu.dma_semaphore, #tpu.memory_space<semaphore_mem>>)
    %dma_start3A_77 = arith.constant 256 : i32
    %dma_start3A_78 = tpu.memref_slice %arg12[%dma_start3A_77] : memref<512xi32, #tpu.memory_space<vmem>> -> memref<64xi32, #tpu.memory_space<vmem>>
    %dma_start3A_79 = arith.constant 0 : i32
    %dma_start3A_80 = arith.constant 0 : i32
    %dma_start3A_81 = tpu.memref_slice %arg4[%dma_start3A_79, %dma_start3A_80] : memref<1024x256xf32, #tpu.memory_space<hbm>> -> memref<1024x256xf32, #tpu.memory_space<hbm>>
    tpu.enqueue_indirect_dma source(%dma_start3A_81 : memref<1024x256xf32, #tpu.memory_space<hbm>>) target(%arg10 : memref<64x256xf32, #tpu.memory_space<vmem>>) offsets(%dma_start3A_78 : memref<64xi32, #tpu.memory_space<vmem>>) semaphore(%arg18 : memref<!tpu.dma_semaphore, #tpu.memory_space<semaphore_mem>>)
    %dma_wait3A_82 = arith.constant 0 : i32
    %dma_wait3A_83 = tpu.memref_slice %arg2[%add3A_26, %dma_wait3A_82] : memref<16384x256xf32, #tpu.memory_space<hbm>> -> memref<64x256xf32, #tpu.memory_space<hbm>>
    %dma_wait3A_84 = arith.constant 0 : i32
    %dma_wait3A_85 = tpu.memref_slice %arg2[%add3A_26, %dma_wait3A_84] : memref<16384x256xf32, #tpu.memory_space<hbm>> -> memref<64x256xf32, #tpu.memory_space<hbm>>
    tpu.wait_dma2 semaphore(%arg16 : memref<!tpu.dma_semaphore, #tpu.memory_space<semaphore_mem>>) src(%dma_wait3A_85 : memref<64x256xf32, #tpu.memory_space<hbm>>) dst(%arg8 : memref<64x256xf32, #tpu.memory_space<vmem>>)
    %dma_wait3A_86 = arith.constant 128 : i32
    %dma_wait3A_87 = tpu.memref_slice %arg12[%dma_wait3A_86] : memref<512xi32, #tpu.memory_space<vmem>> -> memref<64xi32, #tpu.memory_space<vmem>>
    %dma_wait3A_88 = arith.constant 0 : i32
    %dma_wait3A_89 = arith.constant 0 : i32
    %dma_wait3A_90 = tpu.memref_slice %arg4[%dma_wait3A_88, %dma_wait3A_89] : memref<1024x256xf32, #tpu.memory_space<hbm>> -> memref<1024x256xf32, #tpu.memory_space<hbm>>
    tpu.wait_indirect_dma semaphore(%arg19 : memref<!tpu.dma_semaphore, #tpu.memory_space<semaphore_mem>>) src(%dma_wait3A_90 : memref<1024x256xf32, #tpu.memory_space<hbm>>) dst(%arg11 : memref<64x256xf32, #tpu.memory_space<vmem>>)
    %parallel_loop3A_91 = arith.constant 0 : i32
    %parallel_loop3A_92 = arith.constant 64 : i32
    %parallel_loop3A_93 = arith.constant 1 : i32
    %parallel_loop3A_94 = scf.for %parallel_loop3A_196 = %parallel_loop3A_91 to %parallel_loop3A_92 step %parallel_loop3A_93 iter_args(%parallel_loop3A_197 = %parallel_loop3A_70) -> (vector<16xf32>)  : i32 {
      %parallel_loop3A_198 = arith.constant 0.000000e+00 : f32
      %parallel_loop3A_199 = vector.broadcast %parallel_loop3A_198 : f32 to vector<16xf32>
      %parallel_loop3A_200 = arith.constant 0.000000e+00 : f32
      %parallel_loop3A_201 = vector.broadcast %parallel_loop3A_200 : f32 to vector<16xf32>
      %parallel_loop3A_202 = arith.constant 0.000000e+00 : f32
      %parallel_loop3A_203 = vector.broadcast %parallel_loop3A_202 : f32 to vector<16xf32>
      %parallel_loop3A_204 = arith.constant 0.000000e+00 : f32
      %parallel_loop3A_205 = vector.broadcast %parallel_loop3A_204 : f32 to vector<16xf32>
      %parallel_loop3A_206 = arith.index_cast %parallel_loop3A_196 : i32 to index
      %parallel_loop3A_207 = arith.constant 0 : index
      %parallel_loop3A_208 = tpu.vector_load %arg11[%parallel_loop3A_206, %parallel_loop3A_207] {strides = array<i32>} : memref<64x256xf32, #tpu.memory_space<vmem>>, vector<1x16xf32>,
      %parallel_loop3A_209 = vector.shape_cast %parallel_loop3A_208 : vector<1x16xf32> to vector<16xf32>
      %parallel_loop3A_210 = arith.index_cast %parallel_loop3A_196 : i32 to index
      %parallel_loop3A_211 = arith.constant 0 : index
      %parallel_loop3A_212 = tpu.vector_load %arg8[%parallel_loop3A_210, %parallel_loop3A_211] {strides = array<i32>} : memref<64x256xf32, #tpu.memory_space<vmem>>, vector<1x16xf32>,
      %parallel_loop3A_213 = vector.shape_cast %parallel_loop3A_212 : vector<1x16xf32> to vector<16xf32>
      %parallel_loop3A_214 = arith.mulf %parallel_loop3A_213, %parallel_loop3A_209 : vector<16xf32>
      %parallel_loop3A_215 = arith.addf %parallel_loop3A_199, %parallel_loop3A_214 : vector<16xf32>
      %parallel_loop3A_216 = arith.mulf %parallel_loop3A_213, %parallel_loop3A_213 : vector<16xf32>
      %parallel_loop3A_217 = arith.addf %parallel_loop3A_203, %parallel_loop3A_216 : vector<16xf32>
      %parallel_loop3A_218 = arith.index_cast %parallel_loop3A_196 : i32 to index
      %parallel_loop3A_219 = arith.constant 16 : index
      %parallel_loop3A_220 = tpu.vector_load %arg11[%parallel_loop3A_218, %parallel_loop3A_219] {strides = array<i32>} : memref<64x256xf32, #tpu.memory_space<vmem>>, vector<1x16xf32>,
      %parallel_loop3A_221 = vector.shape_cast %parallel_loop3A_220 : vector<1x16xf32> to vector<16xf32>
      %parallel_loop3A_222 = arith.index_cast %parallel_loop3A_196 : i32 to index
      %parallel_loop3A_223 = arith.constant 16 : index
      %parallel_loop3A_224 = tpu.vector_load %arg8[%parallel_loop3A_222, %parallel_loop3A_223] {strides = array<i32>} : memref<64x256xf32, #tpu.memory_space<vmem>>, vector<1x16xf32>,
      %parallel_loop3A_225 = vector.shape_cast %parallel_loop3A_224 : vector<1x16xf32> to vector<16xf32>
      %parallel_loop3A_226 = arith.mulf %parallel_loop3A_225, %parallel_loop3A_221 : vector<16xf32>
      %parallel_loop3A_227 = arith.addf %parallel_loop3A_201, %parallel_loop3A_226 : vector<16xf32>
      %parallel_loop3A_228 = arith.mulf %parallel_loop3A_225, %parallel_loop3A_225 : vector<16xf32>
      %parallel_loop3A_229 = arith.addf %parallel_loop3A_205, %parallel_loop3A_228 : vector<16xf32>
      %parallel_loop3A_230 = arith.index_cast %parallel_loop3A_196 : i32 to index
      %parallel_loop3A_231 = arith.constant 32 : index
      %parallel_loop3A_232 = tpu.vector_load %arg11[%parallel_loop3A_230, %parallel_loop3A_231] {strides = array<i32>} : memref<64x256xf32, #tpu.memory_space<vmem>>, vector<1x16xf32>,
      %parallel_loop3A_233 = vector.shape_cast %parallel_loop3A_232 : vector<1x16xf32> to vector<16xf32>
      %parallel_loop3A_234 = arith.index_cast %parallel_loop3A_196 : i32 to index
      %parallel_loop3A_235 = arith.constant 32 : index
      %parallel_loop3A_236 = tpu.vector_load %arg8[%parallel_loop3A_234, %parallel_loop3A_235] {strides = array<i32>} : memref<64x256xf32, #tpu.memory_space<vmem>>, vector<1x16xf32>,
      %parallel_loop3A_237 = vector.shape_cast %parallel_loop3A_236 : vector<1x16xf32> to vector<16xf32>
      %parallel_loop3A_238 = arith.mulf %parallel_loop3A_237, %parallel_loop3A_233 : vector<16xf32>
      %parallel_loop3A_239 = arith.addf %parallel_loop3A_215, %parallel_loop3A_238 : vector<16xf32>
      %parallel_loop3A_240 = arith.mulf %parallel_loop3A_237, %parallel_loop3A_237 : vector<16xf32>
      %parallel_loop3A_241 = arith.addf %parallel_loop3A_217, %parallel_loop3A_240 : vector<16xf32>
      %parallel_loop3A_242 = arith.index_cast %parallel_loop3A_196 : i32 to index
      %parallel_loop3A_243 = arith.constant 48 : index
      %parallel_loop3A_244 = tpu.vector_load %arg11[%parallel_loop3A_242, %parallel_loop3A_243] {strides = array<i32>} : memref<64x256xf32, #tpu.memory_space<vmem>>, vector<1x16xf32>,
      %parallel_loop3A_245 = vector.shape_cast %parallel_loop3A_244 : vector<1x16xf32> to vector<16xf32>
      %parallel_loop3A_246 = arith.index_cast %parallel_loop3A_196 : i32 to index
      %parallel_loop3A_247 = arith.constant 48 : index
      %parallel_loop3A_248 = tpu.vector_load %arg8[%parallel_loop3A_246, %parallel_loop3A_247] {strides = array<i32>} : memref<64x256xf32, #tpu.memory_space<vmem>>, vector<1x16xf32>,
      %parallel_loop3A_249 = vector.shape_cast %parallel_loop3A_248 : vector<1x16xf32> to vector<16xf32>
      %parallel_loop3A_250 = arith.mulf %parallel_loop3A_249, %parallel_loop3A_245 : vector<16xf32>
      %parallel_loop3A_251 = arith.addf %parallel_loop3A_227, %parallel_loop3A_250 : vector<16xf32>
      %parallel_loop3A_252 = arith.mulf %parallel_loop3A_249, %parallel_loop3A_249 : vector<16xf32>
      %parallel_loop3A_253 = arith.addf %parallel_loop3A_229, %parallel_loop3A_252 : vector<16xf32>
      %parallel_loop3A_254 = arith.index_cast %parallel_loop3A_196 : i32 to index
      %parallel_loop3A_255 = arith.constant 64 : index
      %parallel_loop3A_256 = tpu.vector_load %arg11[%parallel_loop3A_254, %parallel_loop3A_255] {strides = array<i32>} : memref<64x256xf32, #tpu.memory_space<vmem>>, vector<1x16xf32>,
      %parallel_loop3A_257 = vector.shape_cast %parallel_loop3A_256 : vector<1x16xf32> to vector<16xf32>
      %parallel_loop3A_258 = arith.index_cast %parallel_loop3A_196 : i32 to index
      %parallel_loop3A_259 = arith.constant 64 : index
      %parallel_loop3A_260 = tpu.vector_load %arg8[%parallel_loop3A_258, %parallel_loop3A_259] {strides = array<i32>} : memref<64x256xf32, #tpu.memory_space<vmem>>, vector<1x16xf32>,
      %parallel_loop3A_261 = vector.shape_cast %parallel_loop3A_260 : vector<1x16xf32> to vector<16xf32>
      %parallel_loop3A_262 = arith.mulf %parallel_loop3A_261, %parallel_loop3A_257 : vector<16xf32>
      %parallel_loop3A_263 = arith.addf %parallel_loop3A_239, %parallel_loop3A_262 : vector<16xf32>
      %parallel_loop3A_264 = arith.mulf %parallel_loop3A_261, %parallel_loop3A_261 : vector<16xf32>
      %parallel_loop3A_265 = arith.addf %parallel_loop3A_241, %parallel_loop3A_264 : vector<16xf32>
      %parallel_loop3A_266 = arith.index_cast %parallel_loop3A_196 : i32 to index
      %parallel_loop3A_267 = arith.constant 80 : index
      %parallel_loop3A_268 = tpu.vector_load %arg11[%parallel_loop3A_266, %parallel_loop3A_267] {strides = array<i32>} : memref<64x256xf32, #tpu.memory_space<vmem>>, vector<1x16xf32>,
      %parallel_loop3A_269 = vector.shape_cast %parallel_loop3A_268 : vector<1x16xf32> to vector<16xf32>
      %parallel_loop3A_270 = arith.index_cast %parallel_loop3A_196 : i32 to index
      %parallel_loop3A_271 = arith.constant 80 : index
      %parallel_loop3A_272 = tpu.vector_load %arg8[%parallel_loop3A_270, %parallel_loop3A_271] {strides = array<i32>} : memref<64x256xf32, #tpu.memory_space<vmem>>, vector<1x16xf32>,
      %parallel_loop3A_273 = vector.shape_cast %parallel_loop3A_272 : vector<1x16xf32> to vector<16xf32>
      %parallel_loop3A_274 = arith.mulf %parallel_loop3A_273, %parallel_loop3A_269 : vector<16xf32>
      %parallel_loop3A_275 = arith.addf %parallel_loop3A_251, %parallel_loop3A_274 : vector<16xf32>
      %parallel_loop3A_276 = arith.mulf %parallel_loop3A_273, %parallel_loop3A_273 : vector<16xf32>
      %parallel_loop3A_277 = arith.addf %parallel_loop3A_253, %parallel_loop3A_276 : vector<16xf32>
      %parallel_loop3A_278 = arith.index_cast %parallel_loop3A_196 : i32 to index
      %parallel_loop3A_279 = arith.constant 96 : index
      %parallel_loop3A_280 = tpu.vector_load %arg11[%parallel_loop3A_278, %parallel_loop3A_279] {strides = array<i32>} : memref<64x256xf32, #tpu.memory_space<vmem>>, vector<1x16xf32>,
      %parallel_loop3A_281 = vector.shape_cast %parallel_loop3A_280 : vector<1x16xf32> to vector<16xf32>
      %parallel_loop3A_282 = arith.index_cast %parallel_loop3A_196 : i32 to index
      %parallel_loop3A_283 = arith.constant 96 : index
      %parallel_loop3A_284 = tpu.vector_load %arg8[%parallel_loop3A_282, %parallel_loop3A_283] {strides = array<i32>} : memref<64x256xf32, #tpu.memory_space<vmem>>, vector<1x16xf32>,
      %parallel_loop3A_285 = vector.shape_cast %parallel_loop3A_284 : vector<1x16xf32> to vector<16xf32>
      %parallel_loop3A_286 = arith.mulf %parallel_loop3A_285, %parallel_loop3A_281 : vector<16xf32>
      %parallel_loop3A_287 = arith.addf %parallel_loop3A_263, %parallel_loop3A_286 : vector<16xf32>
      %parallel_loop3A_288 = arith.mulf %parallel_loop3A_285, %parallel_loop3A_285 : vector<16xf32>
      %parallel_loop3A_289 = arith.addf %parallel_loop3A_265, %parallel_loop3A_288 : vector<16xf32>
      %parallel_loop3A_290 = arith.index_cast %parallel_loop3A_196 : i32 to index
      %parallel_loop3A_291 = arith.constant 112 : index
      %parallel_loop3A_292 = tpu.vector_load %arg11[%parallel_loop3A_290, %parallel_loop3A_291] {strides = array<i32>} : memref<64x256xf32, #tpu.memory_space<vmem>>, vector<1x16xf32>,
      %parallel_loop3A_293 = vector.shape_cast %parallel_loop3A_292 : vector<1x16xf32> to vector<16xf32>
      %parallel_loop3A_294 = arith.index_cast %parallel_loop3A_196 : i32 to index
      %parallel_loop3A_295 = arith.constant 112 : index
      %parallel_loop3A_296 = tpu.vector_load %arg8[%parallel_loop3A_294, %parallel_loop3A_295] {strides = array<i32>} : memref<64x256xf32, #tpu.memory_space<vmem>>, vector<1x16xf32>,
      %parallel_loop3A_297 = vector.shape_cast %parallel_loop3A_296 : vector<1x16xf32> to vector<16xf32>
      %parallel_loop3A_298 = arith.mulf %parallel_loop3A_297, %parallel_loop3A_293 : vector<16xf32>
      %parallel_loop3A_299 = arith.addf %parallel_loop3A_275, %parallel_loop3A_298 : vector<16xf32>
      %parallel_loop3A_300 = arith.mulf %parallel_loop3A_297, %parallel_loop3A_297 : vector<16xf32>
      %parallel_loop3A_301 = arith.addf %parallel_loop3A_277, %parallel_loop3A_300 : vector<16xf32>
      %parallel_loop3A_302 = arith.index_cast %parallel_loop3A_196 : i32 to index
      %parallel_loop3A_303 = arith.constant 128 : index
      %parallel_loop3A_304 = tpu.vector_load %arg11[%parallel_loop3A_302, %parallel_loop3A_303] {strides = array<i32>} : memref<64x256xf32, #tpu.memory_space<vmem>>, vector<1x16xf32>,
      %parallel_loop3A_305 = vector.shape_cast %parallel_loop3A_304 : vector<1x16xf32> to vector<16xf32>
      %parallel_loop3A_306 = arith.index_cast %parallel_loop3A_196 : i32 to index
      %parallel_loop3A_307 = arith.constant 128 : index
      %parallel_loop3A_308 = tpu.vector_load %arg8[%parallel_loop3A_306, %parallel_loop3A_307] {strides = array<i32>} : memref<64x256xf32, #tpu.memory_space<vmem>>, vector<1x16xf32>,
      %parallel_loop3A_309 = vector.shape_cast %parallel_loop3A_308 : vector<1x16xf32> to vector<16xf32>
      %parallel_loop3A_310 = arith.mulf %parallel_loop3A_309, %parallel_loop3A_305 : vector<16xf32>
      %parallel_loop3A_311 = arith.addf %parallel_loop3A_287, %parallel_loop3A_310 : vector<16xf32>
      %parallel_loop3A_312 = arith.mulf %parallel_loop3A_309, %parallel_loop3A_309 : vector<16xf32>
      %parallel_loop3A_313 = arith.addf %parallel_loop3A_289, %parallel_loop3A_312 : vector<16xf32>
      %parallel_loop3A_314 = arith.index_cast %parallel_loop3A_196 : i32 to index
      %parallel_loop3A_315 = arith.constant 144 : index
      %parallel_loop3A_316 = tpu.vector_load %arg11[%parallel_loop3A_314, %parallel_loop3A_315] {strides = array<i32>} : memref<64x256xf32, #tpu.memory_space<vmem>>, vector<1x16xf32>,
      %parallel_loop3A_317 = vector.shape_cast %parallel_loop3A_316 : vector<1x16xf32> to vector<16xf32>
      %parallel_loop3A_318 = arith.index_cast %parallel_loop3A_196 : i32 to index
      %parallel_loop3A_319 = arith.constant 144 : index
      %parallel_loop3A_320 = tpu.vector_load %arg8[%parallel_loop3A_318, %parallel_loop3A_319] {strides = array<i32>} : memref<64x256xf32, #tpu.memory_space<vmem>>, vector<1x16xf32>,
      %parallel_loop3A_321 = vector.shape_cast %parallel_loop3A_320 : vector<1x16xf32> to vector<16xf32>
      %parallel_loop3A_322 = arith.mulf %parallel_loop3A_321, %parallel_loop3A_317 : vector<16xf32>
      %parallel_loop3A_323 = arith.addf %parallel_loop3A_299, %parallel_loop3A_322 : vector<16xf32>
      %parallel_loop3A_324 = arith.mulf %parallel_loop3A_321, %parallel_loop3A_321 : vector<16xf32>
      %parallel_loop3A_325 = arith.addf %parallel_loop3A_301, %parallel_loop3A_324 : vector<16xf32>
      %parallel_loop3A_326 = arith.index_cast %parallel_loop3A_196 : i32 to index
      %parallel_loop3A_327 = arith.constant 160 : index
      %parallel_loop3A_328 = tpu.vector_load %arg11[%parallel_loop3A_326, %parallel_loop3A_327] {strides = array<i32>} : memref<64x256xf32, #tpu.memory_space<vmem>>, vector<1x16xf32>,
      %parallel_loop3A_329 = vector.shape_cast %parallel_loop3A_328 : vector<1x16xf32> to vector<16xf32>
      %parallel_loop3A_330 = arith.index_cast %parallel_loop3A_196 : i32 to index
      %parallel_loop3A_331 = arith.constant 160 : index
      %parallel_loop3A_332 = tpu.vector_load %arg8[%parallel_loop3A_330, %parallel_loop3A_331] {strides = array<i32>} : memref<64x256xf32, #tpu.memory_space<vmem>>, vector<1x16xf32>,
      %parallel_loop3A_333 = vector.shape_cast %parallel_loop3A_332 : vector<1x16xf32> to vector<16xf32>
      %parallel_loop3A_334 = arith.mulf %parallel_loop3A_333, %parallel_loop3A_329 : vector<16xf32>
      %parallel_loop3A_335 = arith.addf %parallel_loop3A_311, %parallel_loop3A_334 : vector<16xf32>
      %parallel_loop3A_336 = arith.mulf %parallel_loop3A_333, %parallel_loop3A_333 : vector<16xf32>
      %parallel_loop3A_337 = arith.addf %parallel_loop3A_313, %parallel_loop3A_336 : vector<16xf32>
      %parallel_loop3A_338 = arith.index_cast %parallel_loop3A_196 : i32 to index
      %parallel_loop3A_339 = arith.constant 176 : index
      %parallel_loop3A_340 = tpu.vector_load %arg11[%parallel_loop3A_338, %parallel_loop3A_339] {strides = array<i32>} : memref<64x256xf32, #tpu.memory_space<vmem>>, vector<1x16xf32>,
      %parallel_loop3A_341 = vector.shape_cast %parallel_loop3A_340 : vector<1x16xf32> to vector<16xf32>
      %parallel_loop3A_342 = arith.index_cast %parallel_loop3A_196 : i32 to index
      %parallel_loop3A_343 = arith.constant 176 : index
      %parallel_loop3A_344 = tpu.vector_load %arg8[%parallel_loop3A_342, %parallel_loop3A_343] {strides = array<i32>} : memref<64x256xf32, #tpu.memory_space<vmem>>, vector<1x16xf32>,
      %parallel_loop3A_345 = vector.shape_cast %parallel_loop3A_344 : vector<1x16xf32> to vector<16xf32>
      %parallel_loop3A_346 = arith.mulf %parallel_loop3A_345, %parallel_loop3A_341 : vector<16xf32>
      %parallel_loop3A_347 = arith.addf %parallel_loop3A_323, %parallel_loop3A_346 : vector<16xf32>
      %parallel_loop3A_348 = arith.mulf %parallel_loop3A_345, %parallel_loop3A_345 : vector<16xf32>
      %parallel_loop3A_349 = arith.addf %parallel_loop3A_325, %parallel_loop3A_348 : vector<16xf32>
      %parallel_loop3A_350 = arith.index_cast %parallel_loop3A_196 : i32 to index
      %parallel_loop3A_351 = arith.constant 192 : index
      %parallel_loop3A_352 = tpu.vector_load %arg11[%parallel_loop3A_350, %parallel_loop3A_351] {strides = array<i32>} : memref<64x256xf32, #tpu.memory_space<vmem>>, vector<1x16xf32>,
      %parallel_loop3A_353 = vector.shape_cast %parallel_loop3A_352 : vector<1x16xf32> to vector<16xf32>
      %parallel_loop3A_354 = arith.index_cast %parallel_loop3A_196 : i32 to index
      %parallel_loop3A_355 = arith.constant 192 : index
      %parallel_loop3A_356 = tpu.vector_load %arg8[%parallel_loop3A_354, %parallel_loop3A_355] {strides = array<i32>} : memref<64x256xf32, #tpu.memory_space<vmem>>, vector<1x16xf32>,
      %parallel_loop3A_357 = vector.shape_cast %parallel_loop3A_356 : vector<1x16xf32> to vector<16xf32>
      %parallel_loop3A_358 = arith.mulf %parallel_loop3A_357, %parallel_loop3A_353 : vector<16xf32>
      %parallel_loop3A_359 = arith.addf %parallel_loop3A_335, %parallel_loop3A_358 : vector<16xf32>
      %parallel_loop3A_360 = arith.mulf %parallel_loop3A_357, %parallel_loop3A_357 : vector<16xf32>
      %parallel_loop3A_361 = arith.addf %parallel_loop3A_337, %parallel_loop3A_360 : vector<16xf32>
      %parallel_loop3A_362 = arith.index_cast %parallel_loop3A_196 : i32 to index
      %parallel_loop3A_363 = arith.constant 208 : index
      %parallel_loop3A_364 = tpu.vector_load %arg11[%parallel_loop3A_362, %parallel_loop3A_363] {strides = array<i32>} : memref<64x256xf32, #tpu.memory_space<vmem>>, vector<1x16xf32>,
      %parallel_loop3A_365 = vector.shape_cast %parallel_loop3A_364 : vector<1x16xf32> to vector<16xf32>
      %parallel_loop3A_366 = arith.index_cast %parallel_loop3A_196 : i32 to index
      %parallel_loop3A_367 = arith.constant 208 : index
      %parallel_loop3A_368 = tpu.vector_load %arg8[%parallel_loop3A_366, %parallel_loop3A_367] {strides = array<i32>} : memref<64x256xf32, #tpu.memory_space<vmem>>, vector<1x16xf32>,
      %parallel_loop3A_369 = vector.shape_cast %parallel_loop3A_368 : vector<1x16xf32> to vector<16xf32>
      %parallel_loop3A_370 = arith.mulf %parallel_loop3A_369, %parallel_loop3A_365 : vector<16xf32>
      %parallel_loop3A_371 = arith.addf %parallel_loop3A_347, %parallel_loop3A_370 : vector<16xf32>
      %parallel_loop3A_372 = arith.mulf %parallel_loop3A_369, %parallel_loop3A_369 : vector<16xf32>
      %parallel_loop3A_373 = arith.addf %parallel_loop3A_349, %parallel_loop3A_372 : vector<16xf32>
      %parallel_loop3A_374 = arith.index_cast %parallel_loop3A_196 : i32 to index
      %parallel_loop3A_375 = arith.constant 224 : index
      %parallel_loop3A_376 = tpu.vector_load %arg11[%parallel_loop3A_374, %parallel_loop3A_375] {strides = array<i32>} : memref<64x256xf32, #tpu.memory_space<vmem>>, vector<1x16xf32>,
      %parallel_loop3A_377 = vector.shape_cast %parallel_loop3A_376 : vector<1x16xf32> to vector<16xf32>
      %parallel_loop3A_378 = arith.index_cast %parallel_loop3A_196 : i32 to index
      %parallel_loop3A_379 = arith.constant 224 : index
      %parallel_loop3A_380 = tpu.vector_load %arg8[%parallel_loop3A_378, %parallel_loop3A_379] {strides = array<i32>} : memref<64x256xf32, #tpu.memory_space<vmem>>, vector<1x16xf32>,
      %parallel_loop3A_381 = vector.shape_cast %parallel_loop3A_380 : vector<1x16xf32> to vector<16xf32>
      %parallel_loop3A_382 = arith.mulf %parallel_loop3A_381, %parallel_loop3A_377 : vector<16xf32>
      %parallel_loop3A_383 = arith.addf %parallel_loop3A_359, %parallel_loop3A_382 : vector<16xf32>
      %parallel_loop3A_384 = arith.mulf %parallel_loop3A_381, %parallel_loop3A_381 : vector<16xf32>
      %parallel_loop3A_385 = arith.addf %parallel_loop3A_361, %parallel_loop3A_384 : vector<16xf32>
      %parallel_loop3A_386 = arith.index_cast %parallel_loop3A_196 : i32 to index
      %parallel_loop3A_387 = arith.constant 240 : index
      %parallel_loop3A_388 = tpu.vector_load %arg11[%parallel_loop3A_386, %parallel_loop3A_387] {strides = array<i32>} : memref<64x256xf32, #tpu.memory_space<vmem>>, vector<1x16xf32>,
      %parallel_loop3A_389 = vector.shape_cast %parallel_loop3A_388 : vector<1x16xf32> to vector<16xf32>
      %parallel_loop3A_390 = arith.index_cast %parallel_loop3A_196 : i32 to index
      %parallel_loop3A_391 = arith.constant 240 : index
      %parallel_loop3A_392 = tpu.vector_load %arg8[%parallel_loop3A_390, %parallel_loop3A_391] {strides = array<i32>} : memref<64x256xf32, #tpu.memory_space<vmem>>, vector<1x16xf32>,
      %parallel_loop3A_393 = vector.shape_cast %parallel_loop3A_392 : vector<1x16xf32> to vector<16xf32>
      %parallel_loop3A_394 = arith.mulf %parallel_loop3A_393, %parallel_loop3A_389 : vector<16xf32>
      %parallel_loop3A_395 = arith.addf %parallel_loop3A_371, %parallel_loop3A_394 : vector<16xf32>
      %parallel_loop3A_396 = arith.mulf %parallel_loop3A_393, %parallel_loop3A_393 : vector<16xf32>
      %parallel_loop3A_397 = arith.addf %parallel_loop3A_373, %parallel_loop3A_396 : vector<16xf32>
      %parallel_loop3A_398 = arith.addf %parallel_loop3A_385, %parallel_loop3A_397 : vector<16xf32>
      %parallel_loop3A_399 = tpu.iota {dimensions = array<i32: 0>} : vector<16xi32>
      %parallel_loop3A_400 = arith.constant 8 : i32
      %parallel_loop3A_401 = vector.broadcast %parallel_loop3A_400 : i32 to vector<16xi32>
      %parallel_loop3A_402 = arith.xori %parallel_loop3A_399, %parallel_loop3A_401 : vector<16xi32>
      %parallel_loop3A_403 = vector.shape_cast %parallel_loop3A_402 : vector<16xi32> to vector<16x1xi32>
      %parallel_loop3A_404 = vector.shape_cast %parallel_loop3A_403 : vector<16x1xi32> to vector<16xi32>
      %parallel_loop3A_405 = tpu.dynamic_gather %parallel_loop3A_398[%parallel_loop3A_404] in [0] : vector<16xf32>, vector<16xi32> -> vector<16xf32>
      %parallel_loop3A_406 = arith.addf %parallel_loop3A_398, %parallel_loop3A_405 : vector<16xf32>
      %parallel_loop3A_407 = arith.constant 4 : i32
      %parallel_loop3A_408 = vector.broadcast %parallel_loop3A_407 : i32 to vector<16xi32>
      %parallel_loop3A_409 = arith.xori %parallel_loop3A_399, %parallel_loop3A_408 : vector<16xi32>
      %parallel_loop3A_410 = vector.shape_cast %parallel_loop3A_409 : vector<16xi32> to vector<16x1xi32>
      %parallel_loop3A_411 = vector.shape_cast %parallel_loop3A_410 : vector<16x1xi32> to vector<16xi32>
      %parallel_loop3A_412 = tpu.dynamic_gather %parallel_loop3A_406[%parallel_loop3A_411] in [0] : vector<16xf32>, vector<16xi32> -> vector<16xf32>
      %parallel_loop3A_413 = arith.addf %parallel_loop3A_406, %parallel_loop3A_412 : vector<16xf32>
      %parallel_loop3A_414 = arith.constant 2 : i32
      %parallel_loop3A_415 = vector.broadcast %parallel_loop3A_414 : i32 to vector<16xi32>
      %parallel_loop3A_416 = arith.xori %parallel_loop3A_399, %parallel_loop3A_415 : vector<16xi32>
      %parallel_loop3A_417 = vector.shape_cast %parallel_loop3A_416 : vector<16xi32> to vector<16x1xi32>
      %parallel_loop3A_418 = vector.shape_cast %parallel_loop3A_417 : vector<16x1xi32> to vector<16xi32>
      %parallel_loop3A_419 = tpu.dynamic_gather %parallel_loop3A_413[%parallel_loop3A_418] in [0] : vector<16xf32>, vector<16xi32> -> vector<16xf32>
      %parallel_loop3A_420 = arith.addf %parallel_loop3A_413, %parallel_loop3A_419 : vector<16xf32>
      %parallel_loop3A_421 = arith.constant 1 : i32
      %parallel_loop3A_422 = vector.broadcast %parallel_loop3A_421 : i32 to vector<16xi32>
      %parallel_loop3A_423 = arith.xori %parallel_loop3A_399, %parallel_loop3A_422 : vector<16xi32>
      %parallel_loop3A_424 = vector.shape_cast %parallel_loop3A_423 : vector<16xi32> to vector<16x1xi32>
      %parallel_loop3A_425 = vector.shape_cast %parallel_loop3A_424 : vector<16x1xi32> to vector<16xi32>
      %parallel_loop3A_426 = tpu.dynamic_gather %parallel_loop3A_420[%parallel_loop3A_425] in [0] : vector<16xf32>, vector<16xi32> -> vector<16xf32>
      %parallel_loop3A_427 = arith.addf %parallel_loop3A_420, %parallel_loop3A_426 : vector<16xf32>
      %parallel_loop3A_428 = tpu.bitcast %parallel_loop3A_427 : vector<16xf32> -> vector<16xi32>
      %parallel_loop3A_429 = arith.constant 1 : i32
      %parallel_loop3A_430 = vector.broadcast %parallel_loop3A_429 : i32 to vector<16xi32>
      %parallel_loop3A_431 = arith.shrui %parallel_loop3A_428, %parallel_loop3A_430 : vector<16xi32>
      %parallel_loop3A_432 = arith.constant 1597463007 : i32
      %parallel_loop3A_433 = vector.broadcast %parallel_loop3A_432 : i32 to vector<16xi32>
      %parallel_loop3A_434 = arith.subi %parallel_loop3A_433, %parallel_loop3A_431 : vector<16xi32>
      %parallel_loop3A_435 = tpu.bitcast %parallel_loop3A_434 : vector<16xi32> -> vector<16xf32>
      %parallel_loop3A_436 = arith.constant 5.000000e-01 : f32
      %parallel_loop3A_437 = vector.broadcast %parallel_loop3A_436 : f32 to vector<16xf32>
      %parallel_loop3A_438 = arith.mulf %parallel_loop3A_437, %parallel_loop3A_427 : vector<16xf32>
      %parallel_loop3A_439 = arith.mulf %parallel_loop3A_438, %parallel_loop3A_435 : vector<16xf32>
      %parallel_loop3A_440 = arith.mulf %parallel_loop3A_439, %parallel_loop3A_435 : vector<16xf32>
      %parallel_loop3A_441 = arith.constant 1.500000e+00 : f32
      %parallel_loop3A_442 = vector.broadcast %parallel_loop3A_441 : f32 to vector<16xf32>
      %parallel_loop3A_443 = arith.subf %parallel_loop3A_442, %parallel_loop3A_440 : vector<16xf32>
      %parallel_loop3A_444 = arith.mulf %parallel_loop3A_435, %parallel_loop3A_443 : vector<16xf32>
      %parallel_loop3A_445 = arith.constant 5.000000e-01 : f32
      %parallel_loop3A_446 = vector.broadcast %parallel_loop3A_445 : f32 to vector<16xf32>
      %parallel_loop3A_447 = arith.mulf %parallel_loop3A_446, %parallel_loop3A_427 : vector<16xf32>
      %parallel_loop3A_448 = arith.mulf %parallel_loop3A_447, %parallel_loop3A_444 : vector<16xf32>
      %parallel_loop3A_449 = arith.mulf %parallel_loop3A_448, %parallel_loop3A_444 : vector<16xf32>
      %parallel_loop3A_450 = arith.constant 1.500000e+00 : f32
      %parallel_loop3A_451 = vector.broadcast %parallel_loop3A_450 : f32 to vector<16xf32>
      %parallel_loop3A_452 = arith.subf %parallel_loop3A_451, %parallel_loop3A_449 : vector<16xf32>
      %parallel_loop3A_453 = arith.mulf %parallel_loop3A_444, %parallel_loop3A_452 : vector<16xf32>
      %parallel_loop3A_454 = arith.addf %parallel_loop3A_383, %parallel_loop3A_395 : vector<16xf32>
      %parallel_loop3A_455 = arith.mulf %parallel_loop3A_453, %parallel_loop3A_454 : vector<16xf32>
      %parallel_loop3A_456 = arith.addf %parallel_loop3A_197, %parallel_loop3A_455 : vector<16xf32>
      scf.yield %parallel_loop3A_456 : vector<16xf32>
    } {sc.loop_unroll_factor = 1 : i64, sc.parallel_access}
    %add3A_95 = arith.constant 320 : i32
    %add3A_96 = arith.addi %mul3A_2, %add3A_95 : i32
    %dma_start3A_97 = arith.constant 0 : i32
    %dma_start3A_98 = tpu.memref_slice %arg2[%add3A_96, %dma_start3A_97] : memref<16384x256xf32, #tpu.memory_space<hbm>> -> memref<64x256xf32, #tpu.memory_space<hbm>>
    %dma_start3A_99 = arith.constant 0 : i32
    %dma_start3A_100 = tpu.memref_slice %arg2[%add3A_96, %dma_start3A_99] : memref<16384x256xf32, #tpu.memory_space<hbm>> -> memref<64x256xf32, #tpu.memory_space<hbm>>
    tpu.enqueue_dma source(%dma_start3A_100 : memref<64x256xf32, #tpu.memory_space<hbm>>) target(%arg8 : memref<64x256xf32, #tpu.memory_space<vmem>>) target_semaphore(%arg16 : memref<!tpu.dma_semaphore, #tpu.memory_space<semaphore_mem>>)
    %dma_start3A_101 = arith.constant 320 : i32
    %dma_start3A_102 = tpu.memref_slice %arg12[%dma_start3A_101] : memref<512xi32, #tpu.memory_space<vmem>> -> memref<64xi32, #tpu.memory_space<vmem>>
    %dma_start3A_103 = arith.constant 0 : i32
    %dma_start3A_104 = arith.constant 0 : i32
    %dma_start3A_105 = tpu.memref_slice %arg4[%dma_start3A_103, %dma_start3A_104] : memref<1024x256xf32, #tpu.memory_space<hbm>> -> memref<1024x256xf32, #tpu.memory_space<hbm>>
    tpu.enqueue_indirect_dma source(%dma_start3A_105 : memref<1024x256xf32, #tpu.memory_space<hbm>>) target(%arg11 : memref<64x256xf32, #tpu.memory_space<vmem>>) offsets(%dma_start3A_102 : memref<64xi32, #tpu.memory_space<vmem>>) semaphore(%arg19 : memref<!tpu.dma_semaphore, #tpu.memory_space<semaphore_mem>>)
    %dma_wait3A_106 = arith.constant 0 : i32
    %dma_wait3A_107 = tpu.memref_slice %arg2[%add3A_48, %dma_wait3A_106] : memref<16384x256xf32, #tpu.memory_space<hbm>> -> memref<64x256xf32, #tpu.memory_space<hbm>>
    %dma_wait3A_108 = arith.constant 0 : i32
    %dma_wait3A_109 = tpu.memref_slice %arg2[%add3A_48, %dma_wait3A_108] : memref<16384x256xf32, #tpu.memory_space<hbm>> -> memref<64x256xf32, #tpu.memory_space<hbm>>
    tpu.wait_dma2 semaphore(%arg14 : memref<!tpu.dma_semaphore, #tpu.memory_space<semaphore_mem>>) src(%dma_wait3A_109 : memref<64x256xf32, #tpu.memory_space<hbm>>) dst(%arg6 : memref<64x256xf32, #tpu.memory_space<vmem>>)
    %dma_wait3A_110 = arith.constant 192 : i32
    %dma_wait3A_111 = tpu.memref_slice %arg12[%dma_wait3A_110] : memref<512xi32, #tpu.memory_space<vmem>> -> memref<64xi32, #tpu.memory_space<vmem>>
    %dma_wait3A_112 = arith.constant 0 : i32
    %dma_wait3A_113 = arith.constant 0 : i32
    %dma_wait3A_114 = tpu.memref_slice %arg4[%dma_wait3A_112, %dma_wait3A_113] : memref<1024x256xf32, #tpu.memory_space<hbm>> -> memref<1024x256xf32, #tpu.memory_space<hbm>>
    tpu.wait_indirect_dma semaphore(%arg17 : memref<!tpu.dma_semaphore, #tpu.memory_space<semaphore_mem>>) src(%dma_wait3A_114 : memref<1024x256xf32, #tpu.memory_space<hbm>>) dst(%arg9 : memref<64x256xf32, #tpu.memory_space<vmem>>)
    %parallel_loop3A_115 = arith.constant 0 : i32
    %parallel_loop3A_116 = arith.constant 64 : i32
    %parallel_loop3A_117 = arith.constant 1 : i32
    %parallel_loop3A_118 = scf.for %parallel_loop3A_196 = %parallel_loop3A_115 to %parallel_loop3A_116 step %parallel_loop3A_117 iter_args(%parallel_loop3A_197 = %parallel_loop3A_94) -> (vector<16xf32>)  : i32 {
      %parallel_loop3A_198 = arith.constant 0.000000e+00 : f32
      %parallel_loop3A_199 = vector.broadcast %parallel_loop3A_198 : f32 to vector<16xf32>
      %parallel_loop3A_200 = arith.constant 0.000000e+00 : f32
      %parallel_loop3A_201 = vector.broadcast %parallel_loop3A_200 : f32 to vector<16xf32>
      %parallel_loop3A_202 = arith.constant 0.000000e+00 : f32
      %parallel_loop3A_203 = vector.broadcast %parallel_loop3A_202 : f32 to vector<16xf32>
      %parallel_loop3A_204 = arith.constant 0.000000e+00 : f32
      %parallel_loop3A_205 = vector.broadcast %parallel_loop3A_204 : f32 to vector<16xf32>
      %parallel_loop3A_206 = arith.index_cast %parallel_loop3A_196 : i32 to index
      %parallel_loop3A_207 = arith.constant 0 : index
      %parallel_loop3A_208 = tpu.vector_load %arg9[%parallel_loop3A_206, %parallel_loop3A_207] {strides = array<i32>} : memref<64x256xf32, #tpu.memory_space<vmem>>, vector<1x16xf32>,
      %parallel_loop3A_209 = vector.shape_cast %parallel_loop3A_208 : vector<1x16xf32> to vector<16xf32>
      %parallel_loop3A_210 = arith.index_cast %parallel_loop3A_196 : i32 to index
      %parallel_loop3A_211 = arith.constant 0 : index
      %parallel_loop3A_212 = tpu.vector_load %arg6[%parallel_loop3A_210, %parallel_loop3A_211] {strides = array<i32>} : memref<64x256xf32, #tpu.memory_space<vmem>>, vector<1x16xf32>,
      %parallel_loop3A_213 = vector.shape_cast %parallel_loop3A_212 : vector<1x16xf32> to vector<16xf32>
      %parallel_loop3A_214 = arith.mulf %parallel_loop3A_213, %parallel_loop3A_209 : vector<16xf32>
      %parallel_loop3A_215 = arith.addf %parallel_loop3A_199, %parallel_loop3A_214 : vector<16xf32>
      %parallel_loop3A_216 = arith.mulf %parallel_loop3A_213, %parallel_loop3A_213 : vector<16xf32>
      %parallel_loop3A_217 = arith.addf %parallel_loop3A_203, %parallel_loop3A_216 : vector<16xf32>
      %parallel_loop3A_218 = arith.index_cast %parallel_loop3A_196 : i32 to index
      %parallel_loop3A_219 = arith.constant 16 : index
      %parallel_loop3A_220 = tpu.vector_load %arg9[%parallel_loop3A_218, %parallel_loop3A_219] {strides = array<i32>} : memref<64x256xf32, #tpu.memory_space<vmem>>, vector<1x16xf32>,
      %parallel_loop3A_221 = vector.shape_cast %parallel_loop3A_220 : vector<1x16xf32> to vector<16xf32>
      %parallel_loop3A_222 = arith.index_cast %parallel_loop3A_196 : i32 to index
      %parallel_loop3A_223 = arith.constant 16 : index
      %parallel_loop3A_224 = tpu.vector_load %arg6[%parallel_loop3A_222, %parallel_loop3A_223] {strides = array<i32>} : memref<64x256xf32, #tpu.memory_space<vmem>>, vector<1x16xf32>,
      %parallel_loop3A_225 = vector.shape_cast %parallel_loop3A_224 : vector<1x16xf32> to vector<16xf32>
      %parallel_loop3A_226 = arith.mulf %parallel_loop3A_225, %parallel_loop3A_221 : vector<16xf32>
      %parallel_loop3A_227 = arith.addf %parallel_loop3A_201, %parallel_loop3A_226 : vector<16xf32>
      %parallel_loop3A_228 = arith.mulf %parallel_loop3A_225, %parallel_loop3A_225 : vector<16xf32>
      %parallel_loop3A_229 = arith.addf %parallel_loop3A_205, %parallel_loop3A_228 : vector<16xf32>
      %parallel_loop3A_230 = arith.index_cast %parallel_loop3A_196 : i32 to index
      %parallel_loop3A_231 = arith.constant 32 : index
      %parallel_loop3A_232 = tpu.vector_load %arg9[%parallel_loop3A_230, %parallel_loop3A_231] {strides = array<i32>} : memref<64x256xf32, #tpu.memory_space<vmem>>, vector<1x16xf32>,
      %parallel_loop3A_233 = vector.shape_cast %parallel_loop3A_232 : vector<1x16xf32> to vector<16xf32>
      %parallel_loop3A_234 = arith.index_cast %parallel_loop3A_196 : i32 to index
      %parallel_loop3A_235 = arith.constant 32 : index
      %parallel_loop3A_236 = tpu.vector_load %arg6[%parallel_loop3A_234, %parallel_loop3A_235] {strides = array<i32>} : memref<64x256xf32, #tpu.memory_space<vmem>>, vector<1x16xf32>,
      %parallel_loop3A_237 = vector.shape_cast %parallel_loop3A_236 : vector<1x16xf32> to vector<16xf32>
      %parallel_loop3A_238 = arith.mulf %parallel_loop3A_237, %parallel_loop3A_233 : vector<16xf32>
      %parallel_loop3A_239 = arith.addf %parallel_loop3A_215, %parallel_loop3A_238 : vector<16xf32>
      %parallel_loop3A_240 = arith.mulf %parallel_loop3A_237, %parallel_loop3A_237 : vector<16xf32>
      %parallel_loop3A_241 = arith.addf %parallel_loop3A_217, %parallel_loop3A_240 : vector<16xf32>
      %parallel_loop3A_242 = arith.index_cast %parallel_loop3A_196 : i32 to index
      %parallel_loop3A_243 = arith.constant 48 : index
      %parallel_loop3A_244 = tpu.vector_load %arg9[%parallel_loop3A_242, %parallel_loop3A_243] {strides = array<i32>} : memref<64x256xf32, #tpu.memory_space<vmem>>, vector<1x16xf32>,
      %parallel_loop3A_245 = vector.shape_cast %parallel_loop3A_244 : vector<1x16xf32> to vector<16xf32>
      %parallel_loop3A_246 = arith.index_cast %parallel_loop3A_196 : i32 to index
      %parallel_loop3A_247 = arith.constant 48 : index
      %parallel_loop3A_248 = tpu.vector_load %arg6[%parallel_loop3A_246, %parallel_loop3A_247] {strides = array<i32>} : memref<64x256xf32, #tpu.memory_space<vmem>>, vector<1x16xf32>,
      %parallel_loop3A_249 = vector.shape_cast %parallel_loop3A_248 : vector<1x16xf32> to vector<16xf32>
      %parallel_loop3A_250 = arith.mulf %parallel_loop3A_249, %parallel_loop3A_245 : vector<16xf32>
      %parallel_loop3A_251 = arith.addf %parallel_loop3A_227, %parallel_loop3A_250 : vector<16xf32>
      %parallel_loop3A_252 = arith.mulf %parallel_loop3A_249, %parallel_loop3A_249 : vector<16xf32>
      %parallel_loop3A_253 = arith.addf %parallel_loop3A_229, %parallel_loop3A_252 : vector<16xf32>
      %parallel_loop3A_254 = arith.index_cast %parallel_loop3A_196 : i32 to index
      %parallel_loop3A_255 = arith.constant 64 : index
      %parallel_loop3A_256 = tpu.vector_load %arg9[%parallel_loop3A_254, %parallel_loop3A_255] {strides = array<i32>} : memref<64x256xf32, #tpu.memory_space<vmem>>, vector<1x16xf32>,
      %parallel_loop3A_257 = vector.shape_cast %parallel_loop3A_256 : vector<1x16xf32> to vector<16xf32>
      %parallel_loop3A_258 = arith.index_cast %parallel_loop3A_196 : i32 to index
      %parallel_loop3A_259 = arith.constant 64 : index
      %parallel_loop3A_260 = tpu.vector_load %arg6[%parallel_loop3A_258, %parallel_loop3A_259] {strides = array<i32>} : memref<64x256xf32, #tpu.memory_space<vmem>>, vector<1x16xf32>,
      %parallel_loop3A_261 = vector.shape_cast %parallel_loop3A_260 : vector<1x16xf32> to vector<16xf32>
      %parallel_loop3A_262 = arith.mulf %parallel_loop3A_261, %parallel_loop3A_257 : vector<16xf32>
      %parallel_loop3A_263 = arith.addf %parallel_loop3A_239, %parallel_loop3A_262 : vector<16xf32>
      %parallel_loop3A_264 = arith.mulf %parallel_loop3A_261, %parallel_loop3A_261 : vector<16xf32>
      %parallel_loop3A_265 = arith.addf %parallel_loop3A_241, %parallel_loop3A_264 : vector<16xf32>
      %parallel_loop3A_266 = arith.index_cast %parallel_loop3A_196 : i32 to index
      %parallel_loop3A_267 = arith.constant 80 : index
      %parallel_loop3A_268 = tpu.vector_load %arg9[%parallel_loop3A_266, %parallel_loop3A_267] {strides = array<i32>} : memref<64x256xf32, #tpu.memory_space<vmem>>, vector<1x16xf32>,
      %parallel_loop3A_269 = vector.shape_cast %parallel_loop3A_268 : vector<1x16xf32> to vector<16xf32>
      %parallel_loop3A_270 = arith.index_cast %parallel_loop3A_196 : i32 to index
      %parallel_loop3A_271 = arith.constant 80 : index
      %parallel_loop3A_272 = tpu.vector_load %arg6[%parallel_loop3A_270, %parallel_loop3A_271] {strides = array<i32>} : memref<64x256xf32, #tpu.memory_space<vmem>>, vector<1x16xf32>,
      %parallel_loop3A_273 = vector.shape_cast %parallel_loop3A_272 : vector<1x16xf32> to vector<16xf32>
      %parallel_loop3A_274 = arith.mulf %parallel_loop3A_273, %parallel_loop3A_269 : vector<16xf32>
      %parallel_loop3A_275 = arith.addf %parallel_loop3A_251, %parallel_loop3A_274 : vector<16xf32>
      %parallel_loop3A_276 = arith.mulf %parallel_loop3A_273, %parallel_loop3A_273 : vector<16xf32>
      %parallel_loop3A_277 = arith.addf %parallel_loop3A_253, %parallel_loop3A_276 : vector<16xf32>
      %parallel_loop3A_278 = arith.index_cast %parallel_loop3A_196 : i32 to index
      %parallel_loop3A_279 = arith.constant 96 : index
      %parallel_loop3A_280 = tpu.vector_load %arg9[%parallel_loop3A_278, %parallel_loop3A_279] {strides = array<i32>} : memref<64x256xf32, #tpu.memory_space<vmem>>, vector<1x16xf32>,
      %parallel_loop3A_281 = vector.shape_cast %parallel_loop3A_280 : vector<1x16xf32> to vector<16xf32>
      %parallel_loop3A_282 = arith.index_cast %parallel_loop3A_196 : i32 to index
      %parallel_loop3A_283 = arith.constant 96 : index
      %parallel_loop3A_284 = tpu.vector_load %arg6[%parallel_loop3A_282, %parallel_loop3A_283] {strides = array<i32>} : memref<64x256xf32, #tpu.memory_space<vmem>>, vector<1x16xf32>,
      %parallel_loop3A_285 = vector.shape_cast %parallel_loop3A_284 : vector<1x16xf32> to vector<16xf32>
      %parallel_loop3A_286 = arith.mulf %parallel_loop3A_285, %parallel_loop3A_281 : vector<16xf32>
      %parallel_loop3A_287 = arith.addf %parallel_loop3A_263, %parallel_loop3A_286 : vector<16xf32>
      %parallel_loop3A_288 = arith.mulf %parallel_loop3A_285, %parallel_loop3A_285 : vector<16xf32>
      %parallel_loop3A_289 = arith.addf %parallel_loop3A_265, %parallel_loop3A_288 : vector<16xf32>
      %parallel_loop3A_290 = arith.index_cast %parallel_loop3A_196 : i32 to index
      %parallel_loop3A_291 = arith.constant 112 : index
      %parallel_loop3A_292 = tpu.vector_load %arg9[%parallel_loop3A_290, %parallel_loop3A_291] {strides = array<i32>} : memref<64x256xf32, #tpu.memory_space<vmem>>, vector<1x16xf32>,
      %parallel_loop3A_293 = vector.shape_cast %parallel_loop3A_292 : vector<1x16xf32> to vector<16xf32>
      %parallel_loop3A_294 = arith.index_cast %parallel_loop3A_196 : i32 to index
      %parallel_loop3A_295 = arith.constant 112 : index
      %parallel_loop3A_296 = tpu.vector_load %arg6[%parallel_loop3A_294, %parallel_loop3A_295] {strides = array<i32>} : memref<64x256xf32, #tpu.memory_space<vmem>>, vector<1x16xf32>,
      %parallel_loop3A_297 = vector.shape_cast %parallel_loop3A_296 : vector<1x16xf32> to vector<16xf32>
      %parallel_loop3A_298 = arith.mulf %parallel_loop3A_297, %parallel_loop3A_293 : vector<16xf32>
      %parallel_loop3A_299 = arith.addf %parallel_loop3A_275, %parallel_loop3A_298 : vector<16xf32>
      %parallel_loop3A_300 = arith.mulf %parallel_loop3A_297, %parallel_loop3A_297 : vector<16xf32>
      %parallel_loop3A_301 = arith.addf %parallel_loop3A_277, %parallel_loop3A_300 : vector<16xf32>
      %parallel_loop3A_302 = arith.index_cast %parallel_loop3A_196 : i32 to index
      %parallel_loop3A_303 = arith.constant 128 : index
      %parallel_loop3A_304 = tpu.vector_load %arg9[%parallel_loop3A_302, %parallel_loop3A_303] {strides = array<i32>} : memref<64x256xf32, #tpu.memory_space<vmem>>, vector<1x16xf32>,
      %parallel_loop3A_305 = vector.shape_cast %parallel_loop3A_304 : vector<1x16xf32> to vector<16xf32>
      %parallel_loop3A_306 = arith.index_cast %parallel_loop3A_196 : i32 to index
      %parallel_loop3A_307 = arith.constant 128 : index
      %parallel_loop3A_308 = tpu.vector_load %arg6[%parallel_loop3A_306, %parallel_loop3A_307] {strides = array<i32>} : memref<64x256xf32, #tpu.memory_space<vmem>>, vector<1x16xf32>,
      %parallel_loop3A_309 = vector.shape_cast %parallel_loop3A_308 : vector<1x16xf32> to vector<16xf32>
      %parallel_loop3A_310 = arith.mulf %parallel_loop3A_309, %parallel_loop3A_305 : vector<16xf32>
      %parallel_loop3A_311 = arith.addf %parallel_loop3A_287, %parallel_loop3A_310 : vector<16xf32>
      %parallel_loop3A_312 = arith.mulf %parallel_loop3A_309, %parallel_loop3A_309 : vector<16xf32>
      %parallel_loop3A_313 = arith.addf %parallel_loop3A_289, %parallel_loop3A_312 : vector<16xf32>
      %parallel_loop3A_314 = arith.index_cast %parallel_loop3A_196 : i32 to index
      %parallel_loop3A_315 = arith.constant 144 : index
      %parallel_loop3A_316 = tpu.vector_load %arg9[%parallel_loop3A_314, %parallel_loop3A_315] {strides = array<i32>} : memref<64x256xf32, #tpu.memory_space<vmem>>, vector<1x16xf32>,
      %parallel_loop3A_317 = vector.shape_cast %parallel_loop3A_316 : vector<1x16xf32> to vector<16xf32>
      %parallel_loop3A_318 = arith.index_cast %parallel_loop3A_196 : i32 to index
      %parallel_loop3A_319 = arith.constant 144 : index
      %parallel_loop3A_320 = tpu.vector_load %arg6[%parallel_loop3A_318, %parallel_loop3A_319] {strides = array<i32>} : memref<64x256xf32, #tpu.memory_space<vmem>>, vector<1x16xf32>,
      %parallel_loop3A_321 = vector.shape_cast %parallel_loop3A_320 : vector<1x16xf32> to vector<16xf32>
      %parallel_loop3A_322 = arith.mulf %parallel_loop3A_321, %parallel_loop3A_317 : vector<16xf32>
      %parallel_loop3A_323 = arith.addf %parallel_loop3A_299, %parallel_loop3A_322 : vector<16xf32>
      %parallel_loop3A_324 = arith.mulf %parallel_loop3A_321, %parallel_loop3A_321 : vector<16xf32>
      %parallel_loop3A_325 = arith.addf %parallel_loop3A_301, %parallel_loop3A_324 : vector<16xf32>
      %parallel_loop3A_326 = arith.index_cast %parallel_loop3A_196 : i32 to index
      %parallel_loop3A_327 = arith.constant 160 : index
      %parallel_loop3A_328 = tpu.vector_load %arg9[%parallel_loop3A_326, %parallel_loop3A_327] {strides = array<i32>} : memref<64x256xf32, #tpu.memory_space<vmem>>, vector<1x16xf32>,
      %parallel_loop3A_329 = vector.shape_cast %parallel_loop3A_328 : vector<1x16xf32> to vector<16xf32>
      %parallel_loop3A_330 = arith.index_cast %parallel_loop3A_196 : i32 to index
      %parallel_loop3A_331 = arith.constant 160 : index
      %parallel_loop3A_332 = tpu.vector_load %arg6[%parallel_loop3A_330, %parallel_loop3A_331] {strides = array<i32>} : memref<64x256xf32, #tpu.memory_space<vmem>>, vector<1x16xf32>,
      %parallel_loop3A_333 = vector.shape_cast %parallel_loop3A_332 : vector<1x16xf32> to vector<16xf32>
      %parallel_loop3A_334 = arith.mulf %parallel_loop3A_333, %parallel_loop3A_329 : vector<16xf32>
      %parallel_loop3A_335 = arith.addf %parallel_loop3A_311, %parallel_loop3A_334 : vector<16xf32>
      %parallel_loop3A_336 = arith.mulf %parallel_loop3A_333, %parallel_loop3A_333 : vector<16xf32>
      %parallel_loop3A_337 = arith.addf %parallel_loop3A_313, %parallel_loop3A_336 : vector<16xf32>
      %parallel_loop3A_338 = arith.index_cast %parallel_loop3A_196 : i32 to index
      %parallel_loop3A_339 = arith.constant 176 : index
      %parallel_loop3A_340 = tpu.vector_load %arg9[%parallel_loop3A_338, %parallel_loop3A_339] {strides = array<i32>} : memref<64x256xf32, #tpu.memory_space<vmem>>, vector<1x16xf32>,
      %parallel_loop3A_341 = vector.shape_cast %parallel_loop3A_340 : vector<1x16xf32> to vector<16xf32>
      %parallel_loop3A_342 = arith.index_cast %parallel_loop3A_196 : i32 to index
      %parallel_loop3A_343 = arith.constant 176 : index
      %parallel_loop3A_344 = tpu.vector_load %arg6[%parallel_loop3A_342, %parallel_loop3A_343] {strides = array<i32>} : memref<64x256xf32, #tpu.memory_space<vmem>>, vector<1x16xf32>,
      %parallel_loop3A_345 = vector.shape_cast %parallel_loop3A_344 : vector<1x16xf32> to vector<16xf32>
      %parallel_loop3A_346 = arith.mulf %parallel_loop3A_345, %parallel_loop3A_341 : vector<16xf32>
      %parallel_loop3A_347 = arith.addf %parallel_loop3A_323, %parallel_loop3A_346 : vector<16xf32>
      %parallel_loop3A_348 = arith.mulf %parallel_loop3A_345, %parallel_loop3A_345 : vector<16xf32>
      %parallel_loop3A_349 = arith.addf %parallel_loop3A_325, %parallel_loop3A_348 : vector<16xf32>
      %parallel_loop3A_350 = arith.index_cast %parallel_loop3A_196 : i32 to index
      %parallel_loop3A_351 = arith.constant 192 : index
      %parallel_loop3A_352 = tpu.vector_load %arg9[%parallel_loop3A_350, %parallel_loop3A_351] {strides = array<i32>} : memref<64x256xf32, #tpu.memory_space<vmem>>, vector<1x16xf32>,
      %parallel_loop3A_353 = vector.shape_cast %parallel_loop3A_352 : vector<1x16xf32> to vector<16xf32>
      %parallel_loop3A_354 = arith.index_cast %parallel_loop3A_196 : i32 to index
      %parallel_loop3A_355 = arith.constant 192 : index
      %parallel_loop3A_356 = tpu.vector_load %arg6[%parallel_loop3A_354, %parallel_loop3A_355] {strides = array<i32>} : memref<64x256xf32, #tpu.memory_space<vmem>>, vector<1x16xf32>,
      %parallel_loop3A_357 = vector.shape_cast %parallel_loop3A_356 : vector<1x16xf32> to vector<16xf32>
      %parallel_loop3A_358 = arith.mulf %parallel_loop3A_357, %parallel_loop3A_353 : vector<16xf32>
      %parallel_loop3A_359 = arith.addf %parallel_loop3A_335, %parallel_loop3A_358 : vector<16xf32>
      %parallel_loop3A_360 = arith.mulf %parallel_loop3A_357, %parallel_loop3A_357 : vector<16xf32>
      %parallel_loop3A_361 = arith.addf %parallel_loop3A_337, %parallel_loop3A_360 : vector<16xf32>
      %parallel_loop3A_362 = arith.index_cast %parallel_loop3A_196 : i32 to index
      %parallel_loop3A_363 = arith.constant 208 : index
      %parallel_loop3A_364 = tpu.vector_load %arg9[%parallel_loop3A_362, %parallel_loop3A_363] {strides = array<i32>} : memref<64x256xf32, #tpu.memory_space<vmem>>, vector<1x16xf32>,
      %parallel_loop3A_365 = vector.shape_cast %parallel_loop3A_364 : vector<1x16xf32> to vector<16xf32>
      %parallel_loop3A_366 = arith.index_cast %parallel_loop3A_196 : i32 to index
      %parallel_loop3A_367 = arith.constant 208 : index
      %parallel_loop3A_368 = tpu.vector_load %arg6[%parallel_loop3A_366, %parallel_loop3A_367] {strides = array<i32>} : memref<64x256xf32, #tpu.memory_space<vmem>>, vector<1x16xf32>,
      %parallel_loop3A_369 = vector.shape_cast %parallel_loop3A_368 : vector<1x16xf32> to vector<16xf32>
      %parallel_loop3A_370 = arith.mulf %parallel_loop3A_369, %parallel_loop3A_365 : vector<16xf32>
      %parallel_loop3A_371 = arith.addf %parallel_loop3A_347, %parallel_loop3A_370 : vector<16xf32>
      %parallel_loop3A_372 = arith.mulf %parallel_loop3A_369, %parallel_loop3A_369 : vector<16xf32>
      %parallel_loop3A_373 = arith.addf %parallel_loop3A_349, %parallel_loop3A_372 : vector<16xf32>
      %parallel_loop3A_374 = arith.index_cast %parallel_loop3A_196 : i32 to index
      %parallel_loop3A_375 = arith.constant 224 : index
      %parallel_loop3A_376 = tpu.vector_load %arg9[%parallel_loop3A_374, %parallel_loop3A_375] {strides = array<i32>} : memref<64x256xf32, #tpu.memory_space<vmem>>, vector<1x16xf32>,
      %parallel_loop3A_377 = vector.shape_cast %parallel_loop3A_376 : vector<1x16xf32> to vector<16xf32>
      %parallel_loop3A_378 = arith.index_cast %parallel_loop3A_196 : i32 to index
      %parallel_loop3A_379 = arith.constant 224 : index
      %parallel_loop3A_380 = tpu.vector_load %arg6[%parallel_loop3A_378, %parallel_loop3A_379] {strides = array<i32>} : memref<64x256xf32, #tpu.memory_space<vmem>>, vector<1x16xf32>,
      %parallel_loop3A_381 = vector.shape_cast %parallel_loop3A_380 : vector<1x16xf32> to vector<16xf32>
      %parallel_loop3A_382 = arith.mulf %parallel_loop3A_381, %parallel_loop3A_377 : vector<16xf32>
      %parallel_loop3A_383 = arith.addf %parallel_loop3A_359, %parallel_loop3A_382 : vector<16xf32>
      %parallel_loop3A_384 = arith.mulf %parallel_loop3A_381, %parallel_loop3A_381 : vector<16xf32>
      %parallel_loop3A_385 = arith.addf %parallel_loop3A_361, %parallel_loop3A_384 : vector<16xf32>
      %parallel_loop3A_386 = arith.index_cast %parallel_loop3A_196 : i32 to index
      %parallel_loop3A_387 = arith.constant 240 : index
      %parallel_loop3A_388 = tpu.vector_load %arg9[%parallel_loop3A_386, %parallel_loop3A_387] {strides = array<i32>} : memref<64x256xf32, #tpu.memory_space<vmem>>, vector<1x16xf32>,
      %parallel_loop3A_389 = vector.shape_cast %parallel_loop3A_388 : vector<1x16xf32> to vector<16xf32>
      %parallel_loop3A_390 = arith.index_cast %parallel_loop3A_196 : i32 to index
      %parallel_loop3A_391 = arith.constant 240 : index
      %parallel_loop3A_392 = tpu.vector_load %arg6[%parallel_loop3A_390, %parallel_loop3A_391] {strides = array<i32>} : memref<64x256xf32, #tpu.memory_space<vmem>>, vector<1x16xf32>,
      %parallel_loop3A_393 = vector.shape_cast %parallel_loop3A_392 : vector<1x16xf32> to vector<16xf32>
      %parallel_loop3A_394 = arith.mulf %parallel_loop3A_393, %parallel_loop3A_389 : vector<16xf32>
      %parallel_loop3A_395 = arith.addf %parallel_loop3A_371, %parallel_loop3A_394 : vector<16xf32>
      %parallel_loop3A_396 = arith.mulf %parallel_loop3A_393, %parallel_loop3A_393 : vector<16xf32>
      %parallel_loop3A_397 = arith.addf %parallel_loop3A_373, %parallel_loop3A_396 : vector<16xf32>
      %parallel_loop3A_398 = arith.addf %parallel_loop3A_385, %parallel_loop3A_397 : vector<16xf32>
      %parallel_loop3A_399 = tpu.iota {dimensions = array<i32: 0>} : vector<16xi32>
      %parallel_loop3A_400 = arith.constant 8 : i32
      %parallel_loop3A_401 = vector.broadcast %parallel_loop3A_400 : i32 to vector<16xi32>
      %parallel_loop3A_402 = arith.xori %parallel_loop3A_399, %parallel_loop3A_401 : vector<16xi32>
      %parallel_loop3A_403 = vector.shape_cast %parallel_loop3A_402 : vector<16xi32> to vector<16x1xi32>
      %parallel_loop3A_404 = vector.shape_cast %parallel_loop3A_403 : vector<16x1xi32> to vector<16xi32>
      %parallel_loop3A_405 = tpu.dynamic_gather %parallel_loop3A_398[%parallel_loop3A_404] in [0] : vector<16xf32>, vector<16xi32> -> vector<16xf32>
      %parallel_loop3A_406 = arith.addf %parallel_loop3A_398, %parallel_loop3A_405 : vector<16xf32>
      %parallel_loop3A_407 = arith.constant 4 : i32
      %parallel_loop3A_408 = vector.broadcast %parallel_loop3A_407 : i32 to vector<16xi32>
      %parallel_loop3A_409 = arith.xori %parallel_loop3A_399, %parallel_loop3A_408 : vector<16xi32>
      %parallel_loop3A_410 = vector.shape_cast %parallel_loop3A_409 : vector<16xi32> to vector<16x1xi32>
      %parallel_loop3A_411 = vector.shape_cast %parallel_loop3A_410 : vector<16x1xi32> to vector<16xi32>
      %parallel_loop3A_412 = tpu.dynamic_gather %parallel_loop3A_406[%parallel_loop3A_411] in [0] : vector<16xf32>, vector<16xi32> -> vector<16xf32>
      %parallel_loop3A_413 = arith.addf %parallel_loop3A_406, %parallel_loop3A_412 : vector<16xf32>
      %parallel_loop3A_414 = arith.constant 2 : i32
      %parallel_loop3A_415 = vector.broadcast %parallel_loop3A_414 : i32 to vector<16xi32>
      %parallel_loop3A_416 = arith.xori %parallel_loop3A_399, %parallel_loop3A_415 : vector<16xi32>
      %parallel_loop3A_417 = vector.shape_cast %parallel_loop3A_416 : vector<16xi32> to vector<16x1xi32>
      %parallel_loop3A_418 = vector.shape_cast %parallel_loop3A_417 : vector<16x1xi32> to vector<16xi32>
      %parallel_loop3A_419 = tpu.dynamic_gather %parallel_loop3A_413[%parallel_loop3A_418] in [0] : vector<16xf32>, vector<16xi32> -> vector<16xf32>
      %parallel_loop3A_420 = arith.addf %parallel_loop3A_413, %parallel_loop3A_419 : vector<16xf32>
      %parallel_loop3A_421 = arith.constant 1 : i32
      %parallel_loop3A_422 = vector.broadcast %parallel_loop3A_421 : i32 to vector<16xi32>
      %parallel_loop3A_423 = arith.xori %parallel_loop3A_399, %parallel_loop3A_422 : vector<16xi32>
      %parallel_loop3A_424 = vector.shape_cast %parallel_loop3A_423 : vector<16xi32> to vector<16x1xi32>
      %parallel_loop3A_425 = vector.shape_cast %parallel_loop3A_424 : vector<16x1xi32> to vector<16xi32>
      %parallel_loop3A_426 = tpu.dynamic_gather %parallel_loop3A_420[%parallel_loop3A_425] in [0] : vector<16xf32>, vector<16xi32> -> vector<16xf32>
      %parallel_loop3A_427 = arith.addf %parallel_loop3A_420, %parallel_loop3A_426 : vector<16xf32>
      %parallel_loop3A_428 = tpu.bitcast %parallel_loop3A_427 : vector<16xf32> -> vector<16xi32>
      %parallel_loop3A_429 = arith.constant 1 : i32
      %parallel_loop3A_430 = vector.broadcast %parallel_loop3A_429 : i32 to vector<16xi32>
      %parallel_loop3A_431 = arith.shrui %parallel_loop3A_428, %parallel_loop3A_430 : vector<16xi32>
      %parallel_loop3A_432 = arith.constant 1597463007 : i32
      %parallel_loop3A_433 = vector.broadcast %parallel_loop3A_432 : i32 to vector<16xi32>
      %parallel_loop3A_434 = arith.subi %parallel_loop3A_433, %parallel_loop3A_431 : vector<16xi32>
      %parallel_loop3A_435 = tpu.bitcast %parallel_loop3A_434 : vector<16xi32> -> vector<16xf32>
      %parallel_loop3A_436 = arith.constant 5.000000e-01 : f32
      %parallel_loop3A_437 = vector.broadcast %parallel_loop3A_436 : f32 to vector<16xf32>
      %parallel_loop3A_438 = arith.mulf %parallel_loop3A_437, %parallel_loop3A_427 : vector<16xf32>
      %parallel_loop3A_439 = arith.mulf %parallel_loop3A_438, %parallel_loop3A_435 : vector<16xf32>
      %parallel_loop3A_440 = arith.mulf %parallel_loop3A_439, %parallel_loop3A_435 : vector<16xf32>
      %parallel_loop3A_441 = arith.constant 1.500000e+00 : f32
      %parallel_loop3A_442 = vector.broadcast %parallel_loop3A_441 : f32 to vector<16xf32>
      %parallel_loop3A_443 = arith.subf %parallel_loop3A_442, %parallel_loop3A_440 : vector<16xf32>
      %parallel_loop3A_444 = arith.mulf %parallel_loop3A_435, %parallel_loop3A_443 : vector<16xf32>
      %parallel_loop3A_445 = arith.constant 5.000000e-01 : f32
      %parallel_loop3A_446 = vector.broadcast %parallel_loop3A_445 : f32 to vector<16xf32>
      %parallel_loop3A_447 = arith.mulf %parallel_loop3A_446, %parallel_loop3A_427 : vector<16xf32>
      %parallel_loop3A_448 = arith.mulf %parallel_loop3A_447, %parallel_loop3A_444 : vector<16xf32>
      %parallel_loop3A_449 = arith.mulf %parallel_loop3A_448, %parallel_loop3A_444 : vector<16xf32>
      %parallel_loop3A_450 = arith.constant 1.500000e+00 : f32
      %parallel_loop3A_451 = vector.broadcast %parallel_loop3A_450 : f32 to vector<16xf32>
      %parallel_loop3A_452 = arith.subf %parallel_loop3A_451, %parallel_loop3A_449 : vector<16xf32>
      %parallel_loop3A_453 = arith.mulf %parallel_loop3A_444, %parallel_loop3A_452 : vector<16xf32>
      %parallel_loop3A_454 = arith.addf %parallel_loop3A_383, %parallel_loop3A_395 : vector<16xf32>
      %parallel_loop3A_455 = arith.mulf %parallel_loop3A_453, %parallel_loop3A_454 : vector<16xf32>
      %parallel_loop3A_456 = arith.addf %parallel_loop3A_197, %parallel_loop3A_455 : vector<16xf32>
      scf.yield %parallel_loop3A_456 : vector<16xf32>
    } {sc.loop_unroll_factor = 1 : i64, sc.parallel_access}
    %add3A_119 = arith.constant 384 : i32
    %add3A_120 = arith.addi %mul3A_2, %add3A_119 : i32
    %dma_start3A_121 = arith.constant 0 : i32
    %dma_start3A_122 = tpu.memref_slice %arg2[%add3A_120, %dma_start3A_121] : memref<16384x256xf32, #tpu.memory_space<hbm>> -> memref<64x256xf32, #tpu.memory_space<hbm>>
    %dma_start3A_123 = arith.constant 0 : i32
    %dma_start3A_124 = tpu.memref_slice %arg2[%add3A_120, %dma_start3A_123] : memref<16384x256xf32, #tpu.memory_space<hbm>> -> memref<64x256xf32, #tpu.memory_space<hbm>>
    tpu.enqueue_dma source(%dma_start3A_124 : memref<64x256xf32, #tpu.memory_space<hbm>>) target(%arg6 : memref<64x256xf32, #tpu.memory_space<vmem>>) target_semaphore(%arg14 : memref<!tpu.dma_semaphore, #tpu.memory_space<semaphore_mem>>)
    %dma_start3A_125 = arith.constant 384 : i32
    %dma_start3A_126 = tpu.memref_slice %arg12[%dma_start3A_125] : memref<512xi32, #tpu.memory_space<vmem>> -> memref<64xi32, #tpu.memory_space<vmem>>
    %dma_start3A_127 = arith.constant 0 : i32
    %dma_start3A_128 = arith.constant 0 : i32
    %dma_start3A_129 = tpu.memref_slice %arg4[%dma_start3A_127, %dma_start3A_128] : memref<1024x256xf32, #tpu.memory_space<hbm>> -> memref<1024x256xf32, #tpu.memory_space<hbm>>
    tpu.enqueue_indirect_dma source(%dma_start3A_129 : memref<1024x256xf32, #tpu.memory_space<hbm>>) target(%arg9 : memref<64x256xf32, #tpu.memory_space<vmem>>) offsets(%dma_start3A_126 : memref<64xi32, #tpu.memory_space<vmem>>) semaphore(%arg17 : memref<!tpu.dma_semaphore, #tpu.memory_space<semaphore_mem>>)
    %dma_wait3A_130 = arith.constant 0 : i32
    %dma_wait3A_131 = tpu.memref_slice %arg2[%add3A_72, %dma_wait3A_130] : memref<16384x256xf32, #tpu.memory_space<hbm>> -> memref<64x256xf32, #tpu.memory_space<hbm>>
    %dma_wait3A_132 = arith.constant 0 : i32
    %dma_wait3A_133 = tpu.memref_slice %arg2[%add3A_72, %dma_wait3A_132] : memref<16384x256xf32, #tpu.memory_space<hbm>> -> memref<64x256xf32, #tpu.memory_space<hbm>>
    tpu.wait_dma2 semaphore(%arg15 : memref<!tpu.dma_semaphore, #tpu.memory_space<semaphore_mem>>) src(%dma_wait3A_133 : memref<64x256xf32, #tpu.memory_space<hbm>>) dst(%arg7 : memref<64x256xf32, #tpu.memory_space<vmem>>)
    %dma_wait3A_134 = arith.constant 256 : i32
    %dma_wait3A_135 = tpu.memref_slice %arg12[%dma_wait3A_134] : memref<512xi32, #tpu.memory_space<vmem>> -> memref<64xi32, #tpu.memory_space<vmem>>
    %dma_wait3A_136 = arith.constant 0 : i32
    %dma_wait3A_137 = arith.constant 0 : i32
    %dma_wait3A_138 = tpu.memref_slice %arg4[%dma_wait3A_136, %dma_wait3A_137] : memref<1024x256xf32, #tpu.memory_space<hbm>> -> memref<1024x256xf32, #tpu.memory_space<hbm>>
    tpu.wait_indirect_dma semaphore(%arg18 : memref<!tpu.dma_semaphore, #tpu.memory_space<semaphore_mem>>) src(%dma_wait3A_138 : memref<1024x256xf32, #tpu.memory_space<hbm>>) dst(%arg10 : memref<64x256xf32, #tpu.memory_space<vmem>>)
    %parallel_loop3A_139 = arith.constant 0 : i32
    %parallel_loop3A_140 = arith.constant 64 : i32
    %parallel_loop3A_141 = arith.constant 1 : i32
    %parallel_loop3A_142 = scf.for %parallel_loop3A_196 = %parallel_loop3A_139 to %parallel_loop3A_140 step %parallel_loop3A_141 iter_args(%parallel_loop3A_197 = %parallel_loop3A_118) -> (vector<16xf32>)  : i32 {
      %parallel_loop3A_198 = arith.constant 0.000000e+00 : f32
      %parallel_loop3A_199 = vector.broadcast %parallel_loop3A_198 : f32 to vector<16xf32>
      %parallel_loop3A_200 = arith.constant 0.000000e+00 : f32
      %parallel_loop3A_201 = vector.broadcast %parallel_loop3A_200 : f32 to vector<16xf32>
      %parallel_loop3A_202 = arith.constant 0.000000e+00 : f32
      %parallel_loop3A_203 = vector.broadcast %parallel_loop3A_202 : f32 to vector<16xf32>
      %parallel_loop3A_204 = arith.constant 0.000000e+00 : f32
      %parallel_loop3A_205 = vector.broadcast %parallel_loop3A_204 : f32 to vector<16xf32>
      %parallel_loop3A_206 = arith.index_cast %parallel_loop3A_196 : i32 to index
      %parallel_loop3A_207 = arith.constant 0 : index
      %parallel_loop3A_208 = tpu.vector_load %arg10[%parallel_loop3A_206, %parallel_loop3A_207] {strides = array<i32>} : memref<64x256xf32, #tpu.memory_space<vmem>>, vector<1x16xf32>,
      %parallel_loop3A_209 = vector.shape_cast %parallel_loop3A_208 : vector<1x16xf32> to vector<16xf32>
      %parallel_loop3A_210 = arith.index_cast %parallel_loop3A_196 : i32 to index
      %parallel_loop3A_211 = arith.constant 0 : index
      %parallel_loop3A_212 = tpu.vector_load %arg7[%parallel_loop3A_210, %parallel_loop3A_211] {strides = array<i32>} : memref<64x256xf32, #tpu.memory_space<vmem>>, vector<1x16xf32>,
      %parallel_loop3A_213 = vector.shape_cast %parallel_loop3A_212 : vector<1x16xf32> to vector<16xf32>
      %parallel_loop3A_214 = arith.mulf %parallel_loop3A_213, %parallel_loop3A_209 : vector<16xf32>
      %parallel_loop3A_215 = arith.addf %parallel_loop3A_199, %parallel_loop3A_214 : vector<16xf32>
      %parallel_loop3A_216 = arith.mulf %parallel_loop3A_213, %parallel_loop3A_213 : vector<16xf32>
      %parallel_loop3A_217 = arith.addf %parallel_loop3A_203, %parallel_loop3A_216 : vector<16xf32>
      %parallel_loop3A_218 = arith.index_cast %parallel_loop3A_196 : i32 to index
      %parallel_loop3A_219 = arith.constant 16 : index
      %parallel_loop3A_220 = tpu.vector_load %arg10[%parallel_loop3A_218, %parallel_loop3A_219] {strides = array<i32>} : memref<64x256xf32, #tpu.memory_space<vmem>>, vector<1x16xf32>,
      %parallel_loop3A_221 = vector.shape_cast %parallel_loop3A_220 : vector<1x16xf32> to vector<16xf32>
      %parallel_loop3A_222 = arith.index_cast %parallel_loop3A_196 : i32 to index
      %parallel_loop3A_223 = arith.constant 16 : index
      %parallel_loop3A_224 = tpu.vector_load %arg7[%parallel_loop3A_222, %parallel_loop3A_223] {strides = array<i32>} : memref<64x256xf32, #tpu.memory_space<vmem>>, vector<1x16xf32>,
      %parallel_loop3A_225 = vector.shape_cast %parallel_loop3A_224 : vector<1x16xf32> to vector<16xf32>
      %parallel_loop3A_226 = arith.mulf %parallel_loop3A_225, %parallel_loop3A_221 : vector<16xf32>
      %parallel_loop3A_227 = arith.addf %parallel_loop3A_201, %parallel_loop3A_226 : vector<16xf32>
      %parallel_loop3A_228 = arith.mulf %parallel_loop3A_225, %parallel_loop3A_225 : vector<16xf32>
      %parallel_loop3A_229 = arith.addf %parallel_loop3A_205, %parallel_loop3A_228 : vector<16xf32>
      %parallel_loop3A_230 = arith.index_cast %parallel_loop3A_196 : i32 to index
      %parallel_loop3A_231 = arith.constant 32 : index
      %parallel_loop3A_232 = tpu.vector_load %arg10[%parallel_loop3A_230, %parallel_loop3A_231] {strides = array<i32>} : memref<64x256xf32, #tpu.memory_space<vmem>>, vector<1x16xf32>,
      %parallel_loop3A_233 = vector.shape_cast %parallel_loop3A_232 : vector<1x16xf32> to vector<16xf32>
      %parallel_loop3A_234 = arith.index_cast %parallel_loop3A_196 : i32 to index
      %parallel_loop3A_235 = arith.constant 32 : index
      %parallel_loop3A_236 = tpu.vector_load %arg7[%parallel_loop3A_234, %parallel_loop3A_235] {strides = array<i32>} : memref<64x256xf32, #tpu.memory_space<vmem>>, vector<1x16xf32>,
      %parallel_loop3A_237 = vector.shape_cast %parallel_loop3A_236 : vector<1x16xf32> to vector<16xf32>
      %parallel_loop3A_238 = arith.mulf %parallel_loop3A_237, %parallel_loop3A_233 : vector<16xf32>
      %parallel_loop3A_239 = arith.addf %parallel_loop3A_215, %parallel_loop3A_238 : vector<16xf32>
      %parallel_loop3A_240 = arith.mulf %parallel_loop3A_237, %parallel_loop3A_237 : vector<16xf32>
      %parallel_loop3A_241 = arith.addf %parallel_loop3A_217, %parallel_loop3A_240 : vector<16xf32>
      %parallel_loop3A_242 = arith.index_cast %parallel_loop3A_196 : i32 to index
      %parallel_loop3A_243 = arith.constant 48 : index
      %parallel_loop3A_244 = tpu.vector_load %arg10[%parallel_loop3A_242, %parallel_loop3A_243] {strides = array<i32>} : memref<64x256xf32, #tpu.memory_space<vmem>>, vector<1x16xf32>,
      %parallel_loop3A_245 = vector.shape_cast %parallel_loop3A_244 : vector<1x16xf32> to vector<16xf32>
      %parallel_loop3A_246 = arith.index_cast %parallel_loop3A_196 : i32 to index
      %parallel_loop3A_247 = arith.constant 48 : index
      %parallel_loop3A_248 = tpu.vector_load %arg7[%parallel_loop3A_246, %parallel_loop3A_247] {strides = array<i32>} : memref<64x256xf32, #tpu.memory_space<vmem>>, vector<1x16xf32>,
      %parallel_loop3A_249 = vector.shape_cast %parallel_loop3A_248 : vector<1x16xf32> to vector<16xf32>
      %parallel_loop3A_250 = arith.mulf %parallel_loop3A_249, %parallel_loop3A_245 : vector<16xf32>
      %parallel_loop3A_251 = arith.addf %parallel_loop3A_227, %parallel_loop3A_250 : vector<16xf32>
      %parallel_loop3A_252 = arith.mulf %parallel_loop3A_249, %parallel_loop3A_249 : vector<16xf32>
      %parallel_loop3A_253 = arith.addf %parallel_loop3A_229, %parallel_loop3A_252 : vector<16xf32>
      %parallel_loop3A_254 = arith.index_cast %parallel_loop3A_196 : i32 to index
      %parallel_loop3A_255 = arith.constant 64 : index
      %parallel_loop3A_256 = tpu.vector_load %arg10[%parallel_loop3A_254, %parallel_loop3A_255] {strides = array<i32>} : memref<64x256xf32, #tpu.memory_space<vmem>>, vector<1x16xf32>,
      %parallel_loop3A_257 = vector.shape_cast %parallel_loop3A_256 : vector<1x16xf32> to vector<16xf32>
      %parallel_loop3A_258 = arith.index_cast %parallel_loop3A_196 : i32 to index
      %parallel_loop3A_259 = arith.constant 64 : index
      %parallel_loop3A_260 = tpu.vector_load %arg7[%parallel_loop3A_258, %parallel_loop3A_259] {strides = array<i32>} : memref<64x256xf32, #tpu.memory_space<vmem>>, vector<1x16xf32>,
      %parallel_loop3A_261 = vector.shape_cast %parallel_loop3A_260 : vector<1x16xf32> to vector<16xf32>
      %parallel_loop3A_262 = arith.mulf %parallel_loop3A_261, %parallel_loop3A_257 : vector<16xf32>
      %parallel_loop3A_263 = arith.addf %parallel_loop3A_239, %parallel_loop3A_262 : vector<16xf32>
      %parallel_loop3A_264 = arith.mulf %parallel_loop3A_261, %parallel_loop3A_261 : vector<16xf32>
      %parallel_loop3A_265 = arith.addf %parallel_loop3A_241, %parallel_loop3A_264 : vector<16xf32>
      %parallel_loop3A_266 = arith.index_cast %parallel_loop3A_196 : i32 to index
      %parallel_loop3A_267 = arith.constant 80 : index
      %parallel_loop3A_268 = tpu.vector_load %arg10[%parallel_loop3A_266, %parallel_loop3A_267] {strides = array<i32>} : memref<64x256xf32, #tpu.memory_space<vmem>>, vector<1x16xf32>,
      %parallel_loop3A_269 = vector.shape_cast %parallel_loop3A_268 : vector<1x16xf32> to vector<16xf32>
      %parallel_loop3A_270 = arith.index_cast %parallel_loop3A_196 : i32 to index
      %parallel_loop3A_271 = arith.constant 80 : index
      %parallel_loop3A_272 = tpu.vector_load %arg7[%parallel_loop3A_270, %parallel_loop3A_271] {strides = array<i32>} : memref<64x256xf32, #tpu.memory_space<vmem>>, vector<1x16xf32>,
      %parallel_loop3A_273 = vector.shape_cast %parallel_loop3A_272 : vector<1x16xf32> to vector<16xf32>
      %parallel_loop3A_274 = arith.mulf %parallel_loop3A_273, %parallel_loop3A_269 : vector<16xf32>
      %parallel_loop3A_275 = arith.addf %parallel_loop3A_251, %parallel_loop3A_274 : vector<16xf32>
      %parallel_loop3A_276 = arith.mulf %parallel_loop3A_273, %parallel_loop3A_273 : vector<16xf32>
      %parallel_loop3A_277 = arith.addf %parallel_loop3A_253, %parallel_loop3A_276 : vector<16xf32>
      %parallel_loop3A_278 = arith.index_cast %parallel_loop3A_196 : i32 to index
      %parallel_loop3A_279 = arith.constant 96 : index
      %parallel_loop3A_280 = tpu.vector_load %arg10[%parallel_loop3A_278, %parallel_loop3A_279] {strides = array<i32>} : memref<64x256xf32, #tpu.memory_space<vmem>>, vector<1x16xf32>,
      %parallel_loop3A_281 = vector.shape_cast %parallel_loop3A_280 : vector<1x16xf32> to vector<16xf32>
      %parallel_loop3A_282 = arith.index_cast %parallel_loop3A_196 : i32 to index
      %parallel_loop3A_283 = arith.constant 96 : index
      %parallel_loop3A_284 = tpu.vector_load %arg7[%parallel_loop3A_282, %parallel_loop3A_283] {strides = array<i32>} : memref<64x256xf32, #tpu.memory_space<vmem>>, vector<1x16xf32>,
      %parallel_loop3A_285 = vector.shape_cast %parallel_loop3A_284 : vector<1x16xf32> to vector<16xf32>
      %parallel_loop3A_286 = arith.mulf %parallel_loop3A_285, %parallel_loop3A_281 : vector<16xf32>
      %parallel_loop3A_287 = arith.addf %parallel_loop3A_263, %parallel_loop3A_286 : vector<16xf32>
      %parallel_loop3A_288 = arith.mulf %parallel_loop3A_285, %parallel_loop3A_285 : vector<16xf32>
      %parallel_loop3A_289 = arith.addf %parallel_loop3A_265, %parallel_loop3A_288 : vector<16xf32>
      %parallel_loop3A_290 = arith.index_cast %parallel_loop3A_196 : i32 to index
      %parallel_loop3A_291 = arith.constant 112 : index
      %parallel_loop3A_292 = tpu.vector_load %arg10[%parallel_loop3A_290, %parallel_loop3A_291] {strides = array<i32>} : memref<64x256xf32, #tpu.memory_space<vmem>>, vector<1x16xf32>,
      %parallel_loop3A_293 = vector.shape_cast %parallel_loop3A_292 : vector<1x16xf32> to vector<16xf32>
      %parallel_loop3A_294 = arith.index_cast %parallel_loop3A_196 : i32 to index
      %parallel_loop3A_295 = arith.constant 112 : index
      %parallel_loop3A_296 = tpu.vector_load %arg7[%parallel_loop3A_294, %parallel_loop3A_295] {strides = array<i32>} : memref<64x256xf32, #tpu.memory_space<vmem>>, vector<1x16xf32>,
      %parallel_loop3A_297 = vector.shape_cast %parallel_loop3A_296 : vector<1x16xf32> to vector<16xf32>
      %parallel_loop3A_298 = arith.mulf %parallel_loop3A_297, %parallel_loop3A_293 : vector<16xf32>
      %parallel_loop3A_299 = arith.addf %parallel_loop3A_275, %parallel_loop3A_298 : vector<16xf32>
      %parallel_loop3A_300 = arith.mulf %parallel_loop3A_297, %parallel_loop3A_297 : vector<16xf32>
      %parallel_loop3A_301 = arith.addf %parallel_loop3A_277, %parallel_loop3A_300 : vector<16xf32>
      %parallel_loop3A_302 = arith.index_cast %parallel_loop3A_196 : i32 to index
      %parallel_loop3A_303 = arith.constant 128 : index
      %parallel_loop3A_304 = tpu.vector_load %arg10[%parallel_loop3A_302, %parallel_loop3A_303] {strides = array<i32>} : memref<64x256xf32, #tpu.memory_space<vmem>>, vector<1x16xf32>,
      %parallel_loop3A_305 = vector.shape_cast %parallel_loop3A_304 : vector<1x16xf32> to vector<16xf32>
      %parallel_loop3A_306 = arith.index_cast %parallel_loop3A_196 : i32 to index
      %parallel_loop3A_307 = arith.constant 128 : index
      %parallel_loop3A_308 = tpu.vector_load %arg7[%parallel_loop3A_306, %parallel_loop3A_307] {strides = array<i32>} : memref<64x256xf32, #tpu.memory_space<vmem>>, vector<1x16xf32>,
      %parallel_loop3A_309 = vector.shape_cast %parallel_loop3A_308 : vector<1x16xf32> to vector<16xf32>
      %parallel_loop3A_310 = arith.mulf %parallel_loop3A_309, %parallel_loop3A_305 : vector<16xf32>
      %parallel_loop3A_311 = arith.addf %parallel_loop3A_287, %parallel_loop3A_310 : vector<16xf32>
      %parallel_loop3A_312 = arith.mulf %parallel_loop3A_309, %parallel_loop3A_309 : vector<16xf32>
      %parallel_loop3A_313 = arith.addf %parallel_loop3A_289, %parallel_loop3A_312 : vector<16xf32>
      %parallel_loop3A_314 = arith.index_cast %parallel_loop3A_196 : i32 to index
      %parallel_loop3A_315 = arith.constant 144 : index
      %parallel_loop3A_316 = tpu.vector_load %arg10[%parallel_loop3A_314, %parallel_loop3A_315] {strides = array<i32>} : memref<64x256xf32, #tpu.memory_space<vmem>>, vector<1x16xf32>,
      %parallel_loop3A_317 = vector.shape_cast %parallel_loop3A_316 : vector<1x16xf32> to vector<16xf32>
      %parallel_loop3A_318 = arith.index_cast %parallel_loop3A_196 : i32 to index
      %parallel_loop3A_319 = arith.constant 144 : index
      %parallel_loop3A_320 = tpu.vector_load %arg7[%parallel_loop3A_318, %parallel_loop3A_319] {strides = array<i32>} : memref<64x256xf32, #tpu.memory_space<vmem>>, vector<1x16xf32>,
      %parallel_loop3A_321 = vector.shape_cast %parallel_loop3A_320 : vector<1x16xf32> to vector<16xf32>
      %parallel_loop3A_322 = arith.mulf %parallel_loop3A_321, %parallel_loop3A_317 : vector<16xf32>
      %parallel_loop3A_323 = arith.addf %parallel_loop3A_299, %parallel_loop3A_322 : vector<16xf32>
      %parallel_loop3A_324 = arith.mulf %parallel_loop3A_321, %parallel_loop3A_321 : vector<16xf32>
      %parallel_loop3A_325 = arith.addf %parallel_loop3A_301, %parallel_loop3A_324 : vector<16xf32>
      %parallel_loop3A_326 = arith.index_cast %parallel_loop3A_196 : i32 to index
      %parallel_loop3A_327 = arith.constant 160 : index
      %parallel_loop3A_328 = tpu.vector_load %arg10[%parallel_loop3A_326, %parallel_loop3A_327] {strides = array<i32>} : memref<64x256xf32, #tpu.memory_space<vmem>>, vector<1x16xf32>,
      %parallel_loop3A_329 = vector.shape_cast %parallel_loop3A_328 : vector<1x16xf32> to vector<16xf32>
      %parallel_loop3A_330 = arith.index_cast %parallel_loop3A_196 : i32 to index
      %parallel_loop3A_331 = arith.constant 160 : index
      %parallel_loop3A_332 = tpu.vector_load %arg7[%parallel_loop3A_330, %parallel_loop3A_331] {strides = array<i32>} : memref<64x256xf32, #tpu.memory_space<vmem>>, vector<1x16xf32>,
      %parallel_loop3A_333 = vector.shape_cast %parallel_loop3A_332 : vector<1x16xf32> to vector<16xf32>
      %parallel_loop3A_334 = arith.mulf %parallel_loop3A_333, %parallel_loop3A_329 : vector<16xf32>
      %parallel_loop3A_335 = arith.addf %parallel_loop3A_311, %parallel_loop3A_334 : vector<16xf32>
      %parallel_loop3A_336 = arith.mulf %parallel_loop3A_333, %parallel_loop3A_333 : vector<16xf32>
      %parallel_loop3A_337 = arith.addf %parallel_loop3A_313, %parallel_loop3A_336 : vector<16xf32>
      %parallel_loop3A_338 = arith.index_cast %parallel_loop3A_196 : i32 to index
      %parallel_loop3A_339 = arith.constant 176 : index
      %parallel_loop3A_340 = tpu.vector_load %arg10[%parallel_loop3A_338, %parallel_loop3A_339] {strides = array<i32>} : memref<64x256xf32, #tpu.memory_space<vmem>>, vector<1x16xf32>,
      %parallel_loop3A_341 = vector.shape_cast %parallel_loop3A_340 : vector<1x16xf32> to vector<16xf32>
      %parallel_loop3A_342 = arith.index_cast %parallel_loop3A_196 : i32 to index
      %parallel_loop3A_343 = arith.constant 176 : index
      %parallel_loop3A_344 = tpu.vector_load %arg7[%parallel_loop3A_342, %parallel_loop3A_343] {strides = array<i32>} : memref<64x256xf32, #tpu.memory_space<vmem>>, vector<1x16xf32>,
      %parallel_loop3A_345 = vector.shape_cast %parallel_loop3A_344 : vector<1x16xf32> to vector<16xf32>
      %parallel_loop3A_346 = arith.mulf %parallel_loop3A_345, %parallel_loop3A_341 : vector<16xf32>
      %parallel_loop3A_347 = arith.addf %parallel_loop3A_323, %parallel_loop3A_346 : vector<16xf32>
      %parallel_loop3A_348 = arith.mulf %parallel_loop3A_345, %parallel_loop3A_345 : vector<16xf32>
      %parallel_loop3A_349 = arith.addf %parallel_loop3A_325, %parallel_loop3A_348 : vector<16xf32>
      %parallel_loop3A_350 = arith.index_cast %parallel_loop3A_196 : i32 to index
      %parallel_loop3A_351 = arith.constant 192 : index
      %parallel_loop3A_352 = tpu.vector_load %arg10[%parallel_loop3A_350, %parallel_loop3A_351] {strides = array<i32>} : memref<64x256xf32, #tpu.memory_space<vmem>>, vector<1x16xf32>,
      %parallel_loop3A_353 = vector.shape_cast %parallel_loop3A_352 : vector<1x16xf32> to vector<16xf32>
      %parallel_loop3A_354 = arith.index_cast %parallel_loop3A_196 : i32 to index
      %parallel_loop3A_355 = arith.constant 192 : index
      %parallel_loop3A_356 = tpu.vector_load %arg7[%parallel_loop3A_354, %parallel_loop3A_355] {strides = array<i32>} : memref<64x256xf32, #tpu.memory_space<vmem>>, vector<1x16xf32>,
      %parallel_loop3A_357 = vector.shape_cast %parallel_loop3A_356 : vector<1x16xf32> to vector<16xf32>
      %parallel_loop3A_358 = arith.mulf %parallel_loop3A_357, %parallel_loop3A_353 : vector<16xf32>
      %parallel_loop3A_359 = arith.addf %parallel_loop3A_335, %parallel_loop3A_358 : vector<16xf32>
      %parallel_loop3A_360 = arith.mulf %parallel_loop3A_357, %parallel_loop3A_357 : vector<16xf32>
      %parallel_loop3A_361 = arith.addf %parallel_loop3A_337, %parallel_loop3A_360 : vector<16xf32>
      %parallel_loop3A_362 = arith.index_cast %parallel_loop3A_196 : i32 to index
      %parallel_loop3A_363 = arith.constant 208 : index
      %parallel_loop3A_364 = tpu.vector_load %arg10[%parallel_loop3A_362, %parallel_loop3A_363] {strides = array<i32>} : memref<64x256xf32, #tpu.memory_space<vmem>>, vector<1x16xf32>,
      %parallel_loop3A_365 = vector.shape_cast %parallel_loop3A_364 : vector<1x16xf32> to vector<16xf32>
      %parallel_loop3A_366 = arith.index_cast %parallel_loop3A_196 : i32 to index
      %parallel_loop3A_367 = arith.constant 208 : index
      %parallel_loop3A_368 = tpu.vector_load %arg7[%parallel_loop3A_366, %parallel_loop3A_367] {strides = array<i32>} : memref<64x256xf32, #tpu.memory_space<vmem>>, vector<1x16xf32>,
      %parallel_loop3A_369 = vector.shape_cast %parallel_loop3A_368 : vector<1x16xf32> to vector<16xf32>
      %parallel_loop3A_370 = arith.mulf %parallel_loop3A_369, %parallel_loop3A_365 : vector<16xf32>
      %parallel_loop3A_371 = arith.addf %parallel_loop3A_347, %parallel_loop3A_370 : vector<16xf32>
      %parallel_loop3A_372 = arith.mulf %parallel_loop3A_369, %parallel_loop3A_369 : vector<16xf32>
      %parallel_loop3A_373 = arith.addf %parallel_loop3A_349, %parallel_loop3A_372 : vector<16xf32>
      %parallel_loop3A_374 = arith.index_cast %parallel_loop3A_196 : i32 to index
      %parallel_loop3A_375 = arith.constant 224 : index
      %parallel_loop3A_376 = tpu.vector_load %arg10[%parallel_loop3A_374, %parallel_loop3A_375] {strides = array<i32>} : memref<64x256xf32, #tpu.memory_space<vmem>>, vector<1x16xf32>,
      %parallel_loop3A_377 = vector.shape_cast %parallel_loop3A_376 : vector<1x16xf32> to vector<16xf32>
      %parallel_loop3A_378 = arith.index_cast %parallel_loop3A_196 : i32 to index
      %parallel_loop3A_379 = arith.constant 224 : index
      %parallel_loop3A_380 = tpu.vector_load %arg7[%parallel_loop3A_378, %parallel_loop3A_379] {strides = array<i32>} : memref<64x256xf32, #tpu.memory_space<vmem>>, vector<1x16xf32>,
      %parallel_loop3A_381 = vector.shape_cast %parallel_loop3A_380 : vector<1x16xf32> to vector<16xf32>
      %parallel_loop3A_382 = arith.mulf %parallel_loop3A_381, %parallel_loop3A_377 : vector<16xf32>
      %parallel_loop3A_383 = arith.addf %parallel_loop3A_359, %parallel_loop3A_382 : vector<16xf32>
      %parallel_loop3A_384 = arith.mulf %parallel_loop3A_381, %parallel_loop3A_381 : vector<16xf32>
      %parallel_loop3A_385 = arith.addf %parallel_loop3A_361, %parallel_loop3A_384 : vector<16xf32>
      %parallel_loop3A_386 = arith.index_cast %parallel_loop3A_196 : i32 to index
      %parallel_loop3A_387 = arith.constant 240 : index
      %parallel_loop3A_388 = tpu.vector_load %arg10[%parallel_loop3A_386, %parallel_loop3A_387] {strides = array<i32>} : memref<64x256xf32, #tpu.memory_space<vmem>>, vector<1x16xf32>,
      %parallel_loop3A_389 = vector.shape_cast %parallel_loop3A_388 : vector<1x16xf32> to vector<16xf32>
      %parallel_loop3A_390 = arith.index_cast %parallel_loop3A_196 : i32 to index
      %parallel_loop3A_391 = arith.constant 240 : index
      %parallel_loop3A_392 = tpu.vector_load %arg7[%parallel_loop3A_390, %parallel_loop3A_391] {strides = array<i32>} : memref<64x256xf32, #tpu.memory_space<vmem>>, vector<1x16xf32>,
      %parallel_loop3A_393 = vector.shape_cast %parallel_loop3A_392 : vector<1x16xf32> to vector<16xf32>
      %parallel_loop3A_394 = arith.mulf %parallel_loop3A_393, %parallel_loop3A_389 : vector<16xf32>
      %parallel_loop3A_395 = arith.addf %parallel_loop3A_371, %parallel_loop3A_394 : vector<16xf32>
      %parallel_loop3A_396 = arith.mulf %parallel_loop3A_393, %parallel_loop3A_393 : vector<16xf32>
      %parallel_loop3A_397 = arith.addf %parallel_loop3A_373, %parallel_loop3A_396 : vector<16xf32>
      %parallel_loop3A_398 = arith.addf %parallel_loop3A_385, %parallel_loop3A_397 : vector<16xf32>
      %parallel_loop3A_399 = tpu.iota {dimensions = array<i32: 0>} : vector<16xi32>
      %parallel_loop3A_400 = arith.constant 8 : i32
      %parallel_loop3A_401 = vector.broadcast %parallel_loop3A_400 : i32 to vector<16xi32>
      %parallel_loop3A_402 = arith.xori %parallel_loop3A_399, %parallel_loop3A_401 : vector<16xi32>
      %parallel_loop3A_403 = vector.shape_cast %parallel_loop3A_402 : vector<16xi32> to vector<16x1xi32>
      %parallel_loop3A_404 = vector.shape_cast %parallel_loop3A_403 : vector<16x1xi32> to vector<16xi32>
      %parallel_loop3A_405 = tpu.dynamic_gather %parallel_loop3A_398[%parallel_loop3A_404] in [0] : vector<16xf32>, vector<16xi32> -> vector<16xf32>
      %parallel_loop3A_406 = arith.addf %parallel_loop3A_398, %parallel_loop3A_405 : vector<16xf32>
      %parallel_loop3A_407 = arith.constant 4 : i32
      %parallel_loop3A_408 = vector.broadcast %parallel_loop3A_407 : i32 to vector<16xi32>
      %parallel_loop3A_409 = arith.xori %parallel_loop3A_399, %parallel_loop3A_408 : vector<16xi32>
      %parallel_loop3A_410 = vector.shape_cast %parallel_loop3A_409 : vector<16xi32> to vector<16x1xi32>
      %parallel_loop3A_411 = vector.shape_cast %parallel_loop3A_410 : vector<16x1xi32> to vector<16xi32>
      %parallel_loop3A_412 = tpu.dynamic_gather %parallel_loop3A_406[%parallel_loop3A_411] in [0] : vector<16xf32>, vector<16xi32> -> vector<16xf32>
      %parallel_loop3A_413 = arith.addf %parallel_loop3A_406, %parallel_loop3A_412 : vector<16xf32>
      %parallel_loop3A_414 = arith.constant 2 : i32
      %parallel_loop3A_415 = vector.broadcast %parallel_loop3A_414 : i32 to vector<16xi32>
      %parallel_loop3A_416 = arith.xori %parallel_loop3A_399, %parallel_loop3A_415 : vector<16xi32>
      %parallel_loop3A_417 = vector.shape_cast %parallel_loop3A_416 : vector<16xi32> to vector<16x1xi32>
      %parallel_loop3A_418 = vector.shape_cast %parallel_loop3A_417 : vector<16x1xi32> to vector<16xi32>
      %parallel_loop3A_419 = tpu.dynamic_gather %parallel_loop3A_413[%parallel_loop3A_418] in [0] : vector<16xf32>, vector<16xi32> -> vector<16xf32>
      %parallel_loop3A_420 = arith.addf %parallel_loop3A_413, %parallel_loop3A_419 : vector<16xf32>
      %parallel_loop3A_421 = arith.constant 1 : i32
      %parallel_loop3A_422 = vector.broadcast %parallel_loop3A_421 : i32 to vector<16xi32>
      %parallel_loop3A_423 = arith.xori %parallel_loop3A_399, %parallel_loop3A_422 : vector<16xi32>
      %parallel_loop3A_424 = vector.shape_cast %parallel_loop3A_423 : vector<16xi32> to vector<16x1xi32>
      %parallel_loop3A_425 = vector.shape_cast %parallel_loop3A_424 : vector<16x1xi32> to vector<16xi32>
      %parallel_loop3A_426 = tpu.dynamic_gather %parallel_loop3A_420[%parallel_loop3A_425] in [0] : vector<16xf32>, vector<16xi32> -> vector<16xf32>
      %parallel_loop3A_427 = arith.addf %parallel_loop3A_420, %parallel_loop3A_426 : vector<16xf32>
      %parallel_loop3A_428 = tpu.bitcast %parallel_loop3A_427 : vector<16xf32> -> vector<16xi32>
      %parallel_loop3A_429 = arith.constant 1 : i32
      %parallel_loop3A_430 = vector.broadcast %parallel_loop3A_429 : i32 to vector<16xi32>
      %parallel_loop3A_431 = arith.shrui %parallel_loop3A_428, %parallel_loop3A_430 : vector<16xi32>
      %parallel_loop3A_432 = arith.constant 1597463007 : i32
      %parallel_loop3A_433 = vector.broadcast %parallel_loop3A_432 : i32 to vector<16xi32>
      %parallel_loop3A_434 = arith.subi %parallel_loop3A_433, %parallel_loop3A_431 : vector<16xi32>
      %parallel_loop3A_435 = tpu.bitcast %parallel_loop3A_434 : vector<16xi32> -> vector<16xf32>
      %parallel_loop3A_436 = arith.constant 5.000000e-01 : f32
      %parallel_loop3A_437 = vector.broadcast %parallel_loop3A_436 : f32 to vector<16xf32>
      %parallel_loop3A_438 = arith.mulf %parallel_loop3A_437, %parallel_loop3A_427 : vector<16xf32>
      %parallel_loop3A_439 = arith.mulf %parallel_loop3A_438, %parallel_loop3A_435 : vector<16xf32>
      %parallel_loop3A_440 = arith.mulf %parallel_loop3A_439, %parallel_loop3A_435 : vector<16xf32>
      %parallel_loop3A_441 = arith.constant 1.500000e+00 : f32
      %parallel_loop3A_442 = vector.broadcast %parallel_loop3A_441 : f32 to vector<16xf32>
      %parallel_loop3A_443 = arith.subf %parallel_loop3A_442, %parallel_loop3A_440 : vector<16xf32>
      %parallel_loop3A_444 = arith.mulf %parallel_loop3A_435, %parallel_loop3A_443 : vector<16xf32>
      %parallel_loop3A_445 = arith.constant 5.000000e-01 : f32
      %parallel_loop3A_446 = vector.broadcast %parallel_loop3A_445 : f32 to vector<16xf32>
      %parallel_loop3A_447 = arith.mulf %parallel_loop3A_446, %parallel_loop3A_427 : vector<16xf32>
      %parallel_loop3A_448 = arith.mulf %parallel_loop3A_447, %parallel_loop3A_444 : vector<16xf32>
      %parallel_loop3A_449 = arith.mulf %parallel_loop3A_448, %parallel_loop3A_444 : vector<16xf32>
      %parallel_loop3A_450 = arith.constant 1.500000e+00 : f32
      %parallel_loop3A_451 = vector.broadcast %parallel_loop3A_450 : f32 to vector<16xf32>
      %parallel_loop3A_452 = arith.subf %parallel_loop3A_451, %parallel_loop3A_449 : vector<16xf32>
      %parallel_loop3A_453 = arith.mulf %parallel_loop3A_444, %parallel_loop3A_452 : vector<16xf32>
      %parallel_loop3A_454 = arith.addf %parallel_loop3A_383, %parallel_loop3A_395 : vector<16xf32>
      %parallel_loop3A_455 = arith.mulf %parallel_loop3A_453, %parallel_loop3A_454 : vector<16xf32>
      %parallel_loop3A_456 = arith.addf %parallel_loop3A_197, %parallel_loop3A_455 : vector<16xf32>
      scf.yield %parallel_loop3A_456 : vector<16xf32>
    } {sc.loop_unroll_factor = 1 : i64, sc.parallel_access}
    %add3A_143 = arith.constant 448 : i32
    %add3A_144 = arith.addi %mul3A_2, %add3A_143 : i32
    %dma_start3A_145 = arith.constant 0 : i32
    %dma_start3A_146 = tpu.memref_slice %arg2[%add3A_144, %dma_start3A_145] : memref<16384x256xf32, #tpu.memory_space<hbm>> -> memref<64x256xf32, #tpu.memory_space<hbm>>
    %dma_start3A_147 = arith.constant 0 : i32
    %dma_start3A_148 = tpu.memref_slice %arg2[%add3A_144, %dma_start3A_147] : memref<16384x256xf32, #tpu.memory_space<hbm>> -> memref<64x256xf32, #tpu.memory_space<hbm>>
    tpu.enqueue_dma source(%dma_start3A_148 : memref<64x256xf32, #tpu.memory_space<hbm>>) target(%arg7 : memref<64x256xf32, #tpu.memory_space<vmem>>) target_semaphore(%arg15 : memref<!tpu.dma_semaphore, #tpu.memory_space<semaphore_mem>>)
    %dma_start3A_149 = arith.constant 448 : i32
    %dma_start3A_150 = tpu.memref_slice %arg12[%dma_start3A_149] : memref<512xi32, #tpu.memory_space<vmem>> -> memref<64xi32, #tpu.memory_space<vmem>>
    %dma_start3A_151 = arith.constant 0 : i32
    %dma_start3A_152 = arith.constant 0 : i32
    %dma_start3A_153 = tpu.memref_slice %arg4[%dma_start3A_151, %dma_start3A_152] : memref<1024x256xf32, #tpu.memory_space<hbm>> -> memref<1024x256xf32, #tpu.memory_space<hbm>>
    tpu.enqueue_indirect_dma source(%dma_start3A_153 : memref<1024x256xf32, #tpu.memory_space<hbm>>) target(%arg10 : memref<64x256xf32, #tpu.memory_space<vmem>>) offsets(%dma_start3A_150 : memref<64xi32, #tpu.memory_space<vmem>>) semaphore(%arg18 : memref<!tpu.dma_semaphore, #tpu.memory_space<semaphore_mem>>)
    %dma_wait3A_154 = arith.constant 0 : i32
    %dma_wait3A_155 = tpu.memref_slice %arg2[%add3A_96, %dma_wait3A_154] : memref<16384x256xf32, #tpu.memory_space<hbm>> -> memref<64x256xf32, #tpu.memory_space<hbm>>
    %dma_wait3A_156 = arith.constant 0 : i32
    %dma_wait3A_157 = tpu.memref_slice %arg2[%add3A_96, %dma_wait3A_156] : memref<16384x256xf32, #tpu.memory_space<hbm>> -> memref<64x256xf32, #tpu.memory_space<hbm>>
    tpu.wait_dma2 semaphore(%arg16 : memref<!tpu.dma_semaphore, #tpu.memory_space<semaphore_mem>>) src(%dma_wait3A_157 : memref<64x256xf32, #tpu.memory_space<hbm>>) dst(%arg8 : memref<64x256xf32, #tpu.memory_space<vmem>>)
    %dma_wait3A_158 = arith.constant 320 : i32
    %dma_wait3A_159 = tpu.memref_slice %arg12[%dma_wait3A_158] : memref<512xi32, #tpu.memory_space<vmem>> -> memref<64xi32, #tpu.memory_space<vmem>>
    %dma_wait3A_160 = arith.constant 0 : i32
    %dma_wait3A_161 = arith.constant 0 : i32
    %dma_wait3A_162 = tpu.memref_slice %arg4[%dma_wait3A_160, %dma_wait3A_161] : memref<1024x256xf32, #tpu.memory_space<hbm>> -> memref<1024x256xf32, #tpu.memory_space<hbm>>
    tpu.wait_indirect_dma semaphore(%arg19 : memref<!tpu.dma_semaphore, #tpu.memory_space<semaphore_mem>>) src(%dma_wait3A_162 : memref<1024x256xf32, #tpu.memory_space<hbm>>) dst(%arg11 : memref<64x256xf32, #tpu.memory_space<vmem>>)
    %parallel_loop3A_163 = arith.constant 0 : i32
    %parallel_loop3A_164 = arith.constant 64 : i32
    %parallel_loop3A_165 = arith.constant 1 : i32
    %parallel_loop3A_166 = scf.for %parallel_loop3A_196 = %parallel_loop3A_163 to %parallel_loop3A_164 step %parallel_loop3A_165 iter_args(%parallel_loop3A_197 = %parallel_loop3A_142) -> (vector<16xf32>)  : i32 {
      %parallel_loop3A_198 = arith.constant 0.000000e+00 : f32
      %parallel_loop3A_199 = vector.broadcast %parallel_loop3A_198 : f32 to vector<16xf32>
      %parallel_loop3A_200 = arith.constant 0.000000e+00 : f32
      %parallel_loop3A_201 = vector.broadcast %parallel_loop3A_200 : f32 to vector<16xf32>
      %parallel_loop3A_202 = arith.constant 0.000000e+00 : f32
      %parallel_loop3A_203 = vector.broadcast %parallel_loop3A_202 : f32 to vector<16xf32>
      %parallel_loop3A_204 = arith.constant 0.000000e+00 : f32
      %parallel_loop3A_205 = vector.broadcast %parallel_loop3A_204 : f32 to vector<16xf32>
      %parallel_loop3A_206 = arith.index_cast %parallel_loop3A_196 : i32 to index
      %parallel_loop3A_207 = arith.constant 0 : index
      %parallel_loop3A_208 = tpu.vector_load %arg11[%parallel_loop3A_206, %parallel_loop3A_207] {strides = array<i32>} : memref<64x256xf32, #tpu.memory_space<vmem>>, vector<1x16xf32>,
      %parallel_loop3A_209 = vector.shape_cast %parallel_loop3A_208 : vector<1x16xf32> to vector<16xf32>
      %parallel_loop3A_210 = arith.index_cast %parallel_loop3A_196 : i32 to index
      %parallel_loop3A_211 = arith.constant 0 : index
      %parallel_loop3A_212 = tpu.vector_load %arg8[%parallel_loop3A_210, %parallel_loop3A_211] {strides = array<i32>} : memref<64x256xf32, #tpu.memory_space<vmem>>, vector<1x16xf32>,
      %parallel_loop3A_213 = vector.shape_cast %parallel_loop3A_212 : vector<1x16xf32> to vector<16xf32>
      %parallel_loop3A_214 = arith.mulf %parallel_loop3A_213, %parallel_loop3A_209 : vector<16xf32>
      %parallel_loop3A_215 = arith.addf %parallel_loop3A_199, %parallel_loop3A_214 : vector<16xf32>
      %parallel_loop3A_216 = arith.mulf %parallel_loop3A_213, %parallel_loop3A_213 : vector<16xf32>
      %parallel_loop3A_217 = arith.addf %parallel_loop3A_203, %parallel_loop3A_216 : vector<16xf32>
      %parallel_loop3A_218 = arith.index_cast %parallel_loop3A_196 : i32 to index
      %parallel_loop3A_219 = arith.constant 16 : index
      %parallel_loop3A_220 = tpu.vector_load %arg11[%parallel_loop3A_218, %parallel_loop3A_219] {strides = array<i32>} : memref<64x256xf32, #tpu.memory_space<vmem>>, vector<1x16xf32>,
      %parallel_loop3A_221 = vector.shape_cast %parallel_loop3A_220 : vector<1x16xf32> to vector<16xf32>
      %parallel_loop3A_222 = arith.index_cast %parallel_loop3A_196 : i32 to index
      %parallel_loop3A_223 = arith.constant 16 : index
      %parallel_loop3A_224 = tpu.vector_load %arg8[%parallel_loop3A_222, %parallel_loop3A_223] {strides = array<i32>} : memref<64x256xf32, #tpu.memory_space<vmem>>, vector<1x16xf32>,
      %parallel_loop3A_225 = vector.shape_cast %parallel_loop3A_224 : vector<1x16xf32> to vector<16xf32>
      %parallel_loop3A_226 = arith.mulf %parallel_loop3A_225, %parallel_loop3A_221 : vector<16xf32>
      %parallel_loop3A_227 = arith.addf %parallel_loop3A_201, %parallel_loop3A_226 : vector<16xf32>
      %parallel_loop3A_228 = arith.mulf %parallel_loop3A_225, %parallel_loop3A_225 : vector<16xf32>
      %parallel_loop3A_229 = arith.addf %parallel_loop3A_205, %parallel_loop3A_228 : vector<16xf32>
      %parallel_loop3A_230 = arith.index_cast %parallel_loop3A_196 : i32 to index
      %parallel_loop3A_231 = arith.constant 32 : index
      %parallel_loop3A_232 = tpu.vector_load %arg11[%parallel_loop3A_230, %parallel_loop3A_231] {strides = array<i32>} : memref<64x256xf32, #tpu.memory_space<vmem>>, vector<1x16xf32>,
      %parallel_loop3A_233 = vector.shape_cast %parallel_loop3A_232 : vector<1x16xf32> to vector<16xf32>
      %parallel_loop3A_234 = arith.index_cast %parallel_loop3A_196 : i32 to index
      %parallel_loop3A_235 = arith.constant 32 : index
      %parallel_loop3A_236 = tpu.vector_load %arg8[%parallel_loop3A_234, %parallel_loop3A_235] {strides = array<i32>} : memref<64x256xf32, #tpu.memory_space<vmem>>, vector<1x16xf32>,
      %parallel_loop3A_237 = vector.shape_cast %parallel_loop3A_236 : vector<1x16xf32> to vector<16xf32>
      %parallel_loop3A_238 = arith.mulf %parallel_loop3A_237, %parallel_loop3A_233 : vector<16xf32>
      %parallel_loop3A_239 = arith.addf %parallel_loop3A_215, %parallel_loop3A_238 : vector<16xf32>
      %parallel_loop3A_240 = arith.mulf %parallel_loop3A_237, %parallel_loop3A_237 : vector<16xf32>
      %parallel_loop3A_241 = arith.addf %parallel_loop3A_217, %parallel_loop3A_240 : vector<16xf32>
      %parallel_loop3A_242 = arith.index_cast %parallel_loop3A_196 : i32 to index
      %parallel_loop3A_243 = arith.constant 48 : index
      %parallel_loop3A_244 = tpu.vector_load %arg11[%parallel_loop3A_242, %parallel_loop3A_243] {strides = array<i32>} : memref<64x256xf32, #tpu.memory_space<vmem>>, vector<1x16xf32>,
      %parallel_loop3A_245 = vector.shape_cast %parallel_loop3A_244 : vector<1x16xf32> to vector<16xf32>
      %parallel_loop3A_246 = arith.index_cast %parallel_loop3A_196 : i32 to index
      %parallel_loop3A_247 = arith.constant 48 : index
      %parallel_loop3A_248 = tpu.vector_load %arg8[%parallel_loop3A_246, %parallel_loop3A_247] {strides = array<i32>} : memref<64x256xf32, #tpu.memory_space<vmem>>, vector<1x16xf32>,
      %parallel_loop3A_249 = vector.shape_cast %parallel_loop3A_248 : vector<1x16xf32> to vector<16xf32>
      %parallel_loop3A_250 = arith.mulf %parallel_loop3A_249, %parallel_loop3A_245 : vector<16xf32>
      %parallel_loop3A_251 = arith.addf %parallel_loop3A_227, %parallel_loop3A_250 : vector<16xf32>
      %parallel_loop3A_252 = arith.mulf %parallel_loop3A_249, %parallel_loop3A_249 : vector<16xf32>
      %parallel_loop3A_253 = arith.addf %parallel_loop3A_229, %parallel_loop3A_252 : vector<16xf32>
      %parallel_loop3A_254 = arith.index_cast %parallel_loop3A_196 : i32 to index
      %parallel_loop3A_255 = arith.constant 64 : index
      %parallel_loop3A_256 = tpu.vector_load %arg11[%parallel_loop3A_254, %parallel_loop3A_255] {strides = array<i32>} : memref<64x256xf32, #tpu.memory_space<vmem>>, vector<1x16xf32>,
      %parallel_loop3A_257 = vector.shape_cast %parallel_loop3A_256 : vector<1x16xf32> to vector<16xf32>
      %parallel_loop3A_258 = arith.index_cast %parallel_loop3A_196 : i32 to index
      %parallel_loop3A_259 = arith.constant 64 : index
      %parallel_loop3A_260 = tpu.vector_load %arg8[%parallel_loop3A_258, %parallel_loop3A_259] {strides = array<i32>} : memref<64x256xf32, #tpu.memory_space<vmem>>, vector<1x16xf32>,
      %parallel_loop3A_261 = vector.shape_cast %parallel_loop3A_260 : vector<1x16xf32> to vector<16xf32>
      %parallel_loop3A_262 = arith.mulf %parallel_loop3A_261, %parallel_loop3A_257 : vector<16xf32>
      %parallel_loop3A_263 = arith.addf %parallel_loop3A_239, %parallel_loop3A_262 : vector<16xf32>
      %parallel_loop3A_264 = arith.mulf %parallel_loop3A_261, %parallel_loop3A_261 : vector<16xf32>
      %parallel_loop3A_265 = arith.addf %parallel_loop3A_241, %parallel_loop3A_264 : vector<16xf32>
      %parallel_loop3A_266 = arith.index_cast %parallel_loop3A_196 : i32 to index
      %parallel_loop3A_267 = arith.constant 80 : index
      %parallel_loop3A_268 = tpu.vector_load %arg11[%parallel_loop3A_266, %parallel_loop3A_267] {strides = array<i32>} : memref<64x256xf32, #tpu.memory_space<vmem>>, vector<1x16xf32>,
      %parallel_loop3A_269 = vector.shape_cast %parallel_loop3A_268 : vector<1x16xf32> to vector<16xf32>
      %parallel_loop3A_270 = arith.index_cast %parallel_loop3A_196 : i32 to index
      %parallel_loop3A_271 = arith.constant 80 : index
      %parallel_loop3A_272 = tpu.vector_load %arg8[%parallel_loop3A_270, %parallel_loop3A_271] {strides = array<i32>} : memref<64x256xf32, #tpu.memory_space<vmem>>, vector<1x16xf32>,
      %parallel_loop3A_273 = vector.shape_cast %parallel_loop3A_272 : vector<1x16xf32> to vector<16xf32>
      %parallel_loop3A_274 = arith.mulf %parallel_loop3A_273, %parallel_loop3A_269 : vector<16xf32>
      %parallel_loop3A_275 = arith.addf %parallel_loop3A_251, %parallel_loop3A_274 : vector<16xf32>
      %parallel_loop3A_276 = arith.mulf %parallel_loop3A_273, %parallel_loop3A_273 : vector<16xf32>
      %parallel_loop3A_277 = arith.addf %parallel_loop3A_253, %parallel_loop3A_276 : vector<16xf32>
      %parallel_loop3A_278 = arith.index_cast %parallel_loop3A_196 : i32 to index
      %parallel_loop3A_279 = arith.constant 96 : index
      %parallel_loop3A_280 = tpu.vector_load %arg11[%parallel_loop3A_278, %parallel_loop3A_279] {strides = array<i32>} : memref<64x256xf32, #tpu.memory_space<vmem>>, vector<1x16xf32>,
      %parallel_loop3A_281 = vector.shape_cast %parallel_loop3A_280 : vector<1x16xf32> to vector<16xf32>
      %parallel_loop3A_282 = arith.index_cast %parallel_loop3A_196 : i32 to index
      %parallel_loop3A_283 = arith.constant 96 : index
      %parallel_loop3A_284 = tpu.vector_load %arg8[%parallel_loop3A_282, %parallel_loop3A_283] {strides = array<i32>} : memref<64x256xf32, #tpu.memory_space<vmem>>, vector<1x16xf32>,
      %parallel_loop3A_285 = vector.shape_cast %parallel_loop3A_284 : vector<1x16xf32> to vector<16xf32>
      %parallel_loop3A_286 = arith.mulf %parallel_loop3A_285, %parallel_loop3A_281 : vector<16xf32>
      %parallel_loop3A_287 = arith.addf %parallel_loop3A_263, %parallel_loop3A_286 : vector<16xf32>
      %parallel_loop3A_288 = arith.mulf %parallel_loop3A_285, %parallel_loop3A_285 : vector<16xf32>
      %parallel_loop3A_289 = arith.addf %parallel_loop3A_265, %parallel_loop3A_288 : vector<16xf32>
      %parallel_loop3A_290 = arith.index_cast %parallel_loop3A_196 : i32 to index
      %parallel_loop3A_291 = arith.constant 112 : index
      %parallel_loop3A_292 = tpu.vector_load %arg11[%parallel_loop3A_290, %parallel_loop3A_291] {strides = array<i32>} : memref<64x256xf32, #tpu.memory_space<vmem>>, vector<1x16xf32>,
      %parallel_loop3A_293 = vector.shape_cast %parallel_loop3A_292 : vector<1x16xf32> to vector<16xf32>
      %parallel_loop3A_294 = arith.index_cast %parallel_loop3A_196 : i32 to index
      %parallel_loop3A_295 = arith.constant 112 : index
      %parallel_loop3A_296 = tpu.vector_load %arg8[%parallel_loop3A_294, %parallel_loop3A_295] {strides = array<i32>} : memref<64x256xf32, #tpu.memory_space<vmem>>, vector<1x16xf32>,
      %parallel_loop3A_297 = vector.shape_cast %parallel_loop3A_296 : vector<1x16xf32> to vector<16xf32>
      %parallel_loop3A_298 = arith.mulf %parallel_loop3A_297, %parallel_loop3A_293 : vector<16xf32>
      %parallel_loop3A_299 = arith.addf %parallel_loop3A_275, %parallel_loop3A_298 : vector<16xf32>
      %parallel_loop3A_300 = arith.mulf %parallel_loop3A_297, %parallel_loop3A_297 : vector<16xf32>
      %parallel_loop3A_301 = arith.addf %parallel_loop3A_277, %parallel_loop3A_300 : vector<16xf32>
      %parallel_loop3A_302 = arith.index_cast %parallel_loop3A_196 : i32 to index
      %parallel_loop3A_303 = arith.constant 128 : index
      %parallel_loop3A_304 = tpu.vector_load %arg11[%parallel_loop3A_302, %parallel_loop3A_303] {strides = array<i32>} : memref<64x256xf32, #tpu.memory_space<vmem>>, vector<1x16xf32>,
      %parallel_loop3A_305 = vector.shape_cast %parallel_loop3A_304 : vector<1x16xf32> to vector<16xf32>
      %parallel_loop3A_306 = arith.index_cast %parallel_loop3A_196 : i32 to index
      %parallel_loop3A_307 = arith.constant 128 : index
      %parallel_loop3A_308 = tpu.vector_load %arg8[%parallel_loop3A_306, %parallel_loop3A_307] {strides = array<i32>} : memref<64x256xf32, #tpu.memory_space<vmem>>, vector<1x16xf32>,
      %parallel_loop3A_309 = vector.shape_cast %parallel_loop3A_308 : vector<1x16xf32> to vector<16xf32>
      %parallel_loop3A_310 = arith.mulf %parallel_loop3A_309, %parallel_loop3A_305 : vector<16xf32>
      %parallel_loop3A_311 = arith.addf %parallel_loop3A_287, %parallel_loop3A_310 : vector<16xf32>
      %parallel_loop3A_312 = arith.mulf %parallel_loop3A_309, %parallel_loop3A_309 : vector<16xf32>
      %parallel_loop3A_313 = arith.addf %parallel_loop3A_289, %parallel_loop3A_312 : vector<16xf32>
      %parallel_loop3A_314 = arith.index_cast %parallel_loop3A_196 : i32 to index
      %parallel_loop3A_315 = arith.constant 144 : index
      %parallel_loop3A_316 = tpu.vector_load %arg11[%parallel_loop3A_314, %parallel_loop3A_315] {strides = array<i32>} : memref<64x256xf32, #tpu.memory_space<vmem>>, vector<1x16xf32>,
      %parallel_loop3A_317 = vector.shape_cast %parallel_loop3A_316 : vector<1x16xf32> to vector<16xf32>
      %parallel_loop3A_318 = arith.index_cast %parallel_loop3A_196 : i32 to index
      %parallel_loop3A_319 = arith.constant 144 : index
      %parallel_loop3A_320 = tpu.vector_load %arg8[%parallel_loop3A_318, %parallel_loop3A_319] {strides = array<i32>} : memref<64x256xf32, #tpu.memory_space<vmem>>, vector<1x16xf32>,
      %parallel_loop3A_321 = vector.shape_cast %parallel_loop3A_320 : vector<1x16xf32> to vector<16xf32>
      %parallel_loop3A_322 = arith.mulf %parallel_loop3A_321, %parallel_loop3A_317 : vector<16xf32>
      %parallel_loop3A_323 = arith.addf %parallel_loop3A_299, %parallel_loop3A_322 : vector<16xf32>
      %parallel_loop3A_324 = arith.mulf %parallel_loop3A_321, %parallel_loop3A_321 : vector<16xf32>
      %parallel_loop3A_325 = arith.addf %parallel_loop3A_301, %parallel_loop3A_324 : vector<16xf32>
      %parallel_loop3A_326 = arith.index_cast %parallel_loop3A_196 : i32 to index
      %parallel_loop3A_327 = arith.constant 160 : index
      %parallel_loop3A_328 = tpu.vector_load %arg11[%parallel_loop3A_326, %parallel_loop3A_327] {strides = array<i32>} : memref<64x256xf32, #tpu.memory_space<vmem>>, vector<1x16xf32>,
      %parallel_loop3A_329 = vector.shape_cast %parallel_loop3A_328 : vector<1x16xf32> to vector<16xf32>
      %parallel_loop3A_330 = arith.index_cast %parallel_loop3A_196 : i32 to index
      %parallel_loop3A_331 = arith.constant 160 : index
      %parallel_loop3A_332 = tpu.vector_load %arg8[%parallel_loop3A_330, %parallel_loop3A_331] {strides = array<i32>} : memref<64x256xf32, #tpu.memory_space<vmem>>, vector<1x16xf32>,
      %parallel_loop3A_333 = vector.shape_cast %parallel_loop3A_332 : vector<1x16xf32> to vector<16xf32>
      %parallel_loop3A_334 = arith.mulf %parallel_loop3A_333, %parallel_loop3A_329 : vector<16xf32>
      %parallel_loop3A_335 = arith.addf %parallel_loop3A_311, %parallel_loop3A_334 : vector<16xf32>
      %parallel_loop3A_336 = arith.mulf %parallel_loop3A_333, %parallel_loop3A_333 : vector<16xf32>
      %parallel_loop3A_337 = arith.addf %parallel_loop3A_313, %parallel_loop3A_336 : vector<16xf32>
      %parallel_loop3A_338 = arith.index_cast %parallel_loop3A_196 : i32 to index
      %parallel_loop3A_339 = arith.constant 176 : index
      %parallel_loop3A_340 = tpu.vector_load %arg11[%parallel_loop3A_338, %parallel_loop3A_339] {strides = array<i32>} : memref<64x256xf32, #tpu.memory_space<vmem>>, vector<1x16xf32>,
      %parallel_loop3A_341 = vector.shape_cast %parallel_loop3A_340 : vector<1x16xf32> to vector<16xf32>
      %parallel_loop3A_342 = arith.index_cast %parallel_loop3A_196 : i32 to index
      %parallel_loop3A_343 = arith.constant 176 : index
      %parallel_loop3A_344 = tpu.vector_load %arg8[%parallel_loop3A_342, %parallel_loop3A_343] {strides = array<i32>} : memref<64x256xf32, #tpu.memory_space<vmem>>, vector<1x16xf32>,
      %parallel_loop3A_345 = vector.shape_cast %parallel_loop3A_344 : vector<1x16xf32> to vector<16xf32>
      %parallel_loop3A_346 = arith.mulf %parallel_loop3A_345, %parallel_loop3A_341 : vector<16xf32>
      %parallel_loop3A_347 = arith.addf %parallel_loop3A_323, %parallel_loop3A_346 : vector<16xf32>
      %parallel_loop3A_348 = arith.mulf %parallel_loop3A_345, %parallel_loop3A_345 : vector<16xf32>
      %parallel_loop3A_349 = arith.addf %parallel_loop3A_325, %parallel_loop3A_348 : vector<16xf32>
      %parallel_loop3A_350 = arith.index_cast %parallel_loop3A_196 : i32 to index
      %parallel_loop3A_351 = arith.constant 192 : index
      %parallel_loop3A_352 = tpu.vector_load %arg11[%parallel_loop3A_350, %parallel_loop3A_351] {strides = array<i32>} : memref<64x256xf32, #tpu.memory_space<vmem>>, vector<1x16xf32>,
      %parallel_loop3A_353 = vector.shape_cast %parallel_loop3A_352 : vector<1x16xf32> to vector<16xf32>
      %parallel_loop3A_354 = arith.index_cast %parallel_loop3A_196 : i32 to index
      %parallel_loop3A_355 = arith.constant 192 : index
      %parallel_loop3A_356 = tpu.vector_load %arg8[%parallel_loop3A_354, %parallel_loop3A_355] {strides = array<i32>} : memref<64x256xf32, #tpu.memory_space<vmem>>, vector<1x16xf32>,
      %parallel_loop3A_357 = vector.shape_cast %parallel_loop3A_356 : vector<1x16xf32> to vector<16xf32>
      %parallel_loop3A_358 = arith.mulf %parallel_loop3A_357, %parallel_loop3A_353 : vector<16xf32>
      %parallel_loop3A_359 = arith.addf %parallel_loop3A_335, %parallel_loop3A_358 : vector<16xf32>
      %parallel_loop3A_360 = arith.mulf %parallel_loop3A_357, %parallel_loop3A_357 : vector<16xf32>
      %parallel_loop3A_361 = arith.addf %parallel_loop3A_337, %parallel_loop3A_360 : vector<16xf32>
      %parallel_loop3A_362 = arith.index_cast %parallel_loop3A_196 : i32 to index
      %parallel_loop3A_363 = arith.constant 208 : index
      %parallel_loop3A_364 = tpu.vector_load %arg11[%parallel_loop3A_362, %parallel_loop3A_363] {strides = array<i32>} : memref<64x256xf32, #tpu.memory_space<vmem>>, vector<1x16xf32>,
      %parallel_loop3A_365 = vector.shape_cast %parallel_loop3A_364 : vector<1x16xf32> to vector<16xf32>
      %parallel_loop3A_366 = arith.index_cast %parallel_loop3A_196 : i32 to index
      %parallel_loop3A_367 = arith.constant 208 : index
      %parallel_loop3A_368 = tpu.vector_load %arg8[%parallel_loop3A_366, %parallel_loop3A_367] {strides = array<i32>} : memref<64x256xf32, #tpu.memory_space<vmem>>, vector<1x16xf32>,
      %parallel_loop3A_369 = vector.shape_cast %parallel_loop3A_368 : vector<1x16xf32> to vector<16xf32>
      %parallel_loop3A_370 = arith.mulf %parallel_loop3A_369, %parallel_loop3A_365 : vector<16xf32>
      %parallel_loop3A_371 = arith.addf %parallel_loop3A_347, %parallel_loop3A_370 : vector<16xf32>
      %parallel_loop3A_372 = arith.mulf %parallel_loop3A_369, %parallel_loop3A_369 : vector<16xf32>
      %parallel_loop3A_373 = arith.addf %parallel_loop3A_349, %parallel_loop3A_372 : vector<16xf32>
      %parallel_loop3A_374 = arith.index_cast %parallel_loop3A_196 : i32 to index
      %parallel_loop3A_375 = arith.constant 224 : index
      %parallel_loop3A_376 = tpu.vector_load %arg11[%parallel_loop3A_374, %parallel_loop3A_375] {strides = array<i32>} : memref<64x256xf32, #tpu.memory_space<vmem>>, vector<1x16xf32>,
      %parallel_loop3A_377 = vector.shape_cast %parallel_loop3A_376 : vector<1x16xf32> to vector<16xf32>
      %parallel_loop3A_378 = arith.index_cast %parallel_loop3A_196 : i32 to index
      %parallel_loop3A_379 = arith.constant 224 : index
      %parallel_loop3A_380 = tpu.vector_load %arg8[%parallel_loop3A_378, %parallel_loop3A_379] {strides = array<i32>} : memref<64x256xf32, #tpu.memory_space<vmem>>, vector<1x16xf32>,
      %parallel_loop3A_381 = vector.shape_cast %parallel_loop3A_380 : vector<1x16xf32> to vector<16xf32>
      %parallel_loop3A_382 = arith.mulf %parallel_loop3A_381, %parallel_loop3A_377 : vector<16xf32>
      %parallel_loop3A_383 = arith.addf %parallel_loop3A_359, %parallel_loop3A_382 : vector<16xf32>
      %parallel_loop3A_384 = arith.mulf %parallel_loop3A_381, %parallel_loop3A_381 : vector<16xf32>
      %parallel_loop3A_385 = arith.addf %parallel_loop3A_361, %parallel_loop3A_384 : vector<16xf32>
      %parallel_loop3A_386 = arith.index_cast %parallel_loop3A_196 : i32 to index
      %parallel_loop3A_387 = arith.constant 240 : index
      %parallel_loop3A_388 = tpu.vector_load %arg11[%parallel_loop3A_386, %parallel_loop3A_387] {strides = array<i32>} : memref<64x256xf32, #tpu.memory_space<vmem>>, vector<1x16xf32>,
      %parallel_loop3A_389 = vector.shape_cast %parallel_loop3A_388 : vector<1x16xf32> to vector<16xf32>
      %parallel_loop3A_390 = arith.index_cast %parallel_loop3A_196 : i32 to index
      %parallel_loop3A_391 = arith.constant 240 : index
      %parallel_loop3A_392 = tpu.vector_load %arg8[%parallel_loop3A_390, %parallel_loop3A_391] {strides = array<i32>} : memref<64x256xf32, #tpu.memory_space<vmem>>, vector<1x16xf32>,
      %parallel_loop3A_393 = vector.shape_cast %parallel_loop3A_392 : vector<1x16xf32> to vector<16xf32>
      %parallel_loop3A_394 = arith.mulf %parallel_loop3A_393, %parallel_loop3A_389 : vector<16xf32>
      %parallel_loop3A_395 = arith.addf %parallel_loop3A_371, %parallel_loop3A_394 : vector<16xf32>
      %parallel_loop3A_396 = arith.mulf %parallel_loop3A_393, %parallel_loop3A_393 : vector<16xf32>
      %parallel_loop3A_397 = arith.addf %parallel_loop3A_373, %parallel_loop3A_396 : vector<16xf32>
      %parallel_loop3A_398 = arith.addf %parallel_loop3A_385, %parallel_loop3A_397 : vector<16xf32>
      %parallel_loop3A_399 = tpu.iota {dimensions = array<i32: 0>} : vector<16xi32>
      %parallel_loop3A_400 = arith.constant 8 : i32
      %parallel_loop3A_401 = vector.broadcast %parallel_loop3A_400 : i32 to vector<16xi32>
      %parallel_loop3A_402 = arith.xori %parallel_loop3A_399, %parallel_loop3A_401 : vector<16xi32>
      %parallel_loop3A_403 = vector.shape_cast %parallel_loop3A_402 : vector<16xi32> to vector<16x1xi32>
      %parallel_loop3A_404 = vector.shape_cast %parallel_loop3A_403 : vector<16x1xi32> to vector<16xi32>
      %parallel_loop3A_405 = tpu.dynamic_gather %parallel_loop3A_398[%parallel_loop3A_404] in [0] : vector<16xf32>, vector<16xi32> -> vector<16xf32>
      %parallel_loop3A_406 = arith.addf %parallel_loop3A_398, %parallel_loop3A_405 : vector<16xf32>
      %parallel_loop3A_407 = arith.constant 4 : i32
      %parallel_loop3A_408 = vector.broadcast %parallel_loop3A_407 : i32 to vector<16xi32>
      %parallel_loop3A_409 = arith.xori %parallel_loop3A_399, %parallel_loop3A_408 : vector<16xi32>
      %parallel_loop3A_410 = vector.shape_cast %parallel_loop3A_409 : vector<16xi32> to vector<16x1xi32>
      %parallel_loop3A_411 = vector.shape_cast %parallel_loop3A_410 : vector<16x1xi32> to vector<16xi32>
      %parallel_loop3A_412 = tpu.dynamic_gather %parallel_loop3A_406[%parallel_loop3A_411] in [0] : vector<16xf32>, vector<16xi32> -> vector<16xf32>
      %parallel_loop3A_413 = arith.addf %parallel_loop3A_406, %parallel_loop3A_412 : vector<16xf32>
      %parallel_loop3A_414 = arith.constant 2 : i32
      %parallel_loop3A_415 = vector.broadcast %parallel_loop3A_414 : i32 to vector<16xi32>
      %parallel_loop3A_416 = arith.xori %parallel_loop3A_399, %parallel_loop3A_415 : vector<16xi32>
      %parallel_loop3A_417 = vector.shape_cast %parallel_loop3A_416 : vector<16xi32> to vector<16x1xi32>
      %parallel_loop3A_418 = vector.shape_cast %parallel_loop3A_417 : vector<16x1xi32> to vector<16xi32>
      %parallel_loop3A_419 = tpu.dynamic_gather %parallel_loop3A_413[%parallel_loop3A_418] in [0] : vector<16xf32>, vector<16xi32> -> vector<16xf32>
      %parallel_loop3A_420 = arith.addf %parallel_loop3A_413, %parallel_loop3A_419 : vector<16xf32>
      %parallel_loop3A_421 = arith.constant 1 : i32
      %parallel_loop3A_422 = vector.broadcast %parallel_loop3A_421 : i32 to vector<16xi32>
      %parallel_loop3A_423 = arith.xori %parallel_loop3A_399, %parallel_loop3A_422 : vector<16xi32>
      %parallel_loop3A_424 = vector.shape_cast %parallel_loop3A_423 : vector<16xi32> to vector<16x1xi32>
      %parallel_loop3A_425 = vector.shape_cast %parallel_loop3A_424 : vector<16x1xi32> to vector<16xi32>
      %parallel_loop3A_426 = tpu.dynamic_gather %parallel_loop3A_420[%parallel_loop3A_425] in [0] : vector<16xf32>, vector<16xi32> -> vector<16xf32>
      %parallel_loop3A_427 = arith.addf %parallel_loop3A_420, %parallel_loop3A_426 : vector<16xf32>
      %parallel_loop3A_428 = tpu.bitcast %parallel_loop3A_427 : vector<16xf32> -> vector<16xi32>
      %parallel_loop3A_429 = arith.constant 1 : i32
      %parallel_loop3A_430 = vector.broadcast %parallel_loop3A_429 : i32 to vector<16xi32>
      %parallel_loop3A_431 = arith.shrui %parallel_loop3A_428, %parallel_loop3A_430 : vector<16xi32>
      %parallel_loop3A_432 = arith.constant 1597463007 : i32
      %parallel_loop3A_433 = vector.broadcast %parallel_loop3A_432 : i32 to vector<16xi32>
      %parallel_loop3A_434 = arith.subi %parallel_loop3A_433, %parallel_loop3A_431 : vector<16xi32>
      %parallel_loop3A_435 = tpu.bitcast %parallel_loop3A_434 : vector<16xi32> -> vector<16xf32>
      %parallel_loop3A_436 = arith.constant 5.000000e-01 : f32
      %parallel_loop3A_437 = vector.broadcast %parallel_loop3A_436 : f32 to vector<16xf32>
      %parallel_loop3A_438 = arith.mulf %parallel_loop3A_437, %parallel_loop3A_427 : vector<16xf32>
      %parallel_loop3A_439 = arith.mulf %parallel_loop3A_438, %parallel_loop3A_435 : vector<16xf32>
      %parallel_loop3A_440 = arith.mulf %parallel_loop3A_439, %parallel_loop3A_435 : vector<16xf32>
      %parallel_loop3A_441 = arith.constant 1.500000e+00 : f32
      %parallel_loop3A_442 = vector.broadcast %parallel_loop3A_441 : f32 to vector<16xf32>
      %parallel_loop3A_443 = arith.subf %parallel_loop3A_442, %parallel_loop3A_440 : vector<16xf32>
      %parallel_loop3A_444 = arith.mulf %parallel_loop3A_435, %parallel_loop3A_443 : vector<16xf32>
      %parallel_loop3A_445 = arith.constant 5.000000e-01 : f32
      %parallel_loop3A_446 = vector.broadcast %parallel_loop3A_445 : f32 to vector<16xf32>
      %parallel_loop3A_447 = arith.mulf %parallel_loop3A_446, %parallel_loop3A_427 : vector<16xf32>
      %parallel_loop3A_448 = arith.mulf %parallel_loop3A_447, %parallel_loop3A_444 : vector<16xf32>
      %parallel_loop3A_449 = arith.mulf %parallel_loop3A_448, %parallel_loop3A_444 : vector<16xf32>
      %parallel_loop3A_450 = arith.constant 1.500000e+00 : f32
      %parallel_loop3A_451 = vector.broadcast %parallel_loop3A_450 : f32 to vector<16xf32>
      %parallel_loop3A_452 = arith.subf %parallel_loop3A_451, %parallel_loop3A_449 : vector<16xf32>
      %parallel_loop3A_453 = arith.mulf %parallel_loop3A_444, %parallel_loop3A_452 : vector<16xf32>
      %parallel_loop3A_454 = arith.addf %parallel_loop3A_383, %parallel_loop3A_395 : vector<16xf32>
      %parallel_loop3A_455 = arith.mulf %parallel_loop3A_453, %parallel_loop3A_454 : vector<16xf32>
      %parallel_loop3A_456 = arith.addf %parallel_loop3A_197, %parallel_loop3A_455 : vector<16xf32>
      scf.yield %parallel_loop3A_456 : vector<16xf32>
    } {sc.loop_unroll_factor = 1 : i64, sc.parallel_access}
    %dma_wait3A_167 = arith.constant 0 : i32
    %dma_wait3A_168 = tpu.memref_slice %arg2[%add3A_120, %dma_wait3A_167] : memref<16384x256xf32, #tpu.memory_space<hbm>> -> memref<64x256xf32, #tpu.memory_space<hbm>>
    %dma_wait3A_169 = arith.constant 0 : i32
    %dma_wait3A_170 = tpu.memref_slice %arg2[%add3A_120, %dma_wait3A_169] : memref<16384x256xf32, #tpu.memory_space<hbm>> -> memref<64x256xf32, #tpu.memory_space<hbm>>
    tpu.wait_dma2 semaphore(%arg14 : memref<!tpu.dma_semaphore, #tpu.memory_space<semaphore_mem>>) src(%dma_wait3A_170 : memref<64x256xf32, #tpu.memory_space<hbm>>) dst(%arg6 : memref<64x256xf32, #tpu.memory_space<vmem>>)
    %dma_wait3A_171 = arith.constant 384 : i32
    %dma_wait3A_172 = tpu.memref_slice %arg12[%dma_wait3A_171] : memref<512xi32, #tpu.memory_space<vmem>> -> memref<64xi32, #tpu.memory_space<vmem>>
    %dma_wait3A_173 = arith.constant 0 : i32
    %dma_wait3A_174 = arith.constant 0 : i32
    %dma_wait3A_175 = tpu.memref_slice %arg4[%dma_wait3A_173, %dma_wait3A_174] : memref<1024x256xf32, #tpu.memory_space<hbm>> -> memref<1024x256xf32, #tpu.memory_space<hbm>>
    tpu.wait_indirect_dma semaphore(%arg17 : memref<!tpu.dma_semaphore, #tpu.memory_space<semaphore_mem>>) src(%dma_wait3A_175 : memref<1024x256xf32, #tpu.memory_space<hbm>>) dst(%arg9 : memref<64x256xf32, #tpu.memory_space<vmem>>)
    %parallel_loop3A_176 = arith.constant 0 : i32
    %parallel_loop3A_177 = arith.constant 64 : i32
    %parallel_loop3A_178 = arith.constant 1 : i32
    %parallel_loop3A_179 = scf.for %parallel_loop3A_196 = %parallel_loop3A_176 to %parallel_loop3A_177 step %parallel_loop3A_178 iter_args(%parallel_loop3A_197 = %parallel_loop3A_166) -> (vector<16xf32>)  : i32 {
      %parallel_loop3A_198 = arith.constant 0.000000e+00 : f32
      %parallel_loop3A_199 = vector.broadcast %parallel_loop3A_198 : f32 to vector<16xf32>
      %parallel_loop3A_200 = arith.constant 0.000000e+00 : f32
      %parallel_loop3A_201 = vector.broadcast %parallel_loop3A_200 : f32 to vector<16xf32>
      %parallel_loop3A_202 = arith.constant 0.000000e+00 : f32
      %parallel_loop3A_203 = vector.broadcast %parallel_loop3A_202 : f32 to vector<16xf32>
      %parallel_loop3A_204 = arith.constant 0.000000e+00 : f32
      %parallel_loop3A_205 = vector.broadcast %parallel_loop3A_204 : f32 to vector<16xf32>
      %parallel_loop3A_206 = arith.index_cast %parallel_loop3A_196 : i32 to index
      %parallel_loop3A_207 = arith.constant 0 : index
      %parallel_loop3A_208 = tpu.vector_load %arg9[%parallel_loop3A_206, %parallel_loop3A_207] {strides = array<i32>} : memref<64x256xf32, #tpu.memory_space<vmem>>, vector<1x16xf32>,
      %parallel_loop3A_209 = vector.shape_cast %parallel_loop3A_208 : vector<1x16xf32> to vector<16xf32>
      %parallel_loop3A_210 = arith.index_cast %parallel_loop3A_196 : i32 to index
      %parallel_loop3A_211 = arith.constant 0 : index
      %parallel_loop3A_212 = tpu.vector_load %arg6[%parallel_loop3A_210, %parallel_loop3A_211] {strides = array<i32>} : memref<64x256xf32, #tpu.memory_space<vmem>>, vector<1x16xf32>,
      %parallel_loop3A_213 = vector.shape_cast %parallel_loop3A_212 : vector<1x16xf32> to vector<16xf32>
      %parallel_loop3A_214 = arith.mulf %parallel_loop3A_213, %parallel_loop3A_209 : vector<16xf32>
      %parallel_loop3A_215 = arith.addf %parallel_loop3A_199, %parallel_loop3A_214 : vector<16xf32>
      %parallel_loop3A_216 = arith.mulf %parallel_loop3A_213, %parallel_loop3A_213 : vector<16xf32>
      %parallel_loop3A_217 = arith.addf %parallel_loop3A_203, %parallel_loop3A_216 : vector<16xf32>
      %parallel_loop3A_218 = arith.index_cast %parallel_loop3A_196 : i32 to index
      %parallel_loop3A_219 = arith.constant 16 : index
      %parallel_loop3A_220 = tpu.vector_load %arg9[%parallel_loop3A_218, %parallel_loop3A_219] {strides = array<i32>} : memref<64x256xf32, #tpu.memory_space<vmem>>, vector<1x16xf32>,
      %parallel_loop3A_221 = vector.shape_cast %parallel_loop3A_220 : vector<1x16xf32> to vector<16xf32>
      %parallel_loop3A_222 = arith.index_cast %parallel_loop3A_196 : i32 to index
      %parallel_loop3A_223 = arith.constant 16 : index
      %parallel_loop3A_224 = tpu.vector_load %arg6[%parallel_loop3A_222, %parallel_loop3A_223] {strides = array<i32>} : memref<64x256xf32, #tpu.memory_space<vmem>>, vector<1x16xf32>,
      %parallel_loop3A_225 = vector.shape_cast %parallel_loop3A_224 : vector<1x16xf32> to vector<16xf32>
      %parallel_loop3A_226 = arith.mulf %parallel_loop3A_225, %parallel_loop3A_221 : vector<16xf32>
      %parallel_loop3A_227 = arith.addf %parallel_loop3A_201, %parallel_loop3A_226 : vector<16xf32>
      %parallel_loop3A_228 = arith.mulf %parallel_loop3A_225, %parallel_loop3A_225 : vector<16xf32>
      %parallel_loop3A_229 = arith.addf %parallel_loop3A_205, %parallel_loop3A_228 : vector<16xf32>
      %parallel_loop3A_230 = arith.index_cast %parallel_loop3A_196 : i32 to index
      %parallel_loop3A_231 = arith.constant 32 : index
      %parallel_loop3A_232 = tpu.vector_load %arg9[%parallel_loop3A_230, %parallel_loop3A_231] {strides = array<i32>} : memref<64x256xf32, #tpu.memory_space<vmem>>, vector<1x16xf32>,
      %parallel_loop3A_233 = vector.shape_cast %parallel_loop3A_232 : vector<1x16xf32> to vector<16xf32>
      %parallel_loop3A_234 = arith.index_cast %parallel_loop3A_196 : i32 to index
      %parallel_loop3A_235 = arith.constant 32 : index
      %parallel_loop3A_236 = tpu.vector_load %arg6[%parallel_loop3A_234, %parallel_loop3A_235] {strides = array<i32>} : memref<64x256xf32, #tpu.memory_space<vmem>>, vector<1x16xf32>,
      %parallel_loop3A_237 = vector.shape_cast %parallel_loop3A_236 : vector<1x16xf32> to vector<16xf32>
      %parallel_loop3A_238 = arith.mulf %parallel_loop3A_237, %parallel_loop3A_233 : vector<16xf32>
      %parallel_loop3A_239 = arith.addf %parallel_loop3A_215, %parallel_loop3A_238 : vector<16xf32>
      %parallel_loop3A_240 = arith.mulf %parallel_loop3A_237, %parallel_loop3A_237 : vector<16xf32>
      %parallel_loop3A_241 = arith.addf %parallel_loop3A_217, %parallel_loop3A_240 : vector<16xf32>
      %parallel_loop3A_242 = arith.index_cast %parallel_loop3A_196 : i32 to index
      %parallel_loop3A_243 = arith.constant 48 : index
      %parallel_loop3A_244 = tpu.vector_load %arg9[%parallel_loop3A_242, %parallel_loop3A_243] {strides = array<i32>} : memref<64x256xf32, #tpu.memory_space<vmem>>, vector<1x16xf32>,
      %parallel_loop3A_245 = vector.shape_cast %parallel_loop3A_244 : vector<1x16xf32> to vector<16xf32>
      %parallel_loop3A_246 = arith.index_cast %parallel_loop3A_196 : i32 to index
      %parallel_loop3A_247 = arith.constant 48 : index
      %parallel_loop3A_248 = tpu.vector_load %arg6[%parallel_loop3A_246, %parallel_loop3A_247] {strides = array<i32>} : memref<64x256xf32, #tpu.memory_space<vmem>>, vector<1x16xf32>,
      %parallel_loop3A_249 = vector.shape_cast %parallel_loop3A_248 : vector<1x16xf32> to vector<16xf32>
      %parallel_loop3A_250 = arith.mulf %parallel_loop3A_249, %parallel_loop3A_245 : vector<16xf32>
      %parallel_loop3A_251 = arith.addf %parallel_loop3A_227, %parallel_loop3A_250 : vector<16xf32>
      %parallel_loop3A_252 = arith.mulf %parallel_loop3A_249, %parallel_loop3A_249 : vector<16xf32>
      %parallel_loop3A_253 = arith.addf %parallel_loop3A_229, %parallel_loop3A_252 : vector<16xf32>
      %parallel_loop3A_254 = arith.index_cast %parallel_loop3A_196 : i32 to index
      %parallel_loop3A_255 = arith.constant 64 : index
      %parallel_loop3A_256 = tpu.vector_load %arg9[%parallel_loop3A_254, %parallel_loop3A_255] {strides = array<i32>} : memref<64x256xf32, #tpu.memory_space<vmem>>, vector<1x16xf32>,
      %parallel_loop3A_257 = vector.shape_cast %parallel_loop3A_256 : vector<1x16xf32> to vector<16xf32>
      %parallel_loop3A_258 = arith.index_cast %parallel_loop3A_196 : i32 to index
      %parallel_loop3A_259 = arith.constant 64 : index
      %parallel_loop3A_260 = tpu.vector_load %arg6[%parallel_loop3A_258, %parallel_loop3A_259] {strides = array<i32>} : memref<64x256xf32, #tpu.memory_space<vmem>>, vector<1x16xf32>,
      %parallel_loop3A_261 = vector.shape_cast %parallel_loop3A_260 : vector<1x16xf32> to vector<16xf32>
      %parallel_loop3A_262 = arith.mulf %parallel_loop3A_261, %parallel_loop3A_257 : vector<16xf32>
      %parallel_loop3A_263 = arith.addf %parallel_loop3A_239, %parallel_loop3A_262 : vector<16xf32>
      %parallel_loop3A_264 = arith.mulf %parallel_loop3A_261, %parallel_loop3A_261 : vector<16xf32>
      %parallel_loop3A_265 = arith.addf %parallel_loop3A_241, %parallel_loop3A_264 : vector<16xf32>
      %parallel_loop3A_266 = arith.index_cast %parallel_loop3A_196 : i32 to index
      %parallel_loop3A_267 = arith.constant 80 : index
      %parallel_loop3A_268 = tpu.vector_load %arg9[%parallel_loop3A_266, %parallel_loop3A_267] {strides = array<i32>} : memref<64x256xf32, #tpu.memory_space<vmem>>, vector<1x16xf32>,
      %parallel_loop3A_269 = vector.shape_cast %parallel_loop3A_268 : vector<1x16xf32> to vector<16xf32>
      %parallel_loop3A_270 = arith.index_cast %parallel_loop3A_196 : i32 to index
      %parallel_loop3A_271 = arith.constant 80 : index
      %parallel_loop3A_272 = tpu.vector_load %arg6[%parallel_loop3A_270, %parallel_loop3A_271] {strides = array<i32>} : memref<64x256xf32, #tpu.memory_space<vmem>>, vector<1x16xf32>,
      %parallel_loop3A_273 = vector.shape_cast %parallel_loop3A_272 : vector<1x16xf32> to vector<16xf32>
      %parallel_loop3A_274 = arith.mulf %parallel_loop3A_273, %parallel_loop3A_269 : vector<16xf32>
      %parallel_loop3A_275 = arith.addf %parallel_loop3A_251, %parallel_loop3A_274 : vector<16xf32>
      %parallel_loop3A_276 = arith.mulf %parallel_loop3A_273, %parallel_loop3A_273 : vector<16xf32>
      %parallel_loop3A_277 = arith.addf %parallel_loop3A_253, %parallel_loop3A_276 : vector<16xf32>
      %parallel_loop3A_278 = arith.index_cast %parallel_loop3A_196 : i32 to index
      %parallel_loop3A_279 = arith.constant 96 : index
      %parallel_loop3A_280 = tpu.vector_load %arg9[%parallel_loop3A_278, %parallel_loop3A_279] {strides = array<i32>} : memref<64x256xf32, #tpu.memory_space<vmem>>, vector<1x16xf32>,
      %parallel_loop3A_281 = vector.shape_cast %parallel_loop3A_280 : vector<1x16xf32> to vector<16xf32>
      %parallel_loop3A_282 = arith.index_cast %parallel_loop3A_196 : i32 to index
      %parallel_loop3A_283 = arith.constant 96 : index
      %parallel_loop3A_284 = tpu.vector_load %arg6[%parallel_loop3A_282, %parallel_loop3A_283] {strides = array<i32>} : memref<64x256xf32, #tpu.memory_space<vmem>>, vector<1x16xf32>,
      %parallel_loop3A_285 = vector.shape_cast %parallel_loop3A_284 : vector<1x16xf32> to vector<16xf32>
      %parallel_loop3A_286 = arith.mulf %parallel_loop3A_285, %parallel_loop3A_281 : vector<16xf32>
      %parallel_loop3A_287 = arith.addf %parallel_loop3A_263, %parallel_loop3A_286 : vector<16xf32>
      %parallel_loop3A_288 = arith.mulf %parallel_loop3A_285, %parallel_loop3A_285 : vector<16xf32>
      %parallel_loop3A_289 = arith.addf %parallel_loop3A_265, %parallel_loop3A_288 : vector<16xf32>
      %parallel_loop3A_290 = arith.index_cast %parallel_loop3A_196 : i32 to index
      %parallel_loop3A_291 = arith.constant 112 : index
      %parallel_loop3A_292 = tpu.vector_load %arg9[%parallel_loop3A_290, %parallel_loop3A_291] {strides = array<i32>} : memref<64x256xf32, #tpu.memory_space<vmem>>, vector<1x16xf32>,
      %parallel_loop3A_293 = vector.shape_cast %parallel_loop3A_292 : vector<1x16xf32> to vector<16xf32>
      %parallel_loop3A_294 = arith.index_cast %parallel_loop3A_196 : i32 to index
      %parallel_loop3A_295 = arith.constant 112 : index
      %parallel_loop3A_296 = tpu.vector_load %arg6[%parallel_loop3A_294, %parallel_loop3A_295] {strides = array<i32>} : memref<64x256xf32, #tpu.memory_space<vmem>>, vector<1x16xf32>,
      %parallel_loop3A_297 = vector.shape_cast %parallel_loop3A_296 : vector<1x16xf32> to vector<16xf32>
      %parallel_loop3A_298 = arith.mulf %parallel_loop3A_297, %parallel_loop3A_293 : vector<16xf32>
      %parallel_loop3A_299 = arith.addf %parallel_loop3A_275, %parallel_loop3A_298 : vector<16xf32>
      %parallel_loop3A_300 = arith.mulf %parallel_loop3A_297, %parallel_loop3A_297 : vector<16xf32>
      %parallel_loop3A_301 = arith.addf %parallel_loop3A_277, %parallel_loop3A_300 : vector<16xf32>
      %parallel_loop3A_302 = arith.index_cast %parallel_loop3A_196 : i32 to index
      %parallel_loop3A_303 = arith.constant 128 : index
      %parallel_loop3A_304 = tpu.vector_load %arg9[%parallel_loop3A_302, %parallel_loop3A_303] {strides = array<i32>} : memref<64x256xf32, #tpu.memory_space<vmem>>, vector<1x16xf32>,
      %parallel_loop3A_305 = vector.shape_cast %parallel_loop3A_304 : vector<1x16xf32> to vector<16xf32>
      %parallel_loop3A_306 = arith.index_cast %parallel_loop3A_196 : i32 to index
      %parallel_loop3A_307 = arith.constant 128 : index
      %parallel_loop3A_308 = tpu.vector_load %arg6[%parallel_loop3A_306, %parallel_loop3A_307] {strides = array<i32>} : memref<64x256xf32, #tpu.memory_space<vmem>>, vector<1x16xf32>,
      %parallel_loop3A_309 = vector.shape_cast %parallel_loop3A_308 : vector<1x16xf32> to vector<16xf32>
      %parallel_loop3A_310 = arith.mulf %parallel_loop3A_309, %parallel_loop3A_305 : vector<16xf32>
      %parallel_loop3A_311 = arith.addf %parallel_loop3A_287, %parallel_loop3A_310 : vector<16xf32>
      %parallel_loop3A_312 = arith.mulf %parallel_loop3A_309, %parallel_loop3A_309 : vector<16xf32>
      %parallel_loop3A_313 = arith.addf %parallel_loop3A_289, %parallel_loop3A_312 : vector<16xf32>
      %parallel_loop3A_314 = arith.index_cast %parallel_loop3A_196 : i32 to index
      %parallel_loop3A_315 = arith.constant 144 : index
      %parallel_loop3A_316 = tpu.vector_load %arg9[%parallel_loop3A_314, %parallel_loop3A_315] {strides = array<i32>} : memref<64x256xf32, #tpu.memory_space<vmem>>, vector<1x16xf32>,
      %parallel_loop3A_317 = vector.shape_cast %parallel_loop3A_316 : vector<1x16xf32> to vector<16xf32>
      %parallel_loop3A_318 = arith.index_cast %parallel_loop3A_196 : i32 to index
      %parallel_loop3A_319 = arith.constant 144 : index
      %parallel_loop3A_320 = tpu.vector_load %arg6[%parallel_loop3A_318, %parallel_loop3A_319] {strides = array<i32>} : memref<64x256xf32, #tpu.memory_space<vmem>>, vector<1x16xf32>,
      %parallel_loop3A_321 = vector.shape_cast %parallel_loop3A_320 : vector<1x16xf32> to vector<16xf32>
      %parallel_loop3A_322 = arith.mulf %parallel_loop3A_321, %parallel_loop3A_317 : vector<16xf32>
      %parallel_loop3A_323 = arith.addf %parallel_loop3A_299, %parallel_loop3A_322 : vector<16xf32>
      %parallel_loop3A_324 = arith.mulf %parallel_loop3A_321, %parallel_loop3A_321 : vector<16xf32>
      %parallel_loop3A_325 = arith.addf %parallel_loop3A_301, %parallel_loop3A_324 : vector<16xf32>
      %parallel_loop3A_326 = arith.index_cast %parallel_loop3A_196 : i32 to index
      %parallel_loop3A_327 = arith.constant 160 : index
      %parallel_loop3A_328 = tpu.vector_load %arg9[%parallel_loop3A_326, %parallel_loop3A_327] {strides = array<i32>} : memref<64x256xf32, #tpu.memory_space<vmem>>, vector<1x16xf32>,
      %parallel_loop3A_329 = vector.shape_cast %parallel_loop3A_328 : vector<1x16xf32> to vector<16xf32>
      %parallel_loop3A_330 = arith.index_cast %parallel_loop3A_196 : i32 to index
      %parallel_loop3A_331 = arith.constant 160 : index
      %parallel_loop3A_332 = tpu.vector_load %arg6[%parallel_loop3A_330, %parallel_loop3A_331] {strides = array<i32>} : memref<64x256xf32, #tpu.memory_space<vmem>>, vector<1x16xf32>,
      %parallel_loop3A_333 = vector.shape_cast %parallel_loop3A_332 : vector<1x16xf32> to vector<16xf32>
      %parallel_loop3A_334 = arith.mulf %parallel_loop3A_333, %parallel_loop3A_329 : vector<16xf32>
      %parallel_loop3A_335 = arith.addf %parallel_loop3A_311, %parallel_loop3A_334 : vector<16xf32>
      %parallel_loop3A_336 = arith.mulf %parallel_loop3A_333, %parallel_loop3A_333 : vector<16xf32>
      %parallel_loop3A_337 = arith.addf %parallel_loop3A_313, %parallel_loop3A_336 : vector<16xf32>
      %parallel_loop3A_338 = arith.index_cast %parallel_loop3A_196 : i32 to index
      %parallel_loop3A_339 = arith.constant 176 : index
      %parallel_loop3A_340 = tpu.vector_load %arg9[%parallel_loop3A_338, %parallel_loop3A_339] {strides = array<i32>} : memref<64x256xf32, #tpu.memory_space<vmem>>, vector<1x16xf32>,
      %parallel_loop3A_341 = vector.shape_cast %parallel_loop3A_340 : vector<1x16xf32> to vector<16xf32>
      %parallel_loop3A_342 = arith.index_cast %parallel_loop3A_196 : i32 to index
      %parallel_loop3A_343 = arith.constant 176 : index
      %parallel_loop3A_344 = tpu.vector_load %arg6[%parallel_loop3A_342, %parallel_loop3A_343] {strides = array<i32>} : memref<64x256xf32, #tpu.memory_space<vmem>>, vector<1x16xf32>,
      %parallel_loop3A_345 = vector.shape_cast %parallel_loop3A_344 : vector<1x16xf32> to vector<16xf32>
      %parallel_loop3A_346 = arith.mulf %parallel_loop3A_345, %parallel_loop3A_341 : vector<16xf32>
      %parallel_loop3A_347 = arith.addf %parallel_loop3A_323, %parallel_loop3A_346 : vector<16xf32>
      %parallel_loop3A_348 = arith.mulf %parallel_loop3A_345, %parallel_loop3A_345 : vector<16xf32>
      %parallel_loop3A_349 = arith.addf %parallel_loop3A_325, %parallel_loop3A_348 : vector<16xf32>
      %parallel_loop3A_350 = arith.index_cast %parallel_loop3A_196 : i32 to index
      %parallel_loop3A_351 = arith.constant 192 : index
      %parallel_loop3A_352 = tpu.vector_load %arg9[%parallel_loop3A_350, %parallel_loop3A_351] {strides = array<i32>} : memref<64x256xf32, #tpu.memory_space<vmem>>, vector<1x16xf32>,
      %parallel_loop3A_353 = vector.shape_cast %parallel_loop3A_352 : vector<1x16xf32> to vector<16xf32>
      %parallel_loop3A_354 = arith.index_cast %parallel_loop3A_196 : i32 to index
      %parallel_loop3A_355 = arith.constant 192 : index
      %parallel_loop3A_356 = tpu.vector_load %arg6[%parallel_loop3A_354, %parallel_loop3A_355] {strides = array<i32>} : memref<64x256xf32, #tpu.memory_space<vmem>>, vector<1x16xf32>,
      %parallel_loop3A_357 = vector.shape_cast %parallel_loop3A_356 : vector<1x16xf32> to vector<16xf32>
      %parallel_loop3A_358 = arith.mulf %parallel_loop3A_357, %parallel_loop3A_353 : vector<16xf32>
      %parallel_loop3A_359 = arith.addf %parallel_loop3A_335, %parallel_loop3A_358 : vector<16xf32>
      %parallel_loop3A_360 = arith.mulf %parallel_loop3A_357, %parallel_loop3A_357 : vector<16xf32>
      %parallel_loop3A_361 = arith.addf %parallel_loop3A_337, %parallel_loop3A_360 : vector<16xf32>
      %parallel_loop3A_362 = arith.index_cast %parallel_loop3A_196 : i32 to index
      %parallel_loop3A_363 = arith.constant 208 : index
      %parallel_loop3A_364 = tpu.vector_load %arg9[%parallel_loop3A_362, %parallel_loop3A_363] {strides = array<i32>} : memref<64x256xf32, #tpu.memory_space<vmem>>, vector<1x16xf32>,
      %parallel_loop3A_365 = vector.shape_cast %parallel_loop3A_364 : vector<1x16xf32> to vector<16xf32>
      %parallel_loop3A_366 = arith.index_cast %parallel_loop3A_196 : i32 to index
      %parallel_loop3A_367 = arith.constant 208 : index
      %parallel_loop3A_368 = tpu.vector_load %arg6[%parallel_loop3A_366, %parallel_loop3A_367] {strides = array<i32>} : memref<64x256xf32, #tpu.memory_space<vmem>>, vector<1x16xf32>,
      %parallel_loop3A_369 = vector.shape_cast %parallel_loop3A_368 : vector<1x16xf32> to vector<16xf32>
      %parallel_loop3A_370 = arith.mulf %parallel_loop3A_369, %parallel_loop3A_365 : vector<16xf32>
      %parallel_loop3A_371 = arith.addf %parallel_loop3A_347, %parallel_loop3A_370 : vector<16xf32>
      %parallel_loop3A_372 = arith.mulf %parallel_loop3A_369, %parallel_loop3A_369 : vector<16xf32>
      %parallel_loop3A_373 = arith.addf %parallel_loop3A_349, %parallel_loop3A_372 : vector<16xf32>
      %parallel_loop3A_374 = arith.index_cast %parallel_loop3A_196 : i32 to index
      %parallel_loop3A_375 = arith.constant 224 : index
      %parallel_loop3A_376 = tpu.vector_load %arg9[%parallel_loop3A_374, %parallel_loop3A_375] {strides = array<i32>} : memref<64x256xf32, #tpu.memory_space<vmem>>, vector<1x16xf32>,
      %parallel_loop3A_377 = vector.shape_cast %parallel_loop3A_376 : vector<1x16xf32> to vector<16xf32>
      %parallel_loop3A_378 = arith.index_cast %parallel_loop3A_196 : i32 to index
      %parallel_loop3A_379 = arith.constant 224 : index
      %parallel_loop3A_380 = tpu.vector_load %arg6[%parallel_loop3A_378, %parallel_loop3A_379] {strides = array<i32>} : memref<64x256xf32, #tpu.memory_space<vmem>>, vector<1x16xf32>,
      %parallel_loop3A_381 = vector.shape_cast %parallel_loop3A_380 : vector<1x16xf32> to vector<16xf32>
      %parallel_loop3A_382 = arith.mulf %parallel_loop3A_381, %parallel_loop3A_377 : vector<16xf32>
      %parallel_loop3A_383 = arith.addf %parallel_loop3A_359, %parallel_loop3A_382 : vector<16xf32>
      %parallel_loop3A_384 = arith.mulf %parallel_loop3A_381, %parallel_loop3A_381 : vector<16xf32>
      %parallel_loop3A_385 = arith.addf %parallel_loop3A_361, %parallel_loop3A_384 : vector<16xf32>
      %parallel_loop3A_386 = arith.index_cast %parallel_loop3A_196 : i32 to index
      %parallel_loop3A_387 = arith.constant 240 : index
      %parallel_loop3A_388 = tpu.vector_load %arg9[%parallel_loop3A_386, %parallel_loop3A_387] {strides = array<i32>} : memref<64x256xf32, #tpu.memory_space<vmem>>, vector<1x16xf32>,
      %parallel_loop3A_389 = vector.shape_cast %parallel_loop3A_388 : vector<1x16xf32> to vector<16xf32>
      %parallel_loop3A_390 = arith.index_cast %parallel_loop3A_196 : i32 to index
      %parallel_loop3A_391 = arith.constant 240 : index
      %parallel_loop3A_392 = tpu.vector_load %arg6[%parallel_loop3A_390, %parallel_loop3A_391] {strides = array<i32>} : memref<64x256xf32, #tpu.memory_space<vmem>>, vector<1x16xf32>,
      %parallel_loop3A_393 = vector.shape_cast %parallel_loop3A_392 : vector<1x16xf32> to vector<16xf32>
      %parallel_loop3A_394 = arith.mulf %parallel_loop3A_393, %parallel_loop3A_389 : vector<16xf32>
      %parallel_loop3A_395 = arith.addf %parallel_loop3A_371, %parallel_loop3A_394 : vector<16xf32>
      %parallel_loop3A_396 = arith.mulf %parallel_loop3A_393, %parallel_loop3A_393 : vector<16xf32>
      %parallel_loop3A_397 = arith.addf %parallel_loop3A_373, %parallel_loop3A_396 : vector<16xf32>
      %parallel_loop3A_398 = arith.addf %parallel_loop3A_385, %parallel_loop3A_397 : vector<16xf32>
      %parallel_loop3A_399 = tpu.iota {dimensions = array<i32: 0>} : vector<16xi32>
      %parallel_loop3A_400 = arith.constant 8 : i32
      %parallel_loop3A_401 = vector.broadcast %parallel_loop3A_400 : i32 to vector<16xi32>
      %parallel_loop3A_402 = arith.xori %parallel_loop3A_399, %parallel_loop3A_401 : vector<16xi32>
      %parallel_loop3A_403 = vector.shape_cast %parallel_loop3A_402 : vector<16xi32> to vector<16x1xi32>
      %parallel_loop3A_404 = vector.shape_cast %parallel_loop3A_403 : vector<16x1xi32> to vector<16xi32>
      %parallel_loop3A_405 = tpu.dynamic_gather %parallel_loop3A_398[%parallel_loop3A_404] in [0] : vector<16xf32>, vector<16xi32> -> vector<16xf32>
      %parallel_loop3A_406 = arith.addf %parallel_loop3A_398, %parallel_loop3A_405 : vector<16xf32>
      %parallel_loop3A_407 = arith.constant 4 : i32
      %parallel_loop3A_408 = vector.broadcast %parallel_loop3A_407 : i32 to vector<16xi32>
      %parallel_loop3A_409 = arith.xori %parallel_loop3A_399, %parallel_loop3A_408 : vector<16xi32>
      %parallel_loop3A_410 = vector.shape_cast %parallel_loop3A_409 : vector<16xi32> to vector<16x1xi32>
      %parallel_loop3A_411 = vector.shape_cast %parallel_loop3A_410 : vector<16x1xi32> to vector<16xi32>
      %parallel_loop3A_412 = tpu.dynamic_gather %parallel_loop3A_406[%parallel_loop3A_411] in [0] : vector<16xf32>, vector<16xi32> -> vector<16xf32>
      %parallel_loop3A_413 = arith.addf %parallel_loop3A_406, %parallel_loop3A_412 : vector<16xf32>
      %parallel_loop3A_414 = arith.constant 2 : i32
      %parallel_loop3A_415 = vector.broadcast %parallel_loop3A_414 : i32 to vector<16xi32>
      %parallel_loop3A_416 = arith.xori %parallel_loop3A_399, %parallel_loop3A_415 : vector<16xi32>
      %parallel_loop3A_417 = vector.shape_cast %parallel_loop3A_416 : vector<16xi32> to vector<16x1xi32>
      %parallel_loop3A_418 = vector.shape_cast %parallel_loop3A_417 : vector<16x1xi32> to vector<16xi32>
      %parallel_loop3A_419 = tpu.dynamic_gather %parallel_loop3A_413[%parallel_loop3A_418] in [0] : vector<16xf32>, vector<16xi32> -> vector<16xf32>
      %parallel_loop3A_420 = arith.addf %parallel_loop3A_413, %parallel_loop3A_419 : vector<16xf32>
      %parallel_loop3A_421 = arith.constant 1 : i32
      %parallel_loop3A_422 = vector.broadcast %parallel_loop3A_421 : i32 to vector<16xi32>
      %parallel_loop3A_423 = arith.xori %parallel_loop3A_399, %parallel_loop3A_422 : vector<16xi32>
      %parallel_loop3A_424 = vector.shape_cast %parallel_loop3A_423 : vector<16xi32> to vector<16x1xi32>
      %parallel_loop3A_425 = vector.shape_cast %parallel_loop3A_424 : vector<16x1xi32> to vector<16xi32>
      %parallel_loop3A_426 = tpu.dynamic_gather %parallel_loop3A_420[%parallel_loop3A_425] in [0] : vector<16xf32>, vector<16xi32> -> vector<16xf32>
      %parallel_loop3A_427 = arith.addf %parallel_loop3A_420, %parallel_loop3A_426 : vector<16xf32>
      %parallel_loop3A_428 = tpu.bitcast %parallel_loop3A_427 : vector<16xf32> -> vector<16xi32>
      %parallel_loop3A_429 = arith.constant 1 : i32
      %parallel_loop3A_430 = vector.broadcast %parallel_loop3A_429 : i32 to vector<16xi32>
      %parallel_loop3A_431 = arith.shrui %parallel_loop3A_428, %parallel_loop3A_430 : vector<16xi32>
      %parallel_loop3A_432 = arith.constant 1597463007 : i32
      %parallel_loop3A_433 = vector.broadcast %parallel_loop3A_432 : i32 to vector<16xi32>
      %parallel_loop3A_434 = arith.subi %parallel_loop3A_433, %parallel_loop3A_431 : vector<16xi32>
      %parallel_loop3A_435 = tpu.bitcast %parallel_loop3A_434 : vector<16xi32> -> vector<16xf32>
      %parallel_loop3A_436 = arith.constant 5.000000e-01 : f32
      %parallel_loop3A_437 = vector.broadcast %parallel_loop3A_436 : f32 to vector<16xf32>
      %parallel_loop3A_438 = arith.mulf %parallel_loop3A_437, %parallel_loop3A_427 : vector<16xf32>
      %parallel_loop3A_439 = arith.mulf %parallel_loop3A_438, %parallel_loop3A_435 : vector<16xf32>
      %parallel_loop3A_440 = arith.mulf %parallel_loop3A_439, %parallel_loop3A_435 : vector<16xf32>
      %parallel_loop3A_441 = arith.constant 1.500000e+00 : f32
      %parallel_loop3A_442 = vector.broadcast %parallel_loop3A_441 : f32 to vector<16xf32>
      %parallel_loop3A_443 = arith.subf %parallel_loop3A_442, %parallel_loop3A_440 : vector<16xf32>
      %parallel_loop3A_444 = arith.mulf %parallel_loop3A_435, %parallel_loop3A_443 : vector<16xf32>
      %parallel_loop3A_445 = arith.constant 5.000000e-01 : f32
      %parallel_loop3A_446 = vector.broadcast %parallel_loop3A_445 : f32 to vector<16xf32>
      %parallel_loop3A_447 = arith.mulf %parallel_loop3A_446, %parallel_loop3A_427 : vector<16xf32>
      %parallel_loop3A_448 = arith.mulf %parallel_loop3A_447, %parallel_loop3A_444 : vector<16xf32>
      %parallel_loop3A_449 = arith.mulf %parallel_loop3A_448, %parallel_loop3A_444 : vector<16xf32>
      %parallel_loop3A_450 = arith.constant 1.500000e+00 : f32
      %parallel_loop3A_451 = vector.broadcast %parallel_loop3A_450 : f32 to vector<16xf32>
      %parallel_loop3A_452 = arith.subf %parallel_loop3A_451, %parallel_loop3A_449 : vector<16xf32>
      %parallel_loop3A_453 = arith.mulf %parallel_loop3A_444, %parallel_loop3A_452 : vector<16xf32>
      %parallel_loop3A_454 = arith.addf %parallel_loop3A_383, %parallel_loop3A_395 : vector<16xf32>
      %parallel_loop3A_455 = arith.mulf %parallel_loop3A_453, %parallel_loop3A_454 : vector<16xf32>
      %parallel_loop3A_456 = arith.addf %parallel_loop3A_197, %parallel_loop3A_455 : vector<16xf32>
      scf.yield %parallel_loop3A_456 : vector<16xf32>
    } {sc.loop_unroll_factor = 1 : i64, sc.parallel_access}
    %dma_wait3A_180 = arith.constant 0 : i32
    %dma_wait3A_181 = tpu.memref_slice %arg2[%add3A_144, %dma_wait3A_180] : memref<16384x256xf32, #tpu.memory_space<hbm>> -> memref<64x256xf32, #tpu.memory_space<hbm>>
    %dma_wait3A_182 = arith.constant 0 : i32
    %dma_wait3A_183 = tpu.memref_slice %arg2[%add3A_144, %dma_wait3A_182] : memref<16384x256xf32, #tpu.memory_space<hbm>> -> memref<64x256xf32, #tpu.memory_space<hbm>>
    tpu.wait_dma2 semaphore(%arg15 : memref<!tpu.dma_semaphore, #tpu.memory_space<semaphore_mem>>) src(%dma_wait3A_183 : memref<64x256xf32, #tpu.memory_space<hbm>>) dst(%arg7 : memref<64x256xf32, #tpu.memory_space<vmem>>)
    %dma_wait3A_184 = arith.constant 448 : i32
    %dma_wait3A_185 = tpu.memref_slice %arg12[%dma_wait3A_184] : memref<512xi32, #tpu.memory_space<vmem>> -> memref<64xi32, #tpu.memory_space<vmem>>
    %dma_wait3A_186 = arith.constant 0 : i32
    %dma_wait3A_187 = arith.constant 0 : i32
    %dma_wait3A_188 = tpu.memref_slice %arg4[%dma_wait3A_186, %dma_wait3A_187] : memref<1024x256xf32, #tpu.memory_space<hbm>> -> memref<1024x256xf32, #tpu.memory_space<hbm>>
    tpu.wait_indirect_dma semaphore(%arg18 : memref<!tpu.dma_semaphore, #tpu.memory_space<semaphore_mem>>) src(%dma_wait3A_188 : memref<1024x256xf32, #tpu.memory_space<hbm>>) dst(%arg10 : memref<64x256xf32, #tpu.memory_space<vmem>>)
    %parallel_loop3A_189 = arith.constant 0 : i32
    %parallel_loop3A_190 = arith.constant 64 : i32
    %parallel_loop3A_191 = arith.constant 1 : i32
    %parallel_loop3A_192 = scf.for %parallel_loop3A_196 = %parallel_loop3A_189 to %parallel_loop3A_190 step %parallel_loop3A_191 iter_args(%parallel_loop3A_197 = %parallel_loop3A_179) -> (vector<16xf32>)  : i32 {
      %parallel_loop3A_198 = arith.constant 0.000000e+00 : f32
      %parallel_loop3A_199 = vector.broadcast %parallel_loop3A_198 : f32 to vector<16xf32>
      %parallel_loop3A_200 = arith.constant 0.000000e+00 : f32
      %parallel_loop3A_201 = vector.broadcast %parallel_loop3A_200 : f32 to vector<16xf32>
      %parallel_loop3A_202 = arith.constant 0.000000e+00 : f32
      %parallel_loop3A_203 = vector.broadcast %parallel_loop3A_202 : f32 to vector<16xf32>
      %parallel_loop3A_204 = arith.constant 0.000000e+00 : f32
      %parallel_loop3A_205 = vector.broadcast %parallel_loop3A_204 : f32 to vector<16xf32>
      %parallel_loop3A_206 = arith.index_cast %parallel_loop3A_196 : i32 to index
      %parallel_loop3A_207 = arith.constant 0 : index
      %parallel_loop3A_208 = tpu.vector_load %arg10[%parallel_loop3A_206, %parallel_loop3A_207] {strides = array<i32>} : memref<64x256xf32, #tpu.memory_space<vmem>>, vector<1x16xf32>,
      %parallel_loop3A_209 = vector.shape_cast %parallel_loop3A_208 : vector<1x16xf32> to vector<16xf32>
      %parallel_loop3A_210 = arith.index_cast %parallel_loop3A_196 : i32 to index
      %parallel_loop3A_211 = arith.constant 0 : index
      %parallel_loop3A_212 = tpu.vector_load %arg7[%parallel_loop3A_210, %parallel_loop3A_211] {strides = array<i32>} : memref<64x256xf32, #tpu.memory_space<vmem>>, vector<1x16xf32>,
      %parallel_loop3A_213 = vector.shape_cast %parallel_loop3A_212 : vector<1x16xf32> to vector<16xf32>
      %parallel_loop3A_214 = arith.mulf %parallel_loop3A_213, %parallel_loop3A_209 : vector<16xf32>
      %parallel_loop3A_215 = arith.addf %parallel_loop3A_199, %parallel_loop3A_214 : vector<16xf32>
      %parallel_loop3A_216 = arith.mulf %parallel_loop3A_213, %parallel_loop3A_213 : vector<16xf32>
      %parallel_loop3A_217 = arith.addf %parallel_loop3A_203, %parallel_loop3A_216 : vector<16xf32>
      %parallel_loop3A_218 = arith.index_cast %parallel_loop3A_196 : i32 to index
      %parallel_loop3A_219 = arith.constant 16 : index
      %parallel_loop3A_220 = tpu.vector_load %arg10[%parallel_loop3A_218, %parallel_loop3A_219] {strides = array<i32>} : memref<64x256xf32, #tpu.memory_space<vmem>>, vector<1x16xf32>,
      %parallel_loop3A_221 = vector.shape_cast %parallel_loop3A_220 : vector<1x16xf32> to vector<16xf32>
      %parallel_loop3A_222 = arith.index_cast %parallel_loop3A_196 : i32 to index
      %parallel_loop3A_223 = arith.constant 16 : index
      %parallel_loop3A_224 = tpu.vector_load %arg7[%parallel_loop3A_222, %parallel_loop3A_223] {strides = array<i32>} : memref<64x256xf32, #tpu.memory_space<vmem>>, vector<1x16xf32>,
      %parallel_loop3A_225 = vector.shape_cast %parallel_loop3A_224 : vector<1x16xf32> to vector<16xf32>
      %parallel_loop3A_226 = arith.mulf %parallel_loop3A_225, %parallel_loop3A_221 : vector<16xf32>
      %parallel_loop3A_227 = arith.addf %parallel_loop3A_201, %parallel_loop3A_226 : vector<16xf32>
      %parallel_loop3A_228 = arith.mulf %parallel_loop3A_225, %parallel_loop3A_225 : vector<16xf32>
      %parallel_loop3A_229 = arith.addf %parallel_loop3A_205, %parallel_loop3A_228 : vector<16xf32>
      %parallel_loop3A_230 = arith.index_cast %parallel_loop3A_196 : i32 to index
      %parallel_loop3A_231 = arith.constant 32 : index
      %parallel_loop3A_232 = tpu.vector_load %arg10[%parallel_loop3A_230, %parallel_loop3A_231] {strides = array<i32>} : memref<64x256xf32, #tpu.memory_space<vmem>>, vector<1x16xf32>,
      %parallel_loop3A_233 = vector.shape_cast %parallel_loop3A_232 : vector<1x16xf32> to vector<16xf32>
      %parallel_loop3A_234 = arith.index_cast %parallel_loop3A_196 : i32 to index
      %parallel_loop3A_235 = arith.constant 32 : index
      %parallel_loop3A_236 = tpu.vector_load %arg7[%parallel_loop3A_234, %parallel_loop3A_235] {strides = array<i32>} : memref<64x256xf32, #tpu.memory_space<vmem>>, vector<1x16xf32>,
      %parallel_loop3A_237 = vector.shape_cast %parallel_loop3A_236 : vector<1x16xf32> to vector<16xf32>
      %parallel_loop3A_238 = arith.mulf %parallel_loop3A_237, %parallel_loop3A_233 : vector<16xf32>
      %parallel_loop3A_239 = arith.addf %parallel_loop3A_215, %parallel_loop3A_238 : vector<16xf32>
      %parallel_loop3A_240 = arith.mulf %parallel_loop3A_237, %parallel_loop3A_237 : vector<16xf32>
      %parallel_loop3A_241 = arith.addf %parallel_loop3A_217, %parallel_loop3A_240 : vector<16xf32>
      %parallel_loop3A_242 = arith.index_cast %parallel_loop3A_196 : i32 to index
      %parallel_loop3A_243 = arith.constant 48 : index
      %parallel_loop3A_244 = tpu.vector_load %arg10[%parallel_loop3A_242, %parallel_loop3A_243] {strides = array<i32>} : memref<64x256xf32, #tpu.memory_space<vmem>>, vector<1x16xf32>,
      %parallel_loop3A_245 = vector.shape_cast %parallel_loop3A_244 : vector<1x16xf32> to vector<16xf32>
      %parallel_loop3A_246 = arith.index_cast %parallel_loop3A_196 : i32 to index
      %parallel_loop3A_247 = arith.constant 48 : index
      %parallel_loop3A_248 = tpu.vector_load %arg7[%parallel_loop3A_246, %parallel_loop3A_247] {strides = array<i32>} : memref<64x256xf32, #tpu.memory_space<vmem>>, vector<1x16xf32>,
      %parallel_loop3A_249 = vector.shape_cast %parallel_loop3A_248 : vector<1x16xf32> to vector<16xf32>
      %parallel_loop3A_250 = arith.mulf %parallel_loop3A_249, %parallel_loop3A_245 : vector<16xf32>
      %parallel_loop3A_251 = arith.addf %parallel_loop3A_227, %parallel_loop3A_250 : vector<16xf32>
      %parallel_loop3A_252 = arith.mulf %parallel_loop3A_249, %parallel_loop3A_249 : vector<16xf32>
      %parallel_loop3A_253 = arith.addf %parallel_loop3A_229, %parallel_loop3A_252 : vector<16xf32>
      %parallel_loop3A_254 = arith.index_cast %parallel_loop3A_196 : i32 to index
      %parallel_loop3A_255 = arith.constant 64 : index
      %parallel_loop3A_256 = tpu.vector_load %arg10[%parallel_loop3A_254, %parallel_loop3A_255] {strides = array<i32>} : memref<64x256xf32, #tpu.memory_space<vmem>>, vector<1x16xf32>,
      %parallel_loop3A_257 = vector.shape_cast %parallel_loop3A_256 : vector<1x16xf32> to vector<16xf32>
      %parallel_loop3A_258 = arith.index_cast %parallel_loop3A_196 : i32 to index
      %parallel_loop3A_259 = arith.constant 64 : index
      %parallel_loop3A_260 = tpu.vector_load %arg7[%parallel_loop3A_258, %parallel_loop3A_259] {strides = array<i32>} : memref<64x256xf32, #tpu.memory_space<vmem>>, vector<1x16xf32>,
      %parallel_loop3A_261 = vector.shape_cast %parallel_loop3A_260 : vector<1x16xf32> to vector<16xf32>
      %parallel_loop3A_262 = arith.mulf %parallel_loop3A_261, %parallel_loop3A_257 : vector<16xf32>
      %parallel_loop3A_263 = arith.addf %parallel_loop3A_239, %parallel_loop3A_262 : vector<16xf32>
      %parallel_loop3A_264 = arith.mulf %parallel_loop3A_261, %parallel_loop3A_261 : vector<16xf32>
      %parallel_loop3A_265 = arith.addf %parallel_loop3A_241, %parallel_loop3A_264 : vector<16xf32>
      %parallel_loop3A_266 = arith.index_cast %parallel_loop3A_196 : i32 to index
      %parallel_loop3A_267 = arith.constant 80 : index
      %parallel_loop3A_268 = tpu.vector_load %arg10[%parallel_loop3A_266, %parallel_loop3A_267] {strides = array<i32>} : memref<64x256xf32, #tpu.memory_space<vmem>>, vector<1x16xf32>,
      %parallel_loop3A_269 = vector.shape_cast %parallel_loop3A_268 : vector<1x16xf32> to vector<16xf32>
      %parallel_loop3A_270 = arith.index_cast %parallel_loop3A_196 : i32 to index
      %parallel_loop3A_271 = arith.constant 80 : index
      %parallel_loop3A_272 = tpu.vector_load %arg7[%parallel_loop3A_270, %parallel_loop3A_271] {strides = array<i32>} : memref<64x256xf32, #tpu.memory_space<vmem>>, vector<1x16xf32>,
      %parallel_loop3A_273 = vector.shape_cast %parallel_loop3A_272 : vector<1x16xf32> to vector<16xf32>
      %parallel_loop3A_274 = arith.mulf %parallel_loop3A_273, %parallel_loop3A_269 : vector<16xf32>
      %parallel_loop3A_275 = arith.addf %parallel_loop3A_251, %parallel_loop3A_274 : vector<16xf32>
      %parallel_loop3A_276 = arith.mulf %parallel_loop3A_273, %parallel_loop3A_273 : vector<16xf32>
      %parallel_loop3A_277 = arith.addf %parallel_loop3A_253, %parallel_loop3A_276 : vector<16xf32>
      %parallel_loop3A_278 = arith.index_cast %parallel_loop3A_196 : i32 to index
      %parallel_loop3A_279 = arith.constant 96 : index
      %parallel_loop3A_280 = tpu.vector_load %arg10[%parallel_loop3A_278, %parallel_loop3A_279] {strides = array<i32>} : memref<64x256xf32, #tpu.memory_space<vmem>>, vector<1x16xf32>,
      %parallel_loop3A_281 = vector.shape_cast %parallel_loop3A_280 : vector<1x16xf32> to vector<16xf32>
      %parallel_loop3A_282 = arith.index_cast %parallel_loop3A_196 : i32 to index
      %parallel_loop3A_283 = arith.constant 96 : index
      %parallel_loop3A_284 = tpu.vector_load %arg7[%parallel_loop3A_282, %parallel_loop3A_283] {strides = array<i32>} : memref<64x256xf32, #tpu.memory_space<vmem>>, vector<1x16xf32>,
      %parallel_loop3A_285 = vector.shape_cast %parallel_loop3A_284 : vector<1x16xf32> to vector<16xf32>
      %parallel_loop3A_286 = arith.mulf %parallel_loop3A_285, %parallel_loop3A_281 : vector<16xf32>
      %parallel_loop3A_287 = arith.addf %parallel_loop3A_263, %parallel_loop3A_286 : vector<16xf32>
      %parallel_loop3A_288 = arith.mulf %parallel_loop3A_285, %parallel_loop3A_285 : vector<16xf32>
      %parallel_loop3A_289 = arith.addf %parallel_loop3A_265, %parallel_loop3A_288 : vector<16xf32>
      %parallel_loop3A_290 = arith.index_cast %parallel_loop3A_196 : i32 to index
      %parallel_loop3A_291 = arith.constant 112 : index
      %parallel_loop3A_292 = tpu.vector_load %arg10[%parallel_loop3A_290, %parallel_loop3A_291] {strides = array<i32>} : memref<64x256xf32, #tpu.memory_space<vmem>>, vector<1x16xf32>,
      %parallel_loop3A_293 = vector.shape_cast %parallel_loop3A_292 : vector<1x16xf32> to vector<16xf32>
      %parallel_loop3A_294 = arith.index_cast %parallel_loop3A_196 : i32 to index
      %parallel_loop3A_295 = arith.constant 112 : index
      %parallel_loop3A_296 = tpu.vector_load %arg7[%parallel_loop3A_294, %parallel_loop3A_295] {strides = array<i32>} : memref<64x256xf32, #tpu.memory_space<vmem>>, vector<1x16xf32>,
      %parallel_loop3A_297 = vector.shape_cast %parallel_loop3A_296 : vector<1x16xf32> to vector<16xf32>
      %parallel_loop3A_298 = arith.mulf %parallel_loop3A_297, %parallel_loop3A_293 : vector<16xf32>
      %parallel_loop3A_299 = arith.addf %parallel_loop3A_275, %parallel_loop3A_298 : vector<16xf32>
      %parallel_loop3A_300 = arith.mulf %parallel_loop3A_297, %parallel_loop3A_297 : vector<16xf32>
      %parallel_loop3A_301 = arith.addf %parallel_loop3A_277, %parallel_loop3A_300 : vector<16xf32>
      %parallel_loop3A_302 = arith.index_cast %parallel_loop3A_196 : i32 to index
      %parallel_loop3A_303 = arith.constant 128 : index
      %parallel_loop3A_304 = tpu.vector_load %arg10[%parallel_loop3A_302, %parallel_loop3A_303] {strides = array<i32>} : memref<64x256xf32, #tpu.memory_space<vmem>>, vector<1x16xf32>,
      %parallel_loop3A_305 = vector.shape_cast %parallel_loop3A_304 : vector<1x16xf32> to vector<16xf32>
      %parallel_loop3A_306 = arith.index_cast %parallel_loop3A_196 : i32 to index
      %parallel_loop3A_307 = arith.constant 128 : index
      %parallel_loop3A_308 = tpu.vector_load %arg7[%parallel_loop3A_306, %parallel_loop3A_307] {strides = array<i32>} : memref<64x256xf32, #tpu.memory_space<vmem>>, vector<1x16xf32>,
      %parallel_loop3A_309 = vector.shape_cast %parallel_loop3A_308 : vector<1x16xf32> to vector<16xf32>
      %parallel_loop3A_310 = arith.mulf %parallel_loop3A_309, %parallel_loop3A_305 : vector<16xf32>
      %parallel_loop3A_311 = arith.addf %parallel_loop3A_287, %parallel_loop3A_310 : vector<16xf32>
      %parallel_loop3A_312 = arith.mulf %parallel_loop3A_309, %parallel_loop3A_309 : vector<16xf32>
      %parallel_loop3A_313 = arith.addf %parallel_loop3A_289, %parallel_loop3A_312 : vector<16xf32>
      %parallel_loop3A_314 = arith.index_cast %parallel_loop3A_196 : i32 to index
      %parallel_loop3A_315 = arith.constant 144 : index
      %parallel_loop3A_316 = tpu.vector_load %arg10[%parallel_loop3A_314, %parallel_loop3A_315] {strides = array<i32>} : memref<64x256xf32, #tpu.memory_space<vmem>>, vector<1x16xf32>,
      %parallel_loop3A_317 = vector.shape_cast %parallel_loop3A_316 : vector<1x16xf32> to vector<16xf32>
      %parallel_loop3A_318 = arith.index_cast %parallel_loop3A_196 : i32 to index
      %parallel_loop3A_319 = arith.constant 144 : index
      %parallel_loop3A_320 = tpu.vector_load %arg7[%parallel_loop3A_318, %parallel_loop3A_319] {strides = array<i32>} : memref<64x256xf32, #tpu.memory_space<vmem>>, vector<1x16xf32>,
      %parallel_loop3A_321 = vector.shape_cast %parallel_loop3A_320 : vector<1x16xf32> to vector<16xf32>
      %parallel_loop3A_322 = arith.mulf %parallel_loop3A_321, %parallel_loop3A_317 : vector<16xf32>
      %parallel_loop3A_323 = arith.addf %parallel_loop3A_299, %parallel_loop3A_322 : vector<16xf32>
      %parallel_loop3A_324 = arith.mulf %parallel_loop3A_321, %parallel_loop3A_321 : vector<16xf32>
      %parallel_loop3A_325 = arith.addf %parallel_loop3A_301, %parallel_loop3A_324 : vector<16xf32>
      %parallel_loop3A_326 = arith.index_cast %parallel_loop3A_196 : i32 to index
      %parallel_loop3A_327 = arith.constant 160 : index
      %parallel_loop3A_328 = tpu.vector_load %arg10[%parallel_loop3A_326, %parallel_loop3A_327] {strides = array<i32>} : memref<64x256xf32, #tpu.memory_space<vmem>>, vector<1x16xf32>,
      %parallel_loop3A_329 = vector.shape_cast %parallel_loop3A_328 : vector<1x16xf32> to vector<16xf32>
      %parallel_loop3A_330 = arith.index_cast %parallel_loop3A_196 : i32 to index
      %parallel_loop3A_331 = arith.constant 160 : index
      %parallel_loop3A_332 = tpu.vector_load %arg7[%parallel_loop3A_330, %parallel_loop3A_331] {strides = array<i32>} : memref<64x256xf32, #tpu.memory_space<vmem>>, vector<1x16xf32>,
      %parallel_loop3A_333 = vector.shape_cast %parallel_loop3A_332 : vector<1x16xf32> to vector<16xf32>
      %parallel_loop3A_334 = arith.mulf %parallel_loop3A_333, %parallel_loop3A_329 : vector<16xf32>
      %parallel_loop3A_335 = arith.addf %parallel_loop3A_311, %parallel_loop3A_334 : vector<16xf32>
      %parallel_loop3A_336 = arith.mulf %parallel_loop3A_333, %parallel_loop3A_333 : vector<16xf32>
      %parallel_loop3A_337 = arith.addf %parallel_loop3A_313, %parallel_loop3A_336 : vector<16xf32>
      %parallel_loop3A_338 = arith.index_cast %parallel_loop3A_196 : i32 to index
      %parallel_loop3A_339 = arith.constant 176 : index
      %parallel_loop3A_340 = tpu.vector_load %arg10[%parallel_loop3A_338, %parallel_loop3A_339] {strides = array<i32>} : memref<64x256xf32, #tpu.memory_space<vmem>>, vector<1x16xf32>,
      %parallel_loop3A_341 = vector.shape_cast %parallel_loop3A_340 : vector<1x16xf32> to vector<16xf32>
      %parallel_loop3A_342 = arith.index_cast %parallel_loop3A_196 : i32 to index
      %parallel_loop3A_343 = arith.constant 176 : index
      %parallel_loop3A_344 = tpu.vector_load %arg7[%parallel_loop3A_342, %parallel_loop3A_343] {strides = array<i32>} : memref<64x256xf32, #tpu.memory_space<vmem>>, vector<1x16xf32>,
      %parallel_loop3A_345 = vector.shape_cast %parallel_loop3A_344 : vector<1x16xf32> to vector<16xf32>
      %parallel_loop3A_346 = arith.mulf %parallel_loop3A_345, %parallel_loop3A_341 : vector<16xf32>
      %parallel_loop3A_347 = arith.addf %parallel_loop3A_323, %parallel_loop3A_346 : vector<16xf32>
      %parallel_loop3A_348 = arith.mulf %parallel_loop3A_345, %parallel_loop3A_345 : vector<16xf32>
      %parallel_loop3A_349 = arith.addf %parallel_loop3A_325, %parallel_loop3A_348 : vector<16xf32>
      %parallel_loop3A_350 = arith.index_cast %parallel_loop3A_196 : i32 to index
      %parallel_loop3A_351 = arith.constant 192 : index
      %parallel_loop3A_352 = tpu.vector_load %arg10[%parallel_loop3A_350, %parallel_loop3A_351] {strides = array<i32>} : memref<64x256xf32, #tpu.memory_space<vmem>>, vector<1x16xf32>,
      %parallel_loop3A_353 = vector.shape_cast %parallel_loop3A_352 : vector<1x16xf32> to vector<16xf32>
      %parallel_loop3A_354 = arith.index_cast %parallel_loop3A_196 : i32 to index
      %parallel_loop3A_355 = arith.constant 192 : index
      %parallel_loop3A_356 = tpu.vector_load %arg7[%parallel_loop3A_354, %parallel_loop3A_355] {strides = array<i32>} : memref<64x256xf32, #tpu.memory_space<vmem>>, vector<1x16xf32>,
      %parallel_loop3A_357 = vector.shape_cast %parallel_loop3A_356 : vector<1x16xf32> to vector<16xf32>
      %parallel_loop3A_358 = arith.mulf %parallel_loop3A_357, %parallel_loop3A_353 : vector<16xf32>
      %parallel_loop3A_359 = arith.addf %parallel_loop3A_335, %parallel_loop3A_358 : vector<16xf32>
      %parallel_loop3A_360 = arith.mulf %parallel_loop3A_357, %parallel_loop3A_357 : vector<16xf32>
      %parallel_loop3A_361 = arith.addf %parallel_loop3A_337, %parallel_loop3A_360 : vector<16xf32>
      %parallel_loop3A_362 = arith.index_cast %parallel_loop3A_196 : i32 to index
      %parallel_loop3A_363 = arith.constant 208 : index
      %parallel_loop3A_364 = tpu.vector_load %arg10[%parallel_loop3A_362, %parallel_loop3A_363] {strides = array<i32>} : memref<64x256xf32, #tpu.memory_space<vmem>>, vector<1x16xf32>,
      %parallel_loop3A_365 = vector.shape_cast %parallel_loop3A_364 : vector<1x16xf32> to vector<16xf32>
      %parallel_loop3A_366 = arith.index_cast %parallel_loop3A_196 : i32 to index
      %parallel_loop3A_367 = arith.constant 208 : index
      %parallel_loop3A_368 = tpu.vector_load %arg7[%parallel_loop3A_366, %parallel_loop3A_367] {strides = array<i32>} : memref<64x256xf32, #tpu.memory_space<vmem>>, vector<1x16xf32>,
      %parallel_loop3A_369 = vector.shape_cast %parallel_loop3A_368 : vector<1x16xf32> to vector<16xf32>
      %parallel_loop3A_370 = arith.mulf %parallel_loop3A_369, %parallel_loop3A_365 : vector<16xf32>
      %parallel_loop3A_371 = arith.addf %parallel_loop3A_347, %parallel_loop3A_370 : vector<16xf32>
      %parallel_loop3A_372 = arith.mulf %parallel_loop3A_369, %parallel_loop3A_369 : vector<16xf32>
      %parallel_loop3A_373 = arith.addf %parallel_loop3A_349, %parallel_loop3A_372 : vector<16xf32>
      %parallel_loop3A_374 = arith.index_cast %parallel_loop3A_196 : i32 to index
      %parallel_loop3A_375 = arith.constant 224 : index
      %parallel_loop3A_376 = tpu.vector_load %arg10[%parallel_loop3A_374, %parallel_loop3A_375] {strides = array<i32>} : memref<64x256xf32, #tpu.memory_space<vmem>>, vector<1x16xf32>,
      %parallel_loop3A_377 = vector.shape_cast %parallel_loop3A_376 : vector<1x16xf32> to vector<16xf32>
      %parallel_loop3A_378 = arith.index_cast %parallel_loop3A_196 : i32 to index
      %parallel_loop3A_379 = arith.constant 224 : index
      %parallel_loop3A_380 = tpu.vector_load %arg7[%parallel_loop3A_378, %parallel_loop3A_379] {strides = array<i32>} : memref<64x256xf32, #tpu.memory_space<vmem>>, vector<1x16xf32>,
      %parallel_loop3A_381 = vector.shape_cast %parallel_loop3A_380 : vector<1x16xf32> to vector<16xf32>
      %parallel_loop3A_382 = arith.mulf %parallel_loop3A_381, %parallel_loop3A_377 : vector<16xf32>
      %parallel_loop3A_383 = arith.addf %parallel_loop3A_359, %parallel_loop3A_382 : vector<16xf32>
      %parallel_loop3A_384 = arith.mulf %parallel_loop3A_381, %parallel_loop3A_381 : vector<16xf32>
      %parallel_loop3A_385 = arith.addf %parallel_loop3A_361, %parallel_loop3A_384 : vector<16xf32>
      %parallel_loop3A_386 = arith.index_cast %parallel_loop3A_196 : i32 to index
      %parallel_loop3A_387 = arith.constant 240 : index
      %parallel_loop3A_388 = tpu.vector_load %arg10[%parallel_loop3A_386, %parallel_loop3A_387] {strides = array<i32>} : memref<64x256xf32, #tpu.memory_space<vmem>>, vector<1x16xf32>,
      %parallel_loop3A_389 = vector.shape_cast %parallel_loop3A_388 : vector<1x16xf32> to vector<16xf32>
      %parallel_loop3A_390 = arith.index_cast %parallel_loop3A_196 : i32 to index
      %parallel_loop3A_391 = arith.constant 240 : index
      %parallel_loop3A_392 = tpu.vector_load %arg7[%parallel_loop3A_390, %parallel_loop3A_391] {strides = array<i32>} : memref<64x256xf32, #tpu.memory_space<vmem>>, vector<1x16xf32>,
      %parallel_loop3A_393 = vector.shape_cast %parallel_loop3A_392 : vector<1x16xf32> to vector<16xf32>
      %parallel_loop3A_394 = arith.mulf %parallel_loop3A_393, %parallel_loop3A_389 : vector<16xf32>
      %parallel_loop3A_395 = arith.addf %parallel_loop3A_371, %parallel_loop3A_394 : vector<16xf32>
      %parallel_loop3A_396 = arith.mulf %parallel_loop3A_393, %parallel_loop3A_393 : vector<16xf32>
      %parallel_loop3A_397 = arith.addf %parallel_loop3A_373, %parallel_loop3A_396 : vector<16xf32>
      %parallel_loop3A_398 = arith.addf %parallel_loop3A_385, %parallel_loop3A_397 : vector<16xf32>
      %parallel_loop3A_399 = tpu.iota {dimensions = array<i32: 0>} : vector<16xi32>
      %parallel_loop3A_400 = arith.constant 8 : i32
      %parallel_loop3A_401 = vector.broadcast %parallel_loop3A_400 : i32 to vector<16xi32>
      %parallel_loop3A_402 = arith.xori %parallel_loop3A_399, %parallel_loop3A_401 : vector<16xi32>
      %parallel_loop3A_403 = vector.shape_cast %parallel_loop3A_402 : vector<16xi32> to vector<16x1xi32>
      %parallel_loop3A_404 = vector.shape_cast %parallel_loop3A_403 : vector<16x1xi32> to vector<16xi32>
      %parallel_loop3A_405 = tpu.dynamic_gather %parallel_loop3A_398[%parallel_loop3A_404] in [0] : vector<16xf32>, vector<16xi32> -> vector<16xf32>
      %parallel_loop3A_406 = arith.addf %parallel_loop3A_398, %parallel_loop3A_405 : vector<16xf32>
      %parallel_loop3A_407 = arith.constant 4 : i32
      %parallel_loop3A_408 = vector.broadcast %parallel_loop3A_407 : i32 to vector<16xi32>
      %parallel_loop3A_409 = arith.xori %parallel_loop3A_399, %parallel_loop3A_408 : vector<16xi32>
      %parallel_loop3A_410 = vector.shape_cast %parallel_loop3A_409 : vector<16xi32> to vector<16x1xi32>
      %parallel_loop3A_411 = vector.shape_cast %parallel_loop3A_410 : vector<16x1xi32> to vector<16xi32>
      %parallel_loop3A_412 = tpu.dynamic_gather %parallel_loop3A_406[%parallel_loop3A_411] in [0] : vector<16xf32>, vector<16xi32> -> vector<16xf32>
      %parallel_loop3A_413 = arith.addf %parallel_loop3A_406, %parallel_loop3A_412 : vector<16xf32>
      %parallel_loop3A_414 = arith.constant 2 : i32
      %parallel_loop3A_415 = vector.broadcast %parallel_loop3A_414 : i32 to vector<16xi32>
      %parallel_loop3A_416 = arith.xori %parallel_loop3A_399, %parallel_loop3A_415 : vector<16xi32>
      %parallel_loop3A_417 = vector.shape_cast %parallel_loop3A_416 : vector<16xi32> to vector<16x1xi32>
      %parallel_loop3A_418 = vector.shape_cast %parallel_loop3A_417 : vector<16x1xi32> to vector<16xi32>
      %parallel_loop3A_419 = tpu.dynamic_gather %parallel_loop3A_413[%parallel_loop3A_418] in [0] : vector<16xf32>, vector<16xi32> -> vector<16xf32>
      %parallel_loop3A_420 = arith.addf %parallel_loop3A_413, %parallel_loop3A_419 : vector<16xf32>
      %parallel_loop3A_421 = arith.constant 1 : i32
      %parallel_loop3A_422 = vector.broadcast %parallel_loop3A_421 : i32 to vector<16xi32>
      %parallel_loop3A_423 = arith.xori %parallel_loop3A_399, %parallel_loop3A_422 : vector<16xi32>
      %parallel_loop3A_424 = vector.shape_cast %parallel_loop3A_423 : vector<16xi32> to vector<16x1xi32>
      %parallel_loop3A_425 = vector.shape_cast %parallel_loop3A_424 : vector<16x1xi32> to vector<16xi32>
      %parallel_loop3A_426 = tpu.dynamic_gather %parallel_loop3A_420[%parallel_loop3A_425] in [0] : vector<16xf32>, vector<16xi32> -> vector<16xf32>
      %parallel_loop3A_427 = arith.addf %parallel_loop3A_420, %parallel_loop3A_426 : vector<16xf32>
      %parallel_loop3A_428 = tpu.bitcast %parallel_loop3A_427 : vector<16xf32> -> vector<16xi32>
      %parallel_loop3A_429 = arith.constant 1 : i32
      %parallel_loop3A_430 = vector.broadcast %parallel_loop3A_429 : i32 to vector<16xi32>
      %parallel_loop3A_431 = arith.shrui %parallel_loop3A_428, %parallel_loop3A_430 : vector<16xi32>
      %parallel_loop3A_432 = arith.constant 1597463007 : i32
      %parallel_loop3A_433 = vector.broadcast %parallel_loop3A_432 : i32 to vector<16xi32>
      %parallel_loop3A_434 = arith.subi %parallel_loop3A_433, %parallel_loop3A_431 : vector<16xi32>
      %parallel_loop3A_435 = tpu.bitcast %parallel_loop3A_434 : vector<16xi32> -> vector<16xf32>
      %parallel_loop3A_436 = arith.constant 5.000000e-01 : f32
      %parallel_loop3A_437 = vector.broadcast %parallel_loop3A_436 : f32 to vector<16xf32>
      %parallel_loop3A_438 = arith.mulf %parallel_loop3A_437, %parallel_loop3A_427 : vector<16xf32>
      %parallel_loop3A_439 = arith.mulf %parallel_loop3A_438, %parallel_loop3A_435 : vector<16xf32>
      %parallel_loop3A_440 = arith.mulf %parallel_loop3A_439, %parallel_loop3A_435 : vector<16xf32>
      %parallel_loop3A_441 = arith.constant 1.500000e+00 : f32
      %parallel_loop3A_442 = vector.broadcast %parallel_loop3A_441 : f32 to vector<16xf32>
      %parallel_loop3A_443 = arith.subf %parallel_loop3A_442, %parallel_loop3A_440 : vector<16xf32>
      %parallel_loop3A_444 = arith.mulf %parallel_loop3A_435, %parallel_loop3A_443 : vector<16xf32>
      %parallel_loop3A_445 = arith.constant 5.000000e-01 : f32
      %parallel_loop3A_446 = vector.broadcast %parallel_loop3A_445 : f32 to vector<16xf32>
      %parallel_loop3A_447 = arith.mulf %parallel_loop3A_446, %parallel_loop3A_427 : vector<16xf32>
      %parallel_loop3A_448 = arith.mulf %parallel_loop3A_447, %parallel_loop3A_444 : vector<16xf32>
      %parallel_loop3A_449 = arith.mulf %parallel_loop3A_448, %parallel_loop3A_444 : vector<16xf32>
      %parallel_loop3A_450 = arith.constant 1.500000e+00 : f32
      %parallel_loop3A_451 = vector.broadcast %parallel_loop3A_450 : f32 to vector<16xf32>
      %parallel_loop3A_452 = arith.subf %parallel_loop3A_451, %parallel_loop3A_449 : vector<16xf32>
      %parallel_loop3A_453 = arith.mulf %parallel_loop3A_444, %parallel_loop3A_452 : vector<16xf32>
      %parallel_loop3A_454 = arith.addf %parallel_loop3A_383, %parallel_loop3A_395 : vector<16xf32>
      %parallel_loop3A_455 = arith.mulf %parallel_loop3A_453, %parallel_loop3A_454 : vector<16xf32>
      %parallel_loop3A_456 = arith.addf %parallel_loop3A_197, %parallel_loop3A_455 : vector<16xf32>
      scf.yield %parallel_loop3A_456 : vector<16xf32>
    } {sc.loop_unroll_factor = 1 : i64, sc.parallel_access}
    %swap3A = arith.constant 0 : index
    %swap3A_193 = tpu.vector_load %arg13[%swap3A] {strides = array<i32>} : memref<16xf32, #tpu.memory_space<vmem>>, vector<16xf32>,
    %swap3A_194 = vector.shape_cast %swap3A_193 : vector<16xf32> to vector<16xf32>
    %swap3A_195 = vector.shape_cast %parallel_loop3A_192 : vector<16xf32> to vector<16xf32>
    tpu.vector_store %arg13[%swap3A], %swap3A_195 {strides = array<i32>} : memref<16xf32, #tpu.memory_space<vmem>>, vector<16xf32>,
    "tpu.region"() ({
      %run_scoped3A = tpu.sem_alloc : memref<!tpu.dma_semaphore, #tpu.memory_space<semaphore_mem>>
      %dma_start3A_196 = arith.constant 0 : i32
      %dma_start3A_197 = tpu.memref_slice %arg5[%add3A, %dma_start3A_196] : memref<32x16xf32, #tpu.memory_space<hbm>> -> memref<1x16xf32, #tpu.memory_space<hbm>>
      %dma_start3A_198 = tpu.memref_squeeze %dma_start3A_197 : memref<1x16xf32, #tpu.memory_space<hbm>> -> memref<16xf32, #tpu.memory_space<hbm>>
      %dma_start3A_199 = arith.constant 0 : i32
      %dma_start3A_200 = tpu.memref_slice %arg5[%add3A, %dma_start3A_199] : memref<32x16xf32, #tpu.memory_space<hbm>> -> memref<1x16xf32, #tpu.memory_space<hbm>>
      %dma_start3A_201 = tpu.memref_squeeze %dma_start3A_200 : memref<1x16xf32, #tpu.memory_space<hbm>> -> memref<16xf32, #tpu.memory_space<hbm>>
      tpu.enqueue_dma source(%arg13 : memref<16xf32, #tpu.memory_space<vmem>>) target(%dma_start3A_201 : memref<16xf32, #tpu.memory_space<hbm>>) target_semaphore(%run_scoped3A : memref<!tpu.dma_semaphore, #tpu.memory_space<semaphore_mem>>)
      %dma_wait3A_202 = arith.constant 0 : i32
      %dma_wait3A_203 = tpu.memref_slice %arg5[%add3A, %dma_wait3A_202] : memref<32x16xf32, #tpu.memory_space<hbm>> -> memref<1x16xf32, #tpu.memory_space<hbm>>
      %dma_wait3A_204 = tpu.memref_squeeze %dma_wait3A_203 : memref<1x16xf32, #tpu.memory_space<hbm>> -> memref<16xf32, #tpu.memory_space<hbm>>
      %dma_wait3A_205 = arith.constant 0 : i32
      %dma_wait3A_206 = tpu.memref_slice %arg5[%add3A, %dma_wait3A_205] : memref<32x16xf32, #tpu.memory_space<hbm>> -> memref<1x16xf32, #tpu.memory_space<hbm>>
      %dma_wait3A_207 = tpu.memref_squeeze %dma_wait3A_206 : memref<1x16xf32, #tpu.memory_space<hbm>> -> memref<16xf32, #tpu.memory_space<hbm>>
      tpu.wait_dma2 semaphore(%run_scoped3A : memref<!tpu.dma_semaphore, #tpu.memory_space<semaphore_mem>>) src(%arg13 : memref<16xf32, #tpu.memory_space<vmem>>) dst(%dma_wait3A_207 : memref<16xf32, #tpu.memory_space<hbm>>)
      tpu.yield
    }) : () -> ()
    return
  }
}

</mosaic_0001>

<sc_bundles>
// kernel: kernel.3.cloned.1.call-start
scs
__scs_entry_jumppad:
0x0: {  	(pc) =	sbr.rel $0x88, $3  }
0x1: {  	(tag) =	ssettag $0x0;
	lr =	simm.s32 $0x1  }
0x2: {  	[smem:$0x3F9E] =	sst lr;
	_ =	strace $0xD0000000  }
0x3: {  	_ = 	snop  }
0x4: {  	_ = 	snop  }
0x5: {  	_ = 	snop  }
0x6: {  	_ = 	snop  }
0x7: {  	_ = 	snop  }
__scs_overlays_trampoline_lowered:
0x8: {  	[smem:$0x3FAD] =	sst s0  }
0x9: {  	[smem:$0x3FAE] =	sst s1  }
0xa: {  	[smem:$0x3FAF] =	sst s2  }
0xb: {  	[smem:$0x3FB0] =	sst s3  }
0xc: {  	[smem:$0x3FB1] =	sst s4  }
0xd: {  	[smem:$0x3FB2] =	sst s5  }
0xe: {  	[smem:$0x3FB3] =	sst s6  }
0xf: {  	[smem:$0x3FB4] =	sst s7  }
0x10: {  	[smem:$0x3FB5] =	sst s8  }
0x11: {  	[smem:$0x3FB6] =	sst s9;
	s0 =	simm.s32 @!p0 $0x0  }
0x12: {  	s1 =	sld [smem:$0x3F9C];
	s0 =	simm.s32 @p0 $0x1  }
0x13: {  	[smem:$0x3FB7] =	sst s0;
	s0 =	simm.s32 @!p1 $0x0  }
0x14: {  	s2 =	sld [smem:$0x3F9B];
	s0 =	simm.s32 @p1 $0x1  }
0x15: {  	[smem:$0x3FB8] =	sst s0;
	s0 =	simm.s32 @!p2 $0x0  }
0x16: {  	s3 =	sld [smem:$0x3FDB];
	s0 =	simm.s32 @p2 $0x1  }
0x17: {  	s4 =	simm.s32 $0x1BF5;
	[smem:$0x3FBA] =	sst s0  }
0x18: {  	s0 =	sld [smem:$0x3F9D];
	_ =	swait.ge [sflag:s4], $0x0  }
0x19: {  	s7 =	sld [smem:$0x3F9E]  }
0x1a: {  	s8 =	sadd.s32 $0xFFFFE003, lr  }
0x1b: {  	s9 =	sadd.s32 $0xFFFFFEF7, lr;
	s5 =	simm.s32 $0xFFFFFFFF;
	p2 =	slt.u32 s8, $0xFFFFF086  }
0x1c: {  	p1 =	slt.u32 s9, $0xF7A;
	s5 =	simm.s32 @!p2 $0x0  }
0x1d: {  	s5 =	simm.s32 @p1 $0x1;
	p0 =	seq.s32 s7, s2  }
0x1e: {  	s7 =	smul.u32 @!p0 $0xF7A, s2;
	p2 =	seq.s32 @!p0 s5, $0x0  }
0x1f: {  	s9 =	smul.u32 $0xF7A, s1;
	s8 =	simm.s32 @!p0 $0x1BF5;
	p2 =	por !p2, p0  }
0x20: {  	[sflag:s8] =	ssyncset.s32 @!p0 $0xFFFFF086;
	s6 =	sadd.s32 @!p0 s3, s7;
	s7 =	simm.s32 @!p0 $0x108  }
0x21: {  	s3 =	sadd.s32 s3, s9;
	s6 =	sadd.s32 @!p0 $0x88, s6;
	s7 =	simm.s32 @p2 $0x1082  }
0x22: {  	[simem:s7], [sflag:s8] =	dma.local @!p0 [hbm:s6], $0xF7A  }
0x23: {  	s9 =	sor.u32 $0xD0000000, s2;
	s6 =	simm.s32 $0x108;
	_ =	swait.ge @!p0 [sflag:s8], $0x0  }
0x24: {  	s3 =	sadd.s32 $0x88, s3;
	s6 =	simm.s32 @!p1 $0x1082;
	[sflag:s4] =	ssyncset.s32 $0xFFFFF086  }
0x25: {  	[simem:s6], [sflag:s4] =	dma.local [hbm:s3], $0xF7A  }
0x26: {  	[smem:$0x3F9E] =	sst s1;
	(tag) =	ssettag s2;
	_ =	strace s9  }
0x27: {  	s1 =	sld [smem:$0x3FAE]  }
0x28: {  	s2 =	sld [smem:$0x3FAF]  }
0x29: {  	s4 =	sld [smem:$0x3FB1]  }
0x2a: {  	p0 =	seq.s32 s5, $0x0;
	s5 =	sld [smem:$0x3FB2]  }
0x2b: {  	s6 =	sld [smem:$0x3FB3]  }
0x2c: {  	s7 =	sld [smem:$0x3FB4]  }
0x2d: {  	s3 =	simm.s32 $0x108;
	s8 =	sld [smem:$0x3FB5]  }
0x2e: {  	s3 =	simm.s32 @!p0 $0x1082;
	s9 =	sld [smem:$0x3FB6]  }
0x2f: {  	lr =	sadd.s32 s0, s3;
	s0 =	sld [smem:$0x3FAD]  }
0x30: {  	s3 =	sld [smem:$0x3FB0]  }
0x31: {  	[smem:$0x3FB9] =	sst s10  }
0x32: {  	s10 =	sld [smem:$0x3FB7];
	_ =	sdelay $0x3  }
0x33: {  	p0 =	seq.s32 s10, $0x1;
	s10 =	sld [smem:$0x3FB9];
	_ =	sdelay $0x3  }
0x34: {  	[smem:$0x3FB9] =	sst s10  }
0x35: {  	s10 =	sld [smem:$0x3FB8];
	_ =	sdelay $0x3  }
0x36: {  	p1 =	seq.s32 s10, $0x1;
	s10 =	sld [smem:$0x3FB9];
	_ =	sdelay $0x3  }
0x37: {  	[smem:$0x3FB9] =	sst s10  }
0x38: {  	s10 =	sld [smem:$0x3FBA]  }
0x39: {  	_ = 	snop;
	(pc) =	sbr.ind lr, $3  }
0x3a: {  	_ = 	snop  }
0x3b: {  	_ = 	snop  }
0x3c: {  	p2 =	seq.s32 s10, $0x1;
	s10 =	sld [smem:$0x3FB9]  }
0x3d: {  	_ =	shalt  }
0x3e: {  	_ =	shalt  }
0x3f: {  	_ =	shalt  }
0x40: {  	_ =	shalt  }
0x41: {  	_ =	shalt  }
0x42: {  	_ =	shalt  }
0x43: {  	_ =	shalt  }
0x44: {  	_ =	shalt  }
0x45: {  	_ =	shalt  }
0x46: {  	_ =	shalt  }
0x47: {  	_ =	shalt  }
0x48: {  	_ =	shalt  }
0x49: {  	_ =	shalt  }
0x4a: {  	_ =	shalt  }
0x4b: {  	_ =	shalt  }
0x4c: {  	_ =	shalt  }
0x4d: {  	_ =	shalt  }
0x4e: {  	_ =	shalt  }
0x4f: {  	_ =	shalt  }
0x50: {  	_ =	shalt  }
0x51: {  	_ =	shalt  }
0x52: {  	_ =	shalt  }
0x53: {  	_ =	shalt  }
0x54: {  	_ =	shalt  }
0x55: {  	_ =	shalt  }
0x56: {  	_ =	shalt  }
0x57: {  	_ =	shalt  }
0x58: {  	_ =	shalt  }
0x59: {  	_ =	shalt  }
0x5a: {  	_ =	shalt  }
0x5b: {  	_ =	shalt  }
0x5c: {  	_ =	shalt  }
0x5d: {  	_ =	shalt  }
0x5e: {  	_ =	shalt  }
0x5f: {  	_ =	shalt  }
0x60: {  	_ =	shalt  }
0x61: {  	_ =	shalt  }
0x62: {  	_ =	shalt  }
0x63: {  	_ =	shalt  }
0x64: {  	_ =	shalt  }
0x65: {  	_ =	shalt  }
0x66: {  	_ =	shalt  }
0x67: {  	_ =	shalt  }
0x68: {  	_ =	shalt  }
0x69: {  	_ =	shalt  }
0x6a: {  	_ =	shalt  }
0x6b: {  	_ =	shalt  }
0x6c: {  	_ =	shalt  }
0x6d: {  	_ =	shalt  }
0x6e: {  	_ =	shalt  }
0x6f: {  	_ =	shalt  }
0x70: {  	_ =	shalt  }
0x71: {  	_ =	shalt  }
0x72: {  	_ =	shalt  }
0x73: {  	_ =	shalt  }
0x74: {  	_ =	shalt  }
0x75: {  	_ =	shalt  }
0x76: {  	_ =	shalt  }
0x77: {  	_ =	shalt  }
0x78: {  	_ =	shalt  }
0x79: {  	_ =	shalt  }
0x7a: {  	_ =	shalt  }
0x7b: {  	_ =	shalt  }
0x7c: {  	_ =	shalt  }
0x7d: {  	_ =	shalt  }
0x7e: {  	_ =	shalt  }
0x7f: {  	_ =	shalt  }
0x80: {  	_ =	shalt  }
0x81: {  	_ =	shalt  }
0x82: {  	_ =	shalt  }
0x83: {  	_ =	shalt  }
0x84: {  	_ =	shalt  }
0x85: {  	_ =	shalt  }
0x86: {  	_ =	shalt  }
0x87: {  	_ =	shalt  }
.Lfunc_end0:
.L_simem_size_0:
called_computation_lowered:
.L_overlay_start_0:
0x88: {  	s2 =	sld [smem:$0x3FD9]  }
0x89: {  	s3 =	sld [smem:$0x3FFE];
	_ =	sdelay $0x1  }
0x8a: {  	s1 =	srdreg.scid  }
0x8b: {  	s0 =	sand.u32 $0x1, s1  }
0x8c: {  	s17 =	sshll.u32 s0, $0xA;
	s2 =	sadd.s32 s3, s2  }
0x8d: {  	s2 =	sadd.s32 s2, s17  }
0x8e: {  	[smem:$0x3FC5] =	sst s2  }
0x8f: {  	_ = 	snop  }
0x90: {  	s2 =	sld [smem:$0x3FC9]  }
0x91: {  	s18 =	sld [smem:$0x3FC8]  }
0x92: {  	s4 =	sld [smem:$0x3FC7];
	(tm) =	ssettm $0x1  }
0x93: {  	s5 =	sld [smem:$0x3FFB];
	_ =	sdelay $0x3  }
0x94: {  	_ =	strace s5  }
0x95: {  	s5 =	sld [smem:$0x3FFC];
	_ =	sdelay $0x3  }
0x96: {  	_ =	strace s5  }
0x97: {  	s5 =	sld [smem:$0x3FFD];
	_ =	sdelay $0x3  }
0x98: {  	_ =	strace s5  }
0x99: {  	_ =	strace $0x8FFFFFFF  }
0x9a: {  	s19 =	sld [smem:$0x3FDB];
	_ =	sdelay $0x1  }
0x9b: {  	s6 =	simm.s32 $_scs_section_size  }
0x9c: {  	s7 =	simm.s32 $_size__tile_overlayer_lowered;
	s8 =	simm.s32 $_tile_overlayer_lowered  }
0x9d: {  	s22 =	simm.s32 $0x1BFF;
	s21 =	sshll.u32 s8, $0x1;
	s5 =	sadd.s32 s6, s19  }
0x9e: {  	s9 =	simm.s32 $0x0;
	s20 =	sshll.u32 s7, $0x1;
	s7 =	sadd.s32 s21, s5  }
0x9f: {  	[timem:s9], [sflag:s22] =	dma.local [hbm:s7], s20  }
0xa0: {  	_ =	swait.ge [sflag:s22], s20  }
0xa1: {  	s6 =	ssub.s32 $0x0, s20;
	[sflag:s22] =	ssyncset.done $0x0  }
0xa2: {  	[sflag:s22] =	ssyncadd.s32 s6;
	_ =	sdelay $0x1  }
0xa3: {  	s23 =	simm.s32 $0x1B8B  }
0xa4: {  	_ =	swait.ge [sflag:s23], $0x1  }
0xa5: {  	[sflag:s23] =	ssyncset.done $0x0  }
0xa6: {  	s25 =	simm.s32 $0x1B8E;
	s24 =	sld [smem:$0x3FFE];
	[sflag:s23] =	ssyncadd.s32 $0xFFFFFFFF  }
0xa7: {  	s26 =	simm.s32 $execute0_lowered;
	[smem:$0x3FD2] =	sst s25  }
0xa8: {  	s7 =	sshll.u32 s26, $0x1;
	_ =	strace $0x80000046;
	[dreg:$0x1] =	wrdreg $0xFFFFFFFF  }
0xa9: {  	s28 =	simm.s32 $_size_execute0_lowered;
	s5 =	sadd.s32 s5, s7;
	[dreg:$0x0] =	wrdreg $0x0  }
0xaa: {  	s7 =	sshll.u32 s28, $0x1;
	[dreg:$0x2] =	wrdreg s5  }
0xab: {  	[dreg:$0x3] =	wrdreg s7  }
0xac: {  	[dreg:$0x4] =	wrdreg $0xC0  }
0xad: {  	_ =	task [dreg:s9], $0x5FFFF  }
0xae: {  	[dreg:$0x1] =	wrdreg $0xFFFFFFFF  }
0xaf: {  	[dreg:$0x0] =	wrdreg $0x60  }
0xb0: {  	[dreg:$0x2] =	wrdreg s2  }
0xb1: {  	[dreg:$0x3] =	wrdreg s18  }
0xb2: {  	[dreg:$0x4] =	wrdreg s4  }
0xb3: {  	[dreg:$0x5] =	wrdreg s24  }
0xb4: {  	[dreg:$0x6] =	wrdreg $0x9  }
0xb5: {  	_ =	task.clear_ibuf [dreg:s9], $0x7FFFF;
	_ =	strace $0x90000046  }
0xb6: {  	s29 =	simm.s32 $0x9;
	_ =	strace $0x80000048  }
0xb7: {  	_ =	swait.ge [sflag:s29], $0x1  }
0xb8: {  	[sflag:s29] =	ssyncadd.s32 $0xFFFFFFFF  }
0xb9: {  	_ =	strace $0x90000048  }
0xba: {  	_ =	sfence  }
0xbb: {  	s30 =	sld [smem:$0x0];
	_ =	sdelay $0x2  }
0xbc: {  	s31 =	sshll.u32 s1, $0xD;
	s1 =	sshrl.u32 s1, $0x2  }
0xbd: {  	s3 =	sand.u32 $0x4000, s31;
	s1 =	sadd.s32 s1, s30  }
0xbe: {  	s0 =	sor.u32 s3, s0;
	s1 =	sshll.u32 s1, $0x11  }
0xbf: {  	s0 =	sor.u32 s1, s0  }
0xc0: {  	s0 =	sadd.s32 $0x8F2B, s0  }
0xc1: {  	[sflag:s0] =	ssyncadd.remote.s32 $0x1  }
0xc2: {  	_ =	sfence.sel $0xFFFF  }
0xc3: {  	[dreg:$0x0] =	wrdreg $0xFFFFFFFF;
	(pc) =	sbr.abs _section_cstart, $3  }
0xc4: {  	[dreg:$0x1] =	wrdreg $0xFFFFFFFF  }
0xc5: {  	_ =	task.clear_ibuf [dreg:s9], $0x2FFFF;
	_ =	strace $0x9FFFFFFF  }
0xc6: {  	(tm) =	ssettm $0x7FFFFFFF  }
0xc7: {  	_ =	shalt  }
tec
execute0_lowered:
.L_overlay_start_1:
0x0: {  	(tag) =	ssettag $0x1  }
0x1: {  	s0 =	rddreg [dreg:$0x0]  }
0x2: {  	s1 =	rddreg [dreg:$0x1]  }
0x3: {  	s2 =	rddreg [dreg:$0x2]  }
0x4: {  	s4 =	rddreg [dreg:$0x3]  }
0x5: {  	s5 =	srdreg.scid;
	s6 =	stileid.u32;
	s3 =	simm.s32 $0x0  }
0x6: {  	s16 =	simm.s32 $0xC000;
	s28 =	simm.s32 $0x10800;
	s29 =	simm.s32 $0x11000  }
0x7: {  	s30 =	simm.s32 $0x11800;
	s31 =	simm.s32 $0x12000;
	s15 =	simm.s32 $0x13800  }
0x8: {  	s9 =	simm.s32 $0x4;
	s5 =	sand.u32 $0x1, s5;
	s6 =	sshll.u32 s6, $0x1  }
0x9: {  	s10 =	simm.s32 $0x3;
	s11 =	simm.s32 $0x6;
	s6 =	sor.u32 s5, s6  }
0xa: {  	[smem:$0x7FF] =	sst s3;
	s7 =	sshll.u32 s6, $0xE;
	s17 =	sshll.u32 s6, $0x6  }
0xb: {  	v0 =	vimm.s32 $0xFEDCBA98;
	s5 =	ssub.s32 $0x2, s5;
	s7 =	sadd.s32 s0, s7;
	s0 =	sadd.s32 s1, s17  }
0xc: {  	v1 =	vimm.s32 $0x76543210;
	v0 =	vunpack.c.l.s4.s8 v0;
	_ =	strace $0x80000047;
	s8 =	sshrl.u32 s5, $0x1;
	[dreg:$0x7] =	wrdreg s0  }
0xd: {  	v2 =	vimm.s32 $0xBA98FEDC;
	v1 =	vunpack.c.l.s4.s8 v1;
	s24 =	sshll.u32 s6, $0x4;
	s18 =	sadd.s32 $0x800, s7;
	[dreg:$0x5] =	wrdreg s7  }
0xe: {  	v3 =	vimm.s32 $0x32107654;
	v4 =	vimm.s32 $0xDCFE98BA;
	v0 =	vunpack.c.0.s8.s32 v0;
	s6 =	simm.s32 $0x2;
	s19 =	sadd.s32 $0x1000, s7;
	[dreg:$0x6] =	wrdreg s18  }
0xf: {  	v5 =	vimm.s32 $0xEFCDAB89;
	v2 =	vunpack.c.l.s4.s8 v2;
	v1 =	vunpack.c.0.s8.s32 v1;
	s5 =	ssub.s32 s5, s8;
	s20 =	sadd.s32 $0x1800, s7;
	[dreg:$0x8] =	wrdreg s19  }
0x10: {  	v3 =	vunpack.c.l.s4.s8 v3;
	v4 =	vunpack.c.l.s4.s8 v4;
	s17 =	simm.s32 $0xC800;
	s21 =	sadd.s32 $0x2000, s7;
	v0 =	vand.u32 $0xF, v0;
	[dreg:$0x9] =	wrdreg s20  }
0x11: {  	v2 =	vunpack.c.0.s8.s32 v2;
	s1 =	simm.s32 $0x13000;
	s22 =	sadd.s32 $0x2800, s7;
	[dreg:$0xa] =	wrdreg s21;
	v0 =	vcombine.low v0, v1;
	v1 =	vimm.s32 $0x54761032  }
0x12: {  	v3 =	vunpack.c.0.s8.s32 v3;
	s8 =	simm.s32 $0x0;
	s23 =	sadd.s32 $0x3000, s7;
	[dreg:$0xb] =	wrdreg s22;
	v6 =	vunpack.c.l.s4.s8 v1;
	v1 =	vimm.s32 $0x67452301  }
0x13: {  	v5 =	vunpack.c.l.s4.s8 v5;
	s25 =	sadd.s32 $0x3800, s7;
	s0 =	sadd.s32 s4, s24;
	[dreg:$0xc] =	wrdreg s23;
	v8 =	vunpack.c.l.s4.s8 v1  }
0x14: {  	s26 =	smax.u32 s5, $0x1;
	s24 =	simm.s32 $0xF000;
	[dreg:$0xd] =	wrdreg s25;
	v1 =	vcombine.low v3, v2;
	v2 =	vunpack.c.0.s8.s32 v4;
	v3 =	vunpack.c.0.s8.s32 v6  }
0x15: {  	v7 =	vlaneseq.u32;
	s5 =	simm.s32 $0x1;
	s7 =	simm.s32 $0x5;
	[dreg:$0xe] =	wrdreg s0;
	v6 =	vunpack.c.0.s8.s32 v5  }
0x16: {  	s18 =	simm.s32 $0xD000;
	s19 =	simm.s32 $0xD800;
	s20 =	simm.s32 $0xE000;
	v8 =	vunpack.c.0.s8.s32 v8;
	v2 =	vcombine.low v3, v2;
	v3 =	vand.u32 $0x7, v7  }
0x17: {  	[dreg:$0xf] =	wrdreg s26;
	s22 =	simm.s32 $0x7;
	s23 =	simm.s32 $0xE800;
	v4 =	vshrl.u32 v7, $0x3;
	[tilespmem:$0x1FFE0] =	vst v3;
	v3 =	vor.u32 $0x8, v7  }
0x18: {  	vm0 =	vmmov $0xffff;
	s25 =	simm.s32 $0xF800;
	s26 =	simm.s32 $0x10000;
	s0 =	simm.s32 $0x12800;
	v57 =	vmul.u32 $0x8, v4;
	v6 =	vcombine.low v8, v6;
	[tilespmem:$0x1FFF0] =	vst v3  }
.LBB2_1:
0x19: {  	s4 =	rddreg [dreg:$0x5]  }
0x1a: {  	[tilespmem:s3], [sflag:$0x1] =	stream.linear.gather [hbm4b:s4+s3], $0x4000, $0x38;
	[tilespmem:$0x18280] =	vst v63  }
0x1b: {  	s21 =	rddreg [dreg:$0x6];
	s12 =	simm.s32 $0x4000  }
0x1c: {  	[tilespmem:s12], [sflag:$0x2] =	stream.linear.gather [hbm4b:s21+s3], $0x4000, $0x38;
	[tilespmem:$0x18280] =	vst v63  }
0x1d: {  	s13 =	simm.s32 $0x18000;
	s12 =	rddreg [dreg:$0x7]  }
0x1e: {  	[tilespmem:s13], [sflag:$0x7] =	stream.linear.gather [hbm4b:s12+s3], $0x200, $0x38;
	[tilespmem:$0x18280] =	vst v63  }
0x1f: {  	_ =	swait.ge [sflag:s22], $0x200  }
0x20: {  	[sflag:s22] =	ssyncset.done $0x0  }
0x21: {  	[sflag:s22] =	ssyncadd.s32 $0xFFFFFE00  }
0x22: {  	v7 =	vld [tilespmem:$0x18000];
	_ =	sdelay $0x2  }
0x23: {  	v3 =	vld [tilespmem:$0x1FFE0];
	_ =	sdelay $0x1  }
0x24: {  	v5 =	vld [tilespmem:$0x1FFF0];
	v8 =	vshll.u32 v7, $0x1  }
0x25: {  	v7 =	vand.u32 $0x7, v7;
	v8 =	vand.u32 $0xFFFFFFF0, v8  }
0x26: {  	v7 =	vor.u32 v7, v8  }
0x27: {  	v8 =	vperm.xlane v7, v3;
	_ =	sdelay $0x1  }
0x28: {  	v7 =	vperm.xlane v7, v5;
	v8 =	vadd.s32 v57, v8;
	_ =	sdelay $0x1  }
0x29: {  	v7 =	vadd.s32 v57, v7;
	_ =	sdelay $0x2  }
0x2a: {  	[tilespmem:s16], [sflag:$0x4] =	stream.indirect_vreg.gather [hbm4b:s2+s3], $0x80, v8, vm0, $0xb8;
	[tilespmem:$0x18280] =	vst v63  }
0x2b: {  	_ = 	snop  }
0x2c: {  	[tilespmem:s17], [sflag:$0x4] =	stream.indirect_vreg.gather [hbm4b:s2+s3], $0x80, v7, vm0, $0xb8;
	[tilespmem:$0x18280] =	vst v63  }
0x2d: {  	v7 =	vld [tilespmem:$0x18010];
	_ =	sdelay $0x4  }
0x2e: {  	v8 =	vshll.u32 v7, $0x1  }
0x2f: {  	v7 =	vand.u32 $0x7, v7;
	v8 =	vand.u32 $0xFFFFFFF0, v8  }
0x30: {  	v7 =	vor.u32 v7, v8  }
0x31: {  	v8 =	vperm.xlane v7, v3;
	_ =	sdelay $0x1  }
0x32: {  	v7 =	vperm.xlane v7, v5;
	v8 =	vadd.s32 v57, v8;
	_ =	sdelay $0x1  }
0x33: {  	v7 =	vadd.s32 v57, v7;
	_ =	sdelay $0x2  }
0x34: {  	[tilespmem:s18], [sflag:$0x4] =	stream.indirect_vreg.gather [hbm4b:s2+s3], $0x80, v8, vm0, $0xb8;
	[tilespmem:$0x18280] =	vst v63  }
0x35: {  	_ = 	snop  }
0x36: {  	[tilespmem:s19], [sflag:$0x4] =	stream.indirect_vreg.gather [hbm4b:s2+s3], $0x80, v7, vm0, $0xb8;
	[tilespmem:$0x18280] =	vst v63  }
0x37: {  	v7 =	vld [tilespmem:$0x18020];
	_ =	sdelay $0x4  }
0x38: {  	v8 =	vshll.u32 v7, $0x1  }
0x39: {  	v7 =	vand.u32 $0x7, v7;
	v8 =	vand.u32 $0xFFFFFFF0, v8  }
0x3a: {  	v7 =	vor.u32 v7, v8  }
0x3b: {  	v8 =	vperm.xlane v7, v3;
	_ =	sdelay $0x1  }
0x3c: {  	v7 =	vperm.xlane v7, v5;
	v8 =	vadd.s32 v57, v8;
	_ =	sdelay $0x1  }
0x3d: {  	v7 =	vadd.s32 v57, v7;
	_ =	sdelay $0x2  }
0x3e: {  	[tilespmem:s20], [sflag:$0x4] =	stream.indirect_vreg.gather [hbm4b:s2+s3], $0x80, v8, vm0, $0xb8;
	[tilespmem:$0x18280] =	vst v63  }
0x3f: {  	_ = 	snop  }
0x40: {  	[tilespmem:s23], [sflag:$0x4] =	stream.indirect_vreg.gather [hbm4b:s2+s3], $0x80, v7, vm0, $0xb8;
	[tilespmem:$0x18280] =	vst v63  }
0x41: {  	v7 =	vld [tilespmem:$0x18030];
	_ =	sdelay $0x4  }
0x42: {  	v8 =	vshll.u32 v7, $0x1  }
0x43: {  	v7 =	vand.u32 $0x7, v7;
	v8 =	vand.u32 $0xFFFFFFF0, v8  }
0x44: {  	v7 =	vor.u32 v7, v8  }
0x45: {  	v8 =	vperm.xlane v7, v3;
	_ =	sdelay $0x1  }
0x46: {  	v7 =	vperm.xlane v7, v5;
	v8 =	vadd.s32 v57, v8;
	_ =	sdelay $0x1  }
0x47: {  	v7 =	vadd.s32 v57, v7;
	_ =	sdelay $0x2  }
0x48: {  	[tilespmem:s24], [sflag:$0x4] =	stream.indirect_vreg.gather [hbm4b:s2+s3], $0x80, v8, vm0, $0xb8;
	[tilespmem:$0x18280] =	vst v63  }
0x49: {  	_ = 	snop  }
0x4a: {  	[tilespmem:s25], [sflag:$0x4] =	stream.indirect_vreg.gather [hbm4b:s2+s3], $0x80, v7, vm0, $0xb8;
	[tilespmem:$0x18280] =	vst v63  }
0x4b: {  	v7 =	vld [tilespmem:$0x18040];
	_ =	sdelay $0x4  }
0x4c: {  	v8 =	vshll.u32 v7, $0x1  }
0x4d: {  	v7 =	vand.u32 $0x7, v7;
	v8 =	vand.u32 $0xFFFFFFF0, v8  }
0x4e: {  	v7 =	vor.u32 v7, v8  }
0x4f: {  	v8 =	vperm.xlane v7, v3;
	_ =	sdelay $0x1  }
0x50: {  	v7 =	vperm.xlane v7, v5;
	v8 =	vadd.s32 v57, v8;
	_ =	sdelay $0x1  }
0x51: {  	v7 =	vadd.s32 v57, v7;
	_ =	sdelay $0x2  }
0x52: {  	[tilespmem:s26], [sflag:$0x5] =	stream.indirect_vreg.gather [hbm4b:s2+s3], $0x80, v8, vm0, $0xb8;
	[tilespmem:$0x18280] =	vst v63  }
0x53: {  	_ = 	snop  }
0x54: {  	[tilespmem:s28], [sflag:$0x5] =	stream.indirect_vreg.gather [hbm4b:s2+s3], $0x80, v7, vm0, $0xb8;
	[tilespmem:$0x18280] =	vst v63  }
0x55: {  	v7 =	vld [tilespmem:$0x18050];
	_ =	sdelay $0x4  }
0x56: {  	v8 =	vshll.u32 v7, $0x1  }
0x57: {  	v7 =	vand.u32 $0x7, v7;
	v8 =	vand.u32 $0xFFFFFFF0, v8  }
0x58: {  	v7 =	vor.u32 v7, v8  }
0x59: {  	v8 =	vperm.xlane v7, v3;
	_ =	sdelay $0x1  }
0x5a: {  	v7 =	vperm.xlane v7, v5;
	v8 =	vadd.s32 v57, v8;
	_ =	sdelay $0x1  }
0x5b: {  	v7 =	vadd.s32 v57, v7;
	_ =	sdelay $0x2  }
0x5c: {  	[tilespmem:s29], [sflag:$0x5] =	stream.indirect_vreg.gather [hbm4b:s2+s3], $0x80, v8, vm0, $0xb8;
	[tilespmem:$0x18280] =	vst v63  }
0x5d: {  	_ = 	snop  }
0x5e: {  	[tilespmem:s30], [sflag:$0x5] =	stream.indirect_vreg.gather [hbm4b:s2+s3], $0x80, v7, vm0, $0xb8;
	[tilespmem:$0x18280] =	vst v63  }
0x5f: {  	v7 =	vld [tilespmem:$0x18060];
	_ =	sdelay $0x4  }
0x60: {  	v8 =	vshll.u32 v7, $0x1  }
0x61: {  	v7 =	vand.u32 $0x7, v7;
	v8 =	vand.u32 $0xFFFFFFF0, v8  }
0x62: {  	v7 =	vor.u32 v7, v8  }
0x63: {  	v8 =	vperm.xlane v7, v3;
	_ =	sdelay $0x1  }
0x64: {  	v7 =	vperm.xlane v7, v5;
	v8 =	vadd.s32 v57, v8;
	_ =	sdelay $0x1  }
0x65: {  	v7 =	vadd.s32 v57, v7;
	_ =	sdelay $0x2  }
0x66: {  	[tilespmem:s31], [sflag:$0x5] =	stream.indirect_vreg.gather [hbm4b:s2+s3], $0x80, v8, vm0, $0xb8;
	[tilespmem:$0x18280] =	vst v63  }
0x67: {  	_ = 	snop  }
0x68: {  	[tilespmem:s0], [sflag:$0x5] =	stream.indirect_vreg.gather [hbm4b:s2+s3], $0x80, v7, vm0, $0xb8;
	[tilespmem:$0x18280] =	vst v63  }
0x69: {  	v7 =	vld [tilespmem:$0x18070];
	_ =	sdelay $0x4  }
0x6a: {  	v8 =	vshll.u32 v7, $0x1  }
0x6b: {  	v7 =	vand.u32 $0x7, v7;
	v8 =	vand.u32 $0xFFFFFFF0, v8  }
0x6c: {  	v7 =	vor.u32 v7, v8  }
0x6d: {  	v8 =	vperm.xlane v7, v3;
	_ =	sdelay $0x1  }
0x6e: {  	v7 =	vperm.xlane v7, v5;
	v8 =	vadd.s32 v57, v8;
	_ =	sdelay $0x1  }
0x6f: {  	v7 =	vadd.s32 v57, v7;
	_ =	sdelay $0x2  }
0x70: {  	[tilespmem:s1], [sflag:$0x5] =	stream.indirect_vreg.gather [hbm4b:s2+s3], $0x80, v8, vm0, $0xb8;
	[tilespmem:$0x18280] =	vst v63  }
0x71: {  	_ = 	snop  }
0x72: {  	[tilespmem:s15], [sflag:$0x5] =	stream.indirect_vreg.gather [hbm4b:s2+s3], $0x80, v7, vm0, $0xb8;
	[tilespmem:$0x18280] =	vst v63  }
0x73: {  	s21 =	simm.s32 $0x8000;
	s14 =	rddreg [dreg:$0x8]  }
0x74: {  	[tilespmem:s21], [sflag:$0x3] =	stream.linear.gather [hbm4b:s14+s3], $0x4000, $0x38;
	[tilespmem:$0x18280] =	vst v63  }
0x75: {  	v7 =	vld [tilespmem:$0x18080];
	_ =	sdelay $0x4  }
0x76: {  	v8 =	vshll.u32 v7, $0x1  }
0x77: {  	v7 =	vand.u32 $0x7, v7;
	v8 =	vand.u32 $0xFFFFFFF0, v8  }
0x78: {  	v7 =	vor.u32 v7, v8  }
0x79: {  	v8 =	vperm.xlane v7, v3;
	_ =	sdelay $0x1  }
0x7a: {  	v7 =	vperm.xlane v7, v5;
	v8 =	vadd.s32 v57, v8;
	_ =	sdelay $0x1  }
0x7b: {  	v7 =	vadd.s32 v57, v7;
	_ =	sdelay $0x1  }
0x7c: {  	s13 =	simm.s32 $0x14000  }
0x7d: {  	[tilespmem:s13], [sflag:$0x6] =	stream.indirect_vreg.gather [hbm4b:s2+s3], $0x80, v8, vm0, $0xb8;
	[tilespmem:$0x18280] =	vst v63  }
0x7e: {  	s14 =	simm.s32 $0x14800  }
0x7f: {  	[tilespmem:s14], [sflag:$0x6] =	stream.indirect_vreg.gather [hbm4b:s2+s3], $0x80, v7, vm0, $0xb8;
	[tilespmem:$0x18280] =	vst v63  }
0x80: {  	v7 =	vld [tilespmem:$0x18090];
	_ =	sdelay $0x4  }
0x81: {  	v8 =	vshll.u32 v7, $0x1  }
0x82: {  	v7 =	vand.u32 $0x7, v7;
	v8 =	vand.u32 $0xFFFFFFF0, v8  }
0x83: {  	v7 =	vor.u32 v7, v8  }
0x84: {  	v8 =	vperm.xlane v7, v3;
	_ =	sdelay $0x1  }
0x85: {  	v7 =	vperm.xlane v7, v5;
	v8 =	vadd.s32 v57, v8;
	_ =	sdelay $0x1  }
0x86: {  	v7 =	vadd.s32 v57, v7;
	_ =	sdelay $0x1  }
0x87: {  	s21 =	simm.s32 $0x15000  }
0x88: {  	[tilespmem:s21], [sflag:$0x6] =	stream.indirect_vreg.gather [hbm4b:s2+s3], $0x80, v8, vm0, $0xb8;
	[tilespmem:$0x18280] =	vst v63  }
0x89: {  	s12 =	simm.s32 $0x15800  }
0x8a: {  	[tilespmem:s12], [sflag:$0x6] =	stream.indirect_vreg.gather [hbm4b:s2+s3], $0x80, v7, vm0, $0xb8;
	[tilespmem:$0x18280] =	vst v63  }
0x8b: {  	v7 =	vld [tilespmem:$0x180A0];
	_ =	sdelay $0x4  }
0x8c: {  	v8 =	vshll.u32 v7, $0x1  }
0x8d: {  	v7 =	vand.u32 $0x7, v7;
	v8 =	vand.u32 $0xFFFFFFF0, v8  }
0x8e: {  	v7 =	vor.u32 v7, v8  }
0x8f: {  	v8 =	vperm.xlane v7, v3;
	_ =	sdelay $0x1  }
0x90: {  	v7 =	vperm.xlane v7, v5;
	v8 =	vadd.s32 v57, v8;
	_ =	sdelay $0x1  }
0x91: {  	v7 =	vadd.s32 v57, v7;
	_ =	sdelay $0x1  }
0x92: {  	s13 =	simm.s32 $0x16000  }
0x93: {  	[tilespmem:s13], [sflag:$0x6] =	stream.indirect_vreg.gather [hbm4b:s2+s3], $0x80, v8, vm0, $0xb8;
	[tilespmem:$0x18280] =	vst v63  }
0x94: {  	s14 =	simm.s32 $0x16800  }
0x95: {  	[tilespmem:s14], [sflag:$0x6] =	stream.indirect_vreg.gather [hbm4b:s2+s3], $0x80, v7, vm0, $0xb8;
	[tilespmem:$0x18280] =	vst v63  }
0x96: {  	v7 =	vld [tilespmem:$0x180B0];
	_ =	sdelay $0x4  }
0x97: {  	v8 =	vshll.u32 v7, $0x1  }
0x98: {  	v7 =	vand.u32 $0x7, v7;
	v8 =	vand.u32 $0xFFFFFFF0, v8  }
0x99: {  	v7 =	vor.u32 v7, v8  }
0x9a: {  	v8 =	vperm.xlane v7, v3;
	_ =	sdelay $0x1  }
0x9b: {  	v7 =	vperm.xlane v7, v5;
	v8 =	vadd.s32 v57, v8;
	_ =	sdelay $0x1  }
0x9c: {  	v7 =	vadd.s32 v57, v7;
	_ =	sdelay $0x1  }
0x9d: {  	s21 =	simm.s32 $0x17000  }
0x9e: {  	[tilespmem:s21], [sflag:$0x6] =	stream.indirect_vreg.gather [hbm4b:s2+s3], $0x80, v8, vm0, $0xb8;
	[tilespmem:$0x18280] =	vst v63  }
0x9f: {  	s12 =	simm.s32 $0x17800  }
0xa0: {  	[tilespmem:s12], [sflag:$0x6] =	stream.indirect_vreg.gather [hbm4b:s2+s3], $0x80, v7, vm0, $0xb8;
	[tilespmem:$0x18280] =	vst v63  }
0xa1: {  	_ =	swait.ge [sflag:s5], $0x4000  }
0xa2: {  	[sflag:s5] =	ssyncset.done $0x0  }
0xa3: {  	[sflag:s5] =	ssyncadd.s32 $0xFFFFC000  }
0xa4: {  	_ =	swait.ge [sflag:s9], $0x4000  }
0xa5: {  	s13 =	sand.u32 $0x3800, s3;
	s14 =	sand.u32 $0x380, s3;
	[sflag:s9] =	ssyncset.done $0x0  }
0xa6: {  	s12 =	sor.u32 s14, s13;
	[sflag:s9] =	ssyncadd.s32 $0xFFFFC000  }
0xa7: {  	v7 =	vld [tilespmem:s12+$0x460]  }
0xa8: {  	v9 =	vld [tilespmem:s12+$0x440]  }
0xa9: {  	v10 =	vld [tilespmem:s12+$0x400]  }
0xaa: {  	v23 =	vld [tilespmem:s12+$0x60]  }
0xab: {  	v24 =	vld [tilespmem:s12+$0x70]  }
0xac: {  	v25 =	vld [tilespmem:s12+$0x0]  }
0xad: {  	v15 =	vld [tilespmem:s12+$0x10]  }
0xae: {  	v28 =	vld [tilespmem:s12+$0x20]  }
0xaf: {  	v31 =	vld [tilespmem:s12+$0x30]  }
0xb0: {  	v27 =	vld [tilespmem:s12+$0x40]  }
0xb1: {  	v30 =	vld [tilespmem:s12+$0x50]  }
0xb2: {  	v11 =	vld [tilespmem:s12+$0xC460]  }
0xb3: {  	v13 =	vld [tilespmem:s12+$0xC440];
	v8 =	vmul.f32 v25, v25;
	v12 =	vmul.f32 v28, v28  }
0xb4: {  	v20 =	vld [tilespmem:s12+$0x410];
	v14 =	vmul.f32 v15, v15;
	v16 =	vmul.f32 v31, v31  }
0xb5: {  	v18 =	vld [tilespmem:s12+$0xC450];
	v17 =	vmul.f32 v27, v27  }
0xb6: {  	v8 =	vadd.f32 v12, v8;
	v12 =	vadd.f32 v16, v14;
	v14 =	vmul.f32 v30, v30;
	v16 =	vld [tilespmem:s12+$0x420]  }
0xb7: {  	v21 =	vld [tilespmem:s12+$0x430];
	v19 =	vmul.f32 v23, v23  }
0xb8: {  	v22 =	vld [tilespmem:s12+$0x450];
	v8 =	vadd.f32 v17, v8;
	v17 =	vmul.f32 v24, v24;
	v12 =	vadd.f32 v14, v12  }
0xb9: {  	v26 =	vld [tilespmem:s12+$0xC420];
	v29 =	vmul.f32 v20, v20  }
0xba: {  	v32 =	vld [tilespmem:s12+$0xC400];
	v14 =	vmul.f32 v10, v10;
	v19 =	vadd.f32 v19, v8;
	v12 =	vadd.f32 v17, v12  }
0xbb: {  	v8 =	vld [tilespmem:s12+$0x470];
	v17 =	vmul.f32 v16, v16  }
0xbc: {  	v34 =	vld [tilespmem:s12+$0xC410];
	v14 =	vadd.f32 v14, v19;
	v12 =	vadd.f32 v29, v12;
	v29 =	vmul.f32 v21, v21  }
0xbd: {  	v36 =	vld [tilespmem:s12+$0xC060];
	v33 =	vmul.f32 v9, v9  }
0xbe: {  	v37 =	vld [tilespmem:s12+$0xC070];
	v35 =	vmul.f32 v22, v22;
	v14 =	vadd.f32 v17, v14;
	v12 =	vadd.f32 v29, v12  }
0xbf: {  	v38 =	vld [tilespmem:s12+$0xC040];
	v17 =	vmul.f32 v7, v7  }
0xc0: {  	v62 =	vld [tilespmem:s12+$0xC050];
	v29 =	vmul.f32 v8, v8;
	v14 =	vadd.f32 v33, v14;
	v12 =	vadd.f32 v35, v12  }
0xc1: {  	v63 =	vld [tilespmem:s12+$0xC020]  }
0xc2: {  	v19 =	vld [tilespmem:s12+$0xC430];
	v14 =	vadd.f32 v17, v14;
	v12 =	vadd.f32 v29, v12  }
0xc3: {  	s21 =	simm.s32 $0x100;
	s13 =	simm.s32 $0x80;
	v39 =	vld [tilespmem:s12+$0xC030]  }
0xc4: {  	s4 =	sand.u32 $0x3800, s21;
	s21 =	sand.u32 $0x380, s13;
	v40 =	vld [tilespmem:s12+$0xC000];
	v29 =	vadd.f32 v12, v14  }
0xc5: {  	s4 =	sor.u32 s21, s4;
	v43 =	vld [tilespmem:s12+$0xC010];
	v17 =	vmul.f32 v16, v26  }
0xc6: {  	v16 =	vmul.f32 v22, v18;
	v22 =	vld [tilespmem:s4+$0x60];
	v41 =	vperm.xlane v29, v0  }
0xc7: {  	v18 =	vmul.f32 v21, v19;
	v21 =	vld [tilespmem:s4+$0x70]  }
0xc8: {  	v20 =	vmul.f32 v20, v34;
	v14 =	vmul.f32 v9, v13;
	v13 =	vld [tilespmem:s4+$0x400];
	v41 =	vadd.f32 v29, v41  }
0xc9: {  	v23 =	vmul.f32 v23, v36;
	v19 =	vmul.f32 v10, v32;
	v9 =	vld [tilespmem:s4+$0x460]  }
0xca: {  	v12 =	vmul.f32 v7, v11;
	v11 =	vld [tilespmem:s4+$0x440];
	v10 =	vperm.xlane v41, v1  }
0xcb: {  	v51 =	vmul.f32 v25, v40;
	v36 =	vmul.f32 v31, v39;
	v26 =	vld [tilespmem:s4+$0x0]  }
0xcc: {  	v30 =	vmul.f32 v30, v62;
	v29 =	vmul.f32 v27, v38;
	v27 =	vld [tilespmem:s4+$0x10];
	v59 =	vadd.f32 v41, v10  }
0xcd: {  	s21 =	simm.s32 $0x200;
	v24 =	vmul.f32 v24, v37;
	v33 =	vmul.f32 v28, v63;
	v7 =	vimm.f32 $0.0e+00;
	v58 =	vmovc v13;
	v10 =	vld [tilespmem:s4+$0x20]  }
.LBB2_2:
0xce: {  	p0 =	sne.s32 s21, $0x3F00;
	v25 =	vld [tilespmem:s4+$0x30];
	v37 =	vmul.f32 v15, v43;
	v3 =	vperm.xlane v59, v2;
	v35 =	vmov v22  }
0xcf: {  	v38 =	vmul.f32 v11, v11;
	v39 =	vmul.f32 v9, v9;
	v31 =	vld [tilespmem:s4+$0x40];
	v34 =	vmov v21  }
0xd0: {  	v40 =	vmul.f32 v58, v13;
	v22 =	vmul.f32 v22, v35;
	v32 =	vld [tilespmem:s4+$0x50];
	v41 =	vadd.f32 v59, v3;
	v28 =	vmovc v26  }
0xd1: {  	v21 =	vmul.f32 v21, v34;
	v26 =	vmul.f32 v26, v28;
	v42 =	vld [tilespmem:s4+$0xC460];
	v15 =	vmov v27  }
0xd2: {  	v27 =	vmul.f32 v27, v15;
	v43 =	vld [tilespmem:s12+$0xC470];
	v44 =	vperm.xlane v41, v6;
	s12 =	smov.u32 s4  }
0xd3: {  	v48 =	vadd.f32 $0.0e+00, v51;
	v45 =	vmul.f32 v10, v10;
	v46 =	vmul.f32 v25, v25;
	v47 =	vld [tilespmem:s12+$0xC440]  }
0xd4: {  	v37 =	vadd.f32 $0.0e+00, v37;
	v49 =	vmul.f32 v31, v31;
	v50 =	vld [tilespmem:s12+$0x410];
	v41 =	vadd.f32 v41, v44  }
0xd5: {  	v26 =	vadd.f32 v45, v26;
	v27 =	vadd.f32 v46, v27;
	v44 =	vmul.f32 v32, v32;
	v45 =	vld [tilespmem:s12+$0xC450]  }
0xd6: {  	v33 =	vadd.f32 v33, v48;
	v46 =	vld [tilespmem:s12+$0x420];
	v48 =	vshrl.u32 v41, $0x1;
	v41 =	vmul.f32 $5.000000000e-01, v41  }
0xd7: {  	v36 =	vadd.f32 v36, v37;
	v26 =	vadd.f32 v49, v26;
	v49 =	vld [tilespmem:s12+$0x430];
	v37 =	vsub.s32 $0x5F3759DF, v48  }
0xd8: {  	v29 =	vadd.f32 v29, v33;
	v27 =	vadd.f32 v44, v27;
	v44 =	vld [tilespmem:s12+$0x450];
	v33 =	vmul.f32 v37, v41  }
0xd9: {  	v30 =	vadd.f32 v30, v36;
	v22 =	vadd.f32 v22, v26;
	v26 =	vmul.f32 v50, v50;
	v48 =	vld [tilespmem:s12+$0xC420]  }
0xda: {  	v23 =	vadd.f32 v23, v29;
	v21 =	vadd.f32 v21, v27;
	v27 =	vld [tilespmem:s12+$0x470];
	v29 =	vmul.f32 v37, v33  }
0xdb: {  	v24 =	vadd.f32 v24, v30;
	v22 =	vadd.f32 v40, v22;
	v33 =	vmul.f32 v46, v46;
	v36 =	vld [tilespmem:s12+$0xC430]  }
0xdc: {  	v21 =	vadd.f32 v26, v21;
	v30 =	vld [tilespmem:s12+$0xC400];
	v26 =	vmul.f32 v49, v49;
	v29 =	vsub.f32 $1.500000000e+00, v29  }
0xdd: {  	v19 =	vadd.f32 v19, v23;
	v20 =	vadd.f32 v20, v24;
	v40 =	vld [tilespmem:s12+$0xC410];
	v51 =	vmul.f32 v44, v44  }
0xde: {  	v22 =	vadd.f32 v33, v22;
	v23 =	vld [tilespmem:s12+$0xC060];
	v21 =	vadd.f32 v26, v21;
	v24 =	vmul.f32 v37, v29  }
0xdf: {  	v17 =	vadd.f32 v17, v19;
	v18 =	vadd.f32 v18, v20;
	v33 =	vld [tilespmem:s12+$0xC070];
	v26 =	vmul.f32 v27, v27  }
0xe0: {  	v19 =	vadd.f32 v38, v22;
	v29 =	vld [tilespmem:s12+$0xC040];
	v20 =	vadd.f32 v51, v21;
	v21 =	vmul.f32 v24, v41  }
0xe1: {  	v14 =	vadd.f32 v14, v17;
	v17 =	vmul.f32 v8, v43;
	v16 =	vadd.f32 v16, v18;
	v8 =	vmovc v27;
	v37 =	vld [tilespmem:s12+$0xC050]  }
0xe2: {  	v18 =	vadd.f32 v39, v19;
	v38 =	vld [tilespmem:s12+$0xC020];
	v19 =	vadd.f32 v26, v20;
	v20 =	vmul.f32 v21, v24  }
0xe3: {  	s13 =	sadd.s32 $0x80, s13;
	v16 =	vadd.f32 v17, v16;
	v21 =	vadd.f32 v12, v14;
	v39 =	vld [tilespmem:s12+$0xC030]  }
0xe4: {  	s14 =	sand.u32 $0x380, s13;
	s4 =	sand.u32 $0x3800, s21;
	v41 =	vld [tilespmem:s12+$0xC000];
	v19 =	vadd.f32 v19, v18;
	v17 =	vsub.f32 $1.500000000e+00, v20  }
0xe5: {  	s4 =	sor.u32 s14, s4;
	v14 =	vmul.f32 v11, v47;
	v12 =	vmul.f32 v9, v42;
	v43 =	vld [tilespmem:s12+$0xC010]  }
0xe6: {  	v21 =	vadd.f32 v16, v21;
	v9 =	vld [tilespmem:s4+$0x460];
	v20 =	vperm.xlane v19, v0;
	v22 =	vmul.f32 v17, v24  }
0xe7: {  	v16 =	vmul.f32 v44, v45;
	v17 =	vmul.f32 v46, v48;
	v11 =	vld [tilespmem:s4+$0x440]  }
0xe8: {  	v18 =	vmul.f32 v49, v36;
	v58 =	vld [tilespmem:s4+$0x400];
	v36 =	vadd.f32 v19, v20;
	v24 =	vmul.f32 v22, v21  }
.Ltmp0:
0xe9: {  	v19 =	vmul.f32 v13, v30;
	v20 =	vmul.f32 v50, v40;
	v22 =	vld [tilespmem:s4+$0x60];
	(pc) =	sbr.rel @p0 .LBB2_2-.Ltmp0, $4  }
0xea: {  	v23 =	vmul.f32 v35, v23;
	v21 =	vld [tilespmem:s4+$0x70];
	v3 =	vperm.xlane v36, v1;
	v7 =	vadd.f32 v24, v7  }
0xeb: {  	v29 =	vmul.f32 v31, v29;
	v24 =	vmul.f32 v34, v33;
	v26 =	vld [tilespmem:s4+$0x0]  }
0xec: {  	v30 =	vmul.f32 v32, v37;
	v33 =	vmul.f32 v10, v38;
	v27 =	vld [tilespmem:s4+$0x10];
	v59 =	vadd.f32 v36, v3  }
0xed: {  	s21 =	sadd.s32 $0x100, s21;
	v51 =	vmul.f32 v28, v41;
	v36 =	vmul.f32 v25, v39;
	v10 =	vld [tilespmem:s4+$0x20];
	v13 =	vmov v58  }
0xee: {  	v37 =	vld [tilespmem:s4+$0x30]  }
0xef: {  	v34 =	vld [tilespmem:s4+$0x40]  }
0xf0: {  	v31 =	vld [tilespmem:s4+$0x50]  }
0xf1: {  	v44 =	vld [tilespmem:s4+$0xC460]  }
0xf2: {  	v55 =	vld [tilespmem:s12+$0xC470]  }
0xf3: {  	v53 =	vld [tilespmem:s4+$0xC440]  }
0xf4: {  	v32 =	vld [tilespmem:s4+$0x410]  }
0xf5: {  	v45 =	vld [tilespmem:s4+$0xC450]  }
0xf6: {  	v52 =	vld [tilespmem:s4+$0x420]  }
0xf7: {  	v42 =	vld [tilespmem:s4+$0x430]  }
0xf8: {  	v50 =	vld [tilespmem:s4+$0x450]  }
0xf9: {  	v54 =	vld [tilespmem:s4+$0xC420]  }
0xfa: {  	v25 =	vld [tilespmem:s4+$0x470]  }
0xfb: {  	v47 =	vld [tilespmem:s4+$0xC430]  }
0xfc: {  	v46 =	vld [tilespmem:s4+$0xC400]  }
0xfd: {  	v38 =	vld [tilespmem:s4+$0xC410]  }
0xfe: {  	v39 =	vld [tilespmem:s4+$0xC060]  }
0xff: {  	v35 =	vld [tilespmem:s4+$0xC070]  }
0x100: {  	v41 =	vld [tilespmem:s4+$0xC040]  }
0x101: {  	v40 =	vld [tilespmem:s4+$0xC050]  }
0x102: {  	v48 =	vld [tilespmem:s4+$0xC020]  }
0x103: {  	v49 =	vld [tilespmem:s4+$0xC030]  }
0x104: {  	v28 =	vld [tilespmem:s4+$0xC000]  }
0x105: {  	v56 =	vld [tilespmem:s4+$0xC010];
	s21 =	simm.s32 $0x0;
	s13 =	rddreg [dreg:$0x9]  }
0x106: {  	v3 =	vld [tilespmem:s4+$0xC470];
	[tilespmem:s21], [sflag:$0x1] =	stream.linear.gather [hbm4b:s13+s21], $0x4000, $0x38  }
0x107: {  	v60 =	vld [tilespmem:$0x180C0];
	_ =	sdelay $0x2  }
0x108: {  	v5 =	vld [tilespmem:$0x1FFE0];
	_ =	sdelay $0x1  }
0x109: {  	v4 =	vld [tilespmem:$0x1FFF0];
	v61 =	vshll.u32 v60, $0x1  }
0x10a: {  	v60 =	vand.u32 $0x7, v60;
	v61 =	vand.u32 $0xFFFFFFF0, v61  }
0x10b: {  	v60 =	vor.u32 v60, v61  }
0x10c: {  	v61 =	vperm.xlane v60, v5;
	_ =	sdelay $0x1  }
0x10d: {  	v60 =	vperm.xlane v60, v4;
	v61 =	vadd.s32 v57, v61;
	_ =	sdelay $0x1  }
0x10e: {  	v60 =	vadd.s32 v57, v60;
	_ =	sdelay $0x2  }
0x10f: {  	[tilespmem:s16], [sflag:$0x4] =	stream.indirect_vreg.gather [hbm4b:s2+s21], $0x80, v61, vm0, $0xb8;
	[tilespmem:$0x18280] =	vst v63  }
0x110: {  	_ = 	snop  }
0x111: {  	[tilespmem:s17], [sflag:$0x4] =	stream.indirect_vreg.gather [hbm4b:s2+s21], $0x80, v60, vm0, $0xb8;
	[tilespmem:$0x18280] =	vst v63  }
0x112: {  	v60 =	vld [tilespmem:$0x180D0];
	_ =	sdelay $0x4  }
0x113: {  	v61 =	vshll.u32 v60, $0x1  }
0x114: {  	v60 =	vand.u32 $0x7, v60;
	v61 =	vand.u32 $0xFFFFFFF0, v61  }
0x115: {  	v60 =	vor.u32 v60, v61  }
0x116: {  	v61 =	vperm.xlane v60, v5;
	_ =	sdelay $0x1  }
0x117: {  	v60 =	vperm.xlane v60, v4;
	v61 =	vadd.s32 v57, v61;
	_ =	sdelay $0x1  }
0x118: {  	v60 =	vadd.s32 v57, v60;
	_ =	sdelay $0x2  }
0x119: {  	[tilespmem:s18], [sflag:$0x4] =	stream.indirect_vreg.gather [hbm4b:s2+s21], $0x80, v61, vm0, $0xb8;
	[tilespmem:$0x18280] =	vst v63  }
0x11a: {  	_ = 	snop  }
0x11b: {  	[tilespmem:s19], [sflag:$0x4] =	stream.indirect_vreg.gather [hbm4b:s2+s21], $0x80, v60, vm0, $0xb8;
	[tilespmem:$0x18280] =	vst v63  }
0x11c: {  	v60 =	vld [tilespmem:$0x180E0];
	_ =	sdelay $0x4  }
0x11d: {  	v61 =	vshll.u32 v60, $0x1  }
0x11e: {  	v60 =	vand.u32 $0x7, v60;
	v61 =	vand.u32 $0xFFFFFFF0, v61  }
0x11f: {  	v60 =	vor.u32 v60, v61  }
0x120: {  	v61 =	vperm.xlane v60, v5;
	_ =	sdelay $0x1  }
0x121: {  	v60 =	vperm.xlane v60, v4;
	v61 =	vadd.s32 v57, v61;
	_ =	sdelay $0x1  }
0x122: {  	v60 =	vadd.s32 v57, v60;
	_ =	sdelay $0x1  }
0x123: {  	v62 =	vmul.f32 v26, v26;
	v63 =	vmul.f32 v10, v10;
	[tilespmem:$0x1FFD0] =	vst v3  }
0x124: {  	v3 =	vmul.f32 v27, v27;
	[tilespmem:s20], [sflag:$0x4] =	stream.indirect_vreg.gather [hbm4b:s2+s21], $0x80, v61, vm0, $0xb8;
	v61 =	vmul.f32 v37, v37;
	[tilespmem:$0x18280] =	vst v63  }
0x125: {  	v62 =	vadd.f32 v63, v62;
	v63 =	vmul.f32 v34, v34  }
0x126: {  	v3 =	vadd.f32 v61, v3;
	v61 =	vmul.f32 v31, v31;
	[tilespmem:s23], [sflag:$0x4] =	stream.indirect_vreg.gather [hbm4b:s2+s21], $0x80, v60, vm0, $0xb8;
	[tilespmem:$0x18280] =	vst v63  }
0x127: {  	v62 =	vadd.f32 v63, v62;
	v60 =	vmul.f32 v22, v22;
	v63 =	vld [tilespmem:$0x180F0]  }
0x128: {  	v15 =	vmul.f32 v15, v43;
	v43 =	vmul.f32 v21, v21;
	v3 =	vadd.f32 v61, v3  }
0x129: {  	v58 =	vmul.f32 v58, v13;
	v61 =	vperm.xlane v59, v2;
	v60 =	vadd.f32 v60, v62  }
0x12a: {  	v62 =	vmul.f32 v11, v11;
	v3 =	vadd.f32 v43, v3;
	v43 =	vmul.f32 v32, v32  }
0x12b: {  	v59 =	vadd.f32 v59, v61;
	v58 =	vadd.f32 v58, v60;
	v60 =	vmul.f32 v52, v52  }
0x12c: {  	v3 =	vadd.f32 v43, v3;
	v43 =	vmul.f32 v42, v42;
	v61 =	vshll.u32 v63, $0x1  }
0x12d: {  	v58 =	vadd.f32 v60, v58;
	v60 =	vand.u32 $0x7, v63;
	v61 =	vand.u32 $0xFFFFFFF0, v61  }
0x12e: {  	v63 =	vmul.f32 v50, v50;
	v3 =	vadd.f32 v43, v3;
	v43 =	vor.u32 v60, v61  }
0x12f: {  	v60 =	vperm.xlane v59, v6;
	v58 =	vadd.f32 v62, v58;
	v61 =	vperm.xlane v43, v5  }
0x130: {  	v62 =	vmul.f32 v9, v9;
	v43 =	vperm.xlane v43, v4;
	v3 =	vadd.f32 v63, v3  }
0x131: {  	v63 =	vmul.f32 v25, v25;
	v59 =	vadd.f32 v59, v60;
	v60 =	vadd.s32 v57, v61  }
0x132: {  	v51 =	vadd.f32 $0.0e+00, v51;
	v15 =	vadd.f32 $0.0e+00, v15  }
0x133: {  	v58 =	vadd.f32 v62, v58;
	v43 =	vadd.s32 v57, v43;
	v3 =	vadd.f32 v63, v3  }
0x134: {  	v33 =	vadd.f32 v33, v51;
	v63 =	vshrl.u32 v59, $0x1;
	v59 =	vmul.f32 $5.000000000e-01, v59  }
0x135: {  	v15 =	vadd.f32 v36, v15;
	v61 =	vsub.s32 $0x5F3759DF, v63;
	v3 =	vadd.f32 v3, v58  }
0x136: {  	v29 =	vadd.f32 v29, v33;
	v62 =	vmul.f32 v61, v59;
	[tilespmem:s24], [sflag:$0x4] =	stream.indirect_vreg.gather [hbm4b:s2+s21], $0x80, v60, vm0, $0xb8;
	[tilespmem:$0x18280] =	vst v63  }
0x137: {  	v15 =	vadd.f32 v30, v15;
	v63 =	vperm.xlane v3, v0  }
0x138: {  	v23 =	vadd.f32 v23, v29;
	v30 =	vmul.f32 v61, v62;
	[tilespmem:s25], [sflag:$0x4] =	stream.indirect_vreg.gather [hbm4b:s2+s21], $0x80, v43, vm0, $0xb8;
	[tilespmem:$0x18280] =	vst v63  }
0x139: {  	v15 =	vadd.f32 v24, v15;
	v3 =	vadd.f32 v3, v63;
	_ =	swait.ge [sflag:s6], $0x4000  }
0x13a: {  	v19 =	vadd.f32 v19, v23;
	v24 =	vsub.f32 $1.500000000e+00, v30;
	[sflag:s6] =	ssyncset.done $0x0  }
0x13b: {  	v15 =	vadd.f32 v20, v15;
	v29 =	vperm.xlane v3, v1;
	[sflag:s6] =	ssyncadd.s32 $0xFFFFC000  }
0x13c: {  	v8 =	vmul.f32 v8, v55;
	v17 =	vadd.f32 v17, v19;
	v20 =	vmul.f32 v61, v24;
	_ =	swait.ge [sflag:s7], $0x4000  }
0x13d: {  	s14 =	sand.u32 $0x3800, s21;
	s4 =	sand.u32 $0x380, s21;
	v13 =	vmul.f32 v13, v46;
	v15 =	vadd.f32 v18, v15;
	v3 =	vadd.f32 v3, v29;
	[sflag:s7] =	ssyncset.done $0x0  }
0x13e: {  	s12 =	sor.u32 s4, s14;
	v21 =	vmul.f32 v21, v35;
	v18 =	vmul.f32 v20, v59;
	v4 =	vld [tilespmem:$0x1FFD0];
	[sflag:s7] =	ssyncadd.s32 $0xFFFFC000  }
0x13f: {  	v14 =	vadd.f32 v14, v17;
	v15 =	vadd.f32 v16, v15;
	v19 =	vperm.xlane v3, v2;
	v16 =	vld [tilespmem:s12+$0x4460]  }
0x140: {  	v34 =	vmul.f32 v34, v41;
	v17 =	vmul.f32 v18, v20;
	v18 =	vld [tilespmem:s12+$0x4440]  }
0x141: {  	v12 =	vadd.f32 v12, v14;
	v14 =	vmul.f32 v9, v44;
	v23 =	vld [tilespmem:s12+$0x4400];
	v3 =	vadd.f32 v3, v19  }
0x142: {  	v31 =	vmul.f32 v31, v40;
	v22 =	vmul.f32 v22, v39;
	v29 =	vld [tilespmem:s12+$0x4060]  }
0x143: {  	v15 =	vadd.f32 v8, v15;
	v9 =	vmul.f32 v26, v28;
	v33 =	vld [tilespmem:s12+$0x4070];
	v8 =	vperm.xlane v3, v6  }
0x144: {  	v11 =	vmul.f32 v11, v53;
	v26 =	vmul.f32 v27, v56;
	v36 =	vld [tilespmem:s12+$0x4000]  }
0x145: {  	v27 =	vadd.f32 $0.0e+00, v9;
	v43 =	vld [tilespmem:s12+$0x4020];
	v3 =	vadd.f32 v3, v8;
	v8 =	vmul.f32 v10, v48  }
0x146: {  	v32 =	vmul.f32 v32, v38;
	v26 =	vadd.f32 $0.0e+00, v26;
	v9 =	vld [tilespmem:s12+$0x4010];
	v10 =	vmul.f32 v37, v49  }
0x147: {  	v37 =	vld [tilespmem:s12+$0x4030];
	v48 =	vshrl.u32 v3, $0x1;
	v3 =	vmul.f32 $5.000000000e-01, v3;
	v8 =	vadd.f32 v8, v27  }
0x148: {  	v30 =	vmul.f32 v42, v47;
	v40 =	vld [tilespmem:s12+$0x4040];
	v10 =	vadd.f32 v10, v26;
	v27 =	vsub.s32 $0x5F3759DF, v48  }
0x149: {  	v24 =	vmul.f32 v50, v45;
	v26 =	vmul.f32 v27, v3;
	v8 =	vadd.f32 v34, v8;
	v34 =	vld [tilespmem:s12+$0x4050]  }
0x14a: {  	v38 =	vld [tilespmem:s12+$0x10440];
	v19 =	vmul.f32 v52, v54;
	v49 =	vmul.f32 v43, v43;
	v10 =	vadd.f32 v31, v10  }
0x14b: {  	v41 =	vld [tilespmem:s12+$0x4410];
	v26 =	vmul.f32 v27, v26;
	v8 =	vadd.f32 v22, v8;
	v22 =	vmul.f32 v36, v36  }
0x14c: {  	v35 =	vld [tilespmem:s12+$0x10450];
	v50 =	vmul.f32 v37, v37;
	v10 =	vadd.f32 v21, v10;
	v21 =	vmul.f32 v9, v9  }
0x14d: {  	v39 =	vld [tilespmem:s12+$0x4420];
	v51 =	vmul.f32 v40, v40;
	v26 =	vsub.f32 $1.500000000e+00, v26;
	v22 =	vadd.f32 v49, v22  }
0x14e: {  	v53 =	vld [tilespmem:s12+$0x4430];
	v8 =	vadd.f32 v13, v8;
	v13 =	vadd.f32 v50, v21;
	v21 =	vmul.f32 v34, v34  }
0x14f: {  	v55 =	vld [tilespmem:s12+$0x10420];
	v52 =	vmul.f32 v29, v29;
	v10 =	vadd.f32 v32, v10;
	v22 =	vadd.f32 v51, v22  }
0x150: {  	v56 =	vld [tilespmem:s12+$0x10400];
	v26 =	vmul.f32 v27, v26;
	v27 =	vmul.f32 v33, v33;
	v13 =	vadd.f32 v21, v13  }
0x151: {  	v54 =	vmul.f32 v23, v23;
	v19 =	vadd.f32 v19, v8;
	v10 =	vadd.f32 v30, v10;
	v21 =	vld [tilespmem:s12+$0x4450]  }
0x152: {  	v28 =	vld [tilespmem:s12+$0x10410];
	v30 =	vmul.f32 v41, v41;
	v22 =	vadd.f32 v52, v22;
	v13 =	vadd.f32 v27, v13  }
0x153: {  	v8 =	vld [tilespmem:s12+$0x4470];
	v11 =	vadd.f32 v11, v19;
	v27 =	vmul.f32 v39, v39  }
0x154: {  	v59 =	vld [tilespmem:s12+$0x10060];
	v19 =	vadd.f32 v54, v22;
	v13 =	vadd.f32 v30, v13;
	v30 =	vmul.f32 v53, v53  }
0x155: {  	v60 =	vld [tilespmem:s12+$0x10040];
	v10 =	vadd.f32 v24, v10;
	v24 =	vmul.f32 v25, v4;
	v25 =	vmul.f32 v18, v18  }
0x156: {  	v61 =	vld [tilespmem:s12+$0x10020];
	v58 =	vmul.f32 v21, v21;
	v19 =	vadd.f32 v27, v19;
	v13 =	vadd.f32 v30, v13  }
0x157: {  	v62 =	vld [tilespmem:s12+$0x10030];
	v17 =	vsub.f32 $1.500000000e+00, v17;
	v11 =	vadd.f32 v14, v11;
	v14 =	vmul.f32 v16, v16  }
0x158: {  	v63 =	vld [tilespmem:s12+$0x10000];
	v30 =	vmul.f32 v8, v8;
	v19 =	vadd.f32 v25, v19;
	v13 =	vadd.f32 v58, v13  }
0x159: {  	s13 =	simm.s32 $0x80;
	v12 =	vadd.f32 v15, v12;
	s21 =	simm.s32 $0x100;
	v42 =	vld [tilespmem:s12+$0x10010];
	v3 =	vmul.f32 v26, v3;
	v10 =	vadd.f32 v24, v10  }
0x15a: {  	s14 =	sand.u32 $0x380, s13;
	s4 =	sand.u32 $0x3800, s21;
	v17 =	vmul.f32 v17, v20;
	v22 =	vld [tilespmem:s12+$0x10430];
	v14 =	vadd.f32 v14, v19;
	v13 =	vadd.f32 v30, v13  }
0x15b: {  	s4 =	sor.u32 s14, s4;
	v31 =	vld [tilespmem:s12+$0x10460];
	v3 =	vmul.f32 v3, v26  }
0x15c: {  	v24 =	vmul.f32 v17, v12;
	v12 =	vld [tilespmem:s4+$0x4440];
	v10 =	vadd.f32 v10, v11;
	v11 =	vadd.f32 v13, v14  }
0x15d: {  	v15 =	vmul.f32 v18, v38;
	v20 =	vmul.f32 v41, v28;
	v27 =	vld [tilespmem:s12+$0x10070];
	v3 =	vsub.f32 $1.500000000e+00, v3  }
0x15e: {  	v51 =	vmul.f32 v36, v63;
	v25 =	vld [tilespmem:s12+$0x10050];
	v19 =	vperm.xlane v11, v0  }
0x15f: {  	v3 =	vmul.f32 v3, v26;
	v18 =	vmul.f32 v53, v22;
	v22 =	vld [tilespmem:s4+$0x4060]  }
0x160: {  	v36 =	vmul.f32 v37, v62;
	v17 =	vmul.f32 v39, v55;
	v14 =	vld [tilespmem:s4+$0x4400];
	v11 =	vadd.f32 v11, v19  }
0x161: {  	v3 =	vmul.f32 v3, v10;
	v10 =	vld [tilespmem:s4+$0x4460];
	v13 =	vmul.f32 v16, v31  }
0x162: {  	v16 =	vmul.f32 v21, v35;
	v21 =	vld [tilespmem:s4+$0x4070];
	v28 =	vperm.xlane v11, v1  }
0x163: {  	v7 =	vadd.f32 v24, v7;
	v26 =	vld [tilespmem:s4+$0x4000];
	v24 =	vmul.f32 v33, v27;
	v33 =	vmul.f32 v43, v61  }
0x164: {  	v27 =	vld [tilespmem:s4+$0x4010];
	v19 =	vmul.f32 v23, v56;
	v23 =	vmul.f32 v29, v59;
	v59 =	vadd.f32 v11, v28  }
0x165: {  	s21 =	simm.s32 $0x200;
	v7 =	vadd.f32 v3, v7;
	v30 =	vmul.f32 v34, v25;
	v29 =	vmul.f32 v40, v60;
	v58 =	vmovc v14;
	v11 =	vld [tilespmem:s4+$0x4020]  }
.LBB2_4:
0x166: {  	p0 =	sne.s32 s21, $0x3F00;
	v25 =	vld [tilespmem:s4+$0x4030];
	v3 =	vmul.f32 v9, v42;
	v4 =	vperm.xlane v59, v2;
	v35 =	vmov v22  }
0x167: {  	v37 =	vmul.f32 v12, v12;
	v38 =	vmul.f32 v10, v10;
	v31 =	vld [tilespmem:s4+$0x4040];
	v34 =	vmov v21  }
0x168: {  	v39 =	vmul.f32 v58, v14;
	v22 =	vmul.f32 v22, v35;
	v32 =	vld [tilespmem:s4+$0x4050];
	v40 =	vadd.f32 v59, v4;
	v28 =	vmovc v26  }
0x169: {  	v21 =	vmul.f32 v21, v34;
	v26 =	vmul.f32 v26, v28;
	v41 =	vld [tilespmem:s4+$0x10460];
	v9 =	vmov v27  }
0x16a: {  	v27 =	vmul.f32 v27, v9;
	v42 =	vld [tilespmem:s12+$0x10470];
	v43 =	vperm.xlane v40, v6;
	s12 =	smov.u32 s4  }
0x16b: {  	v47 =	vadd.f32 $0.0e+00, v51;
	v44 =	vmul.f32 v11, v11;
	v45 =	vmul.f32 v25, v25;
	v46 =	vld [tilespmem:s12+$0x10440]  }
0x16c: {  	v3 =	vadd.f32 $0.0e+00, v3;
	v48 =	vmul.f32 v31, v31;
	v49 =	vld [tilespmem:s12+$0x4410];
	v40 =	vadd.f32 v40, v43  }
0x16d: {  	v26 =	vadd.f32 v44, v26;
	v27 =	vadd.f32 v45, v27;
	v43 =	vmul.f32 v32, v32;
	v44 =	vld [tilespmem:s12+$0x10450]  }
0x16e: {  	v33 =	vadd.f32 v33, v47;
	v45 =	vld [tilespmem:s12+$0x4420];
	v47 =	vshrl.u32 v40, $0x1;
	v40 =	vmul.f32 $5.000000000e-01, v40  }
0x16f: {  	v3 =	vadd.f32 v36, v3;
	v26 =	vadd.f32 v48, v26;
	v48 =	vld [tilespmem:s12+$0x4430];
	v36 =	vsub.s32 $0x5F3759DF, v47  }
0x170: {  	v29 =	vadd.f32 v29, v33;
	v27 =	vadd.f32 v43, v27;
	v43 =	vld [tilespmem:s12+$0x4450];
	v33 =	vmul.f32 v36, v40  }
0x171: {  	v3 =	vadd.f32 v30, v3;
	v22 =	vadd.f32 v22, v26;
	v26 =	vmul.f32 v49, v49;
	v47 =	vld [tilespmem:s12+$0x10420]  }
0x172: {  	v23 =	vadd.f32 v23, v29;
	v21 =	vadd.f32 v21, v27;
	v27 =	vld [tilespmem:s12+$0x4470];
	v29 =	vmul.f32 v36, v33  }
0x173: {  	v3 =	vadd.f32 v24, v3;
	v22 =	vadd.f32 v39, v22;
	v30 =	vmul.f32 v45, v45;
	v33 =	vld [tilespmem:s12+$0x10430]  }
0x174: {  	v21 =	vadd.f32 v26, v21;
	v24 =	vld [tilespmem:s12+$0x10400];
	v26 =	vmul.f32 v48, v48;
	v29 =	vsub.f32 $1.500000000e+00, v29  }
0x175: {  	v19 =	vadd.f32 v19, v23;
	v3 =	vadd.f32 v20, v3;
	v39 =	vld [tilespmem:s12+$0x10410];
	v50 =	vmul.f32 v43, v43  }
0x176: {  	v20 =	vadd.f32 v30, v22;
	v23 =	vld [tilespmem:s12+$0x10060];
	v21 =	vadd.f32 v26, v21;
	v22 =	vmul.f32 v36, v29  }
0x177: {  	v17 =	vadd.f32 v17, v19;
	v3 =	vadd.f32 v18, v3;
	v30 =	vld [tilespmem:s12+$0x10070];
	v26 =	vmul.f32 v27, v27  }
0x178: {  	v18 =	vadd.f32 v37, v20;
	v29 =	vld [tilespmem:s12+$0x10040];
	v19 =	vadd.f32 v50, v21;
	v20 =	vmul.f32 v22, v40  }
0x179: {  	v15 =	vadd.f32 v15, v17;
	v3 =	vadd.f32 v16, v3;
	v16 =	vmul.f32 v8, v42;
	v8 =	vmovc v27;
	v36 =	vld [tilespmem:s12+$0x10050]  }
0x17a: {  	v17 =	vadd.f32 v38, v18;
	v37 =	vld [tilespmem:s12+$0x10020];
	v18 =	vadd.f32 v26, v19;
	v19 =	vmul.f32 v20, v22  }
0x17b: {  	s13 =	sadd.s32 $0x80, s13;
	v3 =	vadd.f32 v16, v3;
	v20 =	vadd.f32 v13, v15;
	v38 =	vld [tilespmem:s12+$0x10030]  }
0x17c: {  	s14 =	sand.u32 $0x380, s13;
	s4 =	sand.u32 $0x3800, s21;
	v40 =	vld [tilespmem:s12+$0x10000];
	v21 =	vadd.f32 v18, v17;
	v16 =	vsub.f32 $1.500000000e+00, v19  }
0x17d: {  	s4 =	sor.u32 s14, s4;
	v15 =	vmul.f32 v12, v46;
	v13 =	vmul.f32 v10, v41;
	v42 =	vld [tilespmem:s12+$0x10010]  }
0x17e: {  	v3 =	vadd.f32 v3, v20;
	v10 =	vld [tilespmem:s4+$0x4460];
	v19 =	vperm.xlane v21, v0;
	v22 =	vmul.f32 v16, v22  }
0x17f: {  	v17 =	vmul.f32 v45, v47;
	v16 =	vmul.f32 v43, v44;
	v12 =	vld [tilespmem:s4+$0x4440]  }
0x180: {  	v18 =	vmul.f32 v48, v33;
	v58 =	vld [tilespmem:s4+$0x4400];
	v41 =	vadd.f32 v21, v19;
	v3 =	vmul.f32 v22, v3  }
.Ltmp1:
0x181: {  	v20 =	vmul.f32 v49, v39;
	v19 =	vmul.f32 v14, v24;
	v22 =	vld [tilespmem:s4+$0x4060];
	(pc) =	sbr.rel @p0 .LBB2_4-.Ltmp1, $4  }
0x182: {  	v23 =	vmul.f32 v35, v23;
	v21 =	vld [tilespmem:s4+$0x4070];
	v4 =	vperm.xlane v41, v1;
	v7 =	vadd.f32 v3, v7  }
0x183: {  	v29 =	vmul.f32 v31, v29;
	v24 =	vmul.f32 v34, v30;
	v26 =	vld [tilespmem:s4+$0x4000]  }
0x184: {  	v33 =	vmul.f32 v11, v37;
	v30 =	vmul.f32 v32, v36;
	v27 =	vld [tilespmem:s4+$0x4010];
	v59 =	vadd.f32 v41, v4  }
0x185: {  	s21 =	sadd.s32 $0x100, s21;
	v36 =	vmul.f32 v25, v38;
	v51 =	vmul.f32 v28, v40;
	v11 =	vld [tilespmem:s4+$0x4020];
	v14 =	vmov v58  }
0x186: {  	v37 =	vld [tilespmem:s4+$0x4030]  }
0x187: {  	v34 =	vld [tilespmem:s4+$0x4040]  }
0x188: {  	v31 =	vld [tilespmem:s4+$0x4050]  }
0x189: {  	v44 =	vld [tilespmem:s4+$0x10460]  }
0x18a: {  	v53 =	vld [tilespmem:s4+$0x10440]  }
0x18b: {  	v32 =	vld [tilespmem:s4+$0x4410]  }
0x18c: {  	v45 =	vld [tilespmem:s4+$0x10450]  }
0x18d: {  	v52 =	vld [tilespmem:s4+$0x4420]  }
0x18e: {  	v43 =	vld [tilespmem:s4+$0x4430]  }
0x18f: {  	v50 =	vld [tilespmem:s4+$0x4450]  }
0x190: {  	v54 =	vld [tilespmem:s4+$0x10420]  }
0x191: {  	v25 =	vld [tilespmem:s4+$0x4470]  }
0x192: {  	v47 =	vld [tilespmem:s4+$0x10430]  }
0x193: {  	v46 =	vld [tilespmem:s4+$0x10400]  }
0x194: {  	v38 =	vld [tilespmem:s4+$0x10410]  }
0x195: {  	v39 =	vld [tilespmem:s4+$0x10060]  }
0x196: {  	v35 =	vld [tilespmem:s4+$0x10070]  }
0x197: {  	v41 =	vld [tilespmem:s4+$0x10040]  }
0x198: {  	v40 =	vld [tilespmem:s4+$0x10050]  }
0x199: {  	v48 =	vld [tilespmem:s4+$0x10020]  }
0x19a: {  	v3 =	vld [tilespmem:s4+$0x10470]  }
0x19b: {  	v49 =	vld [tilespmem:s4+$0x10030]  }
0x19c: {  	v28 =	vld [tilespmem:s4+$0x10000]  }
0x19d: {  	v56 =	vld [tilespmem:s4+$0x10010];
	s4 =	simm.s32 $0x0;
	s21 =	rddreg [dreg:$0xa];
	s13 =	simm.s32 $0x4000  }
0x19e: {  	v55 =	vld [tilespmem:s12+$0x10470];
	[tilespmem:s13], [sflag:$0x2] =	stream.linear.gather [hbm4b:s21+s4], $0x4000, $0x38  }
0x19f: {  	[tilespmem:$0x1FFC0] =	vst v3;
	v3 =	vld [tilespmem:$0x18100];
	_ =	sdelay $0x2  }
0x1a0: {  	v5 =	vld [tilespmem:$0x1FFE0];
	_ =	sdelay $0x1  }
0x1a1: {  	v4 =	vld [tilespmem:$0x1FFF0];
	v60 =	vshll.u32 v3, $0x1  }
0x1a2: {  	v3 =	vand.u32 $0x7, v3;
	v60 =	vand.u32 $0xFFFFFFF0, v60  }
0x1a3: {  	v3 =	vor.u32 v3, v60  }
0x1a4: {  	v60 =	vperm.xlane v3, v5;
	_ =	sdelay $0x1  }
0x1a5: {  	v3 =	vperm.xlane v3, v4;
	v60 =	vadd.s32 v57, v60;
	_ =	sdelay $0x1  }
0x1a6: {  	v3 =	vadd.s32 v57, v3;
	_ =	sdelay $0x2  }
0x1a7: {  	[tilespmem:s26], [sflag:$0x5] =	stream.indirect_vreg.gather [hbm4b:s2+s4], $0x80, v60, vm0, $0xb8;
	[tilespmem:$0x18280] =	vst v63  }
0x1a8: {  	_ = 	snop  }
0x1a9: {  	[tilespmem:s28], [sflag:$0x5] =	stream.indirect_vreg.gather [hbm4b:s2+s4], $0x80, v3, vm0, $0xb8;
	[tilespmem:$0x18280] =	vst v63  }
0x1aa: {  	v3 =	vld [tilespmem:$0x18110];
	_ =	sdelay $0x4  }
0x1ab: {  	v60 =	vshll.u32 v3, $0x1  }
0x1ac: {  	v3 =	vand.u32 $0x7, v3;
	v60 =	vand.u32 $0xFFFFFFF0, v60  }
0x1ad: {  	v3 =	vor.u32 v3, v60  }
0x1ae: {  	v60 =	vperm.xlane v3, v5;
	_ =	sdelay $0x1  }
0x1af: {  	v3 =	vperm.xlane v3, v4;
	v60 =	vadd.s32 v57, v60;
	_ =	sdelay $0x1  }
0x1b0: {  	v3 =	vadd.s32 v57, v3;
	_ =	sdelay $0x2  }
0x1b1: {  	[tilespmem:s29], [sflag:$0x5] =	stream.indirect_vreg.gather [hbm4b:s2+s4], $0x80, v60, vm0, $0xb8;
	[tilespmem:$0x18280] =	vst v63  }
0x1b2: {  	_ = 	snop  }
0x1b3: {  	[tilespmem:s30], [sflag:$0x5] =	stream.indirect_vreg.gather [hbm4b:s2+s4], $0x80, v3, vm0, $0xb8;
	[tilespmem:$0x18280] =	vst v63  }
0x1b4: {  	v3 =	vld [tilespmem:$0x18120];
	_ =	sdelay $0x4  }
0x1b5: {  	v60 =	vshll.u32 v3, $0x1  }
0x1b6: {  	v3 =	vand.u32 $0x7, v3;
	v60 =	vand.u32 $0xFFFFFFF0, v60  }
0x1b7: {  	v3 =	vor.u32 v3, v60  }
0x1b8: {  	v60 =	vperm.xlane v3, v5;
	_ =	sdelay $0x1  }
0x1b9: {  	v3 =	vperm.xlane v3, v4;
	v60 =	vadd.s32 v57, v60;
	_ =	sdelay $0x1  }
0x1ba: {  	v3 =	vadd.s32 v57, v3;
	_ =	sdelay $0x1  }
0x1bb: {  	v61 =	vmul.f32 v26, v26;
	v62 =	vmul.f32 v11, v11  }
0x1bc: {  	v63 =	vmul.f32 v27, v27;
	[tilespmem:s31], [sflag:$0x5] =	stream.indirect_vreg.gather [hbm4b:s2+s4], $0x80, v60, vm0, $0xb8;
	v60 =	vmul.f32 v37, v37;
	[tilespmem:$0x18280] =	vst v63  }
0x1bd: {  	v61 =	vadd.f32 v62, v61;
	v62 =	vmul.f32 v34, v34  }
0x1be: {  	v60 =	vadd.f32 v60, v63;
	v63 =	vmul.f32 v31, v31;
	[tilespmem:s0], [sflag:$0x5] =	stream.indirect_vreg.gather [hbm4b:s2+s4], $0x80, v3, vm0, $0xb8;
	[tilespmem:$0x18280] =	vst v63  }
0x1bf: {  	v61 =	vadd.f32 v62, v61;
	v3 =	vmul.f32 v22, v22;
	v62 =	vld [tilespmem:$0x18130]  }
0x1c0: {  	v9 =	vmul.f32 v9, v42;
	v42 =	vmul.f32 v21, v21;
	v60 =	vadd.f32 v63, v60  }
0x1c1: {  	v58 =	vmul.f32 v58, v14;
	v63 =	vperm.xlane v59, v2;
	v3 =	vadd.f32 v3, v61  }
0x1c2: {  	v61 =	vmul.f32 v12, v12;
	v42 =	vadd.f32 v42, v60;
	v60 =	vmul.f32 v32, v32  }
0x1c3: {  	v59 =	vadd.f32 v59, v63;
	v3 =	vadd.f32 v58, v3;
	v58 =	vmul.f32 v52, v52  }
0x1c4: {  	v42 =	vadd.f32 v60, v42;
	v60 =	vmul.f32 v43, v43;
	v63 =	vshll.u32 v62, $0x1  }
0x1c5: {  	v3 =	vadd.f32 v58, v3;
	v58 =	vand.u32 $0x7, v62;
	v62 =	vand.u32 $0xFFFFFFF0, v63  }
0x1c6: {  	v63 =	vmul.f32 v50, v50;
	v42 =	vadd.f32 v60, v42;
	v58 =	vor.u32 v58, v62  }
0x1c7: {  	v60 =	vperm.xlane v59, v6;
	v3 =	vadd.f32 v61, v3;
	v61 =	vperm.xlane v58, v5  }
0x1c8: {  	v62 =	vmul.f32 v10, v10;
	v58 =	vperm.xlane v58, v4;
	v42 =	vadd.f32 v63, v42  }
0x1c9: {  	v63 =	vmul.f32 v25, v25;
	v59 =	vadd.f32 v59, v60;
	v60 =	vadd.s32 v57, v61  }
0x1ca: {  	v9 =	vadd.f32 $0.0e+00, v9  }
0x1cb: {  	v3 =	vadd.f32 v62, v3;
	v58 =	vadd.s32 v57, v58;
	v42 =	vadd.f32 v63, v42  }
0x1cc: {  	v51 =	vadd.f32 $0.0e+00, v51;
	v61 =	vshrl.u32 v59, $0x1;
	v59 =	vmul.f32 $5.000000000e-01, v59  }
0x1cd: {  	v9 =	vadd.f32 v36, v9;
	v62 =	vsub.s32 $0x5F3759DF, v61;
	v3 =	vadd.f32 v42, v3  }
0x1ce: {  	v33 =	vadd.f32 v33, v51;
	v42 =	vmul.f32 v62, v59;
	[tilespmem:s1], [sflag:$0x5] =	stream.indirect_vreg.gather [hbm4b:s2+s4], $0x80, v60, vm0, $0xb8;
	[tilespmem:$0x18280] =	vst v63  }
0x1cf: {  	v9 =	vadd.f32 v30, v9;
	v63 =	vperm.xlane v3, v0  }
0x1d0: {  	v29 =	vadd.f32 v29, v33;
	v30 =	vmul.f32 v62, v42;
	[tilespmem:s15], [sflag:$0x5] =	stream.indirect_vreg.gather [hbm4b:s2+s4], $0x80, v58, vm0, $0xb8;
	[tilespmem:$0x18280] =	vst v63  }
0x1d1: {  	v9 =	vadd.f32 v24, v9;
	v3 =	vadd.f32 v3, v63;
	_ =	swait.ge [sflag:s10], $0x4000  }
0x1d2: {  	v23 =	vadd.f32 v23, v29;
	v24 =	vsub.f32 $1.500000000e+00, v30;
	[sflag:s10] =	ssyncset.done $0x0  }
0x1d3: {  	v9 =	vadd.f32 v20, v9;
	v29 =	vperm.xlane v3, v1;
	[sflag:s10] =	ssyncadd.s32 $0xFFFFC000  }
0x1d4: {  	v19 =	vadd.f32 v19, v23;
	v20 =	vmul.f32 v62, v24;
	_ =	swait.ge [sflag:s11], $0x4000  }
0x1d5: {  	s14 =	sand.u32 $0x3800, s4;
	v9 =	vadd.f32 v18, v9;
	s4 =	sand.u32 $0x380, s4;
	v3 =	vadd.f32 v3, v29;
	[sflag:s11] =	ssyncset.done $0x0  }
0x1d6: {  	v8 =	vmul.f32 v8, v55;
	v17 =	vadd.f32 v17, v19;
	s12 =	sor.u32 s4, s14;
	v18 =	vmul.f32 v20, v59;
	v4 =	vld [tilespmem:$0x1FFC0];
	[sflag:s11] =	ssyncadd.s32 $0xFFFFC000  }
0x1d7: {  	v14 =	vmul.f32 v14, v46;
	v9 =	vadd.f32 v16, v9;
	v19 =	vperm.xlane v3, v2;
	v16 =	vld [tilespmem:s12+$0x8460]  }
0x1d8: {  	v21 =	vmul.f32 v21, v35;
	v15 =	vadd.f32 v15, v17;
	v17 =	vmul.f32 v18, v20;
	v18 =	vld [tilespmem:s12+$0x8440]  }
0x1d9: {  	v23 =	vadd.f32 v8, v9;
	v9 =	vmul.f32 v26, v28;
	v29 =	vld [tilespmem:s12+$0x8060];
	v3 =	vadd.f32 v3, v19  }
0x1da: {  	v34 =	vmul.f32 v34, v41;
	v13 =	vadd.f32 v13, v15;
	v26 =	vmul.f32 v27, v56;
	v33 =	vld [tilespmem:s12+$0x8070]  }
0x1db: {  	v15 =	vmul.f32 v52, v54;
	v27 =	vadd.f32 $0.0e+00, v9;
	v36 =	vld [tilespmem:s12+$0x8000];
	v8 =	vperm.xlane v3, v6  }
0x1dc: {  	v26 =	vadd.f32 $0.0e+00, v26;
	v31 =	vmul.f32 v31, v40;
	v22 =	vmul.f32 v22, v39;
	v9 =	vld [tilespmem:s12+$0x8010]  }
0x1dd: {  	v30 =	vmul.f32 v43, v47;
	v43 =	vld [tilespmem:s12+$0x8020];
	v3 =	vadd.f32 v3, v8;
	v8 =	vmul.f32 v11, v48  }
0x1de: {  	v13 =	vadd.f32 v23, v13;
	v12 =	vmul.f32 v12, v53;
	v40 =	vld [tilespmem:s12+$0x8040];
	v11 =	vmul.f32 v37, v49  }
0x1df: {  	v37 =	vld [tilespmem:s12+$0x8030];
	v48 =	vshrl.u32 v3, $0x1;
	v3 =	vmul.f32 $5.000000000e-01, v3;
	v8 =	vadd.f32 v8, v27  }
0x1e0: {  	v32 =	vmul.f32 v32, v38;
	v38 =	vld [tilespmem:s12+$0x14440];
	v11 =	vadd.f32 v11, v26;
	v27 =	vsub.s32 $0x5F3759DF, v48  }
0x1e1: {  	v10 =	vmul.f32 v10, v44;
	v26 =	vmul.f32 v27, v3;
	v8 =	vadd.f32 v34, v8;
	v34 =	vld [tilespmem:s12+$0x8050]  }
0x1e2: {  	v24 =	vmul.f32 v50, v45;
	v41 =	vld [tilespmem:s12+$0x8410];
	v49 =	vmul.f32 v43, v43;
	v11 =	vadd.f32 v31, v11  }
0x1e3: {  	v35 =	vld [tilespmem:s12+$0x14450];
	v26 =	vmul.f32 v27, v26;
	v8 =	vadd.f32 v22, v8;
	v22 =	vmul.f32 v36, v36  }
0x1e4: {  	v19 =	vld [tilespmem:s12+$0x8400];
	v50 =	vmul.f32 v37, v37;
	v11 =	vadd.f32 v21, v11;
	v21 =	vmul.f32 v9, v9  }
0x1e5: {  	v39 =	vld [tilespmem:s12+$0x8420];
	v51 =	vmul.f32 v40, v40;
	v26 =	vsub.f32 $1.500000000e+00, v26;
	v22 =	vadd.f32 v49, v22  }
0x1e6: {  	v53 =	vld [tilespmem:s12+$0x8430];
	v8 =	vadd.f32 v14, v8;
	v14 =	vadd.f32 v50, v21;
	v21 =	vmul.f32 v34, v34  }
0x1e7: {  	v55 =	vld [tilespmem:s12+$0x14420];
	v52 =	vmul.f32 v29, v29;
	v11 =	vadd.f32 v32, v11;
	v22 =	vadd.f32 v51, v22  }
0x1e8: {  	v56 =	vld [tilespmem:s12+$0x14400];
	v26 =	vmul.f32 v27, v26;
	v27 =	vmul.f32 v33, v33;
	v14 =	vadd.f32 v21, v14  }
0x1e9: {  	v54 =	vmul.f32 v19, v19;
	v15 =	vadd.f32 v15, v8;
	v11 =	vadd.f32 v30, v11;
	v21 =	vld [tilespmem:s12+$0x8450]  }
0x1ea: {  	v28 =	vld [tilespmem:s12+$0x14410];
	v30 =	vmul.f32 v41, v41;
	v22 =	vadd.f32 v52, v22;
	v14 =	vadd.f32 v27, v14  }
0x1eb: {  	v17 =	vsub.f32 $1.500000000e+00, v17;
	v8 =	vld [tilespmem:s12+$0x8470];
	v12 =	vadd.f32 v12, v15;
	v27 =	vmul.f32 v39, v39  }
0x1ec: {  	v59 =	vld [tilespmem:s12+$0x14060];
	v15 =	vadd.f32 v54, v22;
	v14 =	vadd.f32 v30, v14;
	v30 =	vmul.f32 v53, v53  }
0x1ed: {  	v60 =	vld [tilespmem:s12+$0x14040];
	v11 =	vadd.f32 v24, v11;
	v24 =	vmul.f32 v25, v4;
	v25 =	vmul.f32 v18, v18  }
0x1ee: {  	v61 =	vld [tilespmem:s12+$0x14020];
	v58 =	vmul.f32 v21, v21;
	v15 =	vadd.f32 v27, v15;
	v14 =	vadd.f32 v30, v14  }
0x1ef: {  	v31 =	vld [tilespmem:s12+$0x14460];
	v3 =	vmul.f32 v26, v3;
	v10 =	vadd.f32 v10, v12;
	v12 =	vmul.f32 v16, v16  }
0x1f0: {  	v62 =	vld [tilespmem:s12+$0x14030];
	v30 =	vmul.f32 v8, v8;
	v15 =	vadd.f32 v25, v15;
	v14 =	vadd.f32 v58, v14  }
0x1f1: {  	v63 =	vld [tilespmem:s12+$0x14000];
	v17 =	vmul.f32 v17, v20;
	v3 =	vmul.f32 v3, v26;
	v11 =	vadd.f32 v24, v11  }
0x1f2: {  	s21 =	simm.s32 $0x100;
	s13 =	simm.s32 $0x80;
	v42 =	vld [tilespmem:s12+$0x14010];
	v12 =	vadd.f32 v12, v15;
	v14 =	vadd.f32 v30, v14  }
0x1f3: {  	s4 =	sand.u32 $0x3800, s21;
	s14 =	sand.u32 $0x380, s13;
	v23 =	vmul.f32 v17, v13;
	v22 =	vld [tilespmem:s12+$0x14430];
	v3 =	vsub.f32 $1.500000000e+00, v3  }
0x1f4: {  	s4 =	sor.u32 s14, s4;
	v13 =	vmul.f32 v16, v31;
	v27 =	vld [tilespmem:s12+$0x14070];
	v10 =	vadd.f32 v11, v10;
	v11 =	vadd.f32 v14, v12  }
0x1f5: {  	v16 =	vmul.f32 v21, v35;
	v21 =	vld [tilespmem:s4+$0x8070];
	v3 =	vmul.f32 v3, v26  }
0x1f6: {  	v17 =	vmul.f32 v39, v55;
	v25 =	vld [tilespmem:s12+$0x14050];
	v20 =	vperm.xlane v11, v0  }
0x1f7: {  	v19 =	vmul.f32 v19, v56;
	v3 =	vmul.f32 v3, v10;
	v10 =	vld [tilespmem:s4+$0x8460]  }
0x1f8: {  	v7 =	vadd.f32 v23, v7;
	v23 =	vmul.f32 v29, v59;
	v14 =	vld [tilespmem:s4+$0x8400];
	v11 =	vadd.f32 v11, v20  }
0x1f9: {  	v15 =	vmul.f32 v18, v38;
	v18 =	vmul.f32 v53, v22;
	v22 =	vld [tilespmem:s4+$0x8060]  }
0x1fa: {  	v12 =	vld [tilespmem:s4+$0x8440];
	v20 =	vmul.f32 v41, v28;
	v28 =	vperm.xlane v11, v1  }
0x1fb: {  	v29 =	vmul.f32 v40, v60;
	v51 =	vmul.f32 v36, v63;
	v26 =	vld [tilespmem:s4+$0x8000]  }
0x1fc: {  	v36 =	vmul.f32 v37, v62;
	v24 =	vmul.f32 v33, v27;
	v27 =	vld [tilespmem:s4+$0x8010];
	v59 =	vadd.f32 v11, v28  }
0x1fd: {  	s21 =	simm.s32 $0x200;
	v33 =	vmul.f32 v43, v61;
	v7 =	vadd.f32 v3, v7;
	v30 =	vmul.f32 v34, v25;
	v58 =	vmovc v14;
	v11 =	vld [tilespmem:s4+$0x8020]  }
.LBB2_6:
0x1fe: {  	p0 =	sne.s32 s21, $0x3F00;
	v25 =	vld [tilespmem:s4+$0x8030];
	v3 =	vmul.f32 v9, v42;
	v4 =	vperm.xlane v59, v2;
	v35 =	vmov v22  }
0x1ff: {  	v37 =	vmul.f32 v12, v12;
	v38 =	vmul.f32 v10, v10;
	v31 =	vld [tilespmem:s4+$0x8040];
	v34 =	vmov v21  }
0x200: {  	v39 =	vmul.f32 v58, v14;
	v22 =	vmul.f32 v22, v35;
	v32 =	vld [tilespmem:s4+$0x8050];
	v40 =	vadd.f32 v59, v4;
	v28 =	vmovc v26  }
0x201: {  	v21 =	vmul.f32 v21, v34;
	v26 =	vmul.f32 v26, v28;
	v41 =	vld [tilespmem:s4+$0x14460];
	v9 =	vmov v27  }
0x202: {  	v27 =	vmul.f32 v27, v9;
	v42 =	vld [tilespmem:s12+$0x14470];
	v43 =	vperm.xlane v40, v6;
	s12 =	smov.u32 s4  }
0x203: {  	v47 =	vadd.f32 $0.0e+00, v51;
	v44 =	vmul.f32 v11, v11;
	v45 =	vmul.f32 v25, v25;
	v46 =	vld [tilespmem:s12+$0x14440]  }
0x204: {  	v3 =	vadd.f32 $0.0e+00, v3;
	v48 =	vmul.f32 v31, v31;
	v49 =	vld [tilespmem:s12+$0x8410];
	v40 =	vadd.f32 v40, v43  }
0x205: {  	v26 =	vadd.f32 v44, v26;
	v27 =	vadd.f32 v45, v27;
	v43 =	vmul.f32 v32, v32;
	v44 =	vld [tilespmem:s12+$0x14450]  }
0x206: {  	v33 =	vadd.f32 v33, v47;
	v45 =	vld [tilespmem:s12+$0x8420];
	v47 =	vshrl.u32 v40, $0x1;
	v40 =	vmul.f32 $5.000000000e-01, v40  }
0x207: {  	v3 =	vadd.f32 v36, v3;
	v26 =	vadd.f32 v48, v26;
	v48 =	vld [tilespmem:s12+$0x8430];
	v36 =	vsub.s32 $0x5F3759DF, v47  }
0x208: {  	v29 =	vadd.f32 v29, v33;
	v27 =	vadd.f32 v43, v27;
	v43 =	vld [tilespmem:s12+$0x8450];
	v33 =	vmul.f32 v36, v40  }
0x209: {  	v3 =	vadd.f32 v30, v3;
	v22 =	vadd.f32 v22, v26;
	v26 =	vmul.f32 v49, v49;
	v47 =	vld [tilespmem:s12+$0x14420]  }
0x20a: {  	v23 =	vadd.f32 v23, v29;
	v21 =	vadd.f32 v21, v27;
	v27 =	vld [tilespmem:s12+$0x8470];
	v29 =	vmul.f32 v36, v33  }
0x20b: {  	v3 =	vadd.f32 v24, v3;
	v22 =	vadd.f32 v39, v22;
	v30 =	vmul.f32 v45, v45;
	v33 =	vld [tilespmem:s12+$0x14430]  }
0x20c: {  	v21 =	vadd.f32 v26, v21;
	v24 =	vld [tilespmem:s12+$0x14400];
	v26 =	vmul.f32 v48, v48;
	v29 =	vsub.f32 $1.500000000e+00, v29  }
0x20d: {  	v19 =	vadd.f32 v19, v23;
	v3 =	vadd.f32 v20, v3;
	v39 =	vld [tilespmem:s12+$0x14410];
	v50 =	vmul.f32 v43, v43  }
0x20e: {  	v20 =	vadd.f32 v30, v22;
	v23 =	vld [tilespmem:s12+$0x14060];
	v21 =	vadd.f32 v26, v21;
	v22 =	vmul.f32 v36, v29  }
0x20f: {  	v17 =	vadd.f32 v17, v19;
	v3 =	vadd.f32 v18, v3;
	v30 =	vld [tilespmem:s12+$0x14070];
	v26 =	vmul.f32 v27, v27  }
0x210: {  	v18 =	vadd.f32 v37, v20;
	v29 =	vld [tilespmem:s12+$0x14040];
	v19 =	vadd.f32 v50, v21;
	v20 =	vmul.f32 v22, v40  }
0x211: {  	v15 =	vadd.f32 v15, v17;
	v3 =	vadd.f32 v16, v3;
	v16 =	vmul.f32 v8, v42;
	v8 =	vmovc v27;
	v36 =	vld [tilespmem:s12+$0x14050]  }
0x212: {  	v17 =	vadd.f32 v38, v18;
	v37 =	vld [tilespmem:s12+$0x14020];
	v18 =	vadd.f32 v26, v19;
	v19 =	vmul.f32 v20, v22  }
0x213: {  	s13 =	sadd.s32 $0x80, s13;
	v3 =	vadd.f32 v16, v3;
	v20 =	vadd.f32 v13, v15;
	v38 =	vld [tilespmem:s12+$0x14030]  }
0x214: {  	s14 =	sand.u32 $0x380, s13;
	s4 =	sand.u32 $0x3800, s21;
	v40 =	vld [tilespmem:s12+$0x14000];
	v21 =	vadd.f32 v18, v17;
	v16 =	vsub.f32 $1.500000000e+00, v19  }
0x215: {  	s4 =	sor.u32 s14, s4;
	v15 =	vmul.f32 v12, v46;
	v13 =	vmul.f32 v10, v41;
	v42 =	vld [tilespmem:s12+$0x14010]  }
0x216: {  	v3 =	vadd.f32 v3, v20;
	v10 =	vld [tilespmem:s4+$0x8460];
	v19 =	vperm.xlane v21, v0;
	v22 =	vmul.f32 v16, v22  }
0x217: {  	v17 =	vmul.f32 v45, v47;
	v16 =	vmul.f32 v43, v44;
	v12 =	vld [tilespmem:s4+$0x8440]  }
0x218: {  	v18 =	vmul.f32 v48, v33;
	v58 =	vld [tilespmem:s4+$0x8400];
	v41 =	vadd.f32 v21, v19;
	v3 =	vmul.f32 v22, v3  }
.Ltmp2:
0x219: {  	v20 =	vmul.f32 v49, v39;
	v19 =	vmul.f32 v14, v24;
	v22 =	vld [tilespmem:s4+$0x8060];
	(pc) =	sbr.rel @p0 .LBB2_6-.Ltmp2, $4  }
0x21a: {  	v23 =	vmul.f32 v35, v23;
	v21 =	vld [tilespmem:s4+$0x8070];
	v4 =	vperm.xlane v41, v1;
	v7 =	vadd.f32 v3, v7  }
0x21b: {  	v29 =	vmul.f32 v31, v29;
	v24 =	vmul.f32 v34, v30;
	v26 =	vld [tilespmem:s4+$0x8000]  }
0x21c: {  	v33 =	vmul.f32 v11, v37;
	v30 =	vmul.f32 v32, v36;
	v27 =	vld [tilespmem:s4+$0x8010];
	v59 =	vadd.f32 v41, v4  }
0x21d: {  	s21 =	sadd.s32 $0x100, s21;
	v36 =	vmul.f32 v25, v38;
	v51 =	vmul.f32 v28, v40;
	v11 =	vld [tilespmem:s4+$0x8020];
	v14 =	vmov v58  }
0x21e: {  	v37 =	vld [tilespmem:s4+$0x8030]  }
0x21f: {  	v34 =	vld [tilespmem:s4+$0x8040]  }
0x220: {  	v31 =	vld [tilespmem:s4+$0x8050]  }
0x221: {  	v44 =	vld [tilespmem:s4+$0x14460]  }
0x222: {  	v53 =	vld [tilespmem:s4+$0x14440]  }
0x223: {  	v32 =	vld [tilespmem:s4+$0x8410]  }
0x224: {  	v45 =	vld [tilespmem:s4+$0x14450]  }
0x225: {  	v52 =	vld [tilespmem:s4+$0x8420]  }
0x226: {  	v43 =	vld [tilespmem:s4+$0x8430]  }
0x227: {  	v50 =	vld [tilespmem:s4+$0x8450]  }
0x228: {  	v54 =	vld [tilespmem:s4+$0x14420]  }
0x229: {  	v25 =	vld [tilespmem:s4+$0x8470]  }
0x22a: {  	v47 =	vld [tilespmem:s4+$0x14430]  }
0x22b: {  	v46 =	vld [tilespmem:s4+$0x14400]  }
0x22c: {  	v38 =	vld [tilespmem:s4+$0x14410]  }
0x22d: {  	v39 =	vld [tilespmem:s4+$0x14060]  }
0x22e: {  	v35 =	vld [tilespmem:s4+$0x14070]  }
0x22f: {  	v41 =	vld [tilespmem:s4+$0x14040]  }
0x230: {  	v40 =	vld [tilespmem:s4+$0x14050]  }
0x231: {  	v48 =	vld [tilespmem:s4+$0x14020]  }
0x232: {  	v3 =	vld [tilespmem:s4+$0x14470]  }
0x233: {  	v49 =	vld [tilespmem:s4+$0x14030]  }
0x234: {  	v28 =	vld [tilespmem:s4+$0x14000]  }
0x235: {  	v56 =	vld [tilespmem:s4+$0x14010];
	s4 =	simm.s32 $0x0;
	s14 =	rddreg [dreg:$0xb];
	s13 =	simm.s32 $0x8000  }
0x236: {  	v55 =	vld [tilespmem:s12+$0x14470];
	[tilespmem:s13], [sflag:$0x3] =	stream.linear.gather [hbm4b:s14+s4], $0x4000, $0x38  }
0x237: {  	[tilespmem:$0x1FFB0] =	vst v3;
	v3 =	vld [tilespmem:$0x18140];
	_ =	sdelay $0x2  }
0x238: {  	v5 =	vld [tilespmem:$0x1FFE0];
	_ =	sdelay $0x1  }
0x239: {  	v4 =	vld [tilespmem:$0x1FFF0];
	v60 =	vshll.u32 v3, $0x1  }
0x23a: {  	v3 =	vand.u32 $0x7, v3;
	v60 =	vand.u32 $0xFFFFFFF0, v60  }
0x23b: {  	v3 =	vor.u32 v3, v60  }
0x23c: {  	v60 =	vperm.xlane v3, v5;
	_ =	sdelay $0x1  }
0x23d: {  	v3 =	vperm.xlane v3, v4;
	v60 =	vadd.s32 v57, v60;
	_ =	sdelay $0x1  }
0x23e: {  	v3 =	vadd.s32 v57, v3;
	_ =	sdelay $0x1  }
0x23f: {  	s21 =	simm.s32 $0x14000  }
0x240: {  	[tilespmem:s21], [sflag:$0x6] =	stream.indirect_vreg.gather [hbm4b:s2+s4], $0x80, v60, vm0, $0xb8;
	[tilespmem:$0x18280] =	vst v63  }
0x241: {  	s13 =	simm.s32 $0x14800  }
0x242: {  	[tilespmem:s13], [sflag:$0x6] =	stream.indirect_vreg.gather [hbm4b:s2+s4], $0x80, v3, vm0, $0xb8;
	[tilespmem:$0x18280] =	vst v63  }
0x243: {  	v3 =	vld [tilespmem:$0x18150];
	_ =	sdelay $0x4  }
0x244: {  	v60 =	vshll.u32 v3, $0x1  }
0x245: {  	v3 =	vand.u32 $0x7, v3;
	v60 =	vand.u32 $0xFFFFFFF0, v60  }
0x246: {  	v3 =	vor.u32 v3, v60  }
0x247: {  	v60 =	vperm.xlane v3, v5;
	_ =	sdelay $0x1  }
0x248: {  	v3 =	vperm.xlane v3, v4;
	v60 =	vadd.s32 v57, v60;
	_ =	sdelay $0x1  }
0x249: {  	v3 =	vadd.s32 v57, v3;
	_ =	sdelay $0x1  }
0x24a: {  	s14 =	simm.s32 $0x15000  }
0x24b: {  	[tilespmem:s14], [sflag:$0x6] =	stream.indirect_vreg.gather [hbm4b:s2+s4], $0x80, v60, vm0, $0xb8;
	[tilespmem:$0x18280] =	vst v63  }
0x24c: {  	s21 =	simm.s32 $0x15800  }
0x24d: {  	[tilespmem:s21], [sflag:$0x6] =	stream.indirect_vreg.gather [hbm4b:s2+s4], $0x80, v3, vm0, $0xb8;
	[tilespmem:$0x18280] =	vst v63  }
0x24e: {  	v3 =	vld [tilespmem:$0x18160];
	_ =	sdelay $0x4  }
0x24f: {  	v60 =	vshll.u32 v3, $0x1  }
0x250: {  	v3 =	vand.u32 $0x7, v3;
	v60 =	vand.u32 $0xFFFFFFF0, v60  }
0x251: {  	v3 =	vor.u32 v3, v60  }
0x252: {  	v60 =	vperm.xlane v3, v5;
	_ =	sdelay $0x1  }
0x253: {  	v3 =	vperm.xlane v3, v4;
	v60 =	vadd.s32 v57, v60;
	_ =	sdelay $0x1  }
0x254: {  	v3 =	vadd.s32 v57, v3;
	_ =	sdelay $0x1  }
0x255: {  	v61 =	vmul.f32 v26, v26;
	v62 =	vmul.f32 v11, v11;
	s13 =	simm.s32 $0x16000  }
0x256: {  	v63 =	vmul.f32 v27, v27;
	[tilespmem:s13], [sflag:$0x6] =	stream.indirect_vreg.gather [hbm4b:s2+s4], $0x80, v60, vm0, $0xb8;
	v60 =	vmul.f32 v37, v37;
	[tilespmem:$0x18280] =	vst v63  }
0x257: {  	v61 =	vadd.f32 v62, v61;
	v62 =	vmul.f32 v34, v34;
	s14 =	simm.s32 $0x16800  }
0x258: {  	v60 =	vadd.f32 v60, v63;
	v63 =	vmul.f32 v31, v31;
	[tilespmem:s14], [sflag:$0x6] =	stream.indirect_vreg.gather [hbm4b:s2+s4], $0x80, v3, vm0, $0xb8;
	[tilespmem:$0x18280] =	vst v63  }
0x259: {  	v61 =	vadd.f32 v62, v61;
	v3 =	vmul.f32 v22, v22;
	v62 =	vld [tilespmem:$0x18170]  }
0x25a: {  	v9 =	vmul.f32 v9, v42;
	v42 =	vmul.f32 v21, v21;
	v60 =	vadd.f32 v63, v60  }
0x25b: {  	v58 =	vmul.f32 v58, v14;
	v63 =	vperm.xlane v59, v2;
	v3 =	vadd.f32 v3, v61  }
0x25c: {  	v61 =	vmul.f32 v12, v12;
	v42 =	vadd.f32 v42, v60;
	v60 =	vmul.f32 v32, v32  }
0x25d: {  	v59 =	vadd.f32 v59, v63;
	v3 =	vadd.f32 v58, v3;
	v58 =	vmul.f32 v52, v52  }
0x25e: {  	v42 =	vadd.f32 v60, v42;
	v60 =	vmul.f32 v43, v43;
	v63 =	vshll.u32 v62, $0x1  }
0x25f: {  	v3 =	vadd.f32 v58, v3;
	v58 =	vand.u32 $0x7, v62;
	v62 =	vand.u32 $0xFFFFFFF0, v63  }
0x260: {  	v63 =	vmul.f32 v50, v50;
	v42 =	vadd.f32 v60, v42;
	v58 =	vor.u32 v58, v62  }
0x261: {  	v60 =	vperm.xlane v59, v6;
	v3 =	vadd.f32 v61, v3;
	v61 =	vperm.xlane v58, v5  }
0x262: {  	v62 =	vmul.f32 v10, v10;
	v58 =	vperm.xlane v58, v4;
	v42 =	vadd.f32 v63, v42  }
0x263: {  	v63 =	vmul.f32 v25, v25;
	v59 =	vadd.f32 v59, v60;
	v60 =	vadd.s32 v57, v61  }
0x264: {  	v9 =	vadd.f32 $0.0e+00, v9  }
0x265: {  	v3 =	vadd.f32 v62, v3;
	v58 =	vadd.s32 v57, v58;
	v42 =	vadd.f32 v63, v42  }
0x266: {  	v51 =	vadd.f32 $0.0e+00, v51;
	v61 =	vshrl.u32 v59, $0x1;
	v59 =	vmul.f32 $5.000000000e-01, v59  }
0x267: {  	v9 =	vadd.f32 v36, v9;
	s21 =	simm.s32 $0x17000;
	v62 =	vsub.s32 $0x5F3759DF, v61;
	v3 =	vadd.f32 v42, v3  }
0x268: {  	v33 =	vadd.f32 v33, v51;
	v42 =	vmul.f32 v62, v59;
	[tilespmem:s21], [sflag:$0x6] =	stream.indirect_vreg.gather [hbm4b:s2+s4], $0x80, v60, vm0, $0xb8;
	[tilespmem:$0x18280] =	vst v63  }
0x269: {  	v9 =	vadd.f32 v30, v9;
	s13 =	simm.s32 $0x17800;
	v63 =	vperm.xlane v3, v0  }
0x26a: {  	v29 =	vadd.f32 v29, v33;
	v30 =	vmul.f32 v62, v42;
	[tilespmem:s13], [sflag:$0x6] =	stream.indirect_vreg.gather [hbm4b:s2+s4], $0x80, v58, vm0, $0xb8;
	[tilespmem:$0x18280] =	vst v63  }
0x26b: {  	v9 =	vadd.f32 v24, v9;
	v3 =	vadd.f32 v3, v63;
	_ =	swait.ge [sflag:s5], $0x4000  }
0x26c: {  	v23 =	vadd.f32 v23, v29;
	v24 =	vsub.f32 $1.500000000e+00, v30;
	[sflag:s5] =	ssyncset.done $0x0  }
0x26d: {  	v9 =	vadd.f32 v20, v9;
	v29 =	vperm.xlane v3, v1;
	[sflag:s5] =	ssyncadd.s32 $0xFFFFC000  }
0x26e: {  	v19 =	vadd.f32 v19, v23;
	v20 =	vmul.f32 v62, v24;
	_ =	swait.ge [sflag:s9], $0x4000  }
0x26f: {  	v9 =	vadd.f32 v18, v9;
	s14 =	sand.u32 $0x3800, s4;
	s4 =	sand.u32 $0x380, s4;
	v3 =	vadd.f32 v3, v29;
	[sflag:s9] =	ssyncset.done $0x0  }
0x270: {  	v8 =	vmul.f32 v8, v55;
	v17 =	vadd.f32 v17, v19;
	s12 =	sor.u32 s4, s14;
	v18 =	vmul.f32 v20, v59;
	v4 =	vld [tilespmem:$0x1FFB0];
	[sflag:s9] =	ssyncadd.s32 $0xFFFFC000  }
0x271: {  	v14 =	vmul.f32 v14, v46;
	v9 =	vadd.f32 v16, v9;
	v19 =	vperm.xlane v3, v2;
	v16 =	vld [tilespmem:s12+$0x460]  }
0x272: {  	v21 =	vmul.f32 v21, v35;
	v15 =	vadd.f32 v15, v17;
	v17 =	vmul.f32 v18, v20;
	v18 =	vld [tilespmem:s12+$0x440]  }
0x273: {  	v23 =	vadd.f32 v8, v9;
	v9 =	vmul.f32 v26, v28;
	v29 =	vld [tilespmem:s12+$0x60];
	v3 =	vadd.f32 v3, v19  }
0x274: {  	v34 =	vmul.f32 v34, v41;
	v13 =	vadd.f32 v13, v15;
	v26 =	vmul.f32 v27, v56;
	v33 =	vld [tilespmem:s12+$0x70]  }
0x275: {  	v15 =	vmul.f32 v52, v54;
	v27 =	vadd.f32 $0.0e+00, v9;
	v36 =	vld [tilespmem:s12+$0x0];
	v8 =	vperm.xlane v3, v6  }
0x276: {  	v26 =	vadd.f32 $0.0e+00, v26;
	v31 =	vmul.f32 v31, v40;
	v22 =	vmul.f32 v22, v39;
	v9 =	vld [tilespmem:s12+$0x10]  }
0x277: {  	v30 =	vmul.f32 v43, v47;
	v43 =	vld [tilespmem:s12+$0x20];
	v3 =	vadd.f32 v3, v8;
	v8 =	vmul.f32 v11, v48  }
0x278: {  	v13 =	vadd.f32 v23, v13;
	v12 =	vmul.f32 v12, v53;
	v40 =	vld [tilespmem:s12+$0x40];
	v11 =	vmul.f32 v37, v49  }
0x279: {  	v37 =	vld [tilespmem:s12+$0x30];
	v48 =	vshrl.u32 v3, $0x1;
	v3 =	vmul.f32 $5.000000000e-01, v3;
	v8 =	vadd.f32 v8, v27  }
0x27a: {  	v32 =	vmul.f32 v32, v38;
	v38 =	vld [tilespmem:s12+$0xC440];
	v11 =	vadd.f32 v11, v26;
	v27 =	vsub.s32 $0x5F3759DF, v48  }
0x27b: {  	v10 =	vmul.f32 v10, v44;
	v26 =	vmul.f32 v27, v3;
	v8 =	vadd.f32 v34, v8;
	v34 =	vld [tilespmem:s12+$0x50]  }
0x27c: {  	v24 =	vmul.f32 v50, v45;
	v41 =	vld [tilespmem:s12+$0x410];
	v49 =	vmul.f32 v43, v43;
	v11 =	vadd.f32 v31, v11  }
0x27d: {  	v35 =	vld [tilespmem:s12+$0xC450];
	v26 =	vmul.f32 v27, v26;
	v8 =	vadd.f32 v22, v8;
	v22 =	vmul.f32 v36, v36  }
0x27e: {  	v19 =	vld [tilespmem:s12+$0x400];
	v50 =	vmul.f32 v37, v37;
	v11 =	vadd.f32 v21, v11;
	v21 =	vmul.f32 v9, v9  }
0x27f: {  	v39 =	vld [tilespmem:s12+$0x420];
	v51 =	vmul.f32 v40, v40;
	v26 =	vsub.f32 $1.500000000e+00, v26;
	v22 =	vadd.f32 v49, v22  }
0x280: {  	v53 =	vld [tilespmem:s12+$0x430];
	v8 =	vadd.f32 v14, v8;
	v14 =	vadd.f32 v50, v21;
	v21 =	vmul.f32 v34, v34  }
0x281: {  	v55 =	vld [tilespmem:s12+$0xC420];
	v52 =	vmul.f32 v29, v29;
	v11 =	vadd.f32 v32, v11;
	v22 =	vadd.f32 v51, v22  }
0x282: {  	v56 =	vld [tilespmem:s12+$0xC400];
	v26 =	vmul.f32 v27, v26;
	v27 =	vmul.f32 v33, v33;
	v14 =	vadd.f32 v21, v14  }
0x283: {  	v54 =	vmul.f32 v19, v19;
	v15 =	vadd.f32 v15, v8;
	v11 =	vadd.f32 v30, v11;
	v21 =	vld [tilespmem:s12+$0x450]  }
0x284: {  	v28 =	vld [tilespmem:s12+$0xC410];
	v30 =	vmul.f32 v41, v41;
	v22 =	vadd.f32 v52, v22;
	v14 =	vadd.f32 v27, v14  }
0x285: {  	v17 =	vsub.f32 $1.500000000e+00, v17;
	v8 =	vld [tilespmem:s12+$0x470];
	v12 =	vadd.f32 v12, v15;
	v27 =	vmul.f32 v39, v39  }
0x286: {  	v59 =	vld [tilespmem:s12+$0xC060];
	v15 =	vadd.f32 v54, v22;
	v14 =	vadd.f32 v30, v14;
	v30 =	vmul.f32 v53, v53  }
0x287: {  	v60 =	vld [tilespmem:s12+$0xC040];
	v11 =	vadd.f32 v24, v11;
	v24 =	vmul.f32 v25, v4;
	v25 =	vmul.f32 v18, v18  }
0x288: {  	v61 =	vld [tilespmem:s12+$0xC020];
	v58 =	vmul.f32 v21, v21;
	v15 =	vadd.f32 v27, v15;
	v14 =	vadd.f32 v30, v14  }
0x289: {  	v31 =	vld [tilespmem:s12+$0xC460];
	v3 =	vmul.f32 v26, v3;
	v10 =	vadd.f32 v10, v12;
	v12 =	vmul.f32 v16, v16  }
0x28a: {  	v62 =	vld [tilespmem:s12+$0xC030];
	v30 =	vmul.f32 v8, v8;
	v15 =	vadd.f32 v25, v15;
	v14 =	vadd.f32 v58, v14  }
0x28b: {  	v63 =	vld [tilespmem:s12+$0xC000];
	v17 =	vmul.f32 v17, v20;
	v3 =	vmul.f32 v3, v26;
	v11 =	vadd.f32 v24, v11  }
0x28c: {  	s21 =	simm.s32 $0x100;
	s13 =	simm.s32 $0x80;
	v42 =	vld [tilespmem:s12+$0xC010];
	v12 =	vadd.f32 v12, v15;
	v14 =	vadd.f32 v30, v14  }
0x28d: {  	s4 =	sand.u32 $0x3800, s21;
	s14 =	sand.u32 $0x380, s13;
	v23 =	vmul.f32 v17, v13;
	v22 =	vld [tilespmem:s12+$0xC430];
	v3 =	vsub.f32 $1.500000000e+00, v3  }
0x28e: {  	s4 =	sor.u32 s14, s4;
	v13 =	vmul.f32 v16, v31;
	v27 =	vld [tilespmem:s12+$0xC070];
	v10 =	vadd.f32 v11, v10;
	v11 =	vadd.f32 v14, v12  }
0x28f: {  	v16 =	vmul.f32 v21, v35;
	v21 =	vld [tilespmem:s4+$0x70];
	v3 =	vmul.f32 v3, v26  }
0x290: {  	v17 =	vmul.f32 v39, v55;
	v25 =	vld [tilespmem:s12+$0xC050];
	v20 =	vperm.xlane v11, v0  }
0x291: {  	v19 =	vmul.f32 v19, v56;
	v3 =	vmul.f32 v3, v10;
	v10 =	vld [tilespmem:s4+$0x460]  }
0x292: {  	v7 =	vadd.f32 v23, v7;
	v23 =	vmul.f32 v29, v59;
	v14 =	vld [tilespmem:s4+$0x400];
	v11 =	vadd.f32 v11, v20  }
0x293: {  	v15 =	vmul.f32 v18, v38;
	v18 =	vmul.f32 v53, v22;
	v22 =	vld [tilespmem:s4+$0x60]  }
0x294: {  	v12 =	vld [tilespmem:s4+$0x440];
	v20 =	vmul.f32 v41, v28;
	v28 =	vperm.xlane v11, v1  }
0x295: {  	v29 =	vmul.f32 v40, v60;
	v51 =	vmul.f32 v36, v63;
	v26 =	vld [tilespmem:s4+$0x0]  }
0x296: {  	v36 =	vmul.f32 v37, v62;
	v24 =	vmul.f32 v33, v27;
	v27 =	vld [tilespmem:s4+$0x10];
	v59 =	vadd.f32 v11, v28  }
0x297: {  	s21 =	simm.s32 $0x200;
	v33 =	vmul.f32 v43, v61;
	v7 =	vadd.f32 v3, v7;
	v30 =	vmul.f32 v34, v25;
	v58 =	vmovc v14;
	v11 =	vld [tilespmem:s4+$0x20]  }
.LBB2_8:
0x298: {  	p0 =	sne.s32 s21, $0x3F00;
	v25 =	vld [tilespmem:s4+$0x30];
	v3 =	vmul.f32 v9, v42;
	v4 =	vperm.xlane v59, v2;
	v35 =	vmov v22  }
0x299: {  	v37 =	vmul.f32 v12, v12;
	v38 =	vmul.f32 v10, v10;
	v31 =	vld [tilespmem:s4+$0x40];
	v34 =	vmov v21  }
0x29a: {  	v39 =	vmul.f32 v58, v14;
	v22 =	vmul.f32 v22, v35;
	v32 =	vld [tilespmem:s4+$0x50];
	v40 =	vadd.f32 v59, v4;
	v28 =	vmovc v26  }
0x29b: {  	v21 =	vmul.f32 v21, v34;
	v26 =	vmul.f32 v26, v28;
	v41 =	vld [tilespmem:s4+$0xC460];
	v9 =	vmov v27  }
0x29c: {  	v27 =	vmul.f32 v27, v9;
	v42 =	vld [tilespmem:s12+$0xC470];
	v43 =	vperm.xlane v40, v6;
	s12 =	smov.u32 s4  }
0x29d: {  	v47 =	vadd.f32 $0.0e+00, v51;
	v44 =	vmul.f32 v11, v11;
	v45 =	vmul.f32 v25, v25;
	v46 =	vld [tilespmem:s12+$0xC440]  }
0x29e: {  	v3 =	vadd.f32 $0.0e+00, v3;
	v48 =	vmul.f32 v31, v31;
	v49 =	vld [tilespmem:s12+$0x410];
	v40 =	vadd.f32 v40, v43  }
0x29f: {  	v26 =	vadd.f32 v44, v26;
	v27 =	vadd.f32 v45, v27;
	v43 =	vmul.f32 v32, v32;
	v44 =	vld [tilespmem:s12+$0xC450]  }
0x2a0: {  	v33 =	vadd.f32 v33, v47;
	v45 =	vld [tilespmem:s12+$0x420];
	v47 =	vshrl.u32 v40, $0x1;
	v40 =	vmul.f32 $5.000000000e-01, v40  }
0x2a1: {  	v3 =	vadd.f32 v36, v3;
	v26 =	vadd.f32 v48, v26;
	v48 =	vld [tilespmem:s12+$0x430];
	v36 =	vsub.s32 $0x5F3759DF, v47  }
0x2a2: {  	v29 =	vadd.f32 v29, v33;
	v27 =	vadd.f32 v43, v27;
	v43 =	vld [tilespmem:s12+$0x450];
	v33 =	vmul.f32 v36, v40  }
0x2a3: {  	v3 =	vadd.f32 v30, v3;
	v22 =	vadd.f32 v22, v26;
	v26 =	vmul.f32 v49, v49;
	v47 =	vld [tilespmem:s12+$0xC420]  }
0x2a4: {  	v23 =	vadd.f32 v23, v29;
	v21 =	vadd.f32 v21, v27;
	v27 =	vld [tilespmem:s12+$0x470];
	v29 =	vmul.f32 v36, v33  }
0x2a5: {  	v3 =	vadd.f32 v24, v3;
	v22 =	vadd.f32 v39, v22;
	v30 =	vmul.f32 v45, v45;
	v33 =	vld [tilespmem:s12+$0xC430]  }
0x2a6: {  	v21 =	vadd.f32 v26, v21;
	v24 =	vld [tilespmem:s12+$0xC400];
	v26 =	vmul.f32 v48, v48;
	v29 =	vsub.f32 $1.500000000e+00, v29  }
0x2a7: {  	v19 =	vadd.f32 v19, v23;
	v3 =	vadd.f32 v20, v3;
	v39 =	vld [tilespmem:s12+$0xC410];
	v50 =	vmul.f32 v43, v43  }
0x2a8: {  	v20 =	vadd.f32 v30, v22;
	v23 =	vld [tilespmem:s12+$0xC060];
	v21 =	vadd.f32 v26, v21;
	v22 =	vmul.f32 v36, v29  }
0x2a9: {  	v17 =	vadd.f32 v17, v19;
	v3 =	vadd.f32 v18, v3;
	v30 =	vld [tilespmem:s12+$0xC070];
	v26 =	vmul.f32 v27, v27  }
0x2aa: {  	v18 =	vadd.f32 v37, v20;
	v29 =	vld [tilespmem:s12+$0xC040];
	v19 =	vadd.f32 v50, v21;
	v20 =	vmul.f32 v22, v40  }
0x2ab: {  	v15 =	vadd.f32 v15, v17;
	v3 =	vadd.f32 v16, v3;
	v16 =	vmul.f32 v8, v42;
	v8 =	vmovc v27;
	v36 =	vld [tilespmem:s12+$0xC050]  }
0x2ac: {  	v17 =	vadd.f32 v38, v18;
	v37 =	vld [tilespmem:s12+$0xC020];
	v18 =	vadd.f32 v26, v19;
	v19 =	vmul.f32 v20, v22  }
0x2ad: {  	s13 =	sadd.s32 $0x80, s13;
	v3 =	vadd.f32 v16, v3;
	v20 =	vadd.f32 v13, v15;
	v38 =	vld [tilespmem:s12+$0xC030]  }
0x2ae: {  	s14 =	sand.u32 $0x380, s13;
	s4 =	sand.u32 $0x3800, s21;
	v40 =	vld [tilespmem:s12+$0xC000];
	v21 =	vadd.f32 v18, v17;
	v16 =	vsub.f32 $1.500000000e+00, v19  }
0x2af: {  	s4 =	sor.u32 s14, s4;
	v15 =	vmul.f32 v12, v46;
	v13 =	vmul.f32 v10, v41;
	v42 =	vld [tilespmem:s12+$0xC010]  }
0x2b0: {  	v3 =	vadd.f32 v3, v20;
	v10 =	vld [tilespmem:s4+$0x460];
	v19 =	vperm.xlane v21, v0;
	v22 =	vmul.f32 v16, v22  }
0x2b1: {  	v17 =	vmul.f32 v45, v47;
	v16 =	vmul.f32 v43, v44;
	v12 =	vld [tilespmem:s4+$0x440]  }
0x2b2: {  	v18 =	vmul.f32 v48, v33;
	v58 =	vld [tilespmem:s4+$0x400];
	v41 =	vadd.f32 v21, v19;
	v3 =	vmul.f32 v22, v3  }
.Ltmp3:
0x2b3: {  	v20 =	vmul.f32 v49, v39;
	v19 =	vmul.f32 v14, v24;
	v22 =	vld [tilespmem:s4+$0x60];
	(pc) =	sbr.rel @p0 .LBB2_8-.Ltmp3, $4  }
0x2b4: {  	v23 =	vmul.f32 v35, v23;
	v21 =	vld [tilespmem:s4+$0x70];
	v4 =	vperm.xlane v41, v1;
	v7 =	vadd.f32 v3, v7  }
0x2b5: {  	v29 =	vmul.f32 v31, v29;
	v24 =	vmul.f32 v34, v30;
	v26 =	vld [tilespmem:s4+$0x0]  }
0x2b6: {  	v33 =	vmul.f32 v11, v37;
	v30 =	vmul.f32 v32, v36;
	v27 =	vld [tilespmem:s4+$0x10];
	v59 =	vadd.f32 v41, v4  }
0x2b7: {  	s21 =	sadd.s32 $0x100, s21;
	v36 =	vmul.f32 v25, v38;
	v51 =	vmul.f32 v28, v40;
	v11 =	vld [tilespmem:s4+$0x20];
	v14 =	vmov v58  }
0x2b8: {  	v37 =	vld [tilespmem:s4+$0x30]  }
0x2b9: {  	v34 =	vld [tilespmem:s4+$0x40]  }
0x2ba: {  	v31 =	vld [tilespmem:s4+$0x50]  }
0x2bb: {  	v44 =	vld [tilespmem:s4+$0xC460]  }
0x2bc: {  	v55 =	vld [tilespmem:s12+$0xC470]  }
0x2bd: {  	v53 =	vld [tilespmem:s4+$0xC440]  }
0x2be: {  	v32 =	vld [tilespmem:s4+$0x410]  }
0x2bf: {  	v45 =	vld [tilespmem:s4+$0xC450]  }
0x2c0: {  	v52 =	vld [tilespmem:s4+$0x420]  }
0x2c1: {  	v43 =	vld [tilespmem:s4+$0x430]  }
0x2c2: {  	v50 =	vld [tilespmem:s4+$0x450]  }
0x2c3: {  	v54 =	vld [tilespmem:s4+$0xC420]  }
0x2c4: {  	v25 =	vld [tilespmem:s4+$0x470]  }
0x2c5: {  	v47 =	vld [tilespmem:s4+$0xC430]  }
0x2c6: {  	v46 =	vld [tilespmem:s4+$0xC400]  }
0x2c7: {  	v38 =	vld [tilespmem:s4+$0xC410]  }
0x2c8: {  	v39 =	vld [tilespmem:s4+$0xC060]  }
0x2c9: {  	v35 =	vld [tilespmem:s4+$0xC070]  }
0x2ca: {  	v41 =	vld [tilespmem:s4+$0xC040]  }
0x2cb: {  	v40 =	vld [tilespmem:s4+$0xC050]  }
0x2cc: {  	v3 =	vld [tilespmem:s4+$0xC470]  }
0x2cd: {  	v48 =	vld [tilespmem:s4+$0xC020]  }
0x2ce: {  	v49 =	vld [tilespmem:s4+$0xC030]  }
0x2cf: {  	v28 =	vld [tilespmem:s4+$0xC000];
	s21 =	simm.s32 $0x0;
	s13 =	rddreg [dreg:$0xc]  }
0x2d0: {  	v56 =	vld [tilespmem:s4+$0xC010];
	[tilespmem:s21], [sflag:$0x1] =	stream.linear.gather [hbm4b:s13+s21], $0x4000, $0x38  }
0x2d1: {  	[tilespmem:$0x1FFA0] =	vst v3;
	v3 =	vld [tilespmem:$0x18180];
	_ =	sdelay $0x2  }
0x2d2: {  	v5 =	vld [tilespmem:$0x1FFE0];
	_ =	sdelay $0x1  }
0x2d3: {  	v4 =	vld [tilespmem:$0x1FFF0];
	v60 =	vshll.u32 v3, $0x1  }
0x2d4: {  	v3 =	vand.u32 $0x7, v3;
	v60 =	vand.u32 $0xFFFFFFF0, v60  }
0x2d5: {  	v3 =	vor.u32 v3, v60  }
0x2d6: {  	v60 =	vperm.xlane v3, v5;
	_ =	sdelay $0x1  }
0x2d7: {  	v3 =	vperm.xlane v3, v4;
	v60 =	vadd.s32 v57, v60;
	_ =	sdelay $0x1  }
0x2d8: {  	v3 =	vadd.s32 v57, v3;
	_ =	sdelay $0x2  }
0x2d9: {  	[tilespmem:s16], [sflag:$0x4] =	stream.indirect_vreg.gather [hbm4b:s2+s21], $0x80, v60, vm0, $0xb8;
	[tilespmem:$0x18280] =	vst v63  }
0x2da: {  	_ = 	snop  }
0x2db: {  	[tilespmem:s17], [sflag:$0x4] =	stream.indirect_vreg.gather [hbm4b:s2+s21], $0x80, v3, vm0, $0xb8;
	[tilespmem:$0x18280] =	vst v63  }
0x2dc: {  	v3 =	vld [tilespmem:$0x18190];
	_ =	sdelay $0x4  }
0x2dd: {  	v60 =	vshll.u32 v3, $0x1  }
0x2de: {  	v3 =	vand.u32 $0x7, v3;
	v60 =	vand.u32 $0xFFFFFFF0, v60  }
0x2df: {  	v3 =	vor.u32 v3, v60  }
0x2e0: {  	v60 =	vperm.xlane v3, v5;
	_ =	sdelay $0x1  }
0x2e1: {  	v3 =	vperm.xlane v3, v4;
	v60 =	vadd.s32 v57, v60;
	_ =	sdelay $0x1  }
0x2e2: {  	v3 =	vadd.s32 v57, v3;
	_ =	sdelay $0x2  }
0x2e3: {  	[tilespmem:s18], [sflag:$0x4] =	stream.indirect_vreg.gather [hbm4b:s2+s21], $0x80, v60, vm0, $0xb8;
	[tilespmem:$0x18280] =	vst v63  }
0x2e4: {  	_ = 	snop  }
0x2e5: {  	[tilespmem:s19], [sflag:$0x4] =	stream.indirect_vreg.gather [hbm4b:s2+s21], $0x80, v3, vm0, $0xb8;
	[tilespmem:$0x18280] =	vst v63  }
0x2e6: {  	v3 =	vld [tilespmem:$0x181A0];
	_ =	sdelay $0x4  }
0x2e7: {  	v60 =	vshll.u32 v3, $0x1  }
0x2e8: {  	v3 =	vand.u32 $0x7, v3;
	v60 =	vand.u32 $0xFFFFFFF0, v60  }
0x2e9: {  	v3 =	vor.u32 v3, v60  }
0x2ea: {  	v60 =	vperm.xlane v3, v5;
	_ =	sdelay $0x1  }
0x2eb: {  	v3 =	vperm.xlane v3, v4;
	v60 =	vadd.s32 v57, v60;
	_ =	sdelay $0x1  }
0x2ec: {  	v3 =	vadd.s32 v57, v3;
	_ =	sdelay $0x1  }
0x2ed: {  	v61 =	vmul.f32 v26, v26;
	v62 =	vmul.f32 v11, v11  }
0x2ee: {  	v63 =	vmul.f32 v27, v27;
	[tilespmem:s20], [sflag:$0x4] =	stream.indirect_vreg.gather [hbm4b:s2+s21], $0x80, v60, vm0, $0xb8;
	v60 =	vmul.f32 v37, v37;
	[tilespmem:$0x18280] =	vst v63  }
0x2ef: {  	v61 =	vadd.f32 v62, v61;
	v62 =	vmul.f32 v34, v34  }
0x2f0: {  	v60 =	vadd.f32 v60, v63;
	v63 =	vmul.f32 v31, v31;
	[tilespmem:s23], [sflag:$0x4] =	stream.indirect_vreg.gather [hbm4b:s2+s21], $0x80, v3, vm0, $0xb8;
	[tilespmem:$0x18280] =	vst v63  }
0x2f1: {  	v61 =	vadd.f32 v62, v61;
	v3 =	vmul.f32 v22, v22;
	v62 =	vld [tilespmem:$0x181B0]  }
0x2f2: {  	v9 =	vmul.f32 v9, v42;
	v42 =	vmul.f32 v21, v21;
	v60 =	vadd.f32 v63, v60  }
0x2f3: {  	v58 =	vmul.f32 v58, v14;
	v63 =	vperm.xlane v59, v2;
	v3 =	vadd.f32 v3, v61  }
0x2f4: {  	v61 =	vmul.f32 v12, v12;
	v42 =	vadd.f32 v42, v60;
	v60 =	vmul.f32 v32, v32  }
0x2f5: {  	v59 =	vadd.f32 v59, v63;
	v3 =	vadd.f32 v58, v3;
	v58 =	vmul.f32 v52, v52  }
0x2f6: {  	v42 =	vadd.f32 v60, v42;
	v60 =	vmul.f32 v43, v43;
	v63 =	vshll.u32 v62, $0x1  }
0x2f7: {  	v3 =	vadd.f32 v58, v3;
	v58 =	vand.u32 $0x7, v62;
	v62 =	vand.u32 $0xFFFFFFF0, v63  }
0x2f8: {  	v63 =	vmul.f32 v50, v50;
	v42 =	vadd.f32 v60, v42;
	v58 =	vor.u32 v58, v62  }
0x2f9: {  	v60 =	vperm.xlane v59, v6;
	v3 =	vadd.f32 v61, v3;
	v61 =	vperm.xlane v58, v5  }
0x2fa: {  	v62 =	vmul.f32 v10, v10;
	v58 =	vperm.xlane v58, v4;
	v42 =	vadd.f32 v63, v42  }
0x2fb: {  	v63 =	vmul.f32 v25, v25;
	v59 =	vadd.f32 v59, v60;
	v60 =	vadd.s32 v57, v61  }
0x2fc: {  	v9 =	vadd.f32 $0.0e+00, v9  }
0x2fd: {  	v3 =	vadd.f32 v62, v3;
	v58 =	vadd.s32 v57, v58;
	v42 =	vadd.f32 v63, v42  }
0x2fe: {  	v51 =	vadd.f32 $0.0e+00, v51;
	v61 =	vshrl.u32 v59, $0x1;
	v59 =	vmul.f32 $5.000000000e-01, v59  }
0x2ff: {  	v9 =	vadd.f32 v36, v9;
	v62 =	vsub.s32 $0x5F3759DF, v61;
	v3 =	vadd.f32 v42, v3  }
0x300: {  	v33 =	vadd.f32 v33, v51;
	v42 =	vmul.f32 v62, v59;
	[tilespmem:s24], [sflag:$0x4] =	stream.indirect_vreg.gather [hbm4b:s2+s21], $0x80, v60, vm0, $0xb8;
	[tilespmem:$0x18280] =	vst v63  }
0x301: {  	v9 =	vadd.f32 v30, v9;
	v63 =	vperm.xlane v3, v0  }
0x302: {  	v29 =	vadd.f32 v29, v33;
	v30 =	vmul.f32 v62, v42;
	[tilespmem:s25], [sflag:$0x4] =	stream.indirect_vreg.gather [hbm4b:s2+s21], $0x80, v58, vm0, $0xb8;
	[tilespmem:$0x18280] =	vst v63  }
0x303: {  	v9 =	vadd.f32 v24, v9;
	v3 =	vadd.f32 v3, v63;
	_ =	swait.ge [sflag:s6], $0x4000  }
0x304: {  	v23 =	vadd.f32 v23, v29;
	v24 =	vsub.f32 $1.500000000e+00, v30;
	[sflag:s6] =	ssyncset.done $0x0  }
0x305: {  	v9 =	vadd.f32 v20, v9;
	v29 =	vperm.xlane v3, v1;
	[sflag:s6] =	ssyncadd.s32 $0xFFFFC000  }
0x306: {  	v19 =	vadd.f32 v19, v23;
	v20 =	vmul.f32 v62, v24;
	_ =	swait.ge [sflag:s7], $0x4000  }
0x307: {  	s14 =	sand.u32 $0x3800, s21;
	s4 =	sand.u32 $0x380, s21;
	v9 =	vadd.f32 v18, v9;
	v3 =	vadd.f32 v3, v29;
	[sflag:s7] =	ssyncset.done $0x0  }
0x308: {  	s12 =	sor.u32 s4, s14;
	v8 =	vmul.f32 v8, v55;
	v17 =	vadd.f32 v17, v19;
	v18 =	vmul.f32 v20, v59;
	v4 =	vld [tilespmem:$0x1FFA0];
	[sflag:s7] =	ssyncadd.s32 $0xFFFFC000  }
0x309: {  	v14 =	vmul.f32 v14, v46;
	v9 =	vadd.f32 v16, v9;
	v19 =	vperm.xlane v3, v2;
	v16 =	vld [tilespmem:s12+$0x4460]  }
0x30a: {  	v21 =	vmul.f32 v21, v35;
	v15 =	vadd.f32 v15, v17;
	v17 =	vmul.f32 v18, v20;
	v18 =	vld [tilespmem:s12+$0x4440]  }
0x30b: {  	v23 =	vadd.f32 v8, v9;
	v9 =	vmul.f32 v26, v28;
	v29 =	vld [tilespmem:s12+$0x4060];
	v3 =	vadd.f32 v3, v19  }
0x30c: {  	v34 =	vmul.f32 v34, v41;
	v13 =	vadd.f32 v13, v15;
	v26 =	vmul.f32 v27, v56;
	v33 =	vld [tilespmem:s12+$0x4070]  }
0x30d: {  	v15 =	vmul.f32 v52, v54;
	v27 =	vadd.f32 $0.0e+00, v9;
	v36 =	vld [tilespmem:s12+$0x4000];
	v8 =	vperm.xlane v3, v6  }
0x30e: {  	v26 =	vadd.f32 $0.0e+00, v26;
	v31 =	vmul.f32 v31, v40;
	v22 =	vmul.f32 v22, v39;
	v9 =	vld [tilespmem:s12+$0x4010]  }
0x30f: {  	v30 =	vmul.f32 v43, v47;
	v43 =	vld [tilespmem:s12+$0x4020];
	v3 =	vadd.f32 v3, v8;
	v8 =	vmul.f32 v11, v48  }
0x310: {  	v13 =	vadd.f32 v23, v13;
	v12 =	vmul.f32 v12, v53;
	v40 =	vld [tilespmem:s12+$0x4040];
	v11 =	vmul.f32 v37, v49  }
0x311: {  	v37 =	vld [tilespmem:s12+$0x4030];
	v48 =	vshrl.u32 v3, $0x1;
	v3 =	vmul.f32 $5.000000000e-01, v3;
	v8 =	vadd.f32 v8, v27  }
0x312: {  	v32 =	vmul.f32 v32, v38;
	v38 =	vld [tilespmem:s12+$0x10440];
	v11 =	vadd.f32 v11, v26;
	v27 =	vsub.s32 $0x5F3759DF, v48  }
0x313: {  	v10 =	vmul.f32 v10, v44;
	v26 =	vmul.f32 v27, v3;
	v8 =	vadd.f32 v34, v8;
	v34 =	vld [tilespmem:s12+$0x4050]  }
0x314: {  	v24 =	vmul.f32 v50, v45;
	v41 =	vld [tilespmem:s12+$0x4410];
	v49 =	vmul.f32 v43, v43;
	v11 =	vadd.f32 v31, v11  }
0x315: {  	v35 =	vld [tilespmem:s12+$0x10450];
	v26 =	vmul.f32 v27, v26;
	v8 =	vadd.f32 v22, v8;
	v22 =	vmul.f32 v36, v36  }
0x316: {  	v19 =	vld [tilespmem:s12+$0x4400];
	v50 =	vmul.f32 v37, v37;
	v11 =	vadd.f32 v21, v11;
	v21 =	vmul.f32 v9, v9  }
0x317: {  	v39 =	vld [tilespmem:s12+$0x4420];
	v51 =	vmul.f32 v40, v40;
	v26 =	vsub.f32 $1.500000000e+00, v26;
	v22 =	vadd.f32 v49, v22  }
0x318: {  	v53 =	vld [tilespmem:s12+$0x4430];
	v8 =	vadd.f32 v14, v8;
	v14 =	vadd.f32 v50, v21;
	v21 =	vmul.f32 v34, v34  }
0x319: {  	v55 =	vld [tilespmem:s12+$0x10420];
	v52 =	vmul.f32 v29, v29;
	v11 =	vadd.f32 v32, v11;
	v22 =	vadd.f32 v51, v22  }
0x31a: {  	v56 =	vld [tilespmem:s12+$0x10400];
	v26 =	vmul.f32 v27, v26;
	v27 =	vmul.f32 v33, v33;
	v14 =	vadd.f32 v21, v14  }
0x31b: {  	v54 =	vmul.f32 v19, v19;
	v15 =	vadd.f32 v15, v8;
	v11 =	vadd.f32 v30, v11;
	v21 =	vld [tilespmem:s12+$0x4450]  }
0x31c: {  	v28 =	vld [tilespmem:s12+$0x10410];
	v30 =	vmul.f32 v41, v41;
	v22 =	vadd.f32 v52, v22;
	v14 =	vadd.f32 v27, v14  }
0x31d: {  	v17 =	vsub.f32 $1.500000000e+00, v17;
	v8 =	vld [tilespmem:s12+$0x4470];
	v12 =	vadd.f32 v12, v15;
	v27 =	vmul.f32 v39, v39  }
0x31e: {  	v59 =	vld [tilespmem:s12+$0x10060];
	v15 =	vadd.f32 v54, v22;
	v14 =	vadd.f32 v30, v14;
	v30 =	vmul.f32 v53, v53  }
0x31f: {  	v60 =	vld [tilespmem:s12+$0x10040];
	v11 =	vadd.f32 v24, v11;
	v24 =	vmul.f32 v25, v4;
	v25 =	vmul.f32 v18, v18  }
0x320: {  	v61 =	vld [tilespmem:s12+$0x10020];
	v58 =	vmul.f32 v21, v21;
	v15 =	vadd.f32 v27, v15;
	v14 =	vadd.f32 v30, v14  }
0x321: {  	v31 =	vld [tilespmem:s12+$0x10460];
	v3 =	vmul.f32 v26, v3;
	v10 =	vadd.f32 v10, v12;
	v12 =	vmul.f32 v16, v16  }
0x322: {  	v62 =	vld [tilespmem:s12+$0x10030];
	v30 =	vmul.f32 v8, v8;
	v15 =	vadd.f32 v25, v15;
	v14 =	vadd.f32 v58, v14  }
0x323: {  	v63 =	vld [tilespmem:s12+$0x10000];
	v17 =	vmul.f32 v17, v20;
	v3 =	vmul.f32 v3, v26;
	v11 =	vadd.f32 v24, v11  }
0x324: {  	s13 =	simm.s32 $0x80;
	s21 =	simm.s32 $0x100;
	v42 =	vld [tilespmem:s12+$0x10010];
	v12 =	vadd.f32 v12, v15;
	v14 =	vadd.f32 v30, v14  }
0x325: {  	s14 =	sand.u32 $0x380, s13;
	s4 =	sand.u32 $0x3800, s21;
	v23 =	vmul.f32 v17, v13;
	v22 =	vld [tilespmem:s12+$0x10430];
	v3 =	vsub.f32 $1.500000000e+00, v3  }
0x326: {  	s4 =	sor.u32 s14, s4;
	v13 =	vmul.f32 v16, v31;
	v27 =	vld [tilespmem:s12+$0x10070];
	v10 =	vadd.f32 v11, v10;
	v11 =	vadd.f32 v14, v12  }
0x327: {  	v16 =	vmul.f32 v21, v35;
	v21 =	vld [tilespmem:s4+$0x4070];
	v3 =	vmul.f32 v3, v26  }
0x328: {  	v17 =	vmul.f32 v39, v55;
	v25 =	vld [tilespmem:s12+$0x10050];
	v20 =	vperm.xlane v11, v0  }
0x329: {  	v19 =	vmul.f32 v19, v56;
	v3 =	vmul.f32 v3, v10;
	v10 =	vld [tilespmem:s4+$0x4460]  }
0x32a: {  	v7 =	vadd.f32 v23, v7;
	v23 =	vmul.f32 v29, v59;
	v14 =	vld [tilespmem:s4+$0x4400];
	v11 =	vadd.f32 v11, v20  }
0x32b: {  	v15 =	vmul.f32 v18, v38;
	v18 =	vmul.f32 v53, v22;
	v22 =	vld [tilespmem:s4+$0x4060]  }
0x32c: {  	v12 =	vld [tilespmem:s4+$0x4440];
	v20 =	vmul.f32 v41, v28;
	v28 =	vperm.xlane v11, v1  }
0x32d: {  	v29 =	vmul.f32 v40, v60;
	v51 =	vmul.f32 v36, v63;
	v26 =	vld [tilespmem:s4+$0x4000]  }
0x32e: {  	v36 =	vmul.f32 v37, v62;
	v24 =	vmul.f32 v33, v27;
	v27 =	vld [tilespmem:s4+$0x4010];
	v59 =	vadd.f32 v11, v28  }
0x32f: {  	s21 =	simm.s32 $0x200;
	v33 =	vmul.f32 v43, v61;
	v7 =	vadd.f32 v3, v7;
	v30 =	vmul.f32 v34, v25;
	v58 =	vmovc v14;
	v11 =	vld [tilespmem:s4+$0x4020]  }
.LBB2_10:
0x330: {  	p0 =	sne.s32 s21, $0x3F00;
	v25 =	vld [tilespmem:s4+$0x4030];
	v3 =	vmul.f32 v9, v42;
	v4 =	vperm.xlane v59, v2;
	v35 =	vmov v22  }
0x331: {  	v37 =	vmul.f32 v12, v12;
	v38 =	vmul.f32 v10, v10;
	v31 =	vld [tilespmem:s4+$0x4040];
	v34 =	vmov v21  }
0x332: {  	v39 =	vmul.f32 v58, v14;
	v22 =	vmul.f32 v22, v35;
	v32 =	vld [tilespmem:s4+$0x4050];
	v40 =	vadd.f32 v59, v4;
	v28 =	vmovc v26  }
0x333: {  	v21 =	vmul.f32 v21, v34;
	v26 =	vmul.f32 v26, v28;
	v41 =	vld [tilespmem:s4+$0x10460];
	v9 =	vmov v27  }
0x334: {  	v27 =	vmul.f32 v27, v9;
	v42 =	vld [tilespmem:s12+$0x10470];
	v43 =	vperm.xlane v40, v6;
	s12 =	smov.u32 s4  }
0x335: {  	v47 =	vadd.f32 $0.0e+00, v51;
	v44 =	vmul.f32 v11, v11;
	v45 =	vmul.f32 v25, v25;
	v46 =	vld [tilespmem:s12+$0x10440]  }
0x336: {  	v3 =	vadd.f32 $0.0e+00, v3;
	v48 =	vmul.f32 v31, v31;
	v49 =	vld [tilespmem:s12+$0x4410];
	v40 =	vadd.f32 v40, v43  }
0x337: {  	v26 =	vadd.f32 v44, v26;
	v27 =	vadd.f32 v45, v27;
	v43 =	vmul.f32 v32, v32;
	v44 =	vld [tilespmem:s12+$0x10450]  }
0x338: {  	v33 =	vadd.f32 v33, v47;
	v45 =	vld [tilespmem:s12+$0x4420];
	v47 =	vshrl.u32 v40, $0x1;
	v40 =	vmul.f32 $5.000000000e-01, v40  }
0x339: {  	v3 =	vadd.f32 v36, v3;
	v26 =	vadd.f32 v48, v26;
	v48 =	vld [tilespmem:s12+$0x4430];
	v36 =	vsub.s32 $0x5F3759DF, v47  }
0x33a: {  	v29 =	vadd.f32 v29, v33;
	v27 =	vadd.f32 v43, v27;
	v43 =	vld [tilespmem:s12+$0x4450];
	v33 =	vmul.f32 v36, v40  }
0x33b: {  	v3 =	vadd.f32 v30, v3;
	v22 =	vadd.f32 v22, v26;
	v26 =	vmul.f32 v49, v49;
	v47 =	vld [tilespmem:s12+$0x10420]  }
0x33c: {  	v23 =	vadd.f32 v23, v29;
	v21 =	vadd.f32 v21, v27;
	v27 =	vld [tilespmem:s12+$0x4470];
	v29 =	vmul.f32 v36, v33  }
0x33d: {  	v3 =	vadd.f32 v24, v3;
	v22 =	vadd.f32 v39, v22;
	v30 =	vmul.f32 v45, v45;
	v33 =	vld [tilespmem:s12+$0x10430]  }
0x33e: {  	v21 =	vadd.f32 v26, v21;
	v24 =	vld [tilespmem:s12+$0x10400];
	v26 =	vmul.f32 v48, v48;
	v29 =	vsub.f32 $1.500000000e+00, v29  }
0x33f: {  	v19 =	vadd.f32 v19, v23;
	v3 =	vadd.f32 v20, v3;
	v39 =	vld [tilespmem:s12+$0x10410];
	v50 =	vmul.f32 v43, v43  }
0x340: {  	v20 =	vadd.f32 v30, v22;
	v23 =	vld [tilespmem:s12+$0x10060];
	v21 =	vadd.f32 v26, v21;
	v22 =	vmul.f32 v36, v29  }
0x341: {  	v17 =	vadd.f32 v17, v19;
	v3 =	vadd.f32 v18, v3;
	v30 =	vld [tilespmem:s12+$0x10070];
	v26 =	vmul.f32 v27, v27  }
0x342: {  	v18 =	vadd.f32 v37, v20;
	v29 =	vld [tilespmem:s12+$0x10040];
	v19 =	vadd.f32 v50, v21;
	v20 =	vmul.f32 v22, v40  }
0x343: {  	v15 =	vadd.f32 v15, v17;
	v3 =	vadd.f32 v16, v3;
	v16 =	vmul.f32 v8, v42;
	v8 =	vmovc v27;
	v36 =	vld [tilespmem:s12+$0x10050]  }
0x344: {  	v17 =	vadd.f32 v38, v18;
	v37 =	vld [tilespmem:s12+$0x10020];
	v18 =	vadd.f32 v26, v19;
	v19 =	vmul.f32 v20, v22  }
0x345: {  	s13 =	sadd.s32 $0x80, s13;
	v3 =	vadd.f32 v16, v3;
	v20 =	vadd.f32 v13, v15;
	v38 =	vld [tilespmem:s12+$0x10030]  }
0x346: {  	s14 =	sand.u32 $0x380, s13;
	s4 =	sand.u32 $0x3800, s21;
	v40 =	vld [tilespmem:s12+$0x10000];
	v21 =	vadd.f32 v18, v17;
	v16 =	vsub.f32 $1.500000000e+00, v19  }
0x347: {  	s4 =	sor.u32 s14, s4;
	v15 =	vmul.f32 v12, v46;
	v13 =	vmul.f32 v10, v41;
	v42 =	vld [tilespmem:s12+$0x10010]  }
0x348: {  	v3 =	vadd.f32 v3, v20;
	v10 =	vld [tilespmem:s4+$0x4460];
	v19 =	vperm.xlane v21, v0;
	v22 =	vmul.f32 v16, v22  }
0x349: {  	v17 =	vmul.f32 v45, v47;
	v16 =	vmul.f32 v43, v44;
	v12 =	vld [tilespmem:s4+$0x4440]  }
0x34a: {  	v18 =	vmul.f32 v48, v33;
	v58 =	vld [tilespmem:s4+$0x4400];
	v41 =	vadd.f32 v21, v19;
	v3 =	vmul.f32 v22, v3  }
.Ltmp4:
0x34b: {  	v20 =	vmul.f32 v49, v39;
	v19 =	vmul.f32 v14, v24;
	v22 =	vld [tilespmem:s4+$0x4060];
	(pc) =	sbr.rel @p0 .LBB2_10-.Ltmp4, $4  }
0x34c: {  	v23 =	vmul.f32 v35, v23;
	v21 =	vld [tilespmem:s4+$0x4070];
	v4 =	vperm.xlane v41, v1;
	v7 =	vadd.f32 v3, v7  }
0x34d: {  	v29 =	vmul.f32 v31, v29;
	v24 =	vmul.f32 v34, v30;
	v26 =	vld [tilespmem:s4+$0x4000]  }
0x34e: {  	v33 =	vmul.f32 v11, v37;
	v30 =	vmul.f32 v32, v36;
	v27 =	vld [tilespmem:s4+$0x4010];
	v59 =	vadd.f32 v41, v4  }
0x34f: {  	s21 =	sadd.s32 $0x100, s21;
	v36 =	vmul.f32 v25, v38;
	v51 =	vmul.f32 v28, v40;
	v11 =	vld [tilespmem:s4+$0x4020];
	v14 =	vmov v58  }
0x350: {  	v37 =	vld [tilespmem:s4+$0x4030]  }
0x351: {  	v34 =	vld [tilespmem:s4+$0x4040]  }
0x352: {  	v31 =	vld [tilespmem:s4+$0x4050]  }
0x353: {  	v44 =	vld [tilespmem:s4+$0x10460]  }
0x354: {  	v53 =	vld [tilespmem:s4+$0x10440]  }
0x355: {  	v32 =	vld [tilespmem:s4+$0x4410]  }
0x356: {  	v45 =	vld [tilespmem:s4+$0x10450]  }
0x357: {  	v52 =	vld [tilespmem:s4+$0x4420]  }
0x358: {  	v43 =	vld [tilespmem:s4+$0x4430]  }
0x359: {  	v50 =	vld [tilespmem:s4+$0x4450]  }
0x35a: {  	v54 =	vld [tilespmem:s4+$0x10420]  }
0x35b: {  	v25 =	vld [tilespmem:s4+$0x4470]  }
0x35c: {  	v47 =	vld [tilespmem:s4+$0x10430]  }
0x35d: {  	v46 =	vld [tilespmem:s4+$0x10400]  }
0x35e: {  	v38 =	vld [tilespmem:s4+$0x10410]  }
0x35f: {  	v39 =	vld [tilespmem:s4+$0x10060]  }
0x360: {  	v35 =	vld [tilespmem:s4+$0x10070]  }
0x361: {  	v41 =	vld [tilespmem:s4+$0x10040]  }
0x362: {  	v40 =	vld [tilespmem:s4+$0x10050]  }
0x363: {  	v48 =	vld [tilespmem:s4+$0x10020]  }
0x364: {  	v3 =	vld [tilespmem:s4+$0x10470]  }
0x365: {  	v49 =	vld [tilespmem:s4+$0x10030]  }
0x366: {  	v28 =	vld [tilespmem:s4+$0x10000]  }
0x367: {  	v56 =	vld [tilespmem:s4+$0x10010];
	s4 =	simm.s32 $0x0;
	s21 =	rddreg [dreg:$0xd];
	s13 =	simm.s32 $0x4000  }
0x368: {  	v55 =	vld [tilespmem:s12+$0x10470];
	[tilespmem:s13], [sflag:$0x2] =	stream.linear.gather [hbm4b:s21+s4], $0x4000, $0x38  }
0x369: {  	[tilespmem:$0x1FF90] =	vst v3;
	v3 =	vld [tilespmem:$0x181C0];
	_ =	sdelay $0x2  }
0x36a: {  	v5 =	vld [tilespmem:$0x1FFE0];
	_ =	sdelay $0x1  }
0x36b: {  	v4 =	vld [tilespmem:$0x1FFF0];
	v60 =	vshll.u32 v3, $0x1  }
0x36c: {  	v3 =	vand.u32 $0x7, v3;
	v60 =	vand.u32 $0xFFFFFFF0, v60  }
0x36d: {  	v3 =	vor.u32 v3, v60  }
0x36e: {  	v60 =	vperm.xlane v3, v5;
	_ =	sdelay $0x1  }
0x36f: {  	v3 =	vperm.xlane v3, v4;
	v60 =	vadd.s32 v57, v60;
	_ =	sdelay $0x1  }
0x370: {  	v3 =	vadd.s32 v57, v3;
	_ =	sdelay $0x2  }
0x371: {  	[tilespmem:s26], [sflag:$0x5] =	stream.indirect_vreg.gather [hbm4b:s2+s4], $0x80, v60, vm0, $0xb8;
	[tilespmem:$0x18280] =	vst v63  }
0x372: {  	_ = 	snop  }
0x373: {  	[tilespmem:s28], [sflag:$0x5] =	stream.indirect_vreg.gather [hbm4b:s2+s4], $0x80, v3, vm0, $0xb8;
	[tilespmem:$0x18280] =	vst v63  }
0x374: {  	v3 =	vld [tilespmem:$0x181D0];
	_ =	sdelay $0x4  }
0x375: {  	v60 =	vshll.u32 v3, $0x1  }
0x376: {  	v3 =	vand.u32 $0x7, v3;
	v60 =	vand.u32 $0xFFFFFFF0, v60  }
0x377: {  	v3 =	vor.u32 v3, v60  }
0x378: {  	v60 =	vperm.xlane v3, v5;
	_ =	sdelay $0x1  }
0x379: {  	v3 =	vperm.xlane v3, v4;
	v60 =	vadd.s32 v57, v60;
	_ =	sdelay $0x1  }
0x37a: {  	v3 =	vadd.s32 v57, v3;
	_ =	sdelay $0x2  }
0x37b: {  	[tilespmem:s29], [sflag:$0x5] =	stream.indirect_vreg.gather [hbm4b:s2+s4], $0x80, v60, vm0, $0xb8;
	[tilespmem:$0x18280] =	vst v63  }
0x37c: {  	_ = 	snop  }
0x37d: {  	[tilespmem:s30], [sflag:$0x5] =	stream.indirect_vreg.gather [hbm4b:s2+s4], $0x80, v3, vm0, $0xb8;
	[tilespmem:$0x18280] =	vst v63  }
0x37e: {  	v3 =	vld [tilespmem:$0x181E0];
	_ =	sdelay $0x4  }
0x37f: {  	v60 =	vshll.u32 v3, $0x1  }
0x380: {  	v3 =	vand.u32 $0x7, v3;
	v60 =	vand.u32 $0xFFFFFFF0, v60  }
0x381: {  	v3 =	vor.u32 v3, v60  }
0x382: {  	v60 =	vperm.xlane v3, v5;
	_ =	sdelay $0x1  }
0x383: {  	v3 =	vperm.xlane v3, v4;
	v60 =	vadd.s32 v57, v60;
	_ =	sdelay $0x1  }
0x384: {  	v3 =	vadd.s32 v57, v3;
	_ =	sdelay $0x1  }
0x385: {  	v61 =	vmul.f32 v26, v26;
	v62 =	vmul.f32 v11, v11  }
0x386: {  	v63 =	vmul.f32 v27, v27;
	[tilespmem:s31], [sflag:$0x5] =	stream.indirect_vreg.gather [hbm4b:s2+s4], $0x80, v60, vm0, $0xb8;
	v60 =	vmul.f32 v37, v37;
	[tilespmem:$0x18280] =	vst v63  }
0x387: {  	v61 =	vadd.f32 v62, v61;
	v62 =	vmul.f32 v34, v34  }
0x388: {  	v60 =	vadd.f32 v60, v63;
	v63 =	vmul.f32 v31, v31;
	[tilespmem:s0], [sflag:$0x5] =	stream.indirect_vreg.gather [hbm4b:s2+s4], $0x80, v3, vm0, $0xb8;
	[tilespmem:$0x18280] =	vst v63  }
0x389: {  	v61 =	vadd.f32 v62, v61;
	v3 =	vmul.f32 v22, v22;
	v62 =	vld [tilespmem:$0x181F0]  }
0x38a: {  	v9 =	vmul.f32 v9, v42;
	v42 =	vmul.f32 v21, v21;
	v60 =	vadd.f32 v63, v60  }
0x38b: {  	v58 =	vmul.f32 v58, v14;
	v63 =	vperm.xlane v59, v2;
	v3 =	vadd.f32 v3, v61  }
0x38c: {  	v61 =	vmul.f32 v12, v12;
	v42 =	vadd.f32 v42, v60;
	v60 =	vmul.f32 v32, v32  }
0x38d: {  	v59 =	vadd.f32 v59, v63;
	v3 =	vadd.f32 v58, v3;
	v58 =	vmul.f32 v52, v52  }
0x38e: {  	v42 =	vadd.f32 v60, v42;
	v60 =	vmul.f32 v43, v43;
	v63 =	vshll.u32 v62, $0x1  }
0x38f: {  	v3 =	vadd.f32 v58, v3;
	v58 =	vand.u32 $0x7, v62;
	v62 =	vand.u32 $0xFFFFFFF0, v63  }
0x390: {  	v63 =	vmul.f32 v50, v50;
	v42 =	vadd.f32 v60, v42;
	v58 =	vor.u32 v58, v62  }
0x391: {  	v60 =	vperm.xlane v59, v6;
	v3 =	vadd.f32 v61, v3;
	v61 =	vperm.xlane v58, v5  }
0x392: {  	v62 =	vmul.f32 v10, v10;
	v58 =	vperm.xlane v58, v4;
	v42 =	vadd.f32 v63, v42  }
0x393: {  	v63 =	vmul.f32 v25, v25;
	v59 =	vadd.f32 v59, v60;
	v60 =	vadd.s32 v57, v61  }
0x394: {  	v51 =	vadd.f32 $0.0e+00, v51;
	v9 =	vadd.f32 $0.0e+00, v9  }
0x395: {  	v3 =	vadd.f32 v62, v3;
	v58 =	vadd.s32 v57, v58;
	v42 =	vadd.f32 v63, v42  }
0x396: {  	v33 =	vadd.f32 v33, v51;
	v61 =	vshrl.u32 v59, $0x1;
	v59 =	vmul.f32 $5.000000000e-01, v59  }
0x397: {  	v9 =	vadd.f32 v36, v9;
	v62 =	vsub.s32 $0x5F3759DF, v61;
	v3 =	vadd.f32 v42, v3  }
0x398: {  	v29 =	vadd.f32 v29, v33;
	v42 =	vmul.f32 v62, v59;
	[tilespmem:s1], [sflag:$0x5] =	stream.indirect_vreg.gather [hbm4b:s2+s4], $0x80, v60, vm0, $0xb8;
	[tilespmem:$0x18280] =	vst v63  }
0x399: {  	v9 =	vadd.f32 v30, v9;
	v63 =	vperm.xlane v3, v0  }
0x39a: {  	v23 =	vadd.f32 v23, v29;
	v30 =	vmul.f32 v62, v42;
	[tilespmem:s15], [sflag:$0x5] =	stream.indirect_vreg.gather [hbm4b:s2+s4], $0x80, v58, vm0, $0xb8;
	[tilespmem:$0x18280] =	vst v63  }
0x39b: {  	v9 =	vadd.f32 v24, v9;
	v3 =	vadd.f32 v3, v63;
	_ =	swait.ge [sflag:s10], $0x4000  }
0x39c: {  	v19 =	vadd.f32 v19, v23;
	v24 =	vsub.f32 $1.500000000e+00, v30;
	[sflag:s10] =	ssyncset.done $0x0  }
0x39d: {  	v9 =	vadd.f32 v20, v9;
	v29 =	vperm.xlane v3, v1;
	[sflag:s10] =	ssyncadd.s32 $0xFFFFC000  }
0x39e: {  	v8 =	vmul.f32 v8, v55;
	v17 =	vadd.f32 v17, v19;
	v20 =	vmul.f32 v62, v24;
	_ =	swait.ge [sflag:s11], $0x4000  }
0x39f: {  	s14 =	sand.u32 $0x3800, s4;
	v14 =	vmul.f32 v14, v46;
	v9 =	vadd.f32 v18, v9;
	s4 =	sand.u32 $0x380, s4;
	v3 =	vadd.f32 v3, v29;
	[sflag:s11] =	ssyncset.done $0x0  }
0x3a0: {  	v21 =	vmul.f32 v21, v35;
	s12 =	sor.u32 s4, s14;
	v18 =	vmul.f32 v20, v59;
	v4 =	vld [tilespmem:$0x1FF90];
	[sflag:s11] =	ssyncadd.s32 $0xFFFFC000  }
0x3a1: {  	v15 =	vadd.f32 v15, v17;
	v9 =	vadd.f32 v16, v9;
	v19 =	vperm.xlane v3, v2;
	v16 =	vld [tilespmem:s12+$0x8460]  }
0x3a2: {  	v34 =	vmul.f32 v34, v41;
	v17 =	vmul.f32 v18, v20;
	v18 =	vld [tilespmem:s12+$0x8440]  }
0x3a3: {  	v13 =	vadd.f32 v13, v15;
	v15 =	vmul.f32 v52, v54;
	v29 =	vld [tilespmem:s12+$0x8060];
	v3 =	vadd.f32 v3, v19  }
0x3a4: {  	v23 =	vadd.f32 v8, v9;
	v9 =	vmul.f32 v26, v28;
	v12 =	vmul.f32 v12, v53;
	v26 =	vld [tilespmem:s12+$0x8070]  }
0x3a5: {  	v53 =	vmul.f32 v27, v56;
	v27 =	vld [tilespmem:s12+$0x8000];
	v8 =	vperm.xlane v3, v6  }
0x3a6: {  	v54 =	vadd.f32 $0.0e+00, v9;
	v13 =	vadd.f32 v23, v13;
	v31 =	vmul.f32 v31, v40;
	v9 =	vld [tilespmem:s12+$0x8010]  }
0x3a7: {  	v22 =	vmul.f32 v22, v39;
	v42 =	vld [tilespmem:s12+$0x8020];
	v3 =	vadd.f32 v3, v8;
	v8 =	vmul.f32 v11, v48  }
0x3a8: {  	v33 =	vadd.f32 $0.0e+00, v53;
	v32 =	vmul.f32 v32, v38;
	v40 =	vld [tilespmem:s12+$0x8040];
	v11 =	vmul.f32 v37, v49  }
0x3a9: {  	v10 =	vmul.f32 v10, v44;
	v30 =	vmul.f32 v43, v47;
	v37 =	vld [tilespmem:s12+$0x8030];
	v8 =	vadd.f32 v8, v54  }
0x3aa: {  	v24 =	vmul.f32 v50, v45;
	v38 =	vld [tilespmem:s12+$0x14440];
	v17 =	vsub.f32 $1.500000000e+00, v17;
	v11 =	vadd.f32 v11, v33  }
0x3ab: {  	v55 =	vshrl.u32 v3, $0x1;
	v3 =	vmul.f32 $5.000000000e-01, v3;
	v8 =	vadd.f32 v34, v8;
	v34 =	vld [tilespmem:s12+$0x8050]  }
0x3ac: {  	v41 =	vld [tilespmem:s12+$0x8410];
	v59 =	vmul.f32 v42, v42;
	v56 =	vsub.s32 $0x5F3759DF, v55;
	v11 =	vadd.f32 v31, v11  }
0x3ad: {  	v44 =	vld [tilespmem:s12+$0x14450];
	v58 =	vmul.f32 v56, v3;
	v8 =	vadd.f32 v22, v8;
	v22 =	vmul.f32 v27, v27  }
0x3ae: {  	v19 =	vld [tilespmem:s12+$0x8400];
	v60 =	vmul.f32 v37, v37;
	v11 =	vadd.f32 v21, v11;
	v21 =	vmul.f32 v9, v9  }
0x3af: {  	v39 =	vld [tilespmem:s12+$0x8420];
	v61 =	vmul.f32 v40, v40;
	v31 =	vmul.f32 v56, v58;
	v22 =	vadd.f32 v59, v22  }
0x3b0: {  	v63 =	vld [tilespmem:s12+$0x8430];
	v8 =	vadd.f32 v14, v8;
	v14 =	vadd.f32 v60, v21;
	v21 =	vmul.f32 v34, v34  }
0x3b1: {  	v52 =	vld [tilespmem:s12+$0x14420];
	v62 =	vmul.f32 v29, v29;
	v31 =	vsub.f32 $1.500000000e+00, v31;
	v11 =	vadd.f32 v32, v11  }
0x3b2: {  	v28 =	vld [tilespmem:s12+$0x14410];
	v50 =	vmul.f32 v26, v26;
	v22 =	vadd.f32 v61, v22;
	v14 =	vadd.f32 v21, v14  }
0x3b3: {  	v51 =	vmul.f32 v19, v19;
	v15 =	vadd.f32 v15, v8;
	v11 =	vadd.f32 v30, v11;
	v21 =	vld [tilespmem:s12+$0x8450]  }
0x3b4: {  	v35 =	vld [tilespmem:s12+$0x14010];
	v30 =	vmul.f32 v41, v41;
	v22 =	vadd.f32 v62, v22;
	v14 =	vadd.f32 v50, v14  }
0x3b5: {  	v53 =	vmul.f32 v39, v39;
	v31 =	vmul.f32 v56, v31;
	v8 =	vld [tilespmem:s12+$0x8470];
	v12 =	vadd.f32 v12, v15  }
0x3b6: {  	v33 =	vld [tilespmem:s12+$0x14460];
	v15 =	vadd.f32 v51, v22;
	v14 =	vadd.f32 v30, v14;
	v30 =	vmul.f32 v63, v63  }
0x3b7: {  	v54 =	vld [tilespmem:s12+$0x14400];
	v11 =	vadd.f32 v24, v11;
	v24 =	vmul.f32 v25, v4;
	v25 =	vmul.f32 v18, v18  }
0x3b8: {  	v59 =	vld [tilespmem:s12+$0x14040];
	v55 =	vmul.f32 v21, v21;
	v15 =	vadd.f32 v53, v15;
	v14 =	vadd.f32 v30, v14  }
0x3b9: {  	v60 =	vld [tilespmem:s12+$0x14050];
	v3 =	vmul.f32 v31, v3;
	v10 =	vadd.f32 v10, v12;
	v12 =	vmul.f32 v16, v16  }
0x3ba: {  	v56 =	vld [tilespmem:s12+$0x14060];
	v58 =	vmul.f32 v8, v8;
	v15 =	vadd.f32 v25, v15;
	v14 =	vadd.f32 v55, v14  }
0x3bb: {  	s21 =	simm.s32 $0x100;
	s13 =	simm.s32 $0x80;
	v17 =	vmul.f32 v17, v20;
	v61 =	vld [tilespmem:s12+$0x14020];
	v3 =	vmul.f32 v3, v31;
	v11 =	vadd.f32 v24, v11  }
0x3bc: {  	s4 =	sand.u32 $0x3800, s21;
	s14 =	sand.u32 $0x380, s13;
	v62 =	vld [tilespmem:s12+$0x14000];
	v12 =	vadd.f32 v12, v15;
	v14 =	vadd.f32 v58, v14  }
0x3bd: {  	s21 =	sor.u32 s14, s4;
	v23 =	vmul.f32 v17, v13;
	v13 =	vmul.f32 v16, v33;
	v22 =	vld [tilespmem:s12+$0x14430];
	v3 =	vsub.f32 $1.500000000e+00, v3  }
0x3be: {  	v10 =	vadd.f32 v11, v10;
	v16 =	vmul.f32 v21, v44;
	v21 =	vld [tilespmem:s21+$0x8070];
	v11 =	vadd.f32 v14, v12  }
0x3bf: {  	v30 =	vld [tilespmem:s12+$0x14070];
	v3 =	vmul.f32 v3, v31  }
0x3c0: {  	v31 =	vld [tilespmem:s12+$0x14030];
	v20 =	vperm.xlane v11, v0  }
0x3c1: {  	v17 =	vmul.f32 v39, v52;
	v7 =	vadd.f32 v23, v7;
	v3 =	vmul.f32 v3, v10;
	v10 =	vld [tilespmem:s21+$0x8460]  }
0x3c2: {  	v19 =	vmul.f32 v19, v54;
	v23 =	vmul.f32 v29, v56;
	v14 =	vld [tilespmem:s21+$0x8400];
	v11 =	vadd.f32 v11, v20  }
0x3c3: {  	v15 =	vmul.f32 v18, v38;
	v18 =	vmul.f32 v63, v22;
	v22 =	vld [tilespmem:s21+$0x8060]  }
0x3c4: {  	v36 =	vmul.f32 v42, v61;
	v12 =	vld [tilespmem:s21+$0x8440];
	v63 =	vperm.xlane v11, v1  }
0x3c5: {  	v29 =	vmul.f32 v34, v60;
	v25 =	vld [tilespmem:s21+$0x8000];
	v24 =	vmul.f32 v26, v30  }
0x3c6: {  	v26 =	vld [tilespmem:s21+$0x8010];
	v20 =	vmul.f32 v41, v28;
	v28 =	vmul.f32 v40, v59;
	v40 =	vadd.f32 v11, v63  }
0x3c7: {  	s4 =	simm.s32 $0x200;
	v38 =	vmul.f32 v27, v62;
	v7 =	vadd.f32 v3, v7;
	v37 =	vmul.f32 v37, v31;
	v39 =	vmovc v14;
	v11 =	vld [tilespmem:s21+$0x8020]  }
.LBB2_12:
0x3c8: {  	p0 =	sne.s32 s4, $0x3F00;
	v27 =	vld [tilespmem:s21+$0x8030];
	v3 =	vmul.f32 v9, v35;
	v4 =	vperm.xlane v40, v2;
	v34 =	vmov v22  }
0x3c9: {  	v35 =	vmul.f32 v12, v12;
	v41 =	vmul.f32 v10, v10;
	v31 =	vld [tilespmem:s21+$0x8040];
	v33 =	vmov v21  }
0x3ca: {  	v39 =	vmul.f32 v39, v14;
	v22 =	vmul.f32 v22, v34;
	v32 =	vld [tilespmem:s21+$0x8050];
	v40 =	vadd.f32 v40, v4;
	v30 =	vmovc v25  }
0x3cb: {  	v21 =	vmul.f32 v21, v33;
	v25 =	vmul.f32 v25, v30;
	v42 =	vld [tilespmem:s21+$0x14460];
	v9 =	vmov v26  }
0x3cc: {  	v26 =	vmul.f32 v26, v9;
	v43 =	vld [tilespmem:s12+$0x14470];
	v44 =	vperm.xlane v40, v6;
	s12 =	smov.u32 s21  }
0x3cd: {  	v38 =	vadd.f32 $0.0e+00, v38;
	v45 =	vmul.f32 v11, v11;
	v46 =	vmul.f32 v27, v27;
	v47 =	vld [tilespmem:s12+$0x14440]  }
0x3ce: {  	v3 =	vadd.f32 $0.0e+00, v3;
	v48 =	vmul.f32 v31, v31;
	v49 =	vld [tilespmem:s12+$0x8410];
	v40 =	vadd.f32 v40, v44  }
0x3cf: {  	v25 =	vadd.f32 v45, v25;
	v26 =	vadd.f32 v46, v26;
	v44 =	vmul.f32 v32, v32;
	v45 =	vld [tilespmem:s12+$0x14450]  }
0x3d0: {  	v36 =	vadd.f32 v36, v38;
	v46 =	vld [tilespmem:s12+$0x8420];
	v38 =	vshrl.u32 v40, $0x1;
	v40 =	vmul.f32 $5.000000000e-01, v40  }
0x3d1: {  	v3 =	vadd.f32 v37, v3;
	v25 =	vadd.f32 v48, v25;
	v48 =	vld [tilespmem:s12+$0x8430];
	v37 =	vsub.s32 $0x5F3759DF, v38  }
0x3d2: {  	v28 =	vadd.f32 v28, v36;
	v26 =	vadd.f32 v44, v26;
	v38 =	vld [tilespmem:s12+$0x8450];
	v36 =	vmul.f32 v37, v40  }
0x3d3: {  	v3 =	vadd.f32 v29, v3;
	v22 =	vadd.f32 v22, v25;
	v25 =	vmul.f32 v49, v49;
	v44 =	vld [tilespmem:s12+$0x14420]  }
0x3d4: {  	v23 =	vadd.f32 v23, v28;
	v21 =	vadd.f32 v21, v26;
	v26 =	vld [tilespmem:s12+$0x8470];
	v28 =	vmul.f32 v37, v36  }
0x3d5: {  	v3 =	vadd.f32 v24, v3;
	v22 =	vadd.f32 v39, v22;
	v29 =	vmul.f32 v46, v46;
	v36 =	vld [tilespmem:s12+$0x14430]  }
0x3d6: {  	v21 =	vadd.f32 v25, v21;
	v24 =	vld [tilespmem:s12+$0x14400];
	v25 =	vmul.f32 v48, v48;
	v28 =	vsub.f32 $1.500000000e+00, v28  }
0x3d7: {  	v19 =	vadd.f32 v19, v23;
	v3 =	vadd.f32 v20, v3;
	v50 =	vld [tilespmem:s12+$0x14410];
	v39 =	vmul.f32 v38, v38  }
0x3d8: {  	v20 =	vadd.f32 v29, v22;
	v23 =	vld [tilespmem:s12+$0x14060];
	v21 =	vadd.f32 v25, v21;
	v22 =	vmul.f32 v37, v28  }
0x3d9: {  	v17 =	vadd.f32 v17, v19;
	v3 =	vadd.f32 v18, v3;
	v29 =	vld [tilespmem:s12+$0x14070];
	v25 =	vmul.f32 v26, v26  }
0x3da: {  	v18 =	vadd.f32 v35, v20;
	v28 =	vld [tilespmem:s12+$0x14040];
	v19 =	vadd.f32 v39, v21;
	v20 =	vmul.f32 v22, v40  }
0x3db: {  	v15 =	vadd.f32 v15, v17;
	v3 =	vadd.f32 v16, v3;
	v16 =	vmul.f32 v8, v43;
	v8 =	vmovc v26;
	v37 =	vld [tilespmem:s12+$0x14050]  }
0x3dc: {  	v17 =	vadd.f32 v41, v18;
	v40 =	vld [tilespmem:s12+$0x14020];
	v18 =	vadd.f32 v25, v19;
	v19 =	vmul.f32 v20, v22  }
0x3dd: {  	s13 =	sadd.s32 $0x80, s13;
	v3 =	vadd.f32 v16, v3;
	v20 =	vadd.f32 v13, v15;
	v41 =	vld [tilespmem:s12+$0x14030]  }
0x3de: {  	s14 =	sand.u32 $0x3800, s4;
	s21 =	sand.u32 $0x380, s13;
	v43 =	vld [tilespmem:s12+$0x14000];
	v21 =	vadd.f32 v18, v17;
	v16 =	vsub.f32 $1.500000000e+00, v19  }
0x3df: {  	s21 =	sor.u32 s21, s14;
	v15 =	vmul.f32 v12, v47;
	v13 =	vmul.f32 v10, v42;
	v35 =	vld [tilespmem:s12+$0x14010]  }
0x3e0: {  	v3 =	vadd.f32 v3, v20;
	v10 =	vld [tilespmem:s21+$0x8460];
	v19 =	vperm.xlane v21, v0;
	v22 =	vmul.f32 v16, v22  }
0x3e1: {  	v17 =	vmul.f32 v46, v44;
	v16 =	vmul.f32 v38, v45;
	v12 =	vld [tilespmem:s21+$0x8440]  }
0x3e2: {  	v18 =	vmul.f32 v48, v36;
	v39 =	vld [tilespmem:s21+$0x8400];
	v38 =	vadd.f32 v21, v19;
	v3 =	vmul.f32 v22, v3  }
.Ltmp5:
0x3e3: {  	v20 =	vmul.f32 v49, v50;
	v19 =	vmul.f32 v14, v24;
	v22 =	vld [tilespmem:s21+$0x8060];
	(pc) =	sbr.rel @p0 .LBB2_12-.Ltmp5, $4  }
0x3e4: {  	v23 =	vmul.f32 v34, v23;
	v21 =	vld [tilespmem:s21+$0x8070];
	v4 =	vperm.xlane v38, v1;
	v7 =	vadd.f32 v3, v7  }
0x3e5: {  	v28 =	vmul.f32 v31, v28;
	v24 =	vmul.f32 v33, v29;
	v25 =	vld [tilespmem:s21+$0x8000]  }
0x3e6: {  	v36 =	vmul.f32 v11, v40;
	v29 =	vmul.f32 v32, v37;
	v26 =	vld [tilespmem:s21+$0x8010];
	v40 =	vadd.f32 v38, v4  }
0x3e7: {  	s4 =	sadd.s32 $0x100, s4;
	v37 =	vmul.f32 v27, v41;
	v38 =	vmul.f32 v30, v43;
	v11 =	vld [tilespmem:s21+$0x8020];
	v14 =	vmov v39  }
0x3e8: {  	v3 =	vld [tilespmem:s21+$0x8030]  }
0x3e9: {  	v32 =	vld [tilespmem:s21+$0x8040]  }
0x3ea: {  	v30 =	vld [tilespmem:s21+$0x8050];
	_ =	sdelay $0x1  }
0x3eb: {  	v27 =	vmul.f32 v25, v25;
	v33 =	vmul.f32 v11, v11  }
0x3ec: {  	v31 =	vld [tilespmem:s21+$0x14460];
	v34 =	vmul.f32 v26, v26;
	v42 =	vmul.f32 v3, v3  }
0x3ed: {  	v44 =	vld [tilespmem:s21+$0x8410];
	v43 =	vmul.f32 v32, v32;
	v27 =	vadd.f32 v33, v27  }
0x3ee: {  	v59 =	vmul.f32 v30, v30;
	v58 =	vadd.f32 v42, v34;
	v42 =	vld [tilespmem:s21+$0x8420]  }
0x3ef: {  	v45 =	vmul.f32 v22, v22;
	v27 =	vadd.f32 v43, v27;
	v43 =	vld [tilespmem:s21+$0x8430]  }
0x3f0: {  	v41 =	vld [tilespmem:s12+$0x14470];
	v46 =	vmul.f32 v21, v21;
	v33 =	vadd.f32 v59, v58  }
0x3f1: {  	v60 =	vmul.f32 v39, v14;
	v39 =	vld [tilespmem:s21+$0x8450];
	v45 =	vadd.f32 v45, v27  }
0x3f2: {  	v47 =	vld [tilespmem:s21+$0x14440];
	v49 =	vmul.f32 v44, v44;
	v33 =	vadd.f32 v46, v33  }
0x3f3: {  	v61 =	vperm.xlane v40, v2;
	v9 =	vmul.f32 v9, v35;
	v27 =	vld [tilespmem:s21+$0x8470];
	v34 =	vadd.f32 v60, v45  }
0x3f4: {  	v48 =	vld [tilespmem:s21+$0x14450];
	v50 =	vmul.f32 v42, v42;
	v33 =	vadd.f32 v49, v33;
	v62 =	vmul.f32 v43, v43  }
0x3f5: {  	v51 =	vmul.f32 v12, v12;
	v52 =	vld [tilespmem:s21+$0x14400];
	v40 =	vadd.f32 v40, v61;
	v9 =	vadd.f32 $0.0e+00, v9  }
0x3f6: {  	v54 =	vld [tilespmem:s21+$0x14410];
	v53 =	vmul.f32 v39, v39;
	v34 =	vadd.f32 v50, v34;
	v33 =	vadd.f32 v62, v33  }
0x3f7: {  	v63 =	vmul.f32 v10, v10;
	v55 =	vld [tilespmem:s21+$0x14060];
	v9 =	vadd.f32 v37, v9;
	v60 =	vperm.xlane v40, v6  }
0x3f8: {  	v37 =	vld [tilespmem:s21+$0x14030];
	v56 =	vmul.f32 v27, v27;
	v34 =	vadd.f32 v51, v34;
	v33 =	vadd.f32 v53, v33  }
0x3f9: {  	v9 =	vadd.f32 v29, v9;
	v29 =	vld [tilespmem:s21+$0x14010];
	v61 =	vadd.f32 v40, v60  }
0x3fa: {  	v46 =	vld [tilespmem:s21+$0x14430];
	v34 =	vadd.f32 v63, v34;
	v33 =	vadd.f32 v56, v33  }
0x3fb: {  	v38 =	vadd.f32 $0.0e+00, v38;
	v45 =	vld [tilespmem:s21+$0x14420]  }
0x3fc: {  	v49 =	vld [tilespmem:s21+$0x14050];
	v62 =	vshrl.u32 v61, $0x1;
	v35 =	vmul.f32 $5.000000000e-01, v61;
	v33 =	vadd.f32 v33, v34  }
0x3fd: {  	v40 =	vld [tilespmem:s21+$0x14070];
	v63 =	vadd.f32 v36, v38;
	v36 =	vsub.s32 $0x5F3759DF, v62  }
0x3fe: {  	v50 =	vld [tilespmem:s21+$0x14040];
	v60 =	vmul.f32 v36, v35;
	v62 =	vperm.xlane v33, v0  }
0x3ff: {  	v61 =	vld [tilespmem:s21+$0x14000]  }
0x400: {  	v53 =	vld [tilespmem:s21+$0x14020];
	v28 =	vadd.f32 v28, v63;
	v63 =	vmul.f32 v36, v60;
	v33 =	vadd.f32 v33, v62  }
0x401: {  	v9 =	vadd.f32 v24, v9;
	v38 =	vld [tilespmem:s21+$0x14470];
	_ =	swait.ge [sflag:s5], $0x4000  }
0x402: {  	[sflag:s5] =	ssyncset.done $0x0;
	v23 =	vadd.f32 v23, v28;
	v24 =	vsub.f32 $1.500000000e+00, v63;
	v28 =	vperm.xlane v33, v1  }
0x403: {  	v8 =	vmul.f32 v8, v41;
	v9 =	vadd.f32 v20, v9;
	[sflag:s5] =	ssyncadd.s32 $0xFFFFC000  }
0x404: {  	s4 =	simm.s32 $0x0;
	_ =	swait.ge [sflag:s9], $0x4000;
	v19 =	vadd.f32 v19, v23;
	v20 =	vmul.f32 v36, v24;
	v23 =	vadd.f32 v33, v28  }
0x405: {  	s14 =	sand.u32 $0x3800, s4;
	s4 =	sand.u32 $0x380, s4;
	v12 =	vmul.f32 v12, v47;
	v10 =	vmul.f32 v10, v31;
	v9 =	vadd.f32 v18, v9;
	[sflag:s9] =	ssyncset.done $0x0  }
0x406: {  	s12 =	sor.u32 s4, s14;
	[sflag:s9] =	ssyncadd.s32 $0xFFFFC000;
	v17 =	vadd.f32 v17, v19;
	v18 =	vmul.f32 v20, v35;
	v19 =	vperm.xlane v23, v2  }
0x407: {  	v14 =	vmul.f32 v14, v52;
	v3 =	vmul.f32 v3, v37;
	v9 =	vadd.f32 v16, v9;
	v16 =	vld [tilespmem:s12+$0x460]  }
0x408: {  	v31 =	vld [tilespmem:s12+$0x0];
	v15 =	vadd.f32 v15, v17;
	v17 =	vmul.f32 v18, v20;
	v18 =	vadd.f32 v23, v19  }
0x409: {  	v21 =	vmul.f32 v21, v40;
	v37 =	vld [tilespmem:s12+$0x20];
	v24 =	vadd.f32 v8, v9;
	v9 =	vmul.f32 v25, v61  }
0x40a: {  	v40 =	vld [tilespmem:s12+$0xC440];
	v25 =	vmul.f32 v26, v29;
	v8 =	vperm.xlane v18, v6  }
0x40b: {  	v54 =	vmul.f32 v44, v54;
	v22 =	vmul.f32 v22, v55;
	v41 =	vld [tilespmem:s12+$0x420]  }
0x40c: {  	v11 =	vmul.f32 v11, v53;
	v63 =	vld [tilespmem:s12+$0xC400];
	v25 =	vadd.f32 $0.0e+00, v25;
	v8 =	vadd.f32 v18, v8  }
0x40d: {  	v27 =	vmul.f32 v27, v38;
	v28 =	vmul.f32 v39, v48;
	v33 =	vld [tilespmem:s12+$0x60];
	v18 =	vadd.f32 $0.0e+00, v9  }
0x40e: {  	v48 =	vmul.f32 v43, v46;
	v3 =	vadd.f32 v3, v25;
	v9 =	vld [tilespmem:s12+$0x10];
	v26 =	vshrl.u32 v8, $0x1  }
0x40f: {  	v29 =	vmul.f32 $5.000000000e-01, v8;
	v8 =	vmul.f32 v32, v50;
	v11 =	vadd.f32 v11, v18;
	v32 =	vld [tilespmem:s12+$0x30]  }
0x410: {  	v56 =	vmul.f32 v37, v37;
	v18 =	vsub.s32 $0x5F3759DF, v26;
	v26 =	vmul.f32 v30, v49;
	v30 =	vld [tilespmem:s12+$0x40]  }
0x411: {  	v13 =	vadd.f32 v13, v15;
	v25 =	vmul.f32 v18, v29;
	v8 =	vadd.f32 v8, v11;
	v11 =	vld [tilespmem:s12+$0x50]  }
0x412: {  	v43 =	vld [tilespmem:s12+$0x430];
	v15 =	vmul.f32 v42, v45;
	v17 =	vsub.f32 $1.500000000e+00, v17;
	v3 =	vadd.f32 v26, v3  }
0x413: {  	v36 =	vld [tilespmem:s12+$0x70];
	v25 =	vmul.f32 v18, v25;
	v8 =	vadd.f32 v22, v8;
	v22 =	vmul.f32 v31, v31  }
0x414: {  	v42 =	vld [tilespmem:s12+$0x410];
	v3 =	vadd.f32 v21, v3;
	v21 =	vmul.f32 v9, v9;
	v58 =	vmul.f32 v32, v32  }
0x415: {  	v23 =	vld [tilespmem:s12+$0x400];
	v25 =	vsub.f32 $1.500000000e+00, v25;
	v59 =	vmul.f32 v30, v30;
	v22 =	vadd.f32 v56, v22  }
0x416: {  	v53 =	vld [tilespmem:s12+$0xC410];
	v8 =	vadd.f32 v14, v8;
	v14 =	vadd.f32 v58, v21;
	v21 =	vmul.f32 v11, v11  }
0x417: {  	v55 =	vld [tilespmem:s12+$0xC060];
	v60 =	vmul.f32 v33, v33;
	v52 =	vmul.f32 v43, v43;
	v22 =	vadd.f32 v59, v22  }
0x418: {  	v19 =	vld [tilespmem:s12+$0x440];
	v18 =	vmul.f32 v18, v25;
	v25 =	vmul.f32 v36, v36;
	v14 =	vadd.f32 v21, v14  }
0x419: {  	v62 =	vmul.f32 v42, v42;
	v3 =	vadd.f32 v54, v3;
	v15 =	vadd.f32 v15, v8;
	v21 =	vld [tilespmem:s12+$0x450]  }
0x41a: {  	v35 =	vld [tilespmem:s12+$0xC010];
	v61 =	vmul.f32 v23, v23;
	v22 =	vadd.f32 v60, v22;
	v14 =	vadd.f32 v25, v14  }
0x41b: {  	v8 =	vld [tilespmem:s12+$0x470];
	v3 =	vadd.f32 v48, v3;
	v12 =	vadd.f32 v12, v15;
	v25 =	vmul.f32 v18, v29  }
0x41c: {  	v39 =	vld [tilespmem:s12+$0xC450];
	v29 =	vmul.f32 v41, v41;
	v15 =	vadd.f32 v61, v22;
	v14 =	vadd.f32 v62, v14  }
0x41d: {  	v45 =	vld [tilespmem:s12+$0xC420];
	v13 =	vadd.f32 v24, v13;
	v3 =	vadd.f32 v28, v3;
	v28 =	vmul.f32 v19, v19  }
0x41e: {  	v26 =	vld [tilespmem:s12+$0xC460];
	v54 =	vmul.f32 v21, v21;
	v15 =	vadd.f32 v29, v15;
	v14 =	vadd.f32 v52, v14  }
0x41f: {  	v58 =	vld [tilespmem:s12+$0xC040];
	v10 =	vadd.f32 v10, v12;
	v12 =	vmul.f32 v16, v16;
	v25 =	vmul.f32 v25, v18  }
0x420: {  	v59 =	vld [tilespmem:s12+$0xC020];
	v56 =	vmul.f32 v8, v8;
	v15 =	vadd.f32 v28, v15;
	v14 =	vadd.f32 v54, v14  }
0x421: {  	v60 =	vld [tilespmem:s12+$0xC030];
	v3 =	vadd.f32 v27, v3;
	v25 =	vsub.f32 $1.500000000e+00, v25  }
0x422: {  	v17 =	vmul.f32 v17, v20;
	v22 =	vld [tilespmem:s12+$0xC430];
	v12 =	vadd.f32 v12, v15;
	v14 =	vadd.f32 v56, v14  }
0x423: {  	s13 =	simm.s32 $0x80;
	s21 =	simm.s32 $0x100;
	v61 =	vld [tilespmem:s12+$0xC000];
	v3 =	vadd.f32 v3, v10;
	v15 =	vmul.f32 v25, v18  }
0x424: {  	s14 =	sand.u32 $0x380, s13;
	s4 =	sand.u32 $0x3800, s21;
	v24 =	vmul.f32 v17, v13;
	v13 =	vmul.f32 v16, v26;
	v27 =	vld [tilespmem:s12+$0xC050];
	v20 =	vadd.f32 v14, v12  }
0x425: {  	s21 =	sor.u32 s14, s4;
	v29 =	vld [tilespmem:s12+$0xC070];
	v16 =	vmul.f32 v21, v39;
	v3 =	vmul.f32 v15, v3  }
0x426: {  	v21 =	vld [tilespmem:s21+$0x70];
	v15 =	vmul.f32 v19, v40;
	v19 =	vperm.xlane v20, v0  }
0x427: {  	v10 =	vld [tilespmem:s21+$0x460]  }
0x428: {  	v17 =	vmul.f32 v41, v45;
	v28 =	vmul.f32 v30, v58;
	v14 =	vld [tilespmem:s21+$0x400];
	v62 =	vadd.f32 v20, v19  }
0x429: {  	v38 =	vmul.f32 v31, v61;
	v18 =	vmul.f32 v43, v22;
	v22 =	vld [tilespmem:s21+$0x60]  }
0x42a: {  	v12 =	vld [tilespmem:s21+$0x440];
	v19 =	vmul.f32 v23, v63;
	v63 =	vperm.xlane v62, v1  }
0x42b: {  	v7 =	vadd.f32 v24, v7;
	v25 =	vld [tilespmem:s21+$0x0];
	v24 =	vmul.f32 v36, v29;
	v36 =	vmul.f32 v37, v59  }
0x42c: {  	v26 =	vld [tilespmem:s21+$0x10];
	v29 =	vmul.f32 v11, v27;
	v37 =	vmul.f32 v32, v60;
	v40 =	vadd.f32 v62, v63  }
0x42d: {  	s4 =	simm.s32 $0x200;
	v11 =	vld [tilespmem:s21+$0x20];
	v7 =	vadd.f32 v3, v7;
	v20 =	vmul.f32 v42, v53;
	v23 =	vmul.f32 v33, v55;
	v39 =	vmovc v14  }
.LBB2_14:
0x42e: {  	p0 =	sne.s32 s4, $0x3F00;
	v27 =	vld [tilespmem:s21+$0x30];
	v3 =	vmul.f32 v9, v35;
	v4 =	vperm.xlane v40, v2;
	v34 =	vmov v22  }
0x42f: {  	v35 =	vmul.f32 v12, v12;
	v41 =	vmul.f32 v10, v10;
	v31 =	vld [tilespmem:s21+$0x40];
	v33 =	vmov v21  }
0x430: {  	v39 =	vmul.f32 v39, v14;
	v22 =	vmul.f32 v22, v34;
	v32 =	vld [tilespmem:s21+$0x50];
	v40 =	vadd.f32 v40, v4;
	v30 =	vmovc v25  }
0x431: {  	v21 =	vmul.f32 v21, v33;
	v25 =	vmul.f32 v25, v30;
	v42 =	vld [tilespmem:s21+$0xC460];
	v9 =	vmov v26  }
0x432: {  	v26 =	vmul.f32 v26, v9;
	v43 =	vld [tilespmem:s12+$0xC470];
	v44 =	vperm.xlane v40, v6;
	s12 =	smov.u32 s21  }
0x433: {  	v38 =	vadd.f32 $0.0e+00, v38;
	v45 =	vmul.f32 v11, v11;
	v46 =	vmul.f32 v27, v27;
	v47 =	vld [tilespmem:s12+$0xC440]  }
0x434: {  	v3 =	vadd.f32 $0.0e+00, v3;
	v48 =	vmul.f32 v31, v31;
	v49 =	vld [tilespmem:s12+$0x410];
	v40 =	vadd.f32 v40, v44  }
0x435: {  	v25 =	vadd.f32 v45, v25;
	v26 =	vadd.f32 v46, v26;
	v44 =	vmul.f32 v32, v32;
	v45 =	vld [tilespmem:s12+$0xC450]  }
0x436: {  	v36 =	vadd.f32 v36, v38;
	v46 =	vld [tilespmem:s12+$0x420];
	v38 =	vshrl.u32 v40, $0x1;
	v40 =	vmul.f32 $5.000000000e-01, v40  }
0x437: {  	v3 =	vadd.f32 v37, v3;
	v25 =	vadd.f32 v48, v25;
	v48 =	vld [tilespmem:s12+$0x430];
	v37 =	vsub.s32 $0x5F3759DF, v38  }
0x438: {  	v28 =	vadd.f32 v28, v36;
	v26 =	vadd.f32 v44, v26;
	v38 =	vld [tilespmem:s12+$0x450];
	v36 =	vmul.f32 v37, v40  }
0x439: {  	v3 =	vadd.f32 v29, v3;
	v22 =	vadd.f32 v22, v25;
	v25 =	vmul.f32 v49, v49;
	v44 =	vld [tilespmem:s12+$0xC420]  }
0x43a: {  	v23 =	vadd.f32 v23, v28;
	v21 =	vadd.f32 v21, v26;
	v26 =	vld [tilespmem:s12+$0x470];
	v28 =	vmul.f32 v37, v36  }
0x43b: {  	v3 =	vadd.f32 v24, v3;
	v22 =	vadd.f32 v39, v22;
	v29 =	vmul.f32 v46, v46;
	v36 =	vld [tilespmem:s12+$0xC430]  }
0x43c: {  	v21 =	vadd.f32 v25, v21;
	v24 =	vld [tilespmem:s12+$0xC400];
	v25 =	vmul.f32 v48, v48;
	v28 =	vsub.f32 $1.500000000e+00, v28  }
0x43d: {  	v19 =	vadd.f32 v19, v23;
	v3 =	vadd.f32 v20, v3;
	v50 =	vld [tilespmem:s12+$0xC410];
	v39 =	vmul.f32 v38, v38  }
0x43e: {  	v20 =	vadd.f32 v29, v22;
	v23 =	vld [tilespmem:s12+$0xC060];
	v21 =	vadd.f32 v25, v21;
	v22 =	vmul.f32 v37, v28  }
0x43f: {  	v17 =	vadd.f32 v17, v19;
	v3 =	vadd.f32 v18, v3;
	v29 =	vld [tilespmem:s12+$0xC070];
	v25 =	vmul.f32 v26, v26  }
0x440: {  	v18 =	vadd.f32 v35, v20;
	v28 =	vld [tilespmem:s12+$0xC040];
	v19 =	vadd.f32 v39, v21;
	v20 =	vmul.f32 v22, v40  }
0x441: {  	v15 =	vadd.f32 v15, v17;
	v3 =	vadd.f32 v16, v3;
	v16 =	vmul.f32 v8, v43;
	v8 =	vmovc v26;
	v37 =	vld [tilespmem:s12+$0xC050]  }
0x442: {  	v17 =	vadd.f32 v41, v18;
	v40 =	vld [tilespmem:s12+$0xC020];
	v18 =	vadd.f32 v25, v19;
	v19 =	vmul.f32 v20, v22  }
0x443: {  	s13 =	sadd.s32 $0x80, s13;
	v3 =	vadd.f32 v16, v3;
	v20 =	vadd.f32 v13, v15;
	v41 =	vld [tilespmem:s12+$0xC030]  }
0x444: {  	s14 =	sand.u32 $0x3800, s4;
	s21 =	sand.u32 $0x380, s13;
	v43 =	vld [tilespmem:s12+$0xC000];
	v21 =	vadd.f32 v18, v17;
	v16 =	vsub.f32 $1.500000000e+00, v19  }
0x445: {  	s21 =	sor.u32 s21, s14;
	v15 =	vmul.f32 v12, v47;
	v13 =	vmul.f32 v10, v42;
	v35 =	vld [tilespmem:s12+$0xC010]  }
0x446: {  	v3 =	vadd.f32 v3, v20;
	v10 =	vld [tilespmem:s21+$0x460];
	v19 =	vperm.xlane v21, v0;
	v22 =	vmul.f32 v16, v22  }
0x447: {  	v17 =	vmul.f32 v46, v44;
	v16 =	vmul.f32 v38, v45;
	v12 =	vld [tilespmem:s21+$0x440]  }
0x448: {  	v18 =	vmul.f32 v48, v36;
	v39 =	vld [tilespmem:s21+$0x400];
	v38 =	vadd.f32 v21, v19;
	v3 =	vmul.f32 v22, v3  }
.Ltmp6:
0x449: {  	v20 =	vmul.f32 v49, v50;
	v19 =	vmul.f32 v14, v24;
	v22 =	vld [tilespmem:s21+$0x60];
	(pc) =	sbr.rel @p0 .LBB2_14-.Ltmp6, $4  }
0x44a: {  	v23 =	vmul.f32 v34, v23;
	v21 =	vld [tilespmem:s21+$0x70];
	v4 =	vperm.xlane v38, v1;
	v7 =	vadd.f32 v3, v7  }
0x44b: {  	v28 =	vmul.f32 v31, v28;
	v24 =	vmul.f32 v33, v29;
	v25 =	vld [tilespmem:s21+$0x0]  }
0x44c: {  	v36 =	vmul.f32 v11, v40;
	v29 =	vmul.f32 v32, v37;
	v26 =	vld [tilespmem:s21+$0x10];
	v40 =	vadd.f32 v38, v4  }
0x44d: {  	s4 =	sadd.s32 $0x100, s4;
	v37 =	vmul.f32 v27, v41;
	v38 =	vmul.f32 v30, v43;
	v11 =	vld [tilespmem:s21+$0x20];
	v14 =	vmov v39  }
0x44e: {  	v3 =	vld [tilespmem:s21+$0x30]  }
0x44f: {  	v31 =	vld [tilespmem:s21+$0x40]  }
0x450: {  	v30 =	vld [tilespmem:s21+$0x50];
	_ =	sdelay $0x1  }
0x451: {  	v27 =	vmul.f32 v25, v25;
	v33 =	vmul.f32 v11, v11  }
0x452: {  	v32 =	vld [tilespmem:s21+$0xC460];
	v34 =	vmul.f32 v26, v26;
	v42 =	vmul.f32 v3, v3  }
0x453: {  	v44 =	vld [tilespmem:s21+$0x410];
	v43 =	vmul.f32 v31, v31;
	v27 =	vadd.f32 v33, v27  }
0x454: {  	v58 =	vmul.f32 v30, v30;
	v56 =	vadd.f32 v42, v34;
	v42 =	vld [tilespmem:s21+$0x420]  }
0x455: {  	v45 =	vmul.f32 v22, v22;
	v27 =	vadd.f32 v43, v27;
	v43 =	vld [tilespmem:s21+$0x430]  }
0x456: {  	v41 =	vld [tilespmem:s12+$0xC470];
	v46 =	vmul.f32 v21, v21;
	v33 =	vadd.f32 v58, v56  }
0x457: {  	v59 =	vmul.f32 v39, v14;
	v39 =	vld [tilespmem:s21+$0x450];
	v45 =	vadd.f32 v45, v27  }
0x458: {  	v47 =	vld [tilespmem:s21+$0xC440];
	v49 =	vmul.f32 v44, v44;
	v33 =	vadd.f32 v46, v33  }
0x459: {  	v60 =	vperm.xlane v40, v2;
	v9 =	vmul.f32 v9, v35;
	v27 =	vld [tilespmem:s21+$0x470];
	v34 =	vadd.f32 v59, v45  }
0x45a: {  	v48 =	vld [tilespmem:s21+$0xC450];
	v50 =	vmul.f32 v42, v42;
	v33 =	vadd.f32 v49, v33;
	v61 =	vmul.f32 v43, v43  }
0x45b: {  	v51 =	vmul.f32 v12, v12;
	v52 =	vld [tilespmem:s21+$0xC400];
	v40 =	vadd.f32 v40, v60;
	v9 =	vadd.f32 $0.0e+00, v9  }
0x45c: {  	v54 =	vld [tilespmem:s21+$0xC410];
	v53 =	vmul.f32 v39, v39;
	v34 =	vadd.f32 v50, v34;
	v33 =	vadd.f32 v61, v33  }
0x45d: {  	v62 =	vmul.f32 v10, v10;
	v55 =	vld [tilespmem:s21+$0xC060];
	v63 =	vperm.xlane v40, v6;
	v9 =	vadd.f32 v37, v9  }
0x45e: {  	v37 =	vld [tilespmem:s21+$0xC030];
	v56 =	vmul.f32 v27, v27;
	v34 =	vadd.f32 v51, v34;
	v33 =	vadd.f32 v53, v33  }
0x45f: {  	v9 =	vadd.f32 v29, v9;
	v29 =	vld [tilespmem:s21+$0xC010];
	v59 =	vadd.f32 v40, v63  }
0x460: {  	v46 =	vld [tilespmem:s21+$0xC430];
	v34 =	vadd.f32 v62, v34;
	v33 =	vadd.f32 v56, v33  }
0x461: {  	v38 =	vadd.f32 $0.0e+00, v38;
	v45 =	vld [tilespmem:s21+$0xC420]  }
0x462: {  	v40 =	vld [tilespmem:s21+$0xC070];
	v60 =	vshrl.u32 v59, $0x1;
	v35 =	vmul.f32 $5.000000000e-01, v59;
	v33 =	vadd.f32 v33, v34  }
0x463: {  	v49 =	vld [tilespmem:s21+$0xC050];
	v61 =	vadd.f32 v36, v38;
	v36 =	vsub.s32 $0x5F3759DF, v60  }
0x464: {  	v50 =	vld [tilespmem:s21+$0xC040];
	v62 =	vmul.f32 v36, v35;
	v63 =	vperm.xlane v33, v0  }
0x465: {  	v51 =	vld [tilespmem:s21+$0xC000]  }
0x466: {  	v53 =	vld [tilespmem:s21+$0xC020];
	v28 =	vadd.f32 v28, v61;
	v60 =	vmul.f32 v36, v62;
	v33 =	vadd.f32 v33, v63  }
0x467: {  	v9 =	vadd.f32 v24, v9;
	v61 =	vld [tilespmem:s21+$0xC470];
	_ =	swait.ge [sflag:s6], $0x4000  }
0x468: {  	[sflag:s6] =	ssyncset.done $0x0;
	v23 =	vadd.f32 v23, v28;
	v24 =	vsub.f32 $1.500000000e+00, v60;
	v28 =	vperm.xlane v33, v1  }
0x469: {  	v9 =	vadd.f32 v20, v9;
	[sflag:s6] =	ssyncadd.s32 $0xFFFFC000  }
0x46a: {  	s4 =	simm.s32 $0x0;
	_ =	swait.ge [sflag:s7], $0x4000;
	v19 =	vadd.f32 v19, v23;
	v20 =	vmul.f32 v36, v24;
	v23 =	vadd.f32 v33, v28  }
0x46b: {  	s13 =	sand.u32 $0x3800, s4;
	s4 =	sand.u32 $0x380, s4;
	v9 =	vadd.f32 v18, v9;
	[sflag:s7] =	ssyncset.done $0x0  }
0x46c: {  	s12 =	sor.u32 s4, s13;
	[sflag:s7] =	ssyncadd.s32 $0xFFFFC000;
	v17 =	vadd.f32 v17, v19;
	v18 =	vmul.f32 v20, v35;
	v19 =	vperm.xlane v23, v2  }
0x46d: {  	v8 =	vmul.f32 v8, v41;
	v26 =	vmul.f32 v26, v29;
	v9 =	vadd.f32 v16, v9;
	v16 =	vld [tilespmem:s12+$0x4460]  }
0x46e: {  	v34 =	vld [tilespmem:s12+$0x4070];
	v15 =	vadd.f32 v15, v17;
	v17 =	vmul.f32 v18, v20;
	v18 =	vadd.f32 v23, v19  }
0x46f: {  	v3 =	vmul.f32 v3, v37;
	v26 =	vadd.f32 $0.0e+00, v26;
	v41 =	vld [tilespmem:s12+$0x4420]  }
0x470: {  	v9 =	vadd.f32 v8, v9;
	v62 =	vmul.f32 v43, v46;
	v43 =	vld [tilespmem:s12+$0x4430];
	v8 =	vperm.xlane v18, v6  }
0x471: {  	v37 =	vld [tilespmem:s12+$0x10420];
	v13 =	vadd.f32 v13, v15;
	v15 =	vmul.f32 v10, v32;
	v10 =	vmul.f32 v25, v51  }
0x472: {  	v12 =	vmul.f32 v12, v47;
	v14 =	vmul.f32 v14, v52;
	v36 =	vld [tilespmem:s12+$0x4020];
	v8 =	vadd.f32 v18, v8  }
0x473: {  	v3 =	vadd.f32 v3, v26;
	v11 =	vmul.f32 v11, v53;
	v25 =	vld [tilespmem:s12+$0x4000];
	v18 =	vadd.f32 $0.0e+00, v10  }
0x474: {  	v30 =	vmul.f32 v30, v49;
	v10 =	vld [tilespmem:s12+$0x4010];
	v29 =	vshrl.u32 v8, $0x1;
	v63 =	vmul.f32 $5.000000000e-01, v8  }
0x475: {  	v8 =	vmul.f32 v31, v50;
	v11 =	vadd.f32 v11, v18;
	v18 =	vsub.s32 $0x5F3759DF, v29;
	v29 =	vld [tilespmem:s12+$0x4030]  }
0x476: {  	v22 =	vmul.f32 v22, v55;
	v3 =	vadd.f32 v30, v3;
	v28 =	vmul.f32 v39, v48;
	v31 =	vld [tilespmem:s12+$0x4040]  }
0x477: {  	v39 =	vld [tilespmem:s12+$0x4050];
	v30 =	vmul.f32 v36, v36;
	v26 =	vmul.f32 v18, v63;
	v8 =	vadd.f32 v8, v11  }
0x478: {  	v32 =	vld [tilespmem:s12+$0x4060];
	v23 =	vmul.f32 v42, v45;
	v11 =	vmul.f32 v21, v40  }
0x479: {  	v53 =	vld [tilespmem:s12+$0x10400];
	v21 =	vmul.f32 v18, v26;
	v8 =	vadd.f32 v22, v8;
	v22 =	vmul.f32 v25, v25  }
0x47a: {  	v42 =	vld [tilespmem:s12+$0x4410];
	v3 =	vadd.f32 v11, v3;
	v11 =	vmul.f32 v10, v10;
	v47 =	vmul.f32 v29, v29  }
0x47b: {  	v24 =	vld [tilespmem:s12+$0x4400];
	v48 =	vmul.f32 v31, v31;
	v21 =	vsub.f32 $1.500000000e+00, v21;
	v22 =	vadd.f32 v30, v22  }
0x47c: {  	v55 =	vld [tilespmem:s12+$0x10410];
	v8 =	vadd.f32 v14, v8;
	v14 =	vmul.f32 v39, v39;
	v11 =	vadd.f32 v47, v11  }
0x47d: {  	v46 =	vmul.f32 v44, v54;
	v58 =	vld [tilespmem:s12+$0x10060];
	v49 =	vmul.f32 v32, v32;
	v22 =	vadd.f32 v48, v22  }
0x47e: {  	v19 =	vld [tilespmem:s12+$0x4440];
	v18 =	vmul.f32 v18, v21;
	v21 =	vmul.f32 v34, v34;
	v11 =	vadd.f32 v14, v11  }
0x47f: {  	v27 =	vmul.f32 v27, v61;
	v51 =	vmul.f32 v42, v42;
	v3 =	vadd.f32 v46, v3;
	v14 =	vld [tilespmem:s12+$0x4450]  }
0x480: {  	v59 =	vld [tilespmem:s12+$0x10070];
	v50 =	vmul.f32 v24, v24;
	v22 =	vadd.f32 v49, v22;
	v11 =	vadd.f32 v21, v11  }
0x481: {  	v52 =	vmul.f32 v41, v41;
	v23 =	vadd.f32 v23, v8;
	v3 =	vadd.f32 v62, v3;
	v8 =	vld [tilespmem:s12+$0x4470]  }
0x482: {  	v61 =	vld [tilespmem:s12+$0x10040];
	v54 =	vmul.f32 v43, v43;
	v22 =	vadd.f32 v50, v22;
	v11 =	vadd.f32 v51, v11  }
0x483: {  	v35 =	vld [tilespmem:s12+$0x10010];
	v12 =	vadd.f32 v12, v23;
	v3 =	vadd.f32 v28, v3;
	v28 =	vmul.f32 v19, v19  }
0x484: {  	v40 =	vld [tilespmem:s12+$0x10440];
	v22 =	vadd.f32 v52, v22;
	v56 =	vmul.f32 v14, v14;
	v11 =	vadd.f32 v54, v11  }
0x485: {  	v26 =	vld [tilespmem:s12+$0x10460];
	v21 =	vmul.f32 v18, v63;
	v12 =	vadd.f32 v15, v12;
	v15 =	vmul.f32 v16, v16  }
0x486: {  	v30 =	vld [tilespmem:s12+$0x10450];
	v60 =	vmul.f32 v8, v8;
	v22 =	vadd.f32 v28, v22;
	v11 =	vadd.f32 v56, v11  }
0x487: {  	v17 =	vsub.f32 $1.500000000e+00, v17;
	v62 =	vld [tilespmem:s12+$0x10030];
	v21 =	vmul.f32 v21, v18  }
0x488: {  	v23 =	vld [tilespmem:s12+$0x10430];
	v15 =	vadd.f32 v15, v22;
	v11 =	vadd.f32 v60, v11  }
0x489: {  	s14 =	simm.s32 $0x100;
	s21 =	simm.s32 $0x80;
	v9 =	vadd.f32 v9, v13;
	v17 =	vmul.f32 v17, v20;
	v63 =	vld [tilespmem:s12+$0x10000];
	v21 =	vsub.f32 $1.500000000e+00, v21  }
0x48a: {  	s4 =	sand.u32 $0x3800, s14;
	s13 =	sand.u32 $0x380, s21;
	v31 =	vmul.f32 v31, v61;
	v3 =	vadd.f32 v27, v3;
	v27 =	vld [tilespmem:s12+$0x10050];
	v20 =	vadd.f32 v11, v15  }
0x48b: {  	s13 =	sor.u32 s13, s4;
	v28 =	vld [tilespmem:s12+$0x10020];
	v13 =	vmul.f32 v21, v18;
	v21 =	vmul.f32 v17, v9  }
0x48c: {  	v3 =	vadd.f32 v3, v12;
	v9 =	vld [tilespmem:s13+$0x4460];
	v15 =	vmul.f32 v19, v40;
	v19 =	vperm.xlane v20, v0  }
0x48d: {  	v12 =	vmul.f32 v16, v26;
	v16 =	vmul.f32 v14, v30;
	v22 =	vld [tilespmem:s13+$0x4060]  }
0x48e: {  	v38 =	vmul.f32 v25, v63;
	v3 =	vmul.f32 v13, v3;
	v13 =	vld [tilespmem:s13+$0x4400];
	v14 =	vadd.f32 v20, v19  }
0x48f: {  	v17 =	vmul.f32 v41, v37;
	v18 =	vmul.f32 v43, v23;
	v7 =	vadd.f32 v21, v7;
	v21 =	vld [tilespmem:s13+$0x4070]  }
0x490: {  	v23 =	vmul.f32 v32, v58;
	v11 =	vld [tilespmem:s13+$0x4440];
	v26 =	vperm.xlane v14, v1  }
0x491: {  	v33 =	vld [tilespmem:s13+$0x4000];
	v32 =	vmul.f32 v39, v27;
	v37 =	vmul.f32 v29, v62  }
0x492: {  	v20 =	vmul.f32 v24, v53;
	v24 =	vmul.f32 v34, v59;
	v34 =	vld [tilespmem:s13+$0x4010];
	v39 =	vadd.f32 v14, v26  }
0x493: {  	s4 =	simm.s32 $0x200;
	v36 =	vmul.f32 v36, v28;
	v7 =	vadd.f32 v3, v7;
	v40 =	vmovc v13;
	v19 =	vmul.f32 v42, v55;
	v14 =	vld [tilespmem:s13+$0x4020]  }
.LBB2_16:
0x494: {  	p0 =	sne.s32 s4, $0x3F00;
	v25 =	vld [tilespmem:s13+$0x4030];
	v3 =	vmul.f32 v10, v35;
	v4 =	vperm.xlane v39, v2;
	v30 =	vmov v22  }
0x495: {  	v35 =	vmul.f32 v11, v11;
	v41 =	vmul.f32 v9, v9;
	v27 =	vld [tilespmem:s13+$0x4040];
	v29 =	vmov v21  }
0x496: {  	v40 =	vmul.f32 v40, v13;
	v22 =	vmul.f32 v22, v30;
	v28 =	vld [tilespmem:s13+$0x4050];
	v39 =	vadd.f32 v39, v4;
	v26 =	vmovc v33  }
0x497: {  	v21 =	vmul.f32 v21, v29;
	v33 =	vmul.f32 v33, v26;
	v42 =	vld [tilespmem:s13+$0x10460];
	v10 =	vmov v34  }
0x498: {  	v34 =	vmul.f32 v34, v10;
	v43 =	vld [tilespmem:s12+$0x10470];
	v44 =	vperm.xlane v39, v6;
	s12 =	smov.u32 s13  }
0x499: {  	v38 =	vadd.f32 $0.0e+00, v38;
	v45 =	vmul.f32 v14, v14;
	v46 =	vmul.f32 v25, v25;
	v47 =	vld [tilespmem:s12+$0x10440]  }
0x49a: {  	v3 =	vadd.f32 $0.0e+00, v3;
	v48 =	vmul.f32 v27, v27;
	v49 =	vld [tilespmem:s12+$0x4410];
	v39 =	vadd.f32 v39, v44  }
0x49b: {  	v33 =	vadd.f32 v45, v33;
	v34 =	vadd.f32 v46, v34;
	v44 =	vmul.f32 v28, v28;
	v45 =	vld [tilespmem:s12+$0x10450]  }
0x49c: {  	v36 =	vadd.f32 v36, v38;
	v46 =	vld [tilespmem:s12+$0x4420];
	v38 =	vshrl.u32 v39, $0x1;
	v39 =	vmul.f32 $5.000000000e-01, v39  }
0x49d: {  	v3 =	vadd.f32 v37, v3;
	v33 =	vadd.f32 v48, v33;
	v48 =	vld [tilespmem:s12+$0x4430];
	v37 =	vsub.s32 $0x5F3759DF, v38  }
0x49e: {  	v31 =	vadd.f32 v31, v36;
	v34 =	vadd.f32 v44, v34;
	v38 =	vld [tilespmem:s12+$0x4450];
	v36 =	vmul.f32 v37, v39  }
0x49f: {  	v3 =	vadd.f32 v32, v3;
	v22 =	vadd.f32 v22, v33;
	v33 =	vmul.f32 v49, v49;
	v44 =	vld [tilespmem:s12+$0x10420]  }
0x4a0: {  	v23 =	vadd.f32 v23, v31;
	v21 =	vadd.f32 v21, v34;
	v32 =	vld [tilespmem:s12+$0x4470];
	v31 =	vmul.f32 v37, v36  }
0x4a1: {  	v3 =	vadd.f32 v24, v3;
	v22 =	vadd.f32 v40, v22;
	v34 =	vmul.f32 v46, v46;
	v36 =	vld [tilespmem:s12+$0x10430]  }
0x4a2: {  	v21 =	vadd.f32 v33, v21;
	v24 =	vld [tilespmem:s12+$0x10400];
	v33 =	vmul.f32 v48, v48;
	v31 =	vsub.f32 $1.500000000e+00, v31  }
0x4a3: {  	v20 =	vadd.f32 v20, v23;
	v3 =	vadd.f32 v19, v3;
	v50 =	vld [tilespmem:s12+$0x10410];
	v40 =	vmul.f32 v38, v38  }
0x4a4: {  	v19 =	vadd.f32 v34, v22;
	v23 =	vld [tilespmem:s12+$0x10060];
	v21 =	vadd.f32 v33, v21;
	v22 =	vmul.f32 v37, v31  }
0x4a5: {  	v17 =	vadd.f32 v17, v20;
	v3 =	vadd.f32 v18, v3;
	v34 =	vld [tilespmem:s12+$0x10070];
	v31 =	vmul.f32 v32, v32  }
0x4a6: {  	v18 =	vadd.f32 v35, v19;
	v37 =	vld [tilespmem:s12+$0x10040];
	v19 =	vadd.f32 v40, v21;
	v20 =	vmul.f32 v22, v39  }
0x4a7: {  	v15 =	vadd.f32 v15, v17;
	v3 =	vadd.f32 v16, v3;
	v16 =	vmul.f32 v8, v43;
	v8 =	vmovc v32;
	v39 =	vld [tilespmem:s12+$0x10050]  }
0x4a8: {  	v17 =	vadd.f32 v41, v18;
	v32 =	vld [tilespmem:s12+$0x10020];
	v18 =	vadd.f32 v31, v19;
	v19 =	vmul.f32 v20, v22  }
0x4a9: {  	s21 =	sadd.s32 $0x80, s21;
	v3 =	vadd.f32 v16, v3;
	v20 =	vadd.f32 v12, v15;
	v41 =	vld [tilespmem:s12+$0x10030]  }
0x4aa: {  	s14 =	sand.u32 $0x380, s21;
	s13 =	sand.u32 $0x3800, s4;
	v43 =	vld [tilespmem:s12+$0x10000];
	v21 =	vadd.f32 v18, v17;
	v16 =	vsub.f32 $1.500000000e+00, v19  }
0x4ab: {  	s13 =	sor.u32 s14, s13;
	v15 =	vmul.f32 v11, v47;
	v12 =	vmul.f32 v9, v42;
	v35 =	vld [tilespmem:s12+$0x10010]  }
0x4ac: {  	v3 =	vadd.f32 v3, v20;
	v9 =	vld [tilespmem:s13+$0x4460];
	v19 =	vperm.xlane v21, v0;
	v22 =	vmul.f32 v16, v22  }
0x4ad: {  	v17 =	vmul.f32 v46, v44;
	v16 =	vmul.f32 v38, v45;
	v11 =	vld [tilespmem:s13+$0x4440]  }
0x4ae: {  	v18 =	vmul.f32 v48, v36;
	v40 =	vld [tilespmem:s13+$0x4400];
	v38 =	vadd.f32 v21, v19;
	v3 =	vmul.f32 v22, v3  }
.Ltmp7:
0x4af: {  	v20 =	vmul.f32 v13, v24;
	v19 =	vmul.f32 v49, v50;
	v22 =	vld [tilespmem:s13+$0x4060];
	(pc) =	sbr.rel @p0 .LBB2_16-.Ltmp7, $4  }
0x4b0: {  	v23 =	vmul.f32 v30, v23;
	v21 =	vld [tilespmem:s13+$0x4070];
	v4 =	vperm.xlane v38, v1;
	v7 =	vadd.f32 v3, v7  }
0x4b1: {  	v24 =	vmul.f32 v29, v34;
	v31 =	vmul.f32 v27, v37;
	v33 =	vld [tilespmem:s13+$0x4000]  }
0x4b2: {  	v36 =	vmul.f32 v14, v32;
	v32 =	vmul.f32 v28, v39;
	v34 =	vld [tilespmem:s13+$0x4010];
	v39 =	vadd.f32 v38, v4  }
0x4b3: {  	s4 =	sadd.s32 $0x100, s4;
	v37 =	vmul.f32 v25, v41;
	v38 =	vmul.f32 v26, v43;
	v14 =	vld [tilespmem:s13+$0x4020];
	v13 =	vmov v40  }
0x4b4: {  	v3 =	vld [tilespmem:s13+$0x4030]  }
0x4b5: {  	v25 =	vld [tilespmem:s13+$0x4040]  }
0x4b6: {  	v26 =	vld [tilespmem:s13+$0x4050];
	_ =	sdelay $0x1  }
0x4b7: {  	v27 =	vmul.f32 v33, v33;
	v28 =	vmul.f32 v14, v14  }
0x4b8: {  	v29 =	vmul.f32 v34, v34;
	v30 =	vmul.f32 v3, v3  }
0x4b9: {  	v42 =	vld [tilespmem:s13+$0x4410];
	v41 =	vmul.f32 v25, v25;
	v27 =	vadd.f32 v28, v27  }
0x4ba: {  	v51 =	vmul.f32 v26, v26;
	v50 =	vadd.f32 v30, v29;
	v30 =	vld [tilespmem:s13+$0x4420]  }
0x4bb: {  	v43 =	vmul.f32 v22, v22;
	v27 =	vadd.f32 v41, v27;
	v41 =	vld [tilespmem:s13+$0x4430]  }
0x4bc: {  	v44 =	vmul.f32 v21, v21;
	v28 =	vadd.f32 v51, v50  }
0x4bd: {  	v52 =	vmul.f32 v40, v13;
	v40 =	vld [tilespmem:s13+$0x4450];
	v27 =	vadd.f32 v43, v27  }
0x4be: {  	v53 =	vmul.f32 v42, v42;
	v28 =	vadd.f32 v44, v28  }
0x4bf: {  	v44 =	vld [tilespmem:s13+$0x4470];
	v27 =	vadd.f32 v52, v27  }
0x4c0: {  	v54 =	vmul.f32 v30, v30;
	v28 =	vadd.f32 v53, v28;
	v55 =	vmul.f32 v41, v41  }
0x4c1: {  	v45 =	vmul.f32 v11, v11  }
0x4c2: {  	v46 =	vmul.f32 v40, v40;
	v27 =	vadd.f32 v54, v27;
	v28 =	vadd.f32 v55, v28  }
0x4c3: {  	v56 =	vmul.f32 v9, v9  }
0x4c4: {  	v58 =	vmul.f32 v44, v44;
	v27 =	vadd.f32 v45, v27;
	v28 =	vadd.f32 v46, v28;
	_ =	sdelay $0x1  }
0x4c5: {  	v27 =	vadd.f32 v56, v27;
	v28 =	vadd.f32 v58, v28  }
0x4c6: {  	v10 =	vmul.f32 v10, v35  }
0x4c7: {  	v27 =	vadd.f32 v28, v27  }
0x4c8: {  	v38 =	vadd.f32 $0.0e+00, v38;
	v10 =	vadd.f32 $0.0e+00, v10  }
0x4c9: {  	v62 =	vperm.xlane v27, v0  }
0x4ca: {  	v63 =	vadd.f32 v36, v38;
	v10 =	vadd.f32 v37, v10  }
0x4cb: {  	v59 =	vperm.xlane v39, v2;
	v27 =	vadd.f32 v27, v62  }
0x4cc: {  	v10 =	vadd.f32 v32, v10;
	v29 =	vadd.f32 v31, v63  }
0x4cd: {  	v60 =	vadd.f32 v39, v59;
	v43 =	vperm.xlane v27, v1  }
0x4ce: {  	v10 =	vadd.f32 v24, v10;
	v23 =	vadd.f32 v23, v29;
	v50 =	vld [tilespmem:s13+$0x10010]  }
0x4cf: {  	v61 =	vperm.xlane v60, v6;
	v51 =	vld [tilespmem:s13+$0x10030];
	v27 =	vadd.f32 v27, v43  }
0x4d0: {  	v48 =	vld [tilespmem:s13+$0x10000];
	v10 =	vadd.f32 v19, v10;
	v20 =	vadd.f32 v20, v23  }
0x4d1: {  	v36 =	vld [tilespmem:s13+$0x10430];
	v28 =	vadd.f32 v60, v61;
	v49 =	vperm.xlane v27, v2  }
0x4d2: {  	v47 =	vld [tilespmem:s13+$0x10020];
	v10 =	vadd.f32 v18, v10;
	v17 =	vadd.f32 v17, v20  }
0x4d3: {  	v53 =	vld [tilespmem:s13+$0x10040];
	v39 =	vshrl.u32 v28, $0x1;
	v28 =	vmul.f32 $5.000000000e-01, v28;
	v27 =	vadd.f32 v27, v49  }
0x4d4: {  	v59 =	vmul.f32 v34, v50;
	v3 =	vmul.f32 v3, v51;
	v35 =	vsub.s32 $0x5F3759DF, v39  }
0x4d5: {  	v10 =	vadd.f32 v16, v10;
	v55 =	vld [tilespmem:s13+$0x10050];
	v45 =	vmul.f32 v35, v28;
	v54 =	vperm.xlane v27, v6  }
0x4d6: {  	v52 =	vld [tilespmem:s12+$0x10470];
	v51 =	vmul.f32 v41, v36;
	v15 =	vadd.f32 v15, v17;
	v56 =	vmul.f32 v33, v48  }
0x4d7: {  	v16 =	vadd.f32 $0.0e+00, v59;
	v58 =	vld [tilespmem:s13+$0x10060];
	v46 =	vmul.f32 v35, v45;
	v20 =	vadd.f32 v27, v54  }
0x4d8: {  	v18 =	vmul.f32 v25, v53;
	v17 =	vadd.f32 $0.0e+00, v56;
	v60 =	vld [tilespmem:s13+$0x10070];
	v61 =	vmul.f32 v14, v47  }
0x4d9: {  	v62 =	vld [tilespmem:s13+$0x10400];
	v29 =	vsub.f32 $1.500000000e+00, v46;
	v27 =	vshrl.u32 v20, $0x1;
	v20 =	vmul.f32 $5.000000000e-01, v20  }
0x4da: {  	v63 =	vld [tilespmem:s13+$0x10410];
	v26 =	vmul.f32 v26, v55;
	v14 =	vadd.f32 v61, v17;
	v33 =	vsub.s32 $0x5F3759DF, v27  }
0x4db: {  	v34 =	vld [tilespmem:s13+$0x10420];
	v3 =	vadd.f32 v3, v16;
	v29 =	vmul.f32 v35, v29;
	v35 =	vmul.f32 v33, v20  }
0x4dc: {  	v38 =	vld [tilespmem:s13+$0x10440];
	v8 =	vmul.f32 v8, v52;
	v37 =	vmul.f32 v22, v58;
	v14 =	vadd.f32 v18, v14  }
0x4dd: {  	v50 =	vld [tilespmem:s13+$0x10470];
	v3 =	vadd.f32 v26, v3;
	v39 =	vmul.f32 v21, v60;
	v16 =	vmul.f32 v33, v35  }
0x4de: {  	v12 =	vadd.f32 v12, v15;
	v14 =	vadd.f32 v37, v14;
	v43 =	vld [tilespmem:s13+$0x10450];
	v46 =	vmul.f32 v13, v62  }
0x4df: {  	v48 =	vmul.f32 v42, v63;
	v47 =	vld [tilespmem:s13+$0x10460];
	v3 =	vadd.f32 v39, v3;
	v16 =	vsub.f32 $1.500000000e+00, v16  }
0x4e0: {  	v13 =	vadd.f32 v46, v14;
	v28 =	vmul.f32 v29, v28;
	v49 =	vmul.f32 v30, v34  }
0x4e1: {  	v52 =	vmul.f32 v11, v38;
	v3 =	vadd.f32 v48, v3;
	v16 =	vmul.f32 v33, v16  }
0x4e2: {  	v8 =	vadd.f32 v8, v10;
	v45 =	vmul.f32 v28, v29;
	v53 =	vadd.f32 v49, v13  }
0x4e3: {  	v3 =	vadd.f32 v51, v3;
	v54 =	vmul.f32 v40, v43;
	v55 =	vmul.f32 v16, v20  }
0x4e4: {  	v59 =	vmul.f32 v44, v50;
	v58 =	vmul.f32 v9, v47;
	v10 =	vadd.f32 v52, v53  }
0x4e5: {  	v56 =	vsub.f32 $1.500000000e+00, v45;
	v3 =	vadd.f32 v54, v3;
	v60 =	vmul.f32 v55, v16  }
0x4e6: {  	v8 =	vadd.f32 v8, v12;
	v9 =	vadd.f32 v58, v10  }
0x4e7: {  	v61 =	vmul.f32 v56, v29;
	v3 =	vadd.f32 v59, v3;
	v62 =	vsub.f32 $1.500000000e+00, v60;
	_ =	sdelay $0x1  }
0x4e8: {  	v8 =	vmul.f32 v61, v8;
	v3 =	vadd.f32 v3, v9;
	v63 =	vmul.f32 v62, v16;
	_ =	sdelay $0x1  }
0x4e9: {  	v7 =	vadd.f32 v8, v7;
	v3 =	vmul.f32 v63, v3;
	_ =	sdelay $0x1  }
0x4ea: {  	v3 =	vadd.f32 v3, v7;
	_ =	sdelay $0x1  }
0x4eb: {  	s4 =	rddreg [dreg:$0xe];
	s14 =	simm.s32 $0x18200;
	[tilespmem:$0x18200] =	vst v3  }
0x4ec: {  	[hbm4b:s4+s3] =	stream.linear.scatter [tilespmem:s14], [sflag:$0x7], $0x80, $0x38;
	[tilespmem:$0x18280] =	vst v63  }
0x4ed: {  	_ =	swait.ge [sflag:s22], $0x80  }
0x4ee: {  	s8 =	sadd.s32 $0x1, s8;
	s21 =	rddreg [dreg:$0xf]  }
0x4ef: {  	p0 =	sne.s32 s8, s21  }
.Ltmp8:
0x4f0: {  	_ = 	snop;
	(pc) =	sbr.rel @p0 .LBB2_1-.Ltmp8, $3  }
0x4f1: {  	_ =	sdelay $0x1  }
0x4f2: {  	[sflag:s22] =	ssyncset.done $0x0  }
0x4f3: {  	[sflag:s22] =	ssyncadd.s32 $0xFFFFFF80  }
0x4f4: {  	_ =	sfence.sel $0x180000  }
0x4f5: {  	[bflag:$0x0] =	sbarrier.arrive $0xFFFF  }
0x4f6: {  	_ =	strace $0x90000047  }
0x4f7: {  	s0 =	stileid.u32;
	[bflag:$0x2] =	sbarrier.arrive $0xFFFF  }
0x4f8: {  	p0 =	sne.s32 s0, $0x0;
	s0 =	rddreg [dreg:$0x4]  }
0x4f9: {  	s0 =	sadd.s32 @!p0 $0x100000, s0  }
0x4fa: {  	[sflag:s0] =	ssyncadd.tile.s32 @!p0 $0x1;
	_ =	shalt  }
.Lfunc_end2:
_tile_overlayer_lowered:
.L_overlay_start_2:
0x4fb: {  	(tag) =	ssettag $0x2  }
0x4fc: {  	s0 =	rddreg [dreg:$0x0];
	s2 =	stileid.u32  }
0x4fd: {  	s1 =	rddreg [dreg:$0x1];
	p0 =	sne.s32 s2, $0x0  }
0x4fe: {  	s3 =	rddreg [dreg:$0x2];
	[bflag:$0x3] =	sbarrier.arrive $0xFFFF;
	s2 =	simm.s32 @!p0 $0x1C07  }
0x4ff: {  	[timem:s3], [sflag:s2] =	dma.local @!p0 [hbm:s0], s1  }
0x500: {  	s0 =	simm.s32 @!p0 $0x7  }
0x501: {  	_ =	swait.ge @!p0 [sflag:s0], s1  }
0x502: {  	s1 =	ssub.s32 @!p0 $0x0, s1;
	[sflag:s0] =	ssyncset.done @!p0 $0x0  }
0x503: {  	[sflag:s0] =	ssyncadd.s32 @!p0 s1  }
0x504: {  	[bflag:$0x3] =	sbarrier.arrive $0xFFFF  }
0x505: {  	_ =	shalt  }

</sc_bundles>
